<compile_context>
chip_gen: v7x
topology: tpu7x:2x2x1
jax: 0.10.2.dev20260603
libtpu: 0.0.44.dev20260713+nightly
codegen_flags: <defaults>
</compile_context>

<pallas_src>
import jax
import jax.numpy as jnp
from jax import lax
from jax.experimental import pallas as pl
from jax.experimental.pallas import tpu as pltpu
from jax.experimental.pallas import tpu_sc as plsc

NC = 2
NS = 16
NW = NC * NS
LANES = 16
C = 128


def _make_sc_agg(n, np_, d, e):
    nwin = e // C
    full_t = nwin // NW
    rem = nwin - full_t * NW
    zr = 64
    zchunks_per_tile = np_ // zr // NS
    cchunk = 1280

    mesh = plsc.VectorSubcoreMesh(
        core_axis_name="c", subcore_axis_name="s", num_cores=NC, num_subcores=NS
    )
    out_type = [
        jax.ShapeDtypeStruct((NC, np_, d), jnp.float32),
        jax.ShapeDtypeStruct((NC, np_), jnp.float32),
    ]
    scratch = [
        pltpu.VMEM((C,), jnp.int32),
        pltpu.VMEM((C,), jnp.int32),
        pltpu.VMEM((C,), jnp.int32),
        pltpu.VMEM((C,), jnp.int32),
        pltpu.VMEM((C,), jnp.int32),
        pltpu.VMEM((C,), jnp.int32),
        pltpu.VMEM((C, d), jnp.float32),
        pltpu.VMEM((C, d), jnp.float32),
        pltpu.VMEM((C,), jnp.float32),
        pltpu.VMEM((cchunk,), jnp.float32),
        pltpu.VMEM_SHARED((np_, d), jnp.float32),
        pltpu.VMEM_SHARED((np_,), jnp.float32),
        pltpu.SemaphoreType.DMA,
        pltpu.SemaphoreType.DMA,
        pltpu.SemaphoreType.DMA,
        pltpu.SemaphoreType.DMA,
        pltpu.SemaphoreType.DMA,
        pltpu.SemaphoreType.DMA,
        pltpu.SemaphoreType.DMA,
        pltpu.SemaphoreType.DMA,
    ]

    def body(x_hbm, ei_hbm, out_hbm, cnt_hbm, *scr):
        (src0, src1, d0, d1, d2, d3, rows0, rows1, ones_v, zcnt, acc, cacc,
         g0, g1, s0, s1, c0, c1, t0, t1) = scr
        src_v = [src0, src1]
        dst_v = [d0, d1, d2, d3]
        rows_v = [rows0, rows1]
        gsem = [g0, g1]
        ssem = [s0, s1]
        csem = [c0, c1]
        tsem = [t0, t1]

        core = lax.axis_index("c")
        sub = lax.axis_index("s")
        w = core * NS + sub

        def fill16(i, ref, val):
            ref[pl.ds(i * LANES, LANES)] = jnp.full((LANES,), val, jnp.float32)
            return 0

        lax.fori_loop(0, C // LANES, lambda i, _: fill16(i, ones_v, 1.0), 0)
        lax.fori_loop(0, cchunk // LANES, lambda i, _: fill16(i, zcnt, 0.0), 0)

        def zero_rows0(t, _):
            i = t // (d // LANES)
            j = t % (d // LANES)
            rows0[i, pl.ds(j * LANES, LANES)] = jnp.zeros((LANES,), jnp.float32)
            return 0

        lax.fori_loop(0, C * (d // LANES), zero_rows0, 0)

        for m in range(np_ // C // NS):
            k = sub * (np_ // C // NS) + m
            pltpu.sync_copy(rows0, acc.at[pl.ds(k * C, C)])

        n_cchunks = np_ // cchunk
        for m in range(-(-n_cchunks // NS)):
            k = sub + NS * m

            @pl.when(k < n_cchunks)
            def _():
                pltpu.sync_copy(zcnt, cacc.at[pl.ds(k * cchunk, cchunk)])
        plsc.subcore_barrier()

        last_win = nwin - 1

        def stage(t, b, q):
            off = jnp.minimum(w + NW * t, last_win) * C
            pltpu.async_copy(ei_hbm.at[0].at[pl.ds(off, C)], src_v[b], tsem[b])
            pltpu.async_copy(ei_hbm.at[1].at[pl.ds(off, C)], dst_v[q], tsem[b])

        def wait_stage(t, b, q):
            off = jnp.minimum(w + NW * t, last_win) * C
            pltpu.make_async_copy(ei_hbm.at[0].at[pl.ds(off, C)], src_v[b], tsem[b]).wait()
            pltpu.make_async_copy(ei_hbm.at[1].at[pl.ds(off, C)], dst_v[q], tsem[b]).wait()

        def wait_scatters(b, q):
            pltpu.make_async_copy(rows_v[b], acc.at[dst_v[q]], ssem[b]).wait()
            pltpu.make_async_copy(ones_v, cacc.at[dst_v[q]], csem[b]).wait()

        def piece(t, i, guard_first):
            b, q = i % 2, i % 4
            pltpu.make_async_copy(x_hbm.at[src_v[b]], rows_v[b], gsem[b]).wait()
            pltpu.async_copy(rows_v[b], acc.at[dst_v[q]], ssem[b], add=True)
            pltpu.async_copy(ones_v, cacc.at[dst_v[q]], csem[b], add=True)
            stage(t + 2, b, (q + 2) % 4)

            def tail():
                wait_scatters(1 - b, (q + 3) % 4)
                wait_stage(t + 1, 1 - b, (q + 1) % 4)
                pltpu.async_copy(x_hbm.at[src_v[1 - b]], rows_v[1 - b], gsem[1 - b])

            if guard_first:
                @pl.when(t > 0)
                def _():
                    tail()
            else:
                tail()

        pltpu.sync_copy(ei_hbm.at[0].at[pl.ds(w * C, C)], src_v[0])
        pltpu.sync_copy(ei_hbm.at[1].at[pl.ds(w * C, C)], dst_v[0])
        off1 = (w + NW) * C
        pltpu.sync_copy(ei_hbm.at[0].at[pl.ds(off1, C)], src_v[1])
        pltpu.sync_copy(ei_hbm.at[1].at[pl.ds(off1, C)], dst_v[1])
        pltpu.async_copy(x_hbm.at[src_v[0]], rows_v[0], gsem[0])
        pltpu.make_async_copy(x_hbm.at[src_v[0]], rows_v[0], gsem[0]).wait()
        pltpu.async_copy(rows_v[0], acc.at[dst_v[0]], ssem[0], add=True)
        pltpu.async_copy(ones_v, cacc.at[dst_v[0]], csem[0], add=True)
        stage(2, 0, 2)
        pltpu.async_copy(x_hbm.at[src_v[1]], rows_v[1], gsem[1])

        def quad(t4, _):
            t = 4 * t4
            piece(t + 1, 1, False)
            piece(t + 2, 2, False)
            piece(t + 3, 3, False)
            piece(t + 4, 0, False)
            return 0

        lax.fori_loop(0, (full_t - 2) // 4, quad, 0)
        piece(full_t - 1, 1, False)
        pltpu.make_async_copy(x_hbm.at[src_v[0]], rows_v[0], gsem[0]).wait()
        wait_scatters(1, 1)
        wait_stage(full_t + 1, 1, 3)

        if rem:
            @pl.when(w < rem)
            def _():
                pltpu.sync_copy(rows_v[0], acc.at[dst_v[2]], add=True)
                pltpu.sync_copy(ones_v, cacc.at[dst_v[2]], add=True)
        plsc.subcore_barrier()

        for m in range(zchunks_per_tile):
            k = sub * zchunks_per_tile + m
            r0 = k * zr
            pltpu.sync_copy(acc.at[pl.ds(r0, zr)], out_hbm.at[core].at[pl.ds(r0, zr)])

        @pl.when(sub == 0)
        def _():
            pltpu.sync_copy(cacc, cnt_hbm.at[core])

    return pl.kernel(body, out_type=out_type, mesh=mesh, scratch_types=scratch)


def _tc_layer(sums, cnt_t, x, wl_t, b, wr_t):
    n, d = x.shape
    bn = 400
    grid = (n // bn,)

    def body(s_ref, c_ref, x_ref, wl_ref, b_ref, wr_ref, o_ref):
        s = s_ref[0] + s_ref[1]
        c = c_ref[:, 0] + c_ref[:, 1]
        mean = s / jnp.maximum(c, 1.0)[:, None]
        o_ref[...] = (
            jnp.dot(mean, wl_ref[...], preferred_element_type=jnp.float32)
            + b_ref[...]
            + jnp.dot(x_ref[...], wr_ref[...], preferred_element_type=jnp.float32)
        )

    return pl.pallas_call(
        body,
        grid=grid,
        in_specs=[
            pl.BlockSpec((NC, bn, d), lambda i: (0, i, 0)),
            pl.BlockSpec((bn, NC), lambda i: (i, 0)),
            pl.BlockSpec((bn, d), lambda i: (i, 0)),
            pl.BlockSpec((d, d), lambda i: (0, 0)),
            pl.BlockSpec((1, d), lambda i: (0, 0)),
            pl.BlockSpec((d, d), lambda i: (0, 0)),
        ],
        out_specs=pl.BlockSpec((bn, d), lambda i: (i, 0)),
        out_shape=jax.ShapeDtypeStruct((n, d), jnp.float32),
    )(sums, cnt_t, x, wl_t, b, wr_t)


def kernel(x, edge_index, W1l, b1, W1r, W2l, b2, W2r):
    n, d = x.shape
    e = edge_index.shape[1]
    np_ = -(-n // 5120) * 5120

    agg = _make_sc_agg(n, np_, d, e)

    sums1, cnt = agg(x, edge_index)
    cnt_t = cnt.T
    h = _tc_layer(sums1, cnt_t, x, W1l.T, b1.reshape(1, d), W1r.T)
    sums2, _ = agg(h, edge_index)
    out = _tc_layer(sums2, cnt_t, h, W2l.T, b2.reshape(1, d), W2r.T)
    return out

# --- scband reference (transcript-rebuilt; emitter-appended) ---
"""Pipeline reference for scband-gcnencoder-4269197492516 (READ-ONLY COPY).

The authoritative reference and input builder live on the scoring server;
editing this copy changes nothing except your own understanding.
"""

import jax, jax.numpy as jnp
import numpy as np

N = 10000
E = 320000
D = 128


def _init_linear(key, fan_in, shape):
    scale = 1.0 / np.sqrt(fan_in)
    return jax.random.uniform(key, shape, minval=-scale, maxval=scale, dtype=jnp.float32)


def setup_inputs(seed: int = 0) -> dict:
    key = jax.random.key(seed)
    ks = jax.random.split(key, 8)
    x = jax.random.normal(ks[0], (N, D), dtype=jnp.float32)
    edge_index = jax.random.randint(ks[1], (2, E), 0, N, dtype=jnp.int32)
    # SAGEConv params: lin_l (neighbor aggregation, with bias), lin_r (root, no bias)
    W1l = _init_linear(ks[2], D, (D, D))
    b1 = _init_linear(ks[3], D, (D,))
    W1r = _init_linear(ks[4], D, (D, D))
    W2l = _init_linear(ks[5], D, (D, D))
    b2 = _init_linear(ks[6], D, (D,))
    W2r = _init_linear(ks[7], D, (D, D))
    return {"x": x, "edge_index": edge_index, "W1l": W1l, "b1": b1, "W1r": W1r, "W2l": W2l, "b2": b2, "W2r": W2r}


def _sage_conv(x, edge_index, Wl, b, Wr):
    # PyG SAGEConv with mean aggregation:
    # out = lin_l(mean_{j in N(i)} x_j) + lin_r(x_i)
    src = edge_index[0]
    dst = edge_index[1]
    msg = jnp.take(x, src, axis=0)
    summed = jax.ops.segment_sum(msg, dst, num_segments=N)
    cnt = jax.ops.segment_sum(jnp.ones((edge_index.shape[1],), dtype=x.dtype), dst, num_segments=N)
    mean = summed / jnp.maximum(cnt, 1.0)[:, None]
    return mean @ Wl.T + b + x @ Wr.T


def reference(x, edge_index, W1l, b1, W1r, W2l, b2, W2r):
    h = _sage_conv(x, edge_index, W1l, b1, W1r)
    out = _sage_conv(h, edge_index, W2l, b2, W2r)
    return out

if __name__ == "__main__":
    import jax
    _d = setup_inputs()
    print(jax.jit(kernel)(*tuple(_d.values())))

</pallas_src>

<mosaic_0001>
#map = affine_map<(d0, d1) -> (0, 0)>
#map1 = affine_map<(d0, d1) -> (0, 0, 0)>
module attributes {stable_mosaic.version = 14 : i64} {
  func.func @body(%arg0: i32, %arg1: i32, %arg2: memref<10000x128xf32, #tpu.memory_space<hbm>>, %arg3: memref<2x320000xi32, #tpu.memory_space<hbm>>, %arg4: memref<2x10240x128xf32, #tpu.memory_space<hbm>>, %arg5: memref<2x10240xf32, #tpu.memory_space<hbm>>, %arg6: memref<128xi32, #tpu.memory_space<vmem>>, %arg7: memref<128xi32, #tpu.memory_space<vmem>>, %arg8: memref<128xi32, #tpu.memory_space<vmem>>, %arg9: memref<128xi32, #tpu.memory_space<vmem>>, %arg10: memref<128xi32, #tpu.memory_space<vmem>>, %arg11: memref<128xi32, #tpu.memory_space<vmem>>, %arg12: memref<128x128xf32, #tpu.memory_space<vmem>>, %arg13: memref<128x128xf32, #tpu.memory_space<vmem>>, %arg14: memref<128xf32, #tpu.memory_space<vmem>>, %arg15: memref<1280xf32, #tpu.memory_space<vmem>>, %arg16: memref<10240x128xf32, #tpu.memory_space<vmem_shared>>, %arg17: memref<10240xf32, #tpu.memory_space<vmem_shared>>, %arg18: memref<!tpu.dma_semaphore, #tpu.memory_space<semaphore_mem>>, %arg19: memref<!tpu.dma_semaphore, #tpu.memory_space<semaphore_mem>>, %arg20: memref<!tpu.dma_semaphore, #tpu.memory_space<semaphore_mem>>, %arg21: memref<!tpu.dma_semaphore, #tpu.memory_space<semaphore_mem>>, %arg22: memref<!tpu.dma_semaphore, #tpu.memory_space<semaphore_mem>>, %arg23: memref<!tpu.dma_semaphore, #tpu.memory_space<semaphore_mem>>, %arg24: memref<!tpu.dma_semaphore, #tpu.memory_space<semaphore_mem>>, %arg25: memref<!tpu.dma_semaphore, #tpu.memory_space<semaphore_mem>>) attributes {dimension_semantics = [#tpu.dimension_semantics<core_parallel>, #tpu.dimension_semantics<subcore_parallel>], iteration_bounds = array<i64: 2, 16>, scalar_prefetch = 0 : i64, scratch_operands = 20 : i64, tpu.core_type = #tpu.core_type<sc_vector_subcore>, window_params = [{transform_indices = #map}, {transform_indices = #map}, {transform_indices = #map1}, {transform_indices = #map}]} {
    %mul3A = arith.constant 16 : i32
    %mul3A_0 = arith.muli %arg0, %mul3A : i32
    %add3A = arith.addi %mul3A_0, %arg1 : i32
    %scan3A = arith.constant 0 : i32
    %scan3A_1 = arith.constant 0 : i32
    %scan3A_2 = arith.constant 8 : i32
    %scan3A_3 = arith.addi %scan3A_1, %scan3A_2 : i32
    %scan3A_4 = arith.constant 1 : i32
    %scan3A_5 = scf.for %scan3A_274 = %scan3A_1 to %scan3A_3 step %scan3A_4 iter_args(%scan3A_275 = %scan3A) -> (i32)  : i32 {
      %broadcast_in_dim3A = arith.constant 1.000000e+00 : f32
      %broadcast_in_dim3A_276 = vector.broadcast %broadcast_in_dim3A : f32 to vector<16xf32>
      %mul3A_277 = arith.constant 16 : i32
      %mul3A_278 = arith.muli %scan3A_274, %mul3A_277 : i32
      %swap3A = arith.index_cast %mul3A_278 : i32 to index
      %swap3A_279 = tpu.vector_load %arg14[%swap3A] {strides = array<i32>} : memref<128xf32, #tpu.memory_space<vmem>>, vector<16xf32>,
      %swap3A_280 = vector.shape_cast %swap3A_279 : vector<16xf32> to vector<16xf32>
      %swap3A_281 = vector.shape_cast %broadcast_in_dim3A_276 : vector<16xf32> to vector<16xf32>
      tpu.vector_store %arg14[%swap3A], %swap3A_281 {strides = array<i32>} : memref<128xf32, #tpu.memory_space<vmem>>, vector<16xf32>,
      %scan3A_282 = arith.constant 0 : i32
      scf.yield %scan3A_282 : i32
    }
    %scan3A_6 = arith.constant 8 : i32
    %scan3A_7 = arith.constant 0 : i32
    %scan3A_8 = arith.constant 0 : i32
    %scan3A_9 = arith.constant 80 : i32
    %scan3A_10 = arith.addi %scan3A_8, %scan3A_9 : i32
    %scan3A_11 = arith.constant 1 : i32
    %scan3A_12 = scf.for %scan3A_274 = %scan3A_8 to %scan3A_10 step %scan3A_11 iter_args(%scan3A_275 = %scan3A_7) -> (i32)  : i32 {
      %broadcast_in_dim3A = arith.constant 0.000000e+00 : f32
      %broadcast_in_dim3A_276 = vector.broadcast %broadcast_in_dim3A : f32 to vector<16xf32>
      %mul3A_277 = arith.constant 16 : i32
      %mul3A_278 = arith.muli %scan3A_274, %mul3A_277 : i32
      %swap3A = arith.index_cast %mul3A_278 : i32 to index
      %swap3A_279 = tpu.vector_load %arg15[%swap3A] {strides = array<i32>} : memref<1280xf32, #tpu.memory_space<vmem>>, vector<16xf32>,
      %swap3A_280 = vector.shape_cast %swap3A_279 : vector<16xf32> to vector<16xf32>
      %swap3A_281 = vector.shape_cast %broadcast_in_dim3A_276 : vector<16xf32> to vector<16xf32>
      tpu.vector_store %arg15[%swap3A], %swap3A_281 {strides = array<i32>} : memref<1280xf32, #tpu.memory_space<vmem>>, vector<16xf32>,
      %scan3A_282 = arith.constant 0 : i32
      scf.yield %scan3A_282 : i32
    }
    %scan3A_13 = arith.constant 80 : i32
    %scan3A_14 = arith.constant 0 : i32
    %scan3A_15 = arith.constant 0 : i32
    %scan3A_16 = arith.constant 1024 : i32
    %scan3A_17 = arith.addi %scan3A_15, %scan3A_16 : i32
    %scan3A_18 = arith.constant 1 : i32
    %scan3A_19 = scf.for %scan3A_274 = %scan3A_15 to %scan3A_17 step %scan3A_18 iter_args(%scan3A_275 = %scan3A_14) -> (i32)  : i32 {
      %jit3A = arith.constant 8 : i32
      %div3A = arith.divsi %scan3A_274, %jit3A : i32
      %sign3A = arith.constant 0 : i32
      %sign3A_276 = arith.cmpi sgt, %scan3A_274, %sign3A : i32
      %sign3A_277 = arith.extui %sign3A_276 : i1 to i32
      %sign3A_278 = arith.constant 0 : i32
      %sign3A_279 = arith.cmpi slt, %scan3A_274, %sign3A_278 : i32
      %sign3A_280 = arith.extui %sign3A_279 : i1 to i32
      %sign3A_281 = arith.subi %sign3A_277, %sign3A_280 : i32
      %sign3A_282 = arith.constant 0 : i32
      %sign3A_283 = arith.cmpi sgt, %jit3A, %sign3A_282 : i32
      %sign3A_284 = arith.extui %sign3A_283 : i1 to i32
      %sign3A_285 = arith.constant 0 : i32
      %sign3A_286 = arith.cmpi slt, %jit3A, %sign3A_285 : i32
      %sign3A_287 = arith.extui %sign3A_286 : i1 to i32
      %sign3A_288 = arith.subi %sign3A_284, %sign3A_287 : i32
      %ne3A = arith.cmpi ne, %sign3A_281, %sign3A_288 : i32
      %rem3A = arith.remsi %scan3A_274, %jit3A : i32
      %ne3A_289 = arith.constant 0 : i32
      %ne3A_290 = arith.cmpi ne, %rem3A, %ne3A_289 : i32
      %and3A = arith.andi %ne3A, %ne3A_290 : i1
      %sub3A = arith.constant 1 : i32
      %sub3A_291 = arith.subi %div3A, %sub3A : i32
      %select_n3A = arith.select %and3A, %sub3A_291, %div3A : i32
      %jit3A_292 = arith.constant 8 : i32
      %eq3A_293 = arith.constant 0 : i32
      %eq3A_294 = arith.cmpi eq, %jit3A_292, %eq3A_293 : i32
      %jit3A_295 = arith.constant 1 : i32
      %select_n3A_296 = arith.select %eq3A_294, %jit3A_295, %jit3A_292 : i32
      %rem3A_297 = arith.remsi %scan3A_274, %select_n3A_296 : i32
      %ne3A_298 = arith.constant 0 : i32
      %ne3A_299 = arith.cmpi ne, %rem3A_297, %ne3A_298 : i32
      %lt3A_300 = arith.constant 0 : i32
      %lt3A_301 = arith.cmpi slt, %rem3A_297, %lt3A_300 : i32
      %lt3A_302 = arith.constant 0 : i32
      %lt3A_303 = arith.cmpi slt, %select_n3A_296, %lt3A_302 : i32
      %ne3A_304 = arith.xori %lt3A_301, %lt3A_303 : i1
      %and3A_305 = arith.andi %ne3A_304, %ne3A_299 : i1
      %add3A_306 = arith.addi %rem3A_297, %select_n3A_296 : i32
      %select_n3A_307 = arith.select %and3A_305, %add3A_306, %rem3A_297 : i32
      %broadcast_in_dim3A = arith.constant 0.000000e+00 : f32
      %broadcast_in_dim3A_308 = vector.broadcast %broadcast_in_dim3A : f32 to vector<16xf32>
      %mul3A_309 = arith.constant 16 : i32
      %mul3A_310 = arith.muli %select_n3A_307, %mul3A_309 : i32
      %swap3A = arith.index_cast %select_n3A : i32 to index
      %swap3A_311 = arith.index_cast %mul3A_310 : i32 to index
      %swap3A_312 = tpu.vector_load %arg12[%swap3A, %swap3A_311] {strides = array<i32>} : memref<128x128xf32, #tpu.memory_space<vmem>>, vector<1x16xf32>,
      %swap3A_313 = vector.shape_cast %swap3A_312 : vector<1x16xf32> to vector<16xf32>
      %swap3A_314 = vector.shape_cast %broadcast_in_dim3A_308 : vector<16xf32> to vector<1x16xf32>
      tpu.vector_store %arg12[%swap3A, %swap3A_311], %swap3A_314 {strides = array<i32>} : memref<128x128xf32, #tpu.memory_space<vmem>>, vector<1x16xf32>,
      %scan3A_315 = arith.constant 0 : i32
      scf.yield %scan3A_315 : i32
    }
    %scan3A_20 = arith.constant 1024 : i32
    %mul3A_21 = arith.constant 5 : i32
    %mul3A_22 = arith.muli %arg1, %mul3A_21 : i32
    %add3A_23 = arith.constant 0 : i32
    %add3A_24 = arith.addi %mul3A_22, %add3A_23 : i32
    %mul3A_25 = arith.constant 128 : i32
    %mul3A_26 = arith.muli %add3A_24, %mul3A_25 : i32
    "tpu.region"() ({
      %run_scoped3A_274 = tpu.sem_alloc : memref<!tpu.dma_semaphore, #tpu.memory_space<semaphore_mem>>
      %dma_start3A_275 = arith.constant 0 : i32
      %dma_start3A_276 = tpu.memref_slice %arg16[%mul3A_26, %dma_start3A_275] : memref<10240x128xf32, #tpu.memory_space<vmem_shared>> -> memref<128x128xf32, #tpu.memory_space<vmem_shared>>
      %dma_start3A_277 = arith.constant 0 : i32
      %dma_start3A_278 = tpu.memref_slice %arg16[%mul3A_26, %dma_start3A_277] : memref<10240x128xf32, #tpu.memory_space<vmem_shared>> -> memref<128x128xf32, #tpu.memory_space<vmem_shared>>
      tpu.enqueue_dma source(%arg12 : memref<128x128xf32, #tpu.memory_space<vmem>>) target(%dma_start3A_278 : memref<128x128xf32, #tpu.memory_space<vmem_shared>>) target_semaphore(%run_scoped3A_274 : memref<!tpu.dma_semaphore, #tpu.memory_space<semaphore_mem>>)
      %dma_wait3A_279 = arith.constant 0 : i32
      %dma_wait3A_280 = tpu.memref_slice %arg16[%mul3A_26, %dma_wait3A_279] : memref<10240x128xf32, #tpu.memory_space<vmem_shared>> -> memref<128x128xf32, #tpu.memory_space<vmem_shared>>
      %dma_wait3A_281 = arith.constant 0 : i32
      %dma_wait3A_282 = tpu.memref_slice %arg16[%mul3A_26, %dma_wait3A_281] : memref<10240x128xf32, #tpu.memory_space<vmem_shared>> -> memref<128x128xf32, #tpu.memory_space<vmem_shared>>
      tpu.wait_dma2 semaphore(%run_scoped3A_274 : memref<!tpu.dma_semaphore, #tpu.memory_space<semaphore_mem>>) src(%arg12 : memref<128x128xf32, #tpu.memory_space<vmem>>) dst(%dma_wait3A_282 : memref<128x128xf32, #tpu.memory_space<vmem_shared>>)
      tpu.yield
    }) : () -> ()
    %mul3A_27 = arith.constant 5 : i32
    %mul3A_28 = arith.muli %arg1, %mul3A_27 : i32
    %add3A_29 = arith.constant 1 : i32
    %add3A_30 = arith.addi %mul3A_28, %add3A_29 : i32
    %mul3A_31 = arith.constant 128 : i32
    %mul3A_32 = arith.muli %add3A_30, %mul3A_31 : i32
    "tpu.region"() ({
      %run_scoped3A_274 = tpu.sem_alloc : memref<!tpu.dma_semaphore, #tpu.memory_space<semaphore_mem>>
      %dma_start3A_275 = arith.constant 0 : i32
      %dma_start3A_276 = tpu.memref_slice %arg16[%mul3A_32, %dma_start3A_275] : memref<10240x128xf32, #tpu.memory_space<vmem_shared>> -> memref<128x128xf32, #tpu.memory_space<vmem_shared>>
      %dma_start3A_277 = arith.constant 0 : i32
      %dma_start3A_278 = tpu.memref_slice %arg16[%mul3A_32, %dma_start3A_277] : memref<10240x128xf32, #tpu.memory_space<vmem_shared>> -> memref<128x128xf32, #tpu.memory_space<vmem_shared>>
      tpu.enqueue_dma source(%arg12 : memref<128x128xf32, #tpu.memory_space<vmem>>) target(%dma_start3A_278 : memref<128x128xf32, #tpu.memory_space<vmem_shared>>) target_semaphore(%run_scoped3A_274 : memref<!tpu.dma_semaphore, #tpu.memory_space<semaphore_mem>>)
      %dma_wait3A_279 = arith.constant 0 : i32
      %dma_wait3A_280 = tpu.memref_slice %arg16[%mul3A_32, %dma_wait3A_279] : memref<10240x128xf32, #tpu.memory_space<vmem_shared>> -> memref<128x128xf32, #tpu.memory_space<vmem_shared>>
      %dma_wait3A_281 = arith.constant 0 : i32
      %dma_wait3A_282 = tpu.memref_slice %arg16[%mul3A_32, %dma_wait3A_281] : memref<10240x128xf32, #tpu.memory_space<vmem_shared>> -> memref<128x128xf32, #tpu.memory_space<vmem_shared>>
      tpu.wait_dma2 semaphore(%run_scoped3A_274 : memref<!tpu.dma_semaphore, #tpu.memory_space<semaphore_mem>>) src(%arg12 : memref<128x128xf32, #tpu.memory_space<vmem>>) dst(%dma_wait3A_282 : memref<128x128xf32, #tpu.memory_space<vmem_shared>>)
      tpu.yield
    }) : () -> ()
    %mul3A_33 = arith.constant 5 : i32
    %mul3A_34 = arith.muli %arg1, %mul3A_33 : i32
    %add3A_35 = arith.constant 2 : i32
    %add3A_36 = arith.addi %mul3A_34, %add3A_35 : i32
    %mul3A_37 = arith.constant 128 : i32
    %mul3A_38 = arith.muli %add3A_36, %mul3A_37 : i32
    "tpu.region"() ({
      %run_scoped3A_274 = tpu.sem_alloc : memref<!tpu.dma_semaphore, #tpu.memory_space<semaphore_mem>>
      %dma_start3A_275 = arith.constant 0 : i32
      %dma_start3A_276 = tpu.memref_slice %arg16[%mul3A_38, %dma_start3A_275] : memref<10240x128xf32, #tpu.memory_space<vmem_shared>> -> memref<128x128xf32, #tpu.memory_space<vmem_shared>>
      %dma_start3A_277 = arith.constant 0 : i32
      %dma_start3A_278 = tpu.memref_slice %arg16[%mul3A_38, %dma_start3A_277] : memref<10240x128xf32, #tpu.memory_space<vmem_shared>> -> memref<128x128xf32, #tpu.memory_space<vmem_shared>>
      tpu.enqueue_dma source(%arg12 : memref<128x128xf32, #tpu.memory_space<vmem>>) target(%dma_start3A_278 : memref<128x128xf32, #tpu.memory_space<vmem_shared>>) target_semaphore(%run_scoped3A_274 : memref<!tpu.dma_semaphore, #tpu.memory_space<semaphore_mem>>)
      %dma_wait3A_279 = arith.constant 0 : i32
      %dma_wait3A_280 = tpu.memref_slice %arg16[%mul3A_38, %dma_wait3A_279] : memref<10240x128xf32, #tpu.memory_space<vmem_shared>> -> memref<128x128xf32, #tpu.memory_space<vmem_shared>>
      %dma_wait3A_281 = arith.constant 0 : i32
      %dma_wait3A_282 = tpu.memref_slice %arg16[%mul3A_38, %dma_wait3A_281] : memref<10240x128xf32, #tpu.memory_space<vmem_shared>> -> memref<128x128xf32, #tpu.memory_space<vmem_shared>>
      tpu.wait_dma2 semaphore(%run_scoped3A_274 : memref<!tpu.dma_semaphore, #tpu.memory_space<semaphore_mem>>) src(%arg12 : memref<128x128xf32, #tpu.memory_space<vmem>>) dst(%dma_wait3A_282 : memref<128x128xf32, #tpu.memory_space<vmem_shared>>)
      tpu.yield
    }) : () -> ()
    %mul3A_39 = arith.constant 5 : i32
    %mul3A_40 = arith.muli %arg1, %mul3A_39 : i32
    %add3A_41 = arith.constant 3 : i32
    %add3A_42 = arith.addi %mul3A_40, %add3A_41 : i32
    %mul3A_43 = arith.constant 128 : i32
    %mul3A_44 = arith.muli %add3A_42, %mul3A_43 : i32
    "tpu.region"() ({
      %run_scoped3A_274 = tpu.sem_alloc : memref<!tpu.dma_semaphore, #tpu.memory_space<semaphore_mem>>
      %dma_start3A_275 = arith.constant 0 : i32
      %dma_start3A_276 = tpu.memref_slice %arg16[%mul3A_44, %dma_start3A_275] : memref<10240x128xf32, #tpu.memory_space<vmem_shared>> -> memref<128x128xf32, #tpu.memory_space<vmem_shared>>
      %dma_start3A_277 = arith.constant 0 : i32
      %dma_start3A_278 = tpu.memref_slice %arg16[%mul3A_44, %dma_start3A_277] : memref<10240x128xf32, #tpu.memory_space<vmem_shared>> -> memref<128x128xf32, #tpu.memory_space<vmem_shared>>
      tpu.enqueue_dma source(%arg12 : memref<128x128xf32, #tpu.memory_space<vmem>>) target(%dma_start3A_278 : memref<128x128xf32, #tpu.memory_space<vmem_shared>>) target_semaphore(%run_scoped3A_274 : memref<!tpu.dma_semaphore, #tpu.memory_space<semaphore_mem>>)
      %dma_wait3A_279 = arith.constant 0 : i32
      %dma_wait3A_280 = tpu.memref_slice %arg16[%mul3A_44, %dma_wait3A_279] : memref<10240x128xf32, #tpu.memory_space<vmem_shared>> -> memref<128x128xf32, #tpu.memory_space<vmem_shared>>
      %dma_wait3A_281 = arith.constant 0 : i32
      %dma_wait3A_282 = tpu.memref_slice %arg16[%mul3A_44, %dma_wait3A_281] : memref<10240x128xf32, #tpu.memory_space<vmem_shared>> -> memref<128x128xf32, #tpu.memory_space<vmem_shared>>
      tpu.wait_dma2 semaphore(%run_scoped3A_274 : memref<!tpu.dma_semaphore, #tpu.memory_space<semaphore_mem>>) src(%arg12 : memref<128x128xf32, #tpu.memory_space<vmem>>) dst(%dma_wait3A_282 : memref<128x128xf32, #tpu.memory_space<vmem_shared>>)
      tpu.yield
    }) : () -> ()
    %mul3A_45 = arith.constant 5 : i32
    %mul3A_46 = arith.muli %arg1, %mul3A_45 : i32
    %add3A_47 = arith.constant 4 : i32
    %add3A_48 = arith.addi %mul3A_46, %add3A_47 : i32
    %mul3A_49 = arith.constant 128 : i32
    %mul3A_50 = arith.muli %add3A_48, %mul3A_49 : i32
    "tpu.region"() ({
      %run_scoped3A_274 = tpu.sem_alloc : memref<!tpu.dma_semaphore, #tpu.memory_space<semaphore_mem>>
      %dma_start3A_275 = arith.constant 0 : i32
      %dma_start3A_276 = tpu.memref_slice %arg16[%mul3A_50, %dma_start3A_275] : memref<10240x128xf32, #tpu.memory_space<vmem_shared>> -> memref<128x128xf32, #tpu.memory_space<vmem_shared>>
      %dma_start3A_277 = arith.constant 0 : i32
      %dma_start3A_278 = tpu.memref_slice %arg16[%mul3A_50, %dma_start3A_277] : memref<10240x128xf32, #tpu.memory_space<vmem_shared>> -> memref<128x128xf32, #tpu.memory_space<vmem_shared>>
      tpu.enqueue_dma source(%arg12 : memref<128x128xf32, #tpu.memory_space<vmem>>) target(%dma_start3A_278 : memref<128x128xf32, #tpu.memory_space<vmem_shared>>) target_semaphore(%run_scoped3A_274 : memref<!tpu.dma_semaphore, #tpu.memory_space<semaphore_mem>>)
      %dma_wait3A_279 = arith.constant 0 : i32
      %dma_wait3A_280 = tpu.memref_slice %arg16[%mul3A_50, %dma_wait3A_279] : memref<10240x128xf32, #tpu.memory_space<vmem_shared>> -> memref<128x128xf32, #tpu.memory_space<vmem_shared>>
      %dma_wait3A_281 = arith.constant 0 : i32
      %dma_wait3A_282 = tpu.memref_slice %arg16[%mul3A_50, %dma_wait3A_281] : memref<10240x128xf32, #tpu.memory_space<vmem_shared>> -> memref<128x128xf32, #tpu.memory_space<vmem_shared>>
      tpu.wait_dma2 semaphore(%run_scoped3A_274 : memref<!tpu.dma_semaphore, #tpu.memory_space<semaphore_mem>>) src(%arg12 : memref<128x128xf32, #tpu.memory_space<vmem>>) dst(%dma_wait3A_282 : memref<128x128xf32, #tpu.memory_space<vmem_shared>>)
      tpu.yield
    }) : () -> ()
    %add3A_51 = arith.constant 0 : i32
    %add3A_52 = arith.addi %arg1, %add3A_51 : i32
    %lt3A = arith.constant 8 : i32
    %lt3A_53 = arith.cmpi slt, %add3A_52, %lt3A : i32
    %convert_element_type3A = arith.extui %lt3A_53 : i1 to i32
    %cond3A = arith.constant 0 : i32
    %cond3A_54 = arith.cmpi ne, %convert_element_type3A, %cond3A : i32
    scf.if %cond3A_54 {
      %mul3A_274 = arith.constant 1280 : i32
      %mul3A_275 = arith.muli %add3A_52, %mul3A_274 : i32
      "tpu.region"() ({
        %run_scoped3A_276 = tpu.sem_alloc : memref<!tpu.dma_semaphore, #tpu.memory_space<semaphore_mem>>
        %dma_start3A_277 = tpu.memref_slice %arg17[%mul3A_275] : memref<10240xf32, #tpu.memory_space<vmem_shared>> -> memref<1280xf32, #tpu.memory_space<vmem_shared>>
        %dma_start3A_278 = tpu.memref_slice %arg17[%mul3A_275] : memref<10240xf32, #tpu.memory_space<vmem_shared>> -> memref<1280xf32, #tpu.memory_space<vmem_shared>>
        tpu.enqueue_dma source(%arg15 : memref<1280xf32, #tpu.memory_space<vmem>>) target(%dma_start3A_278 : memref<1280xf32, #tpu.memory_space<vmem_shared>>) target_semaphore(%run_scoped3A_276 : memref<!tpu.dma_semaphore, #tpu.memory_space<semaphore_mem>>)
        %dma_wait3A_279 = tpu.memref_slice %arg17[%mul3A_275] : memref<10240xf32, #tpu.memory_space<vmem_shared>> -> memref<1280xf32, #tpu.memory_space<vmem_shared>>
        %dma_wait3A_280 = tpu.memref_slice %arg17[%mul3A_275] : memref<10240xf32, #tpu.memory_space<vmem_shared>> -> memref<1280xf32, #tpu.memory_space<vmem_shared>>
        tpu.wait_dma2 semaphore(%run_scoped3A_276 : memref<!tpu.dma_semaphore, #tpu.memory_space<semaphore_mem>>) src(%arg15 : memref<1280xf32, #tpu.memory_space<vmem>>) dst(%dma_wait3A_280 : memref<1280xf32, #tpu.memory_space<vmem_shared>>)
        tpu.yield
      }) : () -> ()
    } else {
    }
    %barrier3A = arith.constant 0 : index
    tpu.barrier barrier_id(%barrier3A)
    %mul3A_55 = arith.constant 128 : i32
    %mul3A_56 = arith.muli %add3A, %mul3A_55 : i32
    %run_scoped3A = arith.constant 0 : i32
    "tpu.region"() ({
      %run_scoped3A_274 = tpu.sem_alloc : memref<!tpu.dma_semaphore, #tpu.memory_space<semaphore_mem>>
      %dma_start3A_275 = arith.constant 0 : i32
      %dma_start3A_276 = tpu.memref_slice %arg3[%run_scoped3A, %dma_start3A_275] : memref<2x320000xi32, #tpu.memory_space<hbm>> -> memref<1x320000xi32, #tpu.memory_space<hbm>>
      %dma_start3A_277 = tpu.memref_squeeze %dma_start3A_276 : memref<1x320000xi32, #tpu.memory_space<hbm>> -> memref<320000xi32, #tpu.memory_space<hbm>>
      %dma_start3A_278 = tpu.memref_slice %dma_start3A_277[%mul3A_56] : memref<320000xi32, #tpu.memory_space<hbm>> -> memref<128xi32, #tpu.memory_space<hbm>>
      %dma_start3A_279 = arith.constant 0 : i32
      %dma_start3A_280 = tpu.memref_slice %arg3[%run_scoped3A, %dma_start3A_279] : memref<2x320000xi32, #tpu.memory_space<hbm>> -> memref<1x320000xi32, #tpu.memory_space<hbm>>
      %dma_start3A_281 = tpu.memref_squeeze %dma_start3A_280 : memref<1x320000xi32, #tpu.memory_space<hbm>> -> memref<320000xi32, #tpu.memory_space<hbm>>
      %dma_start3A_282 = tpu.memref_slice %dma_start3A_281[%mul3A_56] : memref<320000xi32, #tpu.memory_space<hbm>> -> memref<128xi32, #tpu.memory_space<hbm>>
      tpu.enqueue_dma source(%dma_start3A_282 : memref<128xi32, #tpu.memory_space<hbm>>) target(%arg6 : memref<128xi32, #tpu.memory_space<vmem>>) target_semaphore(%run_scoped3A_274 : memref<!tpu.dma_semaphore, #tpu.memory_space<semaphore_mem>>)
      %dma_wait3A_283 = arith.constant 0 : i32
      %dma_wait3A_284 = tpu.memref_slice %arg3[%run_scoped3A, %dma_wait3A_283] : memref<2x320000xi32, #tpu.memory_space<hbm>> -> memref<1x320000xi32, #tpu.memory_space<hbm>>
      %dma_wait3A_285 = tpu.memref_squeeze %dma_wait3A_284 : memref<1x320000xi32, #tpu.memory_space<hbm>> -> memref<320000xi32, #tpu.memory_space<hbm>>
      %dma_wait3A_286 = tpu.memref_slice %dma_wait3A_285[%mul3A_56] : memref<320000xi32, #tpu.memory_space<hbm>> -> memref<128xi32, #tpu.memory_space<hbm>>
      %dma_wait3A_287 = arith.constant 0 : i32
      %dma_wait3A_288 = tpu.memref_slice %arg3[%run_scoped3A, %dma_wait3A_287] : memref<2x320000xi32, #tpu.memory_space<hbm>> -> memref<1x320000xi32, #tpu.memory_space<hbm>>
      %dma_wait3A_289 = tpu.memref_squeeze %dma_wait3A_288 : memref<1x320000xi32, #tpu.memory_space<hbm>> -> memref<320000xi32, #tpu.memory_space<hbm>>
      %dma_wait3A_290 = tpu.memref_slice %dma_wait3A_289[%mul3A_56] : memref<320000xi32, #tpu.memory_space<hbm>> -> memref<128xi32, #tpu.memory_space<hbm>>
      tpu.wait_dma2 semaphore(%run_scoped3A_274 : memref<!tpu.dma_semaphore, #tpu.memory_space<semaphore_mem>>) src(%dma_wait3A_290 : memref<128xi32, #tpu.memory_space<hbm>>) dst(%arg6 : memref<128xi32, #tpu.memory_space<vmem>>)
      tpu.yield
    }) : () -> ()
    %mul3A_57 = arith.constant 128 : i32
    %mul3A_58 = arith.muli %add3A, %mul3A_57 : i32
    %run_scoped3A_59 = arith.constant 1 : i32
    "tpu.region"() ({
      %run_scoped3A_274 = tpu.sem_alloc : memref<!tpu.dma_semaphore, #tpu.memory_space<semaphore_mem>>
      %dma_start3A_275 = arith.constant 0 : i32
      %dma_start3A_276 = tpu.memref_slice %arg3[%run_scoped3A_59, %dma_start3A_275] : memref<2x320000xi32, #tpu.memory_space<hbm>> -> memref<1x320000xi32, #tpu.memory_space<hbm>>
      %dma_start3A_277 = tpu.memref_squeeze %dma_start3A_276 : memref<1x320000xi32, #tpu.memory_space<hbm>> -> memref<320000xi32, #tpu.memory_space<hbm>>
      %dma_start3A_278 = tpu.memref_slice %dma_start3A_277[%mul3A_58] : memref<320000xi32, #tpu.memory_space<hbm>> -> memref<128xi32, #tpu.memory_space<hbm>>
      %dma_start3A_279 = arith.constant 0 : i32
      %dma_start3A_280 = tpu.memref_slice %arg3[%run_scoped3A_59, %dma_start3A_279] : memref<2x320000xi32, #tpu.memory_space<hbm>> -> memref<1x320000xi32, #tpu.memory_space<hbm>>
      %dma_start3A_281 = tpu.memref_squeeze %dma_start3A_280 : memref<1x320000xi32, #tpu.memory_space<hbm>> -> memref<320000xi32, #tpu.memory_space<hbm>>
      %dma_start3A_282 = tpu.memref_slice %dma_start3A_281[%mul3A_58] : memref<320000xi32, #tpu.memory_space<hbm>> -> memref<128xi32, #tpu.memory_space<hbm>>
      tpu.enqueue_dma source(%dma_start3A_282 : memref<128xi32, #tpu.memory_space<hbm>>) target(%arg8 : memref<128xi32, #tpu.memory_space<vmem>>) target_semaphore(%run_scoped3A_274 : memref<!tpu.dma_semaphore, #tpu.memory_space<semaphore_mem>>)
      %dma_wait3A_283 = arith.constant 0 : i32
      %dma_wait3A_284 = tpu.memref_slice %arg3[%run_scoped3A_59, %dma_wait3A_283] : memref<2x320000xi32, #tpu.memory_space<hbm>> -> memref<1x320000xi32, #tpu.memory_space<hbm>>
      %dma_wait3A_285 = tpu.memref_squeeze %dma_wait3A_284 : memref<1x320000xi32, #tpu.memory_space<hbm>> -> memref<320000xi32, #tpu.memory_space<hbm>>
      %dma_wait3A_286 = tpu.memref_slice %dma_wait3A_285[%mul3A_58] : memref<320000xi32, #tpu.memory_space<hbm>> -> memref<128xi32, #tpu.memory_space<hbm>>
      %dma_wait3A_287 = arith.constant 0 : i32
      %dma_wait3A_288 = tpu.memref_slice %arg3[%run_scoped3A_59, %dma_wait3A_287] : memref<2x320000xi32, #tpu.memory_space<hbm>> -> memref<1x320000xi32, #tpu.memory_space<hbm>>
      %dma_wait3A_289 = tpu.memref_squeeze %dma_wait3A_288 : memref<1x320000xi32, #tpu.memory_space<hbm>> -> memref<320000xi32, #tpu.memory_space<hbm>>
      %dma_wait3A_290 = tpu.memref_slice %dma_wait3A_289[%mul3A_58] : memref<320000xi32, #tpu.memory_space<hbm>> -> memref<128xi32, #tpu.memory_space<hbm>>
      tpu.wait_dma2 semaphore(%run_scoped3A_274 : memref<!tpu.dma_semaphore, #tpu.memory_space<semaphore_mem>>) src(%dma_wait3A_290 : memref<128xi32, #tpu.memory_space<hbm>>) dst(%arg8 : memref<128xi32, #tpu.memory_space<vmem>>)
      tpu.yield
    }) : () -> ()
    %add3A_60 = arith.constant 32 : i32
    %add3A_61 = arith.addi %add3A, %add3A_60 : i32
    %mul3A_62 = arith.constant 128 : i32
    %mul3A_63 = arith.muli %add3A_61, %mul3A_62 : i32
    %run_scoped3A_64 = arith.constant 0 : i32
    "tpu.region"() ({
      %run_scoped3A_274 = tpu.sem_alloc : memref<!tpu.dma_semaphore, #tpu.memory_space<semaphore_mem>>
      %dma_start3A_275 = arith.constant 0 : i32
      %dma_start3A_276 = tpu.memref_slice %arg3[%run_scoped3A_64, %dma_start3A_275] : memref<2x320000xi32, #tpu.memory_space<hbm>> -> memref<1x320000xi32, #tpu.memory_space<hbm>>
      %dma_start3A_277 = tpu.memref_squeeze %dma_start3A_276 : memref<1x320000xi32, #tpu.memory_space<hbm>> -> memref<320000xi32, #tpu.memory_space<hbm>>
      %dma_start3A_278 = tpu.memref_slice %dma_start3A_277[%mul3A_63] : memref<320000xi32, #tpu.memory_space<hbm>> -> memref<128xi32, #tpu.memory_space<hbm>>
      %dma_start3A_279 = arith.constant 0 : i32
      %dma_start3A_280 = tpu.memref_slice %arg3[%run_scoped3A_64, %dma_start3A_279] : memref<2x320000xi32, #tpu.memory_space<hbm>> -> memref<1x320000xi32, #tpu.memory_space<hbm>>
      %dma_start3A_281 = tpu.memref_squeeze %dma_start3A_280 : memref<1x320000xi32, #tpu.memory_space<hbm>> -> memref<320000xi32, #tpu.memory_space<hbm>>
      %dma_start3A_282 = tpu.memref_slice %dma_start3A_281[%mul3A_63] : memref<320000xi32, #tpu.memory_space<hbm>> -> memref<128xi32, #tpu.memory_space<hbm>>
      tpu.enqueue_dma source(%dma_start3A_282 : memref<128xi32, #tpu.memory_space<hbm>>) target(%arg7 : memref<128xi32, #tpu.memory_space<vmem>>) target_semaphore(%run_scoped3A_274 : memref<!tpu.dma_semaphore, #tpu.memory_space<semaphore_mem>>)
      %dma_wait3A_283 = arith.constant 0 : i32
      %dma_wait3A_284 = tpu.memref_slice %arg3[%run_scoped3A_64, %dma_wait3A_283] : memref<2x320000xi32, #tpu.memory_space<hbm>> -> memref<1x320000xi32, #tpu.memory_space<hbm>>
      %dma_wait3A_285 = tpu.memref_squeeze %dma_wait3A_284 : memref<1x320000xi32, #tpu.memory_space<hbm>> -> memref<320000xi32, #tpu.memory_space<hbm>>
      %dma_wait3A_286 = tpu.memref_slice %dma_wait3A_285[%mul3A_63] : memref<320000xi32, #tpu.memory_space<hbm>> -> memref<128xi32, #tpu.memory_space<hbm>>
      %dma_wait3A_287 = arith.constant 0 : i32
      %dma_wait3A_288 = tpu.memref_slice %arg3[%run_scoped3A_64, %dma_wait3A_287] : memref<2x320000xi32, #tpu.memory_space<hbm>> -> memref<1x320000xi32, #tpu.memory_space<hbm>>
      %dma_wait3A_289 = tpu.memref_squeeze %dma_wait3A_288 : memref<1x320000xi32, #tpu.memory_space<hbm>> -> memref<320000xi32, #tpu.memory_space<hbm>>
      %dma_wait3A_290 = tpu.memref_slice %dma_wait3A_289[%mul3A_63] : memref<320000xi32, #tpu.memory_space<hbm>> -> memref<128xi32, #tpu.memory_space<hbm>>
      tpu.wait_dma2 semaphore(%run_scoped3A_274 : memref<!tpu.dma_semaphore, #tpu.memory_space<semaphore_mem>>) src(%dma_wait3A_290 : memref<128xi32, #tpu.memory_space<hbm>>) dst(%arg7 : memref<128xi32, #tpu.memory_space<vmem>>)
      tpu.yield
    }) : () -> ()
    %run_scoped3A_65 = arith.constant 1 : i32
    "tpu.region"() ({
      %run_scoped3A_274 = tpu.sem_alloc : memref<!tpu.dma_semaphore, #tpu.memory_space<semaphore_mem>>
      %dma_start3A_275 = arith.constant 0 : i32
      %dma_start3A_276 = tpu.memref_slice %arg3[%run_scoped3A_65, %dma_start3A_275] : memref<2x320000xi32, #tpu.memory_space<hbm>> -> memref<1x320000xi32, #tpu.memory_space<hbm>>
      %dma_start3A_277 = tpu.memref_squeeze %dma_start3A_276 : memref<1x320000xi32, #tpu.memory_space<hbm>> -> memref<320000xi32, #tpu.memory_space<hbm>>
      %dma_start3A_278 = tpu.memref_slice %dma_start3A_277[%mul3A_63] : memref<320000xi32, #tpu.memory_space<hbm>> -> memref<128xi32, #tpu.memory_space<hbm>>
      %dma_start3A_279 = arith.constant 0 : i32
      %dma_start3A_280 = tpu.memref_slice %arg3[%run_scoped3A_65, %dma_start3A_279] : memref<2x320000xi32, #tpu.memory_space<hbm>> -> memref<1x320000xi32, #tpu.memory_space<hbm>>
      %dma_start3A_281 = tpu.memref_squeeze %dma_start3A_280 : memref<1x320000xi32, #tpu.memory_space<hbm>> -> memref<320000xi32, #tpu.memory_space<hbm>>
      %dma_start3A_282 = tpu.memref_slice %dma_start3A_281[%mul3A_63] : memref<320000xi32, #tpu.memory_space<hbm>> -> memref<128xi32, #tpu.memory_space<hbm>>
      tpu.enqueue_dma source(%dma_start3A_282 : memref<128xi32, #tpu.memory_space<hbm>>) target(%arg9 : memref<128xi32, #tpu.memory_space<vmem>>) target_semaphore(%run_scoped3A_274 : memref<!tpu.dma_semaphore, #tpu.memory_space<semaphore_mem>>)
      %dma_wait3A_283 = arith.constant 0 : i32
      %dma_wait3A_284 = tpu.memref_slice %arg3[%run_scoped3A_65, %dma_wait3A_283] : memref<2x320000xi32, #tpu.memory_space<hbm>> -> memref<1x320000xi32, #tpu.memory_space<hbm>>
      %dma_wait3A_285 = tpu.memref_squeeze %dma_wait3A_284 : memref<1x320000xi32, #tpu.memory_space<hbm>> -> memref<320000xi32, #tpu.memory_space<hbm>>
      %dma_wait3A_286 = tpu.memref_slice %dma_wait3A_285[%mul3A_63] : memref<320000xi32, #tpu.memory_space<hbm>> -> memref<128xi32, #tpu.memory_space<hbm>>
      %dma_wait3A_287 = arith.constant 0 : i32
      %dma_wait3A_288 = tpu.memref_slice %arg3[%run_scoped3A_65, %dma_wait3A_287] : memref<2x320000xi32, #tpu.memory_space<hbm>> -> memref<1x320000xi32, #tpu.memory_space<hbm>>
      %dma_wait3A_289 = tpu.memref_squeeze %dma_wait3A_288 : memref<1x320000xi32, #tpu.memory_space<hbm>> -> memref<320000xi32, #tpu.memory_space<hbm>>
      %dma_wait3A_290 = tpu.memref_slice %dma_wait3A_289[%mul3A_63] : memref<320000xi32, #tpu.memory_space<hbm>> -> memref<128xi32, #tpu.memory_space<hbm>>
      tpu.wait_dma2 semaphore(%run_scoped3A_274 : memref<!tpu.dma_semaphore, #tpu.memory_space<semaphore_mem>>) src(%dma_wait3A_290 : memref<128xi32, #tpu.memory_space<hbm>>) dst(%arg9 : memref<128xi32, #tpu.memory_space<vmem>>)
      tpu.yield
    }) : () -> ()
    %dma_start3A = arith.constant 0 : i32
    %dma_start3A_66 = arith.constant 0 : i32
    %dma_start3A_67 = tpu.memref_slice %arg2[%dma_start3A, %dma_start3A_66] : memref<10000x128xf32, #tpu.memory_space<hbm>> -> memref<10000x128xf32, #tpu.memory_space<hbm>>
    tpu.enqueue_indirect_dma source(%dma_start3A_67 : memref<10000x128xf32, #tpu.memory_space<hbm>>) target(%arg12 : memref<128x128xf32, #tpu.memory_space<vmem>>) offsets(%arg6 : memref<128xi32, #tpu.memory_space<vmem>>) semaphore(%arg18 : memref<!tpu.dma_semaphore, #tpu.memory_space<semaphore_mem>>)
    %dma_wait3A = arith.constant 0 : i32
    %dma_wait3A_68 = arith.constant 0 : i32
    %dma_wait3A_69 = tpu.memref_slice %arg2[%dma_wait3A, %dma_wait3A_68] : memref<10000x128xf32, #tpu.memory_space<hbm>> -> memref<10000x128xf32, #tpu.memory_space<hbm>>
    tpu.wait_indirect_dma semaphore(%arg18 : memref<!tpu.dma_semaphore, #tpu.memory_space<semaphore_mem>>) src(%dma_wait3A_69 : memref<10000x128xf32, #tpu.memory_space<hbm>>) dst(%arg12 : memref<128x128xf32, #tpu.memory_space<vmem>>)
    %dma_start3A_70 = arith.constant 0 : i32
    %dma_start3A_71 = arith.constant 0 : i32
    %dma_start3A_72 = tpu.memref_slice %arg16[%dma_start3A_70, %dma_start3A_71] : memref<10240x128xf32, #tpu.memory_space<vmem_shared>> -> memref<10240x128xf32, #tpu.memory_space<vmem_shared>>
    tpu.enqueue_indirect_dma source(%arg12 : memref<128x128xf32, #tpu.memory_space<vmem>>) target(%dma_start3A_72 : memref<10240x128xf32, #tpu.memory_space<vmem_shared>>) offsets(%arg8 : memref<128xi32, #tpu.memory_space<vmem>>) semaphore(%arg20 : memref<!tpu.dma_semaphore, #tpu.memory_space<semaphore_mem>>) {add = true}
    %dma_start3A_73 = arith.constant 0 : i32
    %dma_start3A_74 = tpu.memref_slice %arg17[%dma_start3A_73] : memref<10240xf32, #tpu.memory_space<vmem_shared>> -> memref<10240xf32, #tpu.memory_space<vmem_shared>>
    tpu.enqueue_indirect_dma source(%arg14 : memref<128xf32, #tpu.memory_space<vmem>>) target(%dma_start3A_74 : memref<10240xf32, #tpu.memory_space<vmem_shared>>) offsets(%arg8 : memref<128xi32, #tpu.memory_space<vmem>>) semaphore(%arg22 : memref<!tpu.dma_semaphore, #tpu.memory_space<semaphore_mem>>) {add = true}
    %add3A_75 = arith.constant 64 : i32
    %add3A_76 = arith.addi %add3A, %add3A_75 : i32
    %min3A = arith.constant 2499 : i32
    %min3A_77 = arith.minsi %add3A_76, %min3A : i32
    %mul3A_78 = arith.constant 128 : i32
    %mul3A_79 = arith.muli %min3A_77, %mul3A_78 : i32
    %dma_start3A_80 = arith.constant 0 : i32
    %dma_start3A_81 = arith.constant 0 : i32
    %dma_start3A_82 = tpu.memref_slice %arg3[%dma_start3A_80, %dma_start3A_81] : memref<2x320000xi32, #tpu.memory_space<hbm>> -> memref<1x320000xi32, #tpu.memory_space<hbm>>
    %dma_start3A_83 = tpu.memref_squeeze %dma_start3A_82 : memref<1x320000xi32, #tpu.memory_space<hbm>> -> memref<320000xi32, #tpu.memory_space<hbm>>
    %dma_start3A_84 = tpu.memref_slice %dma_start3A_83[%mul3A_79] : memref<320000xi32, #tpu.memory_space<hbm>> -> memref<128xi32, #tpu.memory_space<hbm>>
    %dma_start3A_85 = arith.constant 0 : i32
    %dma_start3A_86 = tpu.memref_slice %arg3[%dma_start3A_80, %dma_start3A_85] : memref<2x320000xi32, #tpu.memory_space<hbm>> -> memref<1x320000xi32, #tpu.memory_space<hbm>>
    %dma_start3A_87 = tpu.memref_squeeze %dma_start3A_86 : memref<1x320000xi32, #tpu.memory_space<hbm>> -> memref<320000xi32, #tpu.memory_space<hbm>>
    %dma_start3A_88 = tpu.memref_slice %dma_start3A_87[%mul3A_79] : memref<320000xi32, #tpu.memory_space<hbm>> -> memref<128xi32, #tpu.memory_space<hbm>>
    tpu.enqueue_dma source(%dma_start3A_88 : memref<128xi32, #tpu.memory_space<hbm>>) target(%arg6 : memref<128xi32, #tpu.memory_space<vmem>>) target_semaphore(%arg24 : memref<!tpu.dma_semaphore, #tpu.memory_space<semaphore_mem>>)
    %dma_start3A_89 = arith.constant 1 : i32
    %dma_start3A_90 = arith.constant 0 : i32
    %dma_start3A_91 = tpu.memref_slice %arg3[%dma_start3A_89, %dma_start3A_90] : memref<2x320000xi32, #tpu.memory_space<hbm>> -> memref<1x320000xi32, #tpu.memory_space<hbm>>
    %dma_start3A_92 = tpu.memref_squeeze %dma_start3A_91 : memref<1x320000xi32, #tpu.memory_space<hbm>> -> memref<320000xi32, #tpu.memory_space<hbm>>
    %dma_start3A_93 = tpu.memref_slice %dma_start3A_92[%mul3A_79] : memref<320000xi32, #tpu.memory_space<hbm>> -> memref<128xi32, #tpu.memory_space<hbm>>
    %dma_start3A_94 = arith.constant 0 : i32
    %dma_start3A_95 = tpu.memref_slice %arg3[%dma_start3A_89, %dma_start3A_94] : memref<2x320000xi32, #tpu.memory_space<hbm>> -> memref<1x320000xi32, #tpu.memory_space<hbm>>
    %dma_start3A_96 = tpu.memref_squeeze %dma_start3A_95 : memref<1x320000xi32, #tpu.memory_space<hbm>> -> memref<320000xi32, #tpu.memory_space<hbm>>
    %dma_start3A_97 = tpu.memref_slice %dma_start3A_96[%mul3A_79] : memref<320000xi32, #tpu.memory_space<hbm>> -> memref<128xi32, #tpu.memory_space<hbm>>
    tpu.enqueue_dma source(%dma_start3A_97 : memref<128xi32, #tpu.memory_space<hbm>>) target(%arg10 : memref<128xi32, #tpu.memory_space<vmem>>) target_semaphore(%arg24 : memref<!tpu.dma_semaphore, #tpu.memory_space<semaphore_mem>>)
    %dma_start3A_98 = arith.constant 0 : i32
    %dma_start3A_99 = arith.constant 0 : i32
    %dma_start3A_100 = tpu.memref_slice %arg2[%dma_start3A_98, %dma_start3A_99] : memref<10000x128xf32, #tpu.memory_space<hbm>> -> memref<10000x128xf32, #tpu.memory_space<hbm>>
    tpu.enqueue_indirect_dma source(%dma_start3A_100 : memref<10000x128xf32, #tpu.memory_space<hbm>>) target(%arg13 : memref<128x128xf32, #tpu.memory_space<vmem>>) offsets(%arg7 : memref<128xi32, #tpu.memory_space<vmem>>) semaphore(%arg19 : memref<!tpu.dma_semaphore, #tpu.memory_space<semaphore_mem>>)
    %scan3A_101 = arith.constant 0 : i32
    %scan3A_102 = arith.constant 0 : i32
    %scan3A_103 = arith.constant 19 : i32
    %scan3A_104 = arith.addi %scan3A_102, %scan3A_103 : i32
    %scan3A_105 = arith.constant 1 : i32
    %scan3A_106 = scf.for %scan3A_274 = %scan3A_102 to %scan3A_104 step %scan3A_105 iter_args(%scan3A_275 = %scan3A_101) -> (i32)  : i32 {
      %mul3A_276 = arith.constant 4 : i32
      %mul3A_277 = arith.muli %mul3A_276, %scan3A_274 : i32
      %add3A_278 = arith.constant 1 : i32
      %add3A_279 = arith.addi %mul3A_277, %add3A_278 : i32
      %dma_wait3A_280 = arith.constant 0 : i32
      %dma_wait3A_281 = arith.constant 0 : i32
      %dma_wait3A_282 = tpu.memref_slice %arg2[%dma_wait3A_280, %dma_wait3A_281] : memref<10000x128xf32, #tpu.memory_space<hbm>> -> memref<10000x128xf32, #tpu.memory_space<hbm>>
      tpu.wait_indirect_dma semaphore(%arg19 : memref<!tpu.dma_semaphore, #tpu.memory_space<semaphore_mem>>) src(%dma_wait3A_282 : memref<10000x128xf32, #tpu.memory_space<hbm>>) dst(%arg13 : memref<128x128xf32, #tpu.memory_space<vmem>>)
      %dma_start3A_283 = arith.constant 0 : i32
      %dma_start3A_284 = arith.constant 0 : i32
      %dma_start3A_285 = tpu.memref_slice %arg16[%dma_start3A_283, %dma_start3A_284] : memref<10240x128xf32, #tpu.memory_space<vmem_shared>> -> memref<10240x128xf32, #tpu.memory_space<vmem_shared>>
      tpu.enqueue_indirect_dma source(%arg13 : memref<128x128xf32, #tpu.memory_space<vmem>>) target(%dma_start3A_285 : memref<10240x128xf32, #tpu.memory_space<vmem_shared>>) offsets(%arg9 : memref<128xi32, #tpu.memory_space<vmem>>) semaphore(%arg21 : memref<!tpu.dma_semaphore, #tpu.memory_space<semaphore_mem>>) {add = true}
      %dma_start3A_286 = arith.constant 0 : i32
      %dma_start3A_287 = tpu.memref_slice %arg17[%dma_start3A_286] : memref<10240xf32, #tpu.memory_space<vmem_shared>> -> memref<10240xf32, #tpu.memory_space<vmem_shared>>
      tpu.enqueue_indirect_dma source(%arg14 : memref<128xf32, #tpu.memory_space<vmem>>) target(%dma_start3A_287 : memref<10240xf32, #tpu.memory_space<vmem_shared>>) offsets(%arg9 : memref<128xi32, #tpu.memory_space<vmem>>) semaphore(%arg23 : memref<!tpu.dma_semaphore, #tpu.memory_space<semaphore_mem>>) {add = true}
      %add3A_288 = arith.constant 2 : i32
      %add3A_289 = arith.addi %add3A_279, %add3A_288 : i32
      %mul3A_290 = arith.constant 32 : i32
      %mul3A_291 = arith.muli %mul3A_290, %add3A_289 : i32
      %add3A_292 = arith.addi %add3A, %mul3A_291 : i32
      %min3A_293 = arith.constant 2499 : i32
      %min3A_294 = arith.minsi %add3A_292, %min3A_293 : i32
      %mul3A_295 = arith.constant 128 : i32
      %mul3A_296 = arith.muli %min3A_294, %mul3A_295 : i32
      %dma_start3A_297 = arith.constant 0 : i32
      %dma_start3A_298 = arith.constant 0 : i32
      %dma_start3A_299 = tpu.memref_slice %arg3[%dma_start3A_297, %dma_start3A_298] : memref<2x320000xi32, #tpu.memory_space<hbm>> -> memref<1x320000xi32, #tpu.memory_space<hbm>>
      %dma_start3A_300 = tpu.memref_squeeze %dma_start3A_299 : memref<1x320000xi32, #tpu.memory_space<hbm>> -> memref<320000xi32, #tpu.memory_space<hbm>>
      %dma_start3A_301 = tpu.memref_slice %dma_start3A_300[%mul3A_296] : memref<320000xi32, #tpu.memory_space<hbm>> -> memref<128xi32, #tpu.memory_space<hbm>>
      %dma_start3A_302 = arith.constant 0 : i32
      %dma_start3A_303 = tpu.memref_slice %arg3[%dma_start3A_297, %dma_start3A_302] : memref<2x320000xi32, #tpu.memory_space<hbm>> -> memref<1x320000xi32, #tpu.memory_space<hbm>>
      %dma_start3A_304 = tpu.memref_squeeze %dma_start3A_303 : memref<1x320000xi32, #tpu.memory_space<hbm>> -> memref<320000xi32, #tpu.memory_space<hbm>>
      %dma_start3A_305 = tpu.memref_slice %dma_start3A_304[%mul3A_296] : memref<320000xi32, #tpu.memory_space<hbm>> -> memref<128xi32, #tpu.memory_space<hbm>>
      tpu.enqueue_dma source(%dma_start3A_305 : memref<128xi32, #tpu.memory_space<hbm>>) target(%arg7 : memref<128xi32, #tpu.memory_space<vmem>>) target_semaphore(%arg25 : memref<!tpu.dma_semaphore, #tpu.memory_space<semaphore_mem>>)
      %dma_start3A_306 = arith.constant 1 : i32
      %dma_start3A_307 = arith.constant 0 : i32
      %dma_start3A_308 = tpu.memref_slice %arg3[%dma_start3A_306, %dma_start3A_307] : memref<2x320000xi32, #tpu.memory_space<hbm>> -> memref<1x320000xi32, #tpu.memory_space<hbm>>
      %dma_start3A_309 = tpu.memref_squeeze %dma_start3A_308 : memref<1x320000xi32, #tpu.memory_space<hbm>> -> memref<320000xi32, #tpu.memory_space<hbm>>
      %dma_start3A_310 = tpu.memref_slice %dma_start3A_309[%mul3A_296] : memref<320000xi32, #tpu.memory_space<hbm>> -> memref<128xi32, #tpu.memory_space<hbm>>
      %dma_start3A_311 = arith.constant 0 : i32
      %dma_start3A_312 = tpu.memref_slice %arg3[%dma_start3A_306, %dma_start3A_311] : memref<2x320000xi32, #tpu.memory_space<hbm>> -> memref<1x320000xi32, #tpu.memory_space<hbm>>
      %dma_start3A_313 = tpu.memref_squeeze %dma_start3A_312 : memref<1x320000xi32, #tpu.memory_space<hbm>> -> memref<320000xi32, #tpu.memory_space<hbm>>
      %dma_start3A_314 = tpu.memref_slice %dma_start3A_313[%mul3A_296] : memref<320000xi32, #tpu.memory_space<hbm>> -> memref<128xi32, #tpu.memory_space<hbm>>
      tpu.enqueue_dma source(%dma_start3A_314 : memref<128xi32, #tpu.memory_space<hbm>>) target(%arg11 : memref<128xi32, #tpu.memory_space<vmem>>) target_semaphore(%arg25 : memref<!tpu.dma_semaphore, #tpu.memory_space<semaphore_mem>>)
      %dma_wait3A_315 = arith.constant 0 : i32
      %dma_wait3A_316 = arith.constant 0 : i32
      %dma_wait3A_317 = tpu.memref_slice %arg16[%dma_wait3A_315, %dma_wait3A_316] : memref<10240x128xf32, #tpu.memory_space<vmem_shared>> -> memref<10240x128xf32, #tpu.memory_space<vmem_shared>>
      tpu.wait_indirect_dma semaphore(%arg20 : memref<!tpu.dma_semaphore, #tpu.memory_space<semaphore_mem>>) src(%arg12 : memref<128x128xf32, #tpu.memory_space<vmem>>) dst(%dma_wait3A_317 : memref<10240x128xf32, #tpu.memory_space<vmem_shared>>)
      %dma_wait3A_318 = arith.constant 0 : i32
      %dma_wait3A_319 = tpu.memref_slice %arg17[%dma_wait3A_318] : memref<10240xf32, #tpu.memory_space<vmem_shared>> -> memref<10240xf32, #tpu.memory_space<vmem_shared>>
      tpu.wait_indirect_dma semaphore(%arg22 : memref<!tpu.dma_semaphore, #tpu.memory_space<semaphore_mem>>) src(%arg14 : memref<128xf32, #tpu.memory_space<vmem>>) dst(%dma_wait3A_319 : memref<10240xf32, #tpu.memory_space<vmem_shared>>)
      %add3A_320 = arith.constant 1 : i32
      %add3A_321 = arith.addi %add3A_279, %add3A_320 : i32
      %mul3A_322 = arith.constant 32 : i32
      %mul3A_323 = arith.muli %mul3A_322, %add3A_321 : i32
      %add3A_324 = arith.addi %add3A, %mul3A_323 : i32
      %min3A_325 = arith.constant 2499 : i32
      %min3A_326 = arith.minsi %add3A_324, %min3A_325 : i32
      %mul3A_327 = arith.constant 128 : i32
      %mul3A_328 = arith.muli %min3A_326, %mul3A_327 : i32
      %dma_wait3A_329 = arith.constant 0 : i32
      %dma_wait3A_330 = arith.constant 0 : i32
      %dma_wait3A_331 = tpu.memref_slice %arg3[%dma_wait3A_329, %dma_wait3A_330] : memref<2x320000xi32, #tpu.memory_space<hbm>> -> memref<1x320000xi32, #tpu.memory_space<hbm>>
      %dma_wait3A_332 = tpu.memref_squeeze %dma_wait3A_331 : memref<1x320000xi32, #tpu.memory_space<hbm>> -> memref<320000xi32, #tpu.memory_space<hbm>>
      %dma_wait3A_333 = tpu.memref_slice %dma_wait3A_332[%mul3A_328] : memref<320000xi32, #tpu.memory_space<hbm>> -> memref<128xi32, #tpu.memory_space<hbm>>
      %dma_wait3A_334 = arith.constant 0 : i32
      %dma_wait3A_335 = tpu.memref_slice %arg3[%dma_wait3A_329, %dma_wait3A_334] : memref<2x320000xi32, #tpu.memory_space<hbm>> -> memref<1x320000xi32, #tpu.memory_space<hbm>>
      %dma_wait3A_336 = tpu.memref_squeeze %dma_wait3A_335 : memref<1x320000xi32, #tpu.memory_space<hbm>> -> memref<320000xi32, #tpu.memory_space<hbm>>
      %dma_wait3A_337 = tpu.memref_slice %dma_wait3A_336[%mul3A_328] : memref<320000xi32, #tpu.memory_space<hbm>> -> memref<128xi32, #tpu.memory_space<hbm>>
      tpu.wait_dma2 semaphore(%arg24 : memref<!tpu.dma_semaphore, #tpu.memory_space<semaphore_mem>>) src(%dma_wait3A_337 : memref<128xi32, #tpu.memory_space<hbm>>) dst(%arg6 : memref<128xi32, #tpu.memory_space<vmem>>)
      %dma_wait3A_338 = arith.constant 1 : i32
      %dma_wait3A_339 = arith.constant 0 : i32
      %dma_wait3A_340 = tpu.memref_slice %arg3[%dma_wait3A_338, %dma_wait3A_339] : memref<2x320000xi32, #tpu.memory_space<hbm>> -> memref<1x320000xi32, #tpu.memory_space<hbm>>
      %dma_wait3A_341 = tpu.memref_squeeze %dma_wait3A_340 : memref<1x320000xi32, #tpu.memory_space<hbm>> -> memref<320000xi32, #tpu.memory_space<hbm>>
      %dma_wait3A_342 = tpu.memref_slice %dma_wait3A_341[%mul3A_328] : memref<320000xi32, #tpu.memory_space<hbm>> -> memref<128xi32, #tpu.memory_space<hbm>>
      %dma_wait3A_343 = arith.constant 0 : i32
      %dma_wait3A_344 = tpu.memref_slice %arg3[%dma_wait3A_338, %dma_wait3A_343] : memref<2x320000xi32, #tpu.memory_space<hbm>> -> memref<1x320000xi32, #tpu.memory_space<hbm>>
      %dma_wait3A_345 = tpu.memref_squeeze %dma_wait3A_344 : memref<1x320000xi32, #tpu.memory_space<hbm>> -> memref<320000xi32, #tpu.memory_space<hbm>>
      %dma_wait3A_346 = tpu.memref_slice %dma_wait3A_345[%mul3A_328] : memref<320000xi32, #tpu.memory_space<hbm>> -> memref<128xi32, #tpu.memory_space<hbm>>
      tpu.wait_dma2 semaphore(%arg24 : memref<!tpu.dma_semaphore, #tpu.memory_space<semaphore_mem>>) src(%dma_wait3A_346 : memref<128xi32, #tpu.memory_space<hbm>>) dst(%arg10 : memref<128xi32, #tpu.memory_space<vmem>>)
      %dma_start3A_347 = arith.constant 0 : i32
      %dma_start3A_348 = arith.constant 0 : i32
      %dma_start3A_349 = tpu.memref_slice %arg2[%dma_start3A_347, %dma_start3A_348] : memref<10000x128xf32, #tpu.memory_space<hbm>> -> memref<10000x128xf32, #tpu.memory_space<hbm>>
      tpu.enqueue_indirect_dma source(%dma_start3A_349 : memref<10000x128xf32, #tpu.memory_space<hbm>>) target(%arg12 : memref<128x128xf32, #tpu.memory_space<vmem>>) offsets(%arg6 : memref<128xi32, #tpu.memory_space<vmem>>) semaphore(%arg18 : memref<!tpu.dma_semaphore, #tpu.memory_space<semaphore_mem>>)
      %add3A_350 = arith.constant 2 : i32
      %add3A_351 = arith.addi %mul3A_277, %add3A_350 : i32
      %dma_wait3A_352 = arith.constant 0 : i32
      %dma_wait3A_353 = arith.constant 0 : i32
      %dma_wait3A_354 = tpu.memref_slice %arg2[%dma_wait3A_352, %dma_wait3A_353] : memref<10000x128xf32, #tpu.memory_space<hbm>> -> memref<10000x128xf32, #tpu.memory_space<hbm>>
      tpu.wait_indirect_dma semaphore(%arg18 : memref<!tpu.dma_semaphore, #tpu.memory_space<semaphore_mem>>) src(%dma_wait3A_354 : memref<10000x128xf32, #tpu.memory_space<hbm>>) dst(%arg12 : memref<128x128xf32, #tpu.memory_space<vmem>>)
      %dma_start3A_355 = arith.constant 0 : i32
      %dma_start3A_356 = arith.constant 0 : i32
      %dma_start3A_357 = tpu.memref_slice %arg16[%dma_start3A_355, %dma_start3A_356] : memref<10240x128xf32, #tpu.memory_space<vmem_shared>> -> memref<10240x128xf32, #tpu.memory_space<vmem_shared>>
      tpu.enqueue_indirect_dma source(%arg12 : memref<128x128xf32, #tpu.memory_space<vmem>>) target(%dma_start3A_357 : memref<10240x128xf32, #tpu.memory_space<vmem_shared>>) offsets(%arg10 : memref<128xi32, #tpu.memory_space<vmem>>) semaphore(%arg20 : memref<!tpu.dma_semaphore, #tpu.memory_space<semaphore_mem>>) {add = true}
      %dma_start3A_358 = arith.constant 0 : i32
      %dma_start3A_359 = tpu.memref_slice %arg17[%dma_start3A_358] : memref<10240xf32, #tpu.memory_space<vmem_shared>> -> memref<10240xf32, #tpu.memory_space<vmem_shared>>
      tpu.enqueue_indirect_dma source(%arg14 : memref<128xf32, #tpu.memory_space<vmem>>) target(%dma_start3A_359 : memref<10240xf32, #tpu.memory_space<vmem_shared>>) offsets(%arg10 : memref<128xi32, #tpu.memory_space<vmem>>) semaphore(%arg22 : memref<!tpu.dma_semaphore, #tpu.memory_space<semaphore_mem>>) {add = true}
      %add3A_360 = arith.constant 2 : i32
      %add3A_361 = arith.addi %add3A_351, %add3A_360 : i32
      %mul3A_362 = arith.constant 32 : i32
      %mul3A_363 = arith.muli %mul3A_362, %add3A_361 : i32
      %add3A_364 = arith.addi %add3A, %mul3A_363 : i32
      %min3A_365 = arith.constant 2499 : i32
      %min3A_366 = arith.minsi %add3A_364, %min3A_365 : i32
      %mul3A_367 = arith.constant 128 : i32
      %mul3A_368 = arith.muli %min3A_366, %mul3A_367 : i32
      %dma_start3A_369 = arith.constant 0 : i32
      %dma_start3A_370 = arith.constant 0 : i32
      %dma_start3A_371 = tpu.memref_slice %arg3[%dma_start3A_369, %dma_start3A_370] : memref<2x320000xi32, #tpu.memory_space<hbm>> -> memref<1x320000xi32, #tpu.memory_space<hbm>>
      %dma_start3A_372 = tpu.memref_squeeze %dma_start3A_371 : memref<1x320000xi32, #tpu.memory_space<hbm>> -> memref<320000xi32, #tpu.memory_space<hbm>>
      %dma_start3A_373 = tpu.memref_slice %dma_start3A_372[%mul3A_368] : memref<320000xi32, #tpu.memory_space<hbm>> -> memref<128xi32, #tpu.memory_space<hbm>>
      %dma_start3A_374 = arith.constant 0 : i32
      %dma_start3A_375 = tpu.memref_slice %arg3[%dma_start3A_369, %dma_start3A_374] : memref<2x320000xi32, #tpu.memory_space<hbm>> -> memref<1x320000xi32, #tpu.memory_space<hbm>>
      %dma_start3A_376 = tpu.memref_squeeze %dma_start3A_375 : memref<1x320000xi32, #tpu.memory_space<hbm>> -> memref<320000xi32, #tpu.memory_space<hbm>>
      %dma_start3A_377 = tpu.memref_slice %dma_start3A_376[%mul3A_368] : memref<320000xi32, #tpu.memory_space<hbm>> -> memref<128xi32, #tpu.memory_space<hbm>>
      tpu.enqueue_dma source(%dma_start3A_377 : memref<128xi32, #tpu.memory_space<hbm>>) target(%arg6 : memref<128xi32, #tpu.memory_space<vmem>>) target_semaphore(%arg24 : memref<!tpu.dma_semaphore, #tpu.memory_space<semaphore_mem>>)
      %dma_start3A_378 = arith.constant 1 : i32
      %dma_start3A_379 = arith.constant 0 : i32
      %dma_start3A_380 = tpu.memref_slice %arg3[%dma_start3A_378, %dma_start3A_379] : memref<2x320000xi32, #tpu.memory_space<hbm>> -> memref<1x320000xi32, #tpu.memory_space<hbm>>
      %dma_start3A_381 = tpu.memref_squeeze %dma_start3A_380 : memref<1x320000xi32, #tpu.memory_space<hbm>> -> memref<320000xi32, #tpu.memory_space<hbm>>
      %dma_start3A_382 = tpu.memref_slice %dma_start3A_381[%mul3A_368] : memref<320000xi32, #tpu.memory_space<hbm>> -> memref<128xi32, #tpu.memory_space<hbm>>
      %dma_start3A_383 = arith.constant 0 : i32
      %dma_start3A_384 = tpu.memref_slice %arg3[%dma_start3A_378, %dma_start3A_383] : memref<2x320000xi32, #tpu.memory_space<hbm>> -> memref<1x320000xi32, #tpu.memory_space<hbm>>
      %dma_start3A_385 = tpu.memref_squeeze %dma_start3A_384 : memref<1x320000xi32, #tpu.memory_space<hbm>> -> memref<320000xi32, #tpu.memory_space<hbm>>
      %dma_start3A_386 = tpu.memref_slice %dma_start3A_385[%mul3A_368] : memref<320000xi32, #tpu.memory_space<hbm>> -> memref<128xi32, #tpu.memory_space<hbm>>
      tpu.enqueue_dma source(%dma_start3A_386 : memref<128xi32, #tpu.memory_space<hbm>>) target(%arg8 : memref<128xi32, #tpu.memory_space<vmem>>) target_semaphore(%arg24 : memref<!tpu.dma_semaphore, #tpu.memory_space<semaphore_mem>>)
      %dma_wait3A_387 = arith.constant 0 : i32
      %dma_wait3A_388 = arith.constant 0 : i32
      %dma_wait3A_389 = tpu.memref_slice %arg16[%dma_wait3A_387, %dma_wait3A_388] : memref<10240x128xf32, #tpu.memory_space<vmem_shared>> -> memref<10240x128xf32, #tpu.memory_space<vmem_shared>>
      tpu.wait_indirect_dma semaphore(%arg21 : memref<!tpu.dma_semaphore, #tpu.memory_space<semaphore_mem>>) src(%arg13 : memref<128x128xf32, #tpu.memory_space<vmem>>) dst(%dma_wait3A_389 : memref<10240x128xf32, #tpu.memory_space<vmem_shared>>)
      %dma_wait3A_390 = arith.constant 0 : i32
      %dma_wait3A_391 = tpu.memref_slice %arg17[%dma_wait3A_390] : memref<10240xf32, #tpu.memory_space<vmem_shared>> -> memref<10240xf32, #tpu.memory_space<vmem_shared>>
      tpu.wait_indirect_dma semaphore(%arg23 : memref<!tpu.dma_semaphore, #tpu.memory_space<semaphore_mem>>) src(%arg14 : memref<128xf32, #tpu.memory_space<vmem>>) dst(%dma_wait3A_391 : memref<10240xf32, #tpu.memory_space<vmem_shared>>)
      %add3A_392 = arith.constant 1 : i32
      %add3A_393 = arith.addi %add3A_351, %add3A_392 : i32
      %mul3A_394 = arith.constant 32 : i32
      %mul3A_395 = arith.muli %mul3A_394, %add3A_393 : i32
      %add3A_396 = arith.addi %add3A, %mul3A_395 : i32
      %min3A_397 = arith.constant 2499 : i32
      %min3A_398 = arith.minsi %add3A_396, %min3A_397 : i32
      %mul3A_399 = arith.constant 128 : i32
      %mul3A_400 = arith.muli %min3A_398, %mul3A_399 : i32
      %dma_wait3A_401 = arith.constant 0 : i32
      %dma_wait3A_402 = arith.constant 0 : i32
      %dma_wait3A_403 = tpu.memref_slice %arg3[%dma_wait3A_401, %dma_wait3A_402] : memref<2x320000xi32, #tpu.memory_space<hbm>> -> memref<1x320000xi32, #tpu.memory_space<hbm>>
      %dma_wait3A_404 = tpu.memref_squeeze %dma_wait3A_403 : memref<1x320000xi32, #tpu.memory_space<hbm>> -> memref<320000xi32, #tpu.memory_space<hbm>>
      %dma_wait3A_405 = tpu.memref_slice %dma_wait3A_404[%mul3A_400] : memref<320000xi32, #tpu.memory_space<hbm>> -> memref<128xi32, #tpu.memory_space<hbm>>
      %dma_wait3A_406 = arith.constant 0 : i32
      %dma_wait3A_407 = tpu.memref_slice %arg3[%dma_wait3A_401, %dma_wait3A_406] : memref<2x320000xi32, #tpu.memory_space<hbm>> -> memref<1x320000xi32, #tpu.memory_space<hbm>>
      %dma_wait3A_408 = tpu.memref_squeeze %dma_wait3A_407 : memref<1x320000xi32, #tpu.memory_space<hbm>> -> memref<320000xi32, #tpu.memory_space<hbm>>
      %dma_wait3A_409 = tpu.memref_slice %dma_wait3A_408[%mul3A_400] : memref<320000xi32, #tpu.memory_space<hbm>> -> memref<128xi32, #tpu.memory_space<hbm>>
      tpu.wait_dma2 semaphore(%arg25 : memref<!tpu.dma_semaphore, #tpu.memory_space<semaphore_mem>>) src(%dma_wait3A_409 : memref<128xi32, #tpu.memory_space<hbm>>) dst(%arg7 : memref<128xi32, #tpu.memory_space<vmem>>)
      %dma_wait3A_410 = arith.constant 1 : i32
      %dma_wait3A_411 = arith.constant 0 : i32
      %dma_wait3A_412 = tpu.memref_slice %arg3[%dma_wait3A_410, %dma_wait3A_411] : memref<2x320000xi32, #tpu.memory_space<hbm>> -> memref<1x320000xi32, #tpu.memory_space<hbm>>
      %dma_wait3A_413 = tpu.memref_squeeze %dma_wait3A_412 : memref<1x320000xi32, #tpu.memory_space<hbm>> -> memref<320000xi32, #tpu.memory_space<hbm>>
      %dma_wait3A_414 = tpu.memref_slice %dma_wait3A_413[%mul3A_400] : memref<320000xi32, #tpu.memory_space<hbm>> -> memref<128xi32, #tpu.memory_space<hbm>>
      %dma_wait3A_415 = arith.constant 0 : i32
      %dma_wait3A_416 = tpu.memref_slice %arg3[%dma_wait3A_410, %dma_wait3A_415] : memref<2x320000xi32, #tpu.memory_space<hbm>> -> memref<1x320000xi32, #tpu.memory_space<hbm>>
      %dma_wait3A_417 = tpu.memref_squeeze %dma_wait3A_416 : memref<1x320000xi32, #tpu.memory_space<hbm>> -> memref<320000xi32, #tpu.memory_space<hbm>>
      %dma_wait3A_418 = tpu.memref_slice %dma_wait3A_417[%mul3A_400] : memref<320000xi32, #tpu.memory_space<hbm>> -> memref<128xi32, #tpu.memory_space<hbm>>
      tpu.wait_dma2 semaphore(%arg25 : memref<!tpu.dma_semaphore, #tpu.memory_space<semaphore_mem>>) src(%dma_wait3A_418 : memref<128xi32, #tpu.memory_space<hbm>>) dst(%arg11 : memref<128xi32, #tpu.memory_space<vmem>>)
      %dma_start3A_419 = arith.constant 0 : i32
      %dma_start3A_420 = arith.constant 0 : i32
      %dma_start3A_421 = tpu.memref_slice %arg2[%dma_start3A_419, %dma_start3A_420] : memref<10000x128xf32, #tpu.memory_space<hbm>> -> memref<10000x128xf32, #tpu.memory_space<hbm>>
      tpu.enqueue_indirect_dma source(%dma_start3A_421 : memref<10000x128xf32, #tpu.memory_space<hbm>>) target(%arg13 : memref<128x128xf32, #tpu.memory_space<vmem>>) offsets(%arg7 : memref<128xi32, #tpu.memory_space<vmem>>) semaphore(%arg19 : memref<!tpu.dma_semaphore, #tpu.memory_space<semaphore_mem>>)
      %add3A_422 = arith.constant 3 : i32
      %add3A_423 = arith.addi %mul3A_277, %add3A_422 : i32
      %dma_wait3A_424 = arith.constant 0 : i32
      %dma_wait3A_425 = arith.constant 0 : i32
      %dma_wait3A_426 = tpu.memref_slice %arg2[%dma_wait3A_424, %dma_wait3A_425] : memref<10000x128xf32, #tpu.memory_space<hbm>> -> memref<10000x128xf32, #tpu.memory_space<hbm>>
      tpu.wait_indirect_dma semaphore(%arg19 : memref<!tpu.dma_semaphore, #tpu.memory_space<semaphore_mem>>) src(%dma_wait3A_426 : memref<10000x128xf32, #tpu.memory_space<hbm>>) dst(%arg13 : memref<128x128xf32, #tpu.memory_space<vmem>>)
      %dma_start3A_427 = arith.constant 0 : i32
      %dma_start3A_428 = arith.constant 0 : i32
      %dma_start3A_429 = tpu.memref_slice %arg16[%dma_start3A_427, %dma_start3A_428] : memref<10240x128xf32, #tpu.memory_space<vmem_shared>> -> memref<10240x128xf32, #tpu.memory_space<vmem_shared>>
      tpu.enqueue_indirect_dma source(%arg13 : memref<128x128xf32, #tpu.memory_space<vmem>>) target(%dma_start3A_429 : memref<10240x128xf32, #tpu.memory_space<vmem_shared>>) offsets(%arg11 : memref<128xi32, #tpu.memory_space<vmem>>) semaphore(%arg21 : memref<!tpu.dma_semaphore, #tpu.memory_space<semaphore_mem>>) {add = true}
      %dma_start3A_430 = arith.constant 0 : i32
      %dma_start3A_431 = tpu.memref_slice %arg17[%dma_start3A_430] : memref<10240xf32, #tpu.memory_space<vmem_shared>> -> memref<10240xf32, #tpu.memory_space<vmem_shared>>
      tpu.enqueue_indirect_dma source(%arg14 : memref<128xf32, #tpu.memory_space<vmem>>) target(%dma_start3A_431 : memref<10240xf32, #tpu.memory_space<vmem_shared>>) offsets(%arg11 : memref<128xi32, #tpu.memory_space<vmem>>) semaphore(%arg23 : memref<!tpu.dma_semaphore, #tpu.memory_space<semaphore_mem>>) {add = true}
      %add3A_432 = arith.constant 2 : i32
      %add3A_433 = arith.addi %add3A_423, %add3A_432 : i32
      %mul3A_434 = arith.constant 32 : i32
      %mul3A_435 = arith.muli %mul3A_434, %add3A_433 : i32
      %add3A_436 = arith.addi %add3A, %mul3A_435 : i32
      %min3A_437 = arith.constant 2499 : i32
      %min3A_438 = arith.minsi %add3A_436, %min3A_437 : i32
      %mul3A_439 = arith.constant 128 : i32
      %mul3A_440 = arith.muli %min3A_438, %mul3A_439 : i32
      %dma_start3A_441 = arith.constant 0 : i32
      %dma_start3A_442 = arith.constant 0 : i32
      %dma_start3A_443 = tpu.memref_slice %arg3[%dma_start3A_441, %dma_start3A_442] : memref<2x320000xi32, #tpu.memory_space<hbm>> -> memref<1x320000xi32, #tpu.memory_space<hbm>>
      %dma_start3A_444 = tpu.memref_squeeze %dma_start3A_443 : memref<1x320000xi32, #tpu.memory_space<hbm>> -> memref<320000xi32, #tpu.memory_space<hbm>>
      %dma_start3A_445 = tpu.memref_slice %dma_start3A_444[%mul3A_440] : memref<320000xi32, #tpu.memory_space<hbm>> -> memref<128xi32, #tpu.memory_space<hbm>>
      %dma_start3A_446 = arith.constant 0 : i32
      %dma_start3A_447 = tpu.memref_slice %arg3[%dma_start3A_441, %dma_start3A_446] : memref<2x320000xi32, #tpu.memory_space<hbm>> -> memref<1x320000xi32, #tpu.memory_space<hbm>>
      %dma_start3A_448 = tpu.memref_squeeze %dma_start3A_447 : memref<1x320000xi32, #tpu.memory_space<hbm>> -> memref<320000xi32, #tpu.memory_space<hbm>>
      %dma_start3A_449 = tpu.memref_slice %dma_start3A_448[%mul3A_440] : memref<320000xi32, #tpu.memory_space<hbm>> -> memref<128xi32, #tpu.memory_space<hbm>>
      tpu.enqueue_dma source(%dma_start3A_449 : memref<128xi32, #tpu.memory_space<hbm>>) target(%arg7 : memref<128xi32, #tpu.memory_space<vmem>>) target_semaphore(%arg25 : memref<!tpu.dma_semaphore, #tpu.memory_space<semaphore_mem>>)
      %dma_start3A_450 = arith.constant 1 : i32
      %dma_start3A_451 = arith.constant 0 : i32
      %dma_start3A_452 = tpu.memref_slice %arg3[%dma_start3A_450, %dma_start3A_451] : memref<2x320000xi32, #tpu.memory_space<hbm>> -> memref<1x320000xi32, #tpu.memory_space<hbm>>
      %dma_start3A_453 = tpu.memref_squeeze %dma_start3A_452 : memref<1x320000xi32, #tpu.memory_space<hbm>> -> memref<320000xi32, #tpu.memory_space<hbm>>
      %dma_start3A_454 = tpu.memref_slice %dma_start3A_453[%mul3A_440] : memref<320000xi32, #tpu.memory_space<hbm>> -> memref<128xi32, #tpu.memory_space<hbm>>
      %dma_start3A_455 = arith.constant 0 : i32
      %dma_start3A_456 = tpu.memref_slice %arg3[%dma_start3A_450, %dma_start3A_455] : memref<2x320000xi32, #tpu.memory_space<hbm>> -> memref<1x320000xi32, #tpu.memory_space<hbm>>
      %dma_start3A_457 = tpu.memref_squeeze %dma_start3A_456 : memref<1x320000xi32, #tpu.memory_space<hbm>> -> memref<320000xi32, #tpu.memory_space<hbm>>
      %dma_start3A_458 = tpu.memref_slice %dma_start3A_457[%mul3A_440] : memref<320000xi32, #tpu.memory_space<hbm>> -> memref<128xi32, #tpu.memory_space<hbm>>
      tpu.enqueue_dma source(%dma_start3A_458 : memref<128xi32, #tpu.memory_space<hbm>>) target(%arg9 : memref<128xi32, #tpu.memory_space<vmem>>) target_semaphore(%arg25 : memref<!tpu.dma_semaphore, #tpu.memory_space<semaphore_mem>>)
      %dma_wait3A_459 = arith.constant 0 : i32
      %dma_wait3A_460 = arith.constant 0 : i32
      %dma_wait3A_461 = tpu.memref_slice %arg16[%dma_wait3A_459, %dma_wait3A_460] : memref<10240x128xf32, #tpu.memory_space<vmem_shared>> -> memref<10240x128xf32, #tpu.memory_space<vmem_shared>>
      tpu.wait_indirect_dma semaphore(%arg20 : memref<!tpu.dma_semaphore, #tpu.memory_space<semaphore_mem>>) src(%arg12 : memref<128x128xf32, #tpu.memory_space<vmem>>) dst(%dma_wait3A_461 : memref<10240x128xf32, #tpu.memory_space<vmem_shared>>)
      %dma_wait3A_462 = arith.constant 0 : i32
      %dma_wait3A_463 = tpu.memref_slice %arg17[%dma_wait3A_462] : memref<10240xf32, #tpu.memory_space<vmem_shared>> -> memref<10240xf32, #tpu.memory_space<vmem_shared>>
      tpu.wait_indirect_dma semaphore(%arg22 : memref<!tpu.dma_semaphore, #tpu.memory_space<semaphore_mem>>) src(%arg14 : memref<128xf32, #tpu.memory_space<vmem>>) dst(%dma_wait3A_463 : memref<10240xf32, #tpu.memory_space<vmem_shared>>)
      %add3A_464 = arith.constant 1 : i32
      %add3A_465 = arith.addi %add3A_423, %add3A_464 : i32
      %mul3A_466 = arith.constant 32 : i32
      %mul3A_467 = arith.muli %mul3A_466, %add3A_465 : i32
      %add3A_468 = arith.addi %add3A, %mul3A_467 : i32
      %min3A_469 = arith.constant 2499 : i32
      %min3A_470 = arith.minsi %add3A_468, %min3A_469 : i32
      %mul3A_471 = arith.constant 128 : i32
      %mul3A_472 = arith.muli %min3A_470, %mul3A_471 : i32
      %dma_wait3A_473 = arith.constant 0 : i32
      %dma_wait3A_474 = arith.constant 0 : i32
      %dma_wait3A_475 = tpu.memref_slice %arg3[%dma_wait3A_473, %dma_wait3A_474] : memref<2x320000xi32, #tpu.memory_space<hbm>> -> memref<1x320000xi32, #tpu.memory_space<hbm>>
      %dma_wait3A_476 = tpu.memref_squeeze %dma_wait3A_475 : memref<1x320000xi32, #tpu.memory_space<hbm>> -> memref<320000xi32, #tpu.memory_space<hbm>>
      %dma_wait3A_477 = tpu.memref_slice %dma_wait3A_476[%mul3A_472] : memref<320000xi32, #tpu.memory_space<hbm>> -> memref<128xi32, #tpu.memory_space<hbm>>
      %dma_wait3A_478 = arith.constant 0 : i32
      %dma_wait3A_479 = tpu.memref_slice %arg3[%dma_wait3A_473, %dma_wait3A_478] : memref<2x320000xi32, #tpu.memory_space<hbm>> -> memref<1x320000xi32, #tpu.memory_space<hbm>>
      %dma_wait3A_480 = tpu.memref_squeeze %dma_wait3A_479 : memref<1x320000xi32, #tpu.memory_space<hbm>> -> memref<320000xi32, #tpu.memory_space<hbm>>
      %dma_wait3A_481 = tpu.memref_slice %dma_wait3A_480[%mul3A_472] : memref<320000xi32, #tpu.memory_space<hbm>> -> memref<128xi32, #tpu.memory_space<hbm>>
      tpu.wait_dma2 semaphore(%arg24 : memref<!tpu.dma_semaphore, #tpu.memory_space<semaphore_mem>>) src(%dma_wait3A_481 : memref<128xi32, #tpu.memory_space<hbm>>) dst(%arg6 : memref<128xi32, #tpu.memory_space<vmem>>)
      %dma_wait3A_482 = arith.constant 1 : i32
      %dma_wait3A_483 = arith.constant 0 : i32
      %dma_wait3A_484 = tpu.memref_slice %arg3[%dma_wait3A_482, %dma_wait3A_483] : memref<2x320000xi32, #tpu.memory_space<hbm>> -> memref<1x320000xi32, #tpu.memory_space<hbm>>
      %dma_wait3A_485 = tpu.memref_squeeze %dma_wait3A_484 : memref<1x320000xi32, #tpu.memory_space<hbm>> -> memref<320000xi32, #tpu.memory_space<hbm>>
      %dma_wait3A_486 = tpu.memref_slice %dma_wait3A_485[%mul3A_472] : memref<320000xi32, #tpu.memory_space<hbm>> -> memref<128xi32, #tpu.memory_space<hbm>>
      %dma_wait3A_487 = arith.constant 0 : i32
      %dma_wait3A_488 = tpu.memref_slice %arg3[%dma_wait3A_482, %dma_wait3A_487] : memref<2x320000xi32, #tpu.memory_space<hbm>> -> memref<1x320000xi32, #tpu.memory_space<hbm>>
      %dma_wait3A_489 = tpu.memref_squeeze %dma_wait3A_488 : memref<1x320000xi32, #tpu.memory_space<hbm>> -> memref<320000xi32, #tpu.memory_space<hbm>>
      %dma_wait3A_490 = tpu.memref_slice %dma_wait3A_489[%mul3A_472] : memref<320000xi32, #tpu.memory_space<hbm>> -> memref<128xi32, #tpu.memory_space<hbm>>
      tpu.wait_dma2 semaphore(%arg24 : memref<!tpu.dma_semaphore, #tpu.memory_space<semaphore_mem>>) src(%dma_wait3A_490 : memref<128xi32, #tpu.memory_space<hbm>>) dst(%arg8 : memref<128xi32, #tpu.memory_space<vmem>>)
      %dma_start3A_491 = arith.constant 0 : i32
      %dma_start3A_492 = arith.constant 0 : i32
      %dma_start3A_493 = tpu.memref_slice %arg2[%dma_start3A_491, %dma_start3A_492] : memref<10000x128xf32, #tpu.memory_space<hbm>> -> memref<10000x128xf32, #tpu.memory_space<hbm>>
      tpu.enqueue_indirect_dma source(%dma_start3A_493 : memref<10000x128xf32, #tpu.memory_space<hbm>>) target(%arg12 : memref<128x128xf32, #tpu.memory_space<vmem>>) offsets(%arg6 : memref<128xi32, #tpu.memory_space<vmem>>) semaphore(%arg18 : memref<!tpu.dma_semaphore, #tpu.memory_space<semaphore_mem>>)
      %add3A_494 = arith.constant 4 : i32
      %add3A_495 = arith.addi %mul3A_277, %add3A_494 : i32
      %dma_wait3A_496 = arith.constant 0 : i32
      %dma_wait3A_497 = arith.constant 0 : i32
      %dma_wait3A_498 = tpu.memref_slice %arg2[%dma_wait3A_496, %dma_wait3A_497] : memref<10000x128xf32, #tpu.memory_space<hbm>> -> memref<10000x128xf32, #tpu.memory_space<hbm>>
      tpu.wait_indirect_dma semaphore(%arg18 : memref<!tpu.dma_semaphore, #tpu.memory_space<semaphore_mem>>) src(%dma_wait3A_498 : memref<10000x128xf32, #tpu.memory_space<hbm>>) dst(%arg12 : memref<128x128xf32, #tpu.memory_space<vmem>>)
      %dma_start3A_499 = arith.constant 0 : i32
      %dma_start3A_500 = arith.constant 0 : i32
      %dma_start3A_501 = tpu.memref_slice %arg16[%dma_start3A_499, %dma_start3A_500] : memref<10240x128xf32, #tpu.memory_space<vmem_shared>> -> memref<10240x128xf32, #tpu.memory_space<vmem_shared>>
      tpu.enqueue_indirect_dma source(%arg12 : memref<128x128xf32, #tpu.memory_space<vmem>>) target(%dma_start3A_501 : memref<10240x128xf32, #tpu.memory_space<vmem_shared>>) offsets(%arg8 : memref<128xi32, #tpu.memory_space<vmem>>) semaphore(%arg20 : memref<!tpu.dma_semaphore, #tpu.memory_space<semaphore_mem>>) {add = true}
      %dma_start3A_502 = arith.constant 0 : i32
      %dma_start3A_503 = tpu.memref_slice %arg17[%dma_start3A_502] : memref<10240xf32, #tpu.memory_space<vmem_shared>> -> memref<10240xf32, #tpu.memory_space<vmem_shared>>
      tpu.enqueue_indirect_dma source(%arg14 : memref<128xf32, #tpu.memory_space<vmem>>) target(%dma_start3A_503 : memref<10240xf32, #tpu.memory_space<vmem_shared>>) offsets(%arg8 : memref<128xi32, #tpu.memory_space<vmem>>) semaphore(%arg22 : memref<!tpu.dma_semaphore, #tpu.memory_space<semaphore_mem>>) {add = true}
      %add3A_504 = arith.constant 2 : i32
      %add3A_505 = arith.addi %add3A_495, %add3A_504 : i32
      %mul3A_506 = arith.constant 32 : i32
      %mul3A_507 = arith.muli %mul3A_506, %add3A_505 : i32
      %add3A_508 = arith.addi %add3A, %mul3A_507 : i32
      %min3A_509 = arith.constant 2499 : i32
      %min3A_510 = arith.minsi %add3A_508, %min3A_509 : i32
      %mul3A_511 = arith.constant 128 : i32
      %mul3A_512 = arith.muli %min3A_510, %mul3A_511 : i32
      %dma_start3A_513 = arith.constant 0 : i32
      %dma_start3A_514 = arith.constant 0 : i32
      %dma_start3A_515 = tpu.memref_slice %arg3[%dma_start3A_513, %dma_start3A_514] : memref<2x320000xi32, #tpu.memory_space<hbm>> -> memref<1x320000xi32, #tpu.memory_space<hbm>>
      %dma_start3A_516 = tpu.memref_squeeze %dma_start3A_515 : memref<1x320000xi32, #tpu.memory_space<hbm>> -> memref<320000xi32, #tpu.memory_space<hbm>>
      %dma_start3A_517 = tpu.memref_slice %dma_start3A_516[%mul3A_512] : memref<320000xi32, #tpu.memory_space<hbm>> -> memref<128xi32, #tpu.memory_space<hbm>>
      %dma_start3A_518 = arith.constant 0 : i32
      %dma_start3A_519 = tpu.memref_slice %arg3[%dma_start3A_513, %dma_start3A_518] : memref<2x320000xi32, #tpu.memory_space<hbm>> -> memref<1x320000xi32, #tpu.memory_space<hbm>>
      %dma_start3A_520 = tpu.memref_squeeze %dma_start3A_519 : memref<1x320000xi32, #tpu.memory_space<hbm>> -> memref<320000xi32, #tpu.memory_space<hbm>>
      %dma_start3A_521 = tpu.memref_slice %dma_start3A_520[%mul3A_512] : memref<320000xi32, #tpu.memory_space<hbm>> -> memref<128xi32, #tpu.memory_space<hbm>>
      tpu.enqueue_dma source(%dma_start3A_521 : memref<128xi32, #tpu.memory_space<hbm>>) target(%arg6 : memref<128xi32, #tpu.memory_space<vmem>>) target_semaphore(%arg24 : memref<!tpu.dma_semaphore, #tpu.memory_space<semaphore_mem>>)
      %dma_start3A_522 = arith.constant 1 : i32
      %dma_start3A_523 = arith.constant 0 : i32
      %dma_start3A_524 = tpu.memref_slice %arg3[%dma_start3A_522, %dma_start3A_523] : memref<2x320000xi32, #tpu.memory_space<hbm>> -> memref<1x320000xi32, #tpu.memory_space<hbm>>
      %dma_start3A_525 = tpu.memref_squeeze %dma_start3A_524 : memref<1x320000xi32, #tpu.memory_space<hbm>> -> memref<320000xi32, #tpu.memory_space<hbm>>
      %dma_start3A_526 = tpu.memref_slice %dma_start3A_525[%mul3A_512] : memref<320000xi32, #tpu.memory_space<hbm>> -> memref<128xi32, #tpu.memory_space<hbm>>
      %dma_start3A_527 = arith.constant 0 : i32
      %dma_start3A_528 = tpu.memref_slice %arg3[%dma_start3A_522, %dma_start3A_527] : memref<2x320000xi32, #tpu.memory_space<hbm>> -> memref<1x320000xi32, #tpu.memory_space<hbm>>
      %dma_start3A_529 = tpu.memref_squeeze %dma_start3A_528 : memref<1x320000xi32, #tpu.memory_space<hbm>> -> memref<320000xi32, #tpu.memory_space<hbm>>
      %dma_start3A_530 = tpu.memref_slice %dma_start3A_529[%mul3A_512] : memref<320000xi32, #tpu.memory_space<hbm>> -> memref<128xi32, #tpu.memory_space<hbm>>
      tpu.enqueue_dma source(%dma_start3A_530 : memref<128xi32, #tpu.memory_space<hbm>>) target(%arg10 : memref<128xi32, #tpu.memory_space<vmem>>) target_semaphore(%arg24 : memref<!tpu.dma_semaphore, #tpu.memory_space<semaphore_mem>>)
      %dma_wait3A_531 = arith.constant 0 : i32
      %dma_wait3A_532 = arith.constant 0 : i32
      %dma_wait3A_533 = tpu.memref_slice %arg16[%dma_wait3A_531, %dma_wait3A_532] : memref<10240x128xf32, #tpu.memory_space<vmem_shared>> -> memref<10240x128xf32, #tpu.memory_space<vmem_shared>>
      tpu.wait_indirect_dma semaphore(%arg21 : memref<!tpu.dma_semaphore, #tpu.memory_space<semaphore_mem>>) src(%arg13 : memref<128x128xf32, #tpu.memory_space<vmem>>) dst(%dma_wait3A_533 : memref<10240x128xf32, #tpu.memory_space<vmem_shared>>)
      %dma_wait3A_534 = arith.constant 0 : i32
      %dma_wait3A_535 = tpu.memref_slice %arg17[%dma_wait3A_534] : memref<10240xf32, #tpu.memory_space<vmem_shared>> -> memref<10240xf32, #tpu.memory_space<vmem_shared>>
      tpu.wait_indirect_dma semaphore(%arg23 : memref<!tpu.dma_semaphore, #tpu.memory_space<semaphore_mem>>) src(%arg14 : memref<128xf32, #tpu.memory_space<vmem>>) dst(%dma_wait3A_535 : memref<10240xf32, #tpu.memory_space<vmem_shared>>)
      %add3A_536 = arith.constant 1 : i32
      %add3A_537 = arith.addi %add3A_495, %add3A_536 : i32
      %mul3A_538 = arith.constant 32 : i32
      %mul3A_539 = arith.muli %mul3A_538, %add3A_537 : i32
      %add3A_540 = arith.addi %add3A, %mul3A_539 : i32
      %min3A_541 = arith.constant 2499 : i32
      %min3A_542 = arith.minsi %add3A_540, %min3A_541 : i32
      %mul3A_543 = arith.constant 128 : i32
      %mul3A_544 = arith.muli %min3A_542, %mul3A_543 : i32
      %dma_wait3A_545 = arith.constant 0 : i32
      %dma_wait3A_546 = arith.constant 0 : i32
      %dma_wait3A_547 = tpu.memref_slice %arg3[%dma_wait3A_545, %dma_wait3A_546] : memref<2x320000xi32, #tpu.memory_space<hbm>> -> memref<1x320000xi32, #tpu.memory_space<hbm>>
      %dma_wait3A_548 = tpu.memref_squeeze %dma_wait3A_547 : memref<1x320000xi32, #tpu.memory_space<hbm>> -> memref<320000xi32, #tpu.memory_space<hbm>>
      %dma_wait3A_549 = tpu.memref_slice %dma_wait3A_548[%mul3A_544] : memref<320000xi32, #tpu.memory_space<hbm>> -> memref<128xi32, #tpu.memory_space<hbm>>
      %dma_wait3A_550 = arith.constant 0 : i32
      %dma_wait3A_551 = tpu.memref_slice %arg3[%dma_wait3A_545, %dma_wait3A_550] : memref<2x320000xi32, #tpu.memory_space<hbm>> -> memref<1x320000xi32, #tpu.memory_space<hbm>>
      %dma_wait3A_552 = tpu.memref_squeeze %dma_wait3A_551 : memref<1x320000xi32, #tpu.memory_space<hbm>> -> memref<320000xi32, #tpu.memory_space<hbm>>
      %dma_wait3A_553 = tpu.memref_slice %dma_wait3A_552[%mul3A_544] : memref<320000xi32, #tpu.memory_space<hbm>> -> memref<128xi32, #tpu.memory_space<hbm>>
      tpu.wait_dma2 semaphore(%arg25 : memref<!tpu.dma_semaphore, #tpu.memory_space<semaphore_mem>>) src(%dma_wait3A_553 : memref<128xi32, #tpu.memory_space<hbm>>) dst(%arg7 : memref<128xi32, #tpu.memory_space<vmem>>)
      %dma_wait3A_554 = arith.constant 1 : i32
      %dma_wait3A_555 = arith.constant 0 : i32
      %dma_wait3A_556 = tpu.memref_slice %arg3[%dma_wait3A_554, %dma_wait3A_555] : memref<2x320000xi32, #tpu.memory_space<hbm>> -> memref<1x320000xi32, #tpu.memory_space<hbm>>
      %dma_wait3A_557 = tpu.memref_squeeze %dma_wait3A_556 : memref<1x320000xi32, #tpu.memory_space<hbm>> -> memref<320000xi32, #tpu.memory_space<hbm>>
      %dma_wait3A_558 = tpu.memref_slice %dma_wait3A_557[%mul3A_544] : memref<320000xi32, #tpu.memory_space<hbm>> -> memref<128xi32, #tpu.memory_space<hbm>>
      %dma_wait3A_559 = arith.constant 0 : i32
      %dma_wait3A_560 = tpu.memref_slice %arg3[%dma_wait3A_554, %dma_wait3A_559] : memref<2x320000xi32, #tpu.memory_space<hbm>> -> memref<1x320000xi32, #tpu.memory_space<hbm>>
      %dma_wait3A_561 = tpu.memref_squeeze %dma_wait3A_560 : memref<1x320000xi32, #tpu.memory_space<hbm>> -> memref<320000xi32, #tpu.memory_space<hbm>>
      %dma_wait3A_562 = tpu.memref_slice %dma_wait3A_561[%mul3A_544] : memref<320000xi32, #tpu.memory_space<hbm>> -> memref<128xi32, #tpu.memory_space<hbm>>
      tpu.wait_dma2 semaphore(%arg25 : memref<!tpu.dma_semaphore, #tpu.memory_space<semaphore_mem>>) src(%dma_wait3A_562 : memref<128xi32, #tpu.memory_space<hbm>>) dst(%arg9 : memref<128xi32, #tpu.memory_space<vmem>>)
      %dma_start3A_563 = arith.constant 0 : i32
      %dma_start3A_564 = arith.constant 0 : i32
      %dma_start3A_565 = tpu.memref_slice %arg2[%dma_start3A_563, %dma_start3A_564] : memref<10000x128xf32, #tpu.memory_space<hbm>> -> memref<10000x128xf32, #tpu.memory_space<hbm>>
      tpu.enqueue_indirect_dma source(%dma_start3A_565 : memref<10000x128xf32, #tpu.memory_space<hbm>>) target(%arg13 : memref<128x128xf32, #tpu.memory_space<vmem>>) offsets(%arg7 : memref<128xi32, #tpu.memory_space<vmem>>) semaphore(%arg19 : memref<!tpu.dma_semaphore, #tpu.memory_space<semaphore_mem>>)
      %scan3A_566 = arith.constant 0 : i32
      scf.yield %scan3A_566 : i32
    }
    %scan3A_107 = arith.constant 19 : i32
    %dma_wait3A_108 = arith.constant 0 : i32
    %dma_wait3A_109 = arith.constant 0 : i32
    %dma_wait3A_110 = tpu.memref_slice %arg2[%dma_wait3A_108, %dma_wait3A_109] : memref<10000x128xf32, #tpu.memory_space<hbm>> -> memref<10000x128xf32, #tpu.memory_space<hbm>>
    tpu.wait_indirect_dma semaphore(%arg19 : memref<!tpu.dma_semaphore, #tpu.memory_space<semaphore_mem>>) src(%dma_wait3A_110 : memref<10000x128xf32, #tpu.memory_space<hbm>>) dst(%arg13 : memref<128x128xf32, #tpu.memory_space<vmem>>)
    %dma_start3A_111 = arith.constant 0 : i32
    %dma_start3A_112 = arith.constant 0 : i32
    %dma_start3A_113 = tpu.memref_slice %arg16[%dma_start3A_111, %dma_start3A_112] : memref<10240x128xf32, #tpu.memory_space<vmem_shared>> -> memref<10240x128xf32, #tpu.memory_space<vmem_shared>>
    tpu.enqueue_indirect_dma source(%arg13 : memref<128x128xf32, #tpu.memory_space<vmem>>) target(%dma_start3A_113 : memref<10240x128xf32, #tpu.memory_space<vmem_shared>>) offsets(%arg9 : memref<128xi32, #tpu.memory_space<vmem>>) semaphore(%arg21 : memref<!tpu.dma_semaphore, #tpu.memory_space<semaphore_mem>>) {add = true}
    %dma_start3A_114 = arith.constant 0 : i32
    %dma_start3A_115 = tpu.memref_slice %arg17[%dma_start3A_114] : memref<10240xf32, #tpu.memory_space<vmem_shared>> -> memref<10240xf32, #tpu.memory_space<vmem_shared>>
    tpu.enqueue_indirect_dma source(%arg14 : memref<128xf32, #tpu.memory_space<vmem>>) target(%dma_start3A_115 : memref<10240xf32, #tpu.memory_space<vmem_shared>>) offsets(%arg9 : memref<128xi32, #tpu.memory_space<vmem>>) semaphore(%arg23 : memref<!tpu.dma_semaphore, #tpu.memory_space<semaphore_mem>>) {add = true}
    %add3A_116 = arith.constant 2528 : i32
    %add3A_117 = arith.addi %add3A, %add3A_116 : i32
    %min3A_118 = arith.constant 2499 : i32
    %min3A_119 = arith.minsi %add3A_117, %min3A_118 : i32
    %mul3A_120 = arith.constant 128 : i32
    %mul3A_121 = arith.muli %min3A_119, %mul3A_120 : i32
    %dma_start3A_122 = arith.constant 0 : i32
    %dma_start3A_123 = arith.constant 0 : i32
    %dma_start3A_124 = tpu.memref_slice %arg3[%dma_start3A_122, %dma_start3A_123] : memref<2x320000xi32, #tpu.memory_space<hbm>> -> memref<1x320000xi32, #tpu.memory_space<hbm>>
    %dma_start3A_125 = tpu.memref_squeeze %dma_start3A_124 : memref<1x320000xi32, #tpu.memory_space<hbm>> -> memref<320000xi32, #tpu.memory_space<hbm>>
    %dma_start3A_126 = tpu.memref_slice %dma_start3A_125[%mul3A_121] : memref<320000xi32, #tpu.memory_space<hbm>> -> memref<128xi32, #tpu.memory_space<hbm>>
    %dma_start3A_127 = arith.constant 0 : i32
    %dma_start3A_128 = tpu.memref_slice %arg3[%dma_start3A_122, %dma_start3A_127] : memref<2x320000xi32, #tpu.memory_space<hbm>> -> memref<1x320000xi32, #tpu.memory_space<hbm>>
    %dma_start3A_129 = tpu.memref_squeeze %dma_start3A_128 : memref<1x320000xi32, #tpu.memory_space<hbm>> -> memref<320000xi32, #tpu.memory_space<hbm>>
    %dma_start3A_130 = tpu.memref_slice %dma_start3A_129[%mul3A_121] : memref<320000xi32, #tpu.memory_space<hbm>> -> memref<128xi32, #tpu.memory_space<hbm>>
    tpu.enqueue_dma source(%dma_start3A_130 : memref<128xi32, #tpu.memory_space<hbm>>) target(%arg7 : memref<128xi32, #tpu.memory_space<vmem>>) target_semaphore(%arg25 : memref<!tpu.dma_semaphore, #tpu.memory_space<semaphore_mem>>)
    %dma_start3A_131 = arith.constant 1 : i32
    %dma_start3A_132 = arith.constant 0 : i32
    %dma_start3A_133 = tpu.memref_slice %arg3[%dma_start3A_131, %dma_start3A_132] : memref<2x320000xi32, #tpu.memory_space<hbm>> -> memref<1x320000xi32, #tpu.memory_space<hbm>>
    %dma_start3A_134 = tpu.memref_squeeze %dma_start3A_133 : memref<1x320000xi32, #tpu.memory_space<hbm>> -> memref<320000xi32, #tpu.memory_space<hbm>>
    %dma_start3A_135 = tpu.memref_slice %dma_start3A_134[%mul3A_121] : memref<320000xi32, #tpu.memory_space<hbm>> -> memref<128xi32, #tpu.memory_space<hbm>>
    %dma_start3A_136 = arith.constant 0 : i32
    %dma_start3A_137 = tpu.memref_slice %arg3[%dma_start3A_131, %dma_start3A_136] : memref<2x320000xi32, #tpu.memory_space<hbm>> -> memref<1x320000xi32, #tpu.memory_space<hbm>>
    %dma_start3A_138 = tpu.memref_squeeze %dma_start3A_137 : memref<1x320000xi32, #tpu.memory_space<hbm>> -> memref<320000xi32, #tpu.memory_space<hbm>>
    %dma_start3A_139 = tpu.memref_slice %dma_start3A_138[%mul3A_121] : memref<320000xi32, #tpu.memory_space<hbm>> -> memref<128xi32, #tpu.memory_space<hbm>>
    tpu.enqueue_dma source(%dma_start3A_139 : memref<128xi32, #tpu.memory_space<hbm>>) target(%arg11 : memref<128xi32, #tpu.memory_space<vmem>>) target_semaphore(%arg25 : memref<!tpu.dma_semaphore, #tpu.memory_space<semaphore_mem>>)
    %dma_wait3A_140 = arith.constant 0 : i32
    %dma_wait3A_141 = arith.constant 0 : i32
    %dma_wait3A_142 = tpu.memref_slice %arg16[%dma_wait3A_140, %dma_wait3A_141] : memref<10240x128xf32, #tpu.memory_space<vmem_shared>> -> memref<10240x128xf32, #tpu.memory_space<vmem_shared>>
    tpu.wait_indirect_dma semaphore(%arg20 : memref<!tpu.dma_semaphore, #tpu.memory_space<semaphore_mem>>) src(%arg12 : memref<128x128xf32, #tpu.memory_space<vmem>>) dst(%dma_wait3A_142 : memref<10240x128xf32, #tpu.memory_space<vmem_shared>>)
    %dma_wait3A_143 = arith.constant 0 : i32
    %dma_wait3A_144 = tpu.memref_slice %arg17[%dma_wait3A_143] : memref<10240xf32, #tpu.memory_space<vmem_shared>> -> memref<10240xf32, #tpu.memory_space<vmem_shared>>
    tpu.wait_indirect_dma semaphore(%arg22 : memref<!tpu.dma_semaphore, #tpu.memory_space<semaphore_mem>>) src(%arg14 : memref<128xf32, #tpu.memory_space<vmem>>) dst(%dma_wait3A_144 : memref<10240xf32, #tpu.memory_space<vmem_shared>>)
    %add3A_145 = arith.constant 2496 : i32
    %add3A_146 = arith.addi %add3A, %add3A_145 : i32
    %min3A_147 = arith.constant 2499 : i32
    %min3A_148 = arith.minsi %add3A_146, %min3A_147 : i32
    %mul3A_149 = arith.constant 128 : i32
    %mul3A_150 = arith.muli %min3A_148, %mul3A_149 : i32
    %dma_wait3A_151 = arith.constant 0 : i32
    %dma_wait3A_152 = arith.constant 0 : i32
    %dma_wait3A_153 = tpu.memref_slice %arg3[%dma_wait3A_151, %dma_wait3A_152] : memref<2x320000xi32, #tpu.memory_space<hbm>> -> memref<1x320000xi32, #tpu.memory_space<hbm>>
    %dma_wait3A_154 = tpu.memref_squeeze %dma_wait3A_153 : memref<1x320000xi32, #tpu.memory_space<hbm>> -> memref<320000xi32, #tpu.memory_space<hbm>>
    %dma_wait3A_155 = tpu.memref_slice %dma_wait3A_154[%mul3A_150] : memref<320000xi32, #tpu.memory_space<hbm>> -> memref<128xi32, #tpu.memory_space<hbm>>
    %dma_wait3A_156 = arith.constant 0 : i32
    %dma_wait3A_157 = tpu.memref_slice %arg3[%dma_wait3A_151, %dma_wait3A_156] : memref<2x320000xi32, #tpu.memory_space<hbm>> -> memref<1x320000xi32, #tpu.memory_space<hbm>>
    %dma_wait3A_158 = tpu.memref_squeeze %dma_wait3A_157 : memref<1x320000xi32, #tpu.memory_space<hbm>> -> memref<320000xi32, #tpu.memory_space<hbm>>
    %dma_wait3A_159 = tpu.memref_slice %dma_wait3A_158[%mul3A_150] : memref<320000xi32, #tpu.memory_space<hbm>> -> memref<128xi32, #tpu.memory_space<hbm>>
    tpu.wait_dma2 semaphore(%arg24 : memref<!tpu.dma_semaphore, #tpu.memory_space<semaphore_mem>>) src(%dma_wait3A_159 : memref<128xi32, #tpu.memory_space<hbm>>) dst(%arg6 : memref<128xi32, #tpu.memory_space<vmem>>)
    %dma_wait3A_160 = arith.constant 1 : i32
    %dma_wait3A_161 = arith.constant 0 : i32
    %dma_wait3A_162 = tpu.memref_slice %arg3[%dma_wait3A_160, %dma_wait3A_161] : memref<2x320000xi32, #tpu.memory_space<hbm>> -> memref<1x320000xi32, #tpu.memory_space<hbm>>
    %dma_wait3A_163 = tpu.memref_squeeze %dma_wait3A_162 : memref<1x320000xi32, #tpu.memory_space<hbm>> -> memref<320000xi32, #tpu.memory_space<hbm>>
    %dma_wait3A_164 = tpu.memref_slice %dma_wait3A_163[%mul3A_150] : memref<320000xi32, #tpu.memory_space<hbm>> -> memref<128xi32, #tpu.memory_space<hbm>>
    %dma_wait3A_165 = arith.constant 0 : i32
    %dma_wait3A_166 = tpu.memref_slice %arg3[%dma_wait3A_160, %dma_wait3A_165] : memref<2x320000xi32, #tpu.memory_space<hbm>> -> memref<1x320000xi32, #tpu.memory_space<hbm>>
    %dma_wait3A_167 = tpu.memref_squeeze %dma_wait3A_166 : memref<1x320000xi32, #tpu.memory_space<hbm>> -> memref<320000xi32, #tpu.memory_space<hbm>>
    %dma_wait3A_168 = tpu.memref_slice %dma_wait3A_167[%mul3A_150] : memref<320000xi32, #tpu.memory_space<hbm>> -> memref<128xi32, #tpu.memory_space<hbm>>
    tpu.wait_dma2 semaphore(%arg24 : memref<!tpu.dma_semaphore, #tpu.memory_space<semaphore_mem>>) src(%dma_wait3A_168 : memref<128xi32, #tpu.memory_space<hbm>>) dst(%arg10 : memref<128xi32, #tpu.memory_space<vmem>>)
    %dma_start3A_169 = arith.constant 0 : i32
    %dma_start3A_170 = arith.constant 0 : i32
    %dma_start3A_171 = tpu.memref_slice %arg2[%dma_start3A_169, %dma_start3A_170] : memref<10000x128xf32, #tpu.memory_space<hbm>> -> memref<10000x128xf32, #tpu.memory_space<hbm>>
    tpu.enqueue_indirect_dma source(%dma_start3A_171 : memref<10000x128xf32, #tpu.memory_space<hbm>>) target(%arg12 : memref<128x128xf32, #tpu.memory_space<vmem>>) offsets(%arg6 : memref<128xi32, #tpu.memory_space<vmem>>) semaphore(%arg18 : memref<!tpu.dma_semaphore, #tpu.memory_space<semaphore_mem>>)
    %dma_wait3A_172 = arith.constant 0 : i32
    %dma_wait3A_173 = arith.constant 0 : i32
    %dma_wait3A_174 = tpu.memref_slice %arg2[%dma_wait3A_172, %dma_wait3A_173] : memref<10000x128xf32, #tpu.memory_space<hbm>> -> memref<10000x128xf32, #tpu.memory_space<hbm>>
    tpu.wait_indirect_dma semaphore(%arg18 : memref<!tpu.dma_semaphore, #tpu.memory_space<semaphore_mem>>) src(%dma_wait3A_174 : memref<10000x128xf32, #tpu.memory_space<hbm>>) dst(%arg12 : memref<128x128xf32, #tpu.memory_space<vmem>>)
    %dma_wait3A_175 = arith.constant 0 : i32
    %dma_wait3A_176 = arith.constant 0 : i32
    %dma_wait3A_177 = tpu.memref_slice %arg16[%dma_wait3A_175, %dma_wait3A_176] : memref<10240x128xf32, #tpu.memory_space<vmem_shared>> -> memref<10240x128xf32, #tpu.memory_space<vmem_shared>>
    tpu.wait_indirect_dma semaphore(%arg21 : memref<!tpu.dma_semaphore, #tpu.memory_space<semaphore_mem>>) src(%arg13 : memref<128x128xf32, #tpu.memory_space<vmem>>) dst(%dma_wait3A_177 : memref<10240x128xf32, #tpu.memory_space<vmem_shared>>)
    %dma_wait3A_178 = arith.constant 0 : i32
    %dma_wait3A_179 = tpu.memref_slice %arg17[%dma_wait3A_178] : memref<10240xf32, #tpu.memory_space<vmem_shared>> -> memref<10240xf32, #tpu.memory_space<vmem_shared>>
    tpu.wait_indirect_dma semaphore(%arg23 : memref<!tpu.dma_semaphore, #tpu.memory_space<semaphore_mem>>) src(%arg14 : memref<128xf32, #tpu.memory_space<vmem>>) dst(%dma_wait3A_179 : memref<10240xf32, #tpu.memory_space<vmem_shared>>)
    %add3A_180 = arith.constant 2528 : i32
    %add3A_181 = arith.addi %add3A, %add3A_180 : i32
    %min3A_182 = arith.constant 2499 : i32
    %min3A_183 = arith.minsi %add3A_181, %min3A_182 : i32
    %mul3A_184 = arith.constant 128 : i32
    %mul3A_185 = arith.muli %min3A_183, %mul3A_184 : i32
    %dma_wait3A_186 = arith.constant 0 : i32
    %dma_wait3A_187 = arith.constant 0 : i32
    %dma_wait3A_188 = tpu.memref_slice %arg3[%dma_wait3A_186, %dma_wait3A_187] : memref<2x320000xi32, #tpu.memory_space<hbm>> -> memref<1x320000xi32, #tpu.memory_space<hbm>>
    %dma_wait3A_189 = tpu.memref_squeeze %dma_wait3A_188 : memref<1x320000xi32, #tpu.memory_space<hbm>> -> memref<320000xi32, #tpu.memory_space<hbm>>
    %dma_wait3A_190 = tpu.memref_slice %dma_wait3A_189[%mul3A_185] : memref<320000xi32, #tpu.memory_space<hbm>> -> memref<128xi32, #tpu.memory_space<hbm>>
    %dma_wait3A_191 = arith.constant 0 : i32
    %dma_wait3A_192 = tpu.memref_slice %arg3[%dma_wait3A_186, %dma_wait3A_191] : memref<2x320000xi32, #tpu.memory_space<hbm>> -> memref<1x320000xi32, #tpu.memory_space<hbm>>
    %dma_wait3A_193 = tpu.memref_squeeze %dma_wait3A_192 : memref<1x320000xi32, #tpu.memory_space<hbm>> -> memref<320000xi32, #tpu.memory_space<hbm>>
    %dma_wait3A_194 = tpu.memref_slice %dma_wait3A_193[%mul3A_185] : memref<320000xi32, #tpu.memory_space<hbm>> -> memref<128xi32, #tpu.memory_space<hbm>>
    tpu.wait_dma2 semaphore(%arg25 : memref<!tpu.dma_semaphore, #tpu.memory_space<semaphore_mem>>) src(%dma_wait3A_194 : memref<128xi32, #tpu.memory_space<hbm>>) dst(%arg7 : memref<128xi32, #tpu.memory_space<vmem>>)
    %dma_wait3A_195 = arith.constant 1 : i32
    %dma_wait3A_196 = arith.constant 0 : i32
    %dma_wait3A_197 = tpu.memref_slice %arg3[%dma_wait3A_195, %dma_wait3A_196] : memref<2x320000xi32, #tpu.memory_space<hbm>> -> memref<1x320000xi32, #tpu.memory_space<hbm>>
    %dma_wait3A_198 = tpu.memref_squeeze %dma_wait3A_197 : memref<1x320000xi32, #tpu.memory_space<hbm>> -> memref<320000xi32, #tpu.memory_space<hbm>>
    %dma_wait3A_199 = tpu.memref_slice %dma_wait3A_198[%mul3A_185] : memref<320000xi32, #tpu.memory_space<hbm>> -> memref<128xi32, #tpu.memory_space<hbm>>
    %dma_wait3A_200 = arith.constant 0 : i32
    %dma_wait3A_201 = tpu.memref_slice %arg3[%dma_wait3A_195, %dma_wait3A_200] : memref<2x320000xi32, #tpu.memory_space<hbm>> -> memref<1x320000xi32, #tpu.memory_space<hbm>>
    %dma_wait3A_202 = tpu.memref_squeeze %dma_wait3A_201 : memref<1x320000xi32, #tpu.memory_space<hbm>> -> memref<320000xi32, #tpu.memory_space<hbm>>
    %dma_wait3A_203 = tpu.memref_slice %dma_wait3A_202[%mul3A_185] : memref<320000xi32, #tpu.memory_space<hbm>> -> memref<128xi32, #tpu.memory_space<hbm>>
    tpu.wait_dma2 semaphore(%arg25 : memref<!tpu.dma_semaphore, #tpu.memory_space<semaphore_mem>>) src(%dma_wait3A_203 : memref<128xi32, #tpu.memory_space<hbm>>) dst(%arg11 : memref<128xi32, #tpu.memory_space<vmem>>)
    %lt3A_204 = arith.constant 4 : i32
    %lt3A_205 = arith.cmpi slt, %add3A, %lt3A_204 : i32
    %convert_element_type3A_206 = arith.extui %lt3A_205 : i1 to i32
    %cond3A_207 = arith.constant 0 : i32
    %cond3A_208 = arith.cmpi ne, %convert_element_type3A_206, %cond3A_207 : i32
    scf.if %cond3A_208 {
      "tpu.region"() ({
        %run_scoped3A_274 = tpu.sem_alloc : memref<!tpu.dma_semaphore, #tpu.memory_space<semaphore_mem>>
        %dma_start3A_275 = arith.constant 0 : i32
        %dma_start3A_276 = arith.constant 0 : i32
        %dma_start3A_277 = tpu.memref_slice %arg16[%dma_start3A_275, %dma_start3A_276] : memref<10240x128xf32, #tpu.memory_space<vmem_shared>> -> memref<10240x128xf32, #tpu.memory_space<vmem_shared>>
        tpu.enqueue_indirect_dma source(%arg12 : memref<128x128xf32, #tpu.memory_space<vmem>>) target(%dma_start3A_277 : memref<10240x128xf32, #tpu.memory_space<vmem_shared>>) offsets(%arg10 : memref<128xi32, #tpu.memory_space<vmem>>) semaphore(%run_scoped3A_274 : memref<!tpu.dma_semaphore, #tpu.memory_space<semaphore_mem>>) {add = true}
        %dma_wait3A_278 = arith.constant 0 : i32
        %dma_wait3A_279 = arith.constant 0 : i32
        %dma_wait3A_280 = tpu.memref_slice %arg16[%dma_wait3A_278, %dma_wait3A_279] : memref<10240x128xf32, #tpu.memory_space<vmem_shared>> -> memref<10240x128xf32, #tpu.memory_space<vmem_shared>>
        tpu.wait_indirect_dma semaphore(%run_scoped3A_274 : memref<!tpu.dma_semaphore, #tpu.memory_space<semaphore_mem>>) src(%arg12 : memref<128x128xf32, #tpu.memory_space<vmem>>) dst(%dma_wait3A_280 : memref<10240x128xf32, #tpu.memory_space<vmem_shared>>)
        tpu.yield
      }) : () -> ()
      "tpu.region"() ({
        %run_scoped3A_274 = tpu.sem_alloc : memref<!tpu.dma_semaphore, #tpu.memory_space<semaphore_mem>>
        %dma_start3A_275 = arith.constant 0 : i32
        %dma_start3A_276 = tpu.memref_slice %arg17[%dma_start3A_275] : memref<10240xf32, #tpu.memory_space<vmem_shared>> -> memref<10240xf32, #tpu.memory_space<vmem_shared>>
        tpu.enqueue_indirect_dma source(%arg14 : memref<128xf32, #tpu.memory_space<vmem>>) target(%dma_start3A_276 : memref<10240xf32, #tpu.memory_space<vmem_shared>>) offsets(%arg10 : memref<128xi32, #tpu.memory_space<vmem>>) semaphore(%run_scoped3A_274 : memref<!tpu.dma_semaphore, #tpu.memory_space<semaphore_mem>>) {add = true}
        %dma_wait3A_277 = arith.constant 0 : i32
        %dma_wait3A_278 = tpu.memref_slice %arg17[%dma_wait3A_277] : memref<10240xf32, #tpu.memory_space<vmem_shared>> -> memref<10240xf32, #tpu.memory_space<vmem_shared>>
        tpu.wait_indirect_dma semaphore(%run_scoped3A_274 : memref<!tpu.dma_semaphore, #tpu.memory_space<semaphore_mem>>) src(%arg14 : memref<128xf32, #tpu.memory_space<vmem>>) dst(%dma_wait3A_278 : memref<10240xf32, #tpu.memory_space<vmem_shared>>)
        tpu.yield
      }) : () -> ()
    } else {
    }
    %barrier3A_209 = arith.constant 0 : index
    tpu.barrier barrier_id(%barrier3A_209)
    %mul3A_210 = arith.constant 10 : i32
    %mul3A_211 = arith.muli %arg1, %mul3A_210 : i32
    %add3A_212 = arith.constant 0 : i32
    %add3A_213 = arith.addi %mul3A_211, %add3A_212 : i32
    %mul3A_214 = arith.constant 64 : i32
    %mul3A_215 = arith.muli %add3A_213, %mul3A_214 : i32
    "tpu.region"() ({
      %run_scoped3A_274 = tpu.sem_alloc : memref<!tpu.dma_semaphore, #tpu.memory_space<semaphore_mem>>
      %dma_start3A_275 = arith.constant 0 : i32
      %dma_start3A_276 = arith.constant 0 : i32
      %dma_start3A_277 = tpu.memref_slice %arg4[%arg0, %dma_start3A_275, %dma_start3A_276] : memref<2x10240x128xf32, #tpu.memory_space<hbm>> -> memref<1x10240x128xf32, #tpu.memory_space<hbm>>
      %dma_start3A_278 = tpu.memref_squeeze %dma_start3A_277 : memref<1x10240x128xf32, #tpu.memory_space<hbm>> -> memref<10240x128xf32, #tpu.memory_space<hbm>>
      %dma_start3A_279 = arith.constant 0 : i32
      %dma_start3A_280 = tpu.memref_slice %dma_start3A_278[%mul3A_215, %dma_start3A_279] : memref<10240x128xf32, #tpu.memory_space<hbm>> -> memref<64x128xf32, #tpu.memory_space<hbm>>
      %dma_start3A_281 = arith.constant 0 : i32
      %dma_start3A_282 = tpu.memref_slice %arg16[%mul3A_215, %dma_start3A_281] : memref<10240x128xf32, #tpu.memory_space<vmem_shared>> -> memref<64x128xf32, #tpu.memory_space<vmem_shared>>
      tpu.enqueue_dma source(%dma_start3A_282 : memref<64x128xf32, #tpu.memory_space<vmem_shared>>) target(%dma_start3A_280 : memref<64x128xf32, #tpu.memory_space<hbm>>) target_semaphore(%run_scoped3A_274 : memref<!tpu.dma_semaphore, #tpu.memory_space<semaphore_mem>>)
      %dma_wait3A_283 = arith.constant 0 : i32
      %dma_wait3A_284 = arith.constant 0 : i32
      %dma_wait3A_285 = tpu.memref_slice %arg4[%arg0, %dma_wait3A_283, %dma_wait3A_284] : memref<2x10240x128xf32, #tpu.memory_space<hbm>> -> memref<1x10240x128xf32, #tpu.memory_space<hbm>>
      %dma_wait3A_286 = tpu.memref_squeeze %dma_wait3A_285 : memref<1x10240x128xf32, #tpu.memory_space<hbm>> -> memref<10240x128xf32, #tpu.memory_space<hbm>>
      %dma_wait3A_287 = arith.constant 0 : i32
      %dma_wait3A_288 = tpu.memref_slice %dma_wait3A_286[%mul3A_215, %dma_wait3A_287] : memref<10240x128xf32, #tpu.memory_space<hbm>> -> memref<64x128xf32, #tpu.memory_space<hbm>>
      %dma_wait3A_289 = arith.constant 0 : i32
      %dma_wait3A_290 = tpu.memref_slice %arg16[%mul3A_215, %dma_wait3A_289] : memref<10240x128xf32, #tpu.memory_space<vmem_shared>> -> memref<64x128xf32, #tpu.memory_space<vmem_shared>>
      tpu.wait_dma2 semaphore(%run_scoped3A_274 : memref<!tpu.dma_semaphore, #tpu.memory_space<semaphore_mem>>) src(%dma_wait3A_290 : memref<64x128xf32, #tpu.memory_space<vmem_shared>>) dst(%dma_wait3A_288 : memref<64x128xf32, #tpu.memory_space<hbm>>)
      tpu.yield
    }) : () -> ()
    %mul3A_216 = arith.constant 10 : i32
    %mul3A_217 = arith.muli %arg1, %mul3A_216 : i32
    %add3A_218 = arith.constant 1 : i32
    %add3A_219 = arith.addi %mul3A_217, %add3A_218 : i32
    %mul3A_220 = arith.constant 64 : i32
    %mul3A_221 = arith.muli %add3A_219, %mul3A_220 : i32
    "tpu.region"() ({
      %run_scoped3A_274 = tpu.sem_alloc : memref<!tpu.dma_semaphore, #tpu.memory_space<semaphore_mem>>
      %dma_start3A_275 = arith.constant 0 : i32
      %dma_start3A_276 = arith.constant 0 : i32
      %dma_start3A_277 = tpu.memref_slice %arg4[%arg0, %dma_start3A_275, %dma_start3A_276] : memref<2x10240x128xf32, #tpu.memory_space<hbm>> -> memref<1x10240x128xf32, #tpu.memory_space<hbm>>
      %dma_start3A_278 = tpu.memref_squeeze %dma_start3A_277 : memref<1x10240x128xf32, #tpu.memory_space<hbm>> -> memref<10240x128xf32, #tpu.memory_space<hbm>>
      %dma_start3A_279 = arith.constant 0 : i32
      %dma_start3A_280 = tpu.memref_slice %dma_start3A_278[%mul3A_221, %dma_start3A_279] : memref<10240x128xf32, #tpu.memory_space<hbm>> -> memref<64x128xf32, #tpu.memory_space<hbm>>
      %dma_start3A_281 = arith.constant 0 : i32
      %dma_start3A_282 = tpu.memref_slice %arg16[%mul3A_221, %dma_start3A_281] : memref<10240x128xf32, #tpu.memory_space<vmem_shared>> -> memref<64x128xf32, #tpu.memory_space<vmem_shared>>
      tpu.enqueue_dma source(%dma_start3A_282 : memref<64x128xf32, #tpu.memory_space<vmem_shared>>) target(%dma_start3A_280 : memref<64x128xf32, #tpu.memory_space<hbm>>) target_semaphore(%run_scoped3A_274 : memref<!tpu.dma_semaphore, #tpu.memory_space<semaphore_mem>>)
      %dma_wait3A_283 = arith.constant 0 : i32
      %dma_wait3A_284 = arith.constant 0 : i32
      %dma_wait3A_285 = tpu.memref_slice %arg4[%arg0, %dma_wait3A_283, %dma_wait3A_284] : memref<2x10240x128xf32, #tpu.memory_space<hbm>> -> memref<1x10240x128xf32, #tpu.memory_space<hbm>>
      %dma_wait3A_286 = tpu.memref_squeeze %dma_wait3A_285 : memref<1x10240x128xf32, #tpu.memory_space<hbm>> -> memref<10240x128xf32, #tpu.memory_space<hbm>>
      %dma_wait3A_287 = arith.constant 0 : i32
      %dma_wait3A_288 = tpu.memref_slice %dma_wait3A_286[%mul3A_221, %dma_wait3A_287] : memref<10240x128xf32, #tpu.memory_space<hbm>> -> memref<64x128xf32, #tpu.memory_space<hbm>>
      %dma_wait3A_289 = arith.constant 0 : i32
      %dma_wait3A_290 = tpu.memref_slice %arg16[%mul3A_221, %dma_wait3A_289] : memref<10240x128xf32, #tpu.memory_space<vmem_shared>> -> memref<64x128xf32, #tpu.memory_space<vmem_shared>>
      tpu.wait_dma2 semaphore(%run_scoped3A_274 : memref<!tpu.dma_semaphore, #tpu.memory_space<semaphore_mem>>) src(%dma_wait3A_290 : memref<64x128xf32, #tpu.memory_space<vmem_shared>>) dst(%dma_wait3A_288 : memref<64x128xf32, #tpu.memory_space<hbm>>)
      tpu.yield
    }) : () -> ()
    %mul3A_222 = arith.constant 10 : i32
    %mul3A_223 = arith.muli %arg1, %mul3A_222 : i32
    %add3A_224 = arith.constant 2 : i32
    %add3A_225 = arith.addi %mul3A_223, %add3A_224 : i32
    %mul3A_226 = arith.constant 64 : i32
    %mul3A_227 = arith.muli %add3A_225, %mul3A_226 : i32
    "tpu.region"() ({
      %run_scoped3A_274 = tpu.sem_alloc : memref<!tpu.dma_semaphore, #tpu.memory_space<semaphore_mem>>
      %dma_start3A_275 = arith.constant 0 : i32
      %dma_start3A_276 = arith.constant 0 : i32
      %dma_start3A_277 = tpu.memref_slice %arg4[%arg0, %dma_start3A_275, %dma_start3A_276] : memref<2x10240x128xf32, #tpu.memory_space<hbm>> -> memref<1x10240x128xf32, #tpu.memory_space<hbm>>
      %dma_start3A_278 = tpu.memref_squeeze %dma_start3A_277 : memref<1x10240x128xf32, #tpu.memory_space<hbm>> -> memref<10240x128xf32, #tpu.memory_space<hbm>>
      %dma_start3A_279 = arith.constant 0 : i32
      %dma_start3A_280 = tpu.memref_slice %dma_start3A_278[%mul3A_227, %dma_start3A_279] : memref<10240x128xf32, #tpu.memory_space<hbm>> -> memref<64x128xf32, #tpu.memory_space<hbm>>
      %dma_start3A_281 = arith.constant 0 : i32
      %dma_start3A_282 = tpu.memref_slice %arg16[%mul3A_227, %dma_start3A_281] : memref<10240x128xf32, #tpu.memory_space<vmem_shared>> -> memref<64x128xf32, #tpu.memory_space<vmem_shared>>
      tpu.enqueue_dma source(%dma_start3A_282 : memref<64x128xf32, #tpu.memory_space<vmem_shared>>) target(%dma_start3A_280 : memref<64x128xf32, #tpu.memory_space<hbm>>) target_semaphore(%run_scoped3A_274 : memref<!tpu.dma_semaphore, #tpu.memory_space<semaphore_mem>>)
      %dma_wait3A_283 = arith.constant 0 : i32
      %dma_wait3A_284 = arith.constant 0 : i32
      %dma_wait3A_285 = tpu.memref_slice %arg4[%arg0, %dma_wait3A_283, %dma_wait3A_284] : memref<2x10240x128xf32, #tpu.memory_space<hbm>> -> memref<1x10240x128xf32, #tpu.memory_space<hbm>>
      %dma_wait3A_286 = tpu.memref_squeeze %dma_wait3A_285 : memref<1x10240x128xf32, #tpu.memory_space<hbm>> -> memref<10240x128xf32, #tpu.memory_space<hbm>>
      %dma_wait3A_287 = arith.constant 0 : i32
      %dma_wait3A_288 = tpu.memref_slice %dma_wait3A_286[%mul3A_227, %dma_wait3A_287] : memref<10240x128xf32, #tpu.memory_space<hbm>> -> memref<64x128xf32, #tpu.memory_space<hbm>>
      %dma_wait3A_289 = arith.constant 0 : i32
      %dma_wait3A_290 = tpu.memref_slice %arg16[%mul3A_227, %dma_wait3A_289] : memref<10240x128xf32, #tpu.memory_space<vmem_shared>> -> memref<64x128xf32, #tpu.memory_space<vmem_shared>>
      tpu.wait_dma2 semaphore(%run_scoped3A_274 : memref<!tpu.dma_semaphore, #tpu.memory_space<semaphore_mem>>) src(%dma_wait3A_290 : memref<64x128xf32, #tpu.memory_space<vmem_shared>>) dst(%dma_wait3A_288 : memref<64x128xf32, #tpu.memory_space<hbm>>)
      tpu.yield
    }) : () -> ()
    %mul3A_228 = arith.constant 10 : i32
    %mul3A_229 = arith.muli %arg1, %mul3A_228 : i32
    %add3A_230 = arith.constant 3 : i32
    %add3A_231 = arith.addi %mul3A_229, %add3A_230 : i32
    %mul3A_232 = arith.constant 64 : i32
    %mul3A_233 = arith.muli %add3A_231, %mul3A_232 : i32
    "tpu.region"() ({
      %run_scoped3A_274 = tpu.sem_alloc : memref<!tpu.dma_semaphore, #tpu.memory_space<semaphore_mem>>
      %dma_start3A_275 = arith.constant 0 : i32
      %dma_start3A_276 = arith.constant 0 : i32
      %dma_start3A_277 = tpu.memref_slice %arg4[%arg0, %dma_start3A_275, %dma_start3A_276] : memref<2x10240x128xf32, #tpu.memory_space<hbm>> -> memref<1x10240x128xf32, #tpu.memory_space<hbm>>
      %dma_start3A_278 = tpu.memref_squeeze %dma_start3A_277 : memref<1x10240x128xf32, #tpu.memory_space<hbm>> -> memref<10240x128xf32, #tpu.memory_space<hbm>>
      %dma_start3A_279 = arith.constant 0 : i32
      %dma_start3A_280 = tpu.memref_slice %dma_start3A_278[%mul3A_233, %dma_start3A_279] : memref<10240x128xf32, #tpu.memory_space<hbm>> -> memref<64x128xf32, #tpu.memory_space<hbm>>
      %dma_start3A_281 = arith.constant 0 : i32
      %dma_start3A_282 = tpu.memref_slice %arg16[%mul3A_233, %dma_start3A_281] : memref<10240x128xf32, #tpu.memory_space<vmem_shared>> -> memref<64x128xf32, #tpu.memory_space<vmem_shared>>
      tpu.enqueue_dma source(%dma_start3A_282 : memref<64x128xf32, #tpu.memory_space<vmem_shared>>) target(%dma_start3A_280 : memref<64x128xf32, #tpu.memory_space<hbm>>) target_semaphore(%run_scoped3A_274 : memref<!tpu.dma_semaphore, #tpu.memory_space<semaphore_mem>>)
      %dma_wait3A_283 = arith.constant 0 : i32
      %dma_wait3A_284 = arith.constant 0 : i32
      %dma_wait3A_285 = tpu.memref_slice %arg4[%arg0, %dma_wait3A_283, %dma_wait3A_284] : memref<2x10240x128xf32, #tpu.memory_space<hbm>> -> memref<1x10240x128xf32, #tpu.memory_space<hbm>>
      %dma_wait3A_286 = tpu.memref_squeeze %dma_wait3A_285 : memref<1x10240x128xf32, #tpu.memory_space<hbm>> -> memref<10240x128xf32, #tpu.memory_space<hbm>>
      %dma_wait3A_287 = arith.constant 0 : i32
      %dma_wait3A_288 = tpu.memref_slice %dma_wait3A_286[%mul3A_233, %dma_wait3A_287] : memref<10240x128xf32, #tpu.memory_space<hbm>> -> memref<64x128xf32, #tpu.memory_space<hbm>>
      %dma_wait3A_289 = arith.constant 0 : i32
      %dma_wait3A_290 = tpu.memref_slice %arg16[%mul3A_233, %dma_wait3A_289] : memref<10240x128xf32, #tpu.memory_space<vmem_shared>> -> memref<64x128xf32, #tpu.memory_space<vmem_shared>>
      tpu.wait_dma2 semaphore(%run_scoped3A_274 : memref<!tpu.dma_semaphore, #tpu.memory_space<semaphore_mem>>) src(%dma_wait3A_290 : memref<64x128xf32, #tpu.memory_space<vmem_shared>>) dst(%dma_wait3A_288 : memref<64x128xf32, #tpu.memory_space<hbm>>)
      tpu.yield
    }) : () -> ()
    %mul3A_234 = arith.constant 10 : i32
    %mul3A_235 = arith.muli %arg1, %mul3A_234 : i32
    %add3A_236 = arith.constant 4 : i32
    %add3A_237 = arith.addi %mul3A_235, %add3A_236 : i32
    %mul3A_238 = arith.constant 64 : i32
    %mul3A_239 = arith.muli %add3A_237, %mul3A_238 : i32
    "tpu.region"() ({
      %run_scoped3A_274 = tpu.sem_alloc : memref<!tpu.dma_semaphore, #tpu.memory_space<semaphore_mem>>
      %dma_start3A_275 = arith.constant 0 : i32
      %dma_start3A_276 = arith.constant 0 : i32
      %dma_start3A_277 = tpu.memref_slice %arg4[%arg0, %dma_start3A_275, %dma_start3A_276] : memref<2x10240x128xf32, #tpu.memory_space<hbm>> -> memref<1x10240x128xf32, #tpu.memory_space<hbm>>
      %dma_start3A_278 = tpu.memref_squeeze %dma_start3A_277 : memref<1x10240x128xf32, #tpu.memory_space<hbm>> -> memref<10240x128xf32, #tpu.memory_space<hbm>>
      %dma_start3A_279 = arith.constant 0 : i32
      %dma_start3A_280 = tpu.memref_slice %dma_start3A_278[%mul3A_239, %dma_start3A_279] : memref<10240x128xf32, #tpu.memory_space<hbm>> -> memref<64x128xf32, #tpu.memory_space<hbm>>
      %dma_start3A_281 = arith.constant 0 : i32
      %dma_start3A_282 = tpu.memref_slice %arg16[%mul3A_239, %dma_start3A_281] : memref<10240x128xf32, #tpu.memory_space<vmem_shared>> -> memref<64x128xf32, #tpu.memory_space<vmem_shared>>
      tpu.enqueue_dma source(%dma_start3A_282 : memref<64x128xf32, #tpu.memory_space<vmem_shared>>) target(%dma_start3A_280 : memref<64x128xf32, #tpu.memory_space<hbm>>) target_semaphore(%run_scoped3A_274 : memref<!tpu.dma_semaphore, #tpu.memory_space<semaphore_mem>>)
      %dma_wait3A_283 = arith.constant 0 : i32
      %dma_wait3A_284 = arith.constant 0 : i32
      %dma_wait3A_285 = tpu.memref_slice %arg4[%arg0, %dma_wait3A_283, %dma_wait3A_284] : memref<2x10240x128xf32, #tpu.memory_space<hbm>> -> memref<1x10240x128xf32, #tpu.memory_space<hbm>>
      %dma_wait3A_286 = tpu.memref_squeeze %dma_wait3A_285 : memref<1x10240x128xf32, #tpu.memory_space<hbm>> -> memref<10240x128xf32, #tpu.memory_space<hbm>>
      %dma_wait3A_287 = arith.constant 0 : i32
      %dma_wait3A_288 = tpu.memref_slice %dma_wait3A_286[%mul3A_239, %dma_wait3A_287] : memref<10240x128xf32, #tpu.memory_space<hbm>> -> memref<64x128xf32, #tpu.memory_space<hbm>>
      %dma_wait3A_289 = arith.constant 0 : i32
      %dma_wait3A_290 = tpu.memref_slice %arg16[%mul3A_239, %dma_wait3A_289] : memref<10240x128xf32, #tpu.memory_space<vmem_shared>> -> memref<64x128xf32, #tpu.memory_space<vmem_shared>>
      tpu.wait_dma2 semaphore(%run_scoped3A_274 : memref<!tpu.dma_semaphore, #tpu.memory_space<semaphore_mem>>) src(%dma_wait3A_290 : memref<64x128xf32, #tpu.memory_space<vmem_shared>>) dst(%dma_wait3A_288 : memref<64x128xf32, #tpu.memory_space<hbm>>)
      tpu.yield
    }) : () -> ()
    %mul3A_240 = arith.constant 10 : i32
    %mul3A_241 = arith.muli %arg1, %mul3A_240 : i32
    %add3A_242 = arith.constant 5 : i32
    %add3A_243 = arith.addi %mul3A_241, %add3A_242 : i32
    %mul3A_244 = arith.constant 64 : i32
    %mul3A_245 = arith.muli %add3A_243, %mul3A_244 : i32
    "tpu.region"() ({
      %run_scoped3A_274 = tpu.sem_alloc : memref<!tpu.dma_semaphore, #tpu.memory_space<semaphore_mem>>
      %dma_start3A_275 = arith.constant 0 : i32
      %dma_start3A_276 = arith.constant 0 : i32
      %dma_start3A_277 = tpu.memref_slice %arg4[%arg0, %dma_start3A_275, %dma_start3A_276] : memref<2x10240x128xf32, #tpu.memory_space<hbm>> -> memref<1x10240x128xf32, #tpu.memory_space<hbm>>
      %dma_start3A_278 = tpu.memref_squeeze %dma_start3A_277 : memref<1x10240x128xf32, #tpu.memory_space<hbm>> -> memref<10240x128xf32, #tpu.memory_space<hbm>>
      %dma_start3A_279 = arith.constant 0 : i32
      %dma_start3A_280 = tpu.memref_slice %dma_start3A_278[%mul3A_245, %dma_start3A_279] : memref<10240x128xf32, #tpu.memory_space<hbm>> -> memref<64x128xf32, #tpu.memory_space<hbm>>
      %dma_start3A_281 = arith.constant 0 : i32
      %dma_start3A_282 = tpu.memref_slice %arg16[%mul3A_245, %dma_start3A_281] : memref<10240x128xf32, #tpu.memory_space<vmem_shared>> -> memref<64x128xf32, #tpu.memory_space<vmem_shared>>
      tpu.enqueue_dma source(%dma_start3A_282 : memref<64x128xf32, #tpu.memory_space<vmem_shared>>) target(%dma_start3A_280 : memref<64x128xf32, #tpu.memory_space<hbm>>) target_semaphore(%run_scoped3A_274 : memref<!tpu.dma_semaphore, #tpu.memory_space<semaphore_mem>>)
      %dma_wait3A_283 = arith.constant 0 : i32
      %dma_wait3A_284 = arith.constant 0 : i32
      %dma_wait3A_285 = tpu.memref_slice %arg4[%arg0, %dma_wait3A_283, %dma_wait3A_284] : memref<2x10240x128xf32, #tpu.memory_space<hbm>> -> memref<1x10240x128xf32, #tpu.memory_space<hbm>>
      %dma_wait3A_286 = tpu.memref_squeeze %dma_wait3A_285 : memref<1x10240x128xf32, #tpu.memory_space<hbm>> -> memref<10240x128xf32, #tpu.memory_space<hbm>>
      %dma_wait3A_287 = arith.constant 0 : i32
      %dma_wait3A_288 = tpu.memref_slice %dma_wait3A_286[%mul3A_245, %dma_wait3A_287] : memref<10240x128xf32, #tpu.memory_space<hbm>> -> memref<64x128xf32, #tpu.memory_space<hbm>>
      %dma_wait3A_289 = arith.constant 0 : i32
      %dma_wait3A_290 = tpu.memref_slice %arg16[%mul3A_245, %dma_wait3A_289] : memref<10240x128xf32, #tpu.memory_space<vmem_shared>> -> memref<64x128xf32, #tpu.memory_space<vmem_shared>>
      tpu.wait_dma2 semaphore(%run_scoped3A_274 : memref<!tpu.dma_semaphore, #tpu.memory_space<semaphore_mem>>) src(%dma_wait3A_290 : memref<64x128xf32, #tpu.memory_space<vmem_shared>>) dst(%dma_wait3A_288 : memref<64x128xf32, #tpu.memory_space<hbm>>)
      tpu.yield
    }) : () -> ()
    %mul3A_246 = arith.constant 10 : i32
    %mul3A_247 = arith.muli %arg1, %mul3A_246 : i32
    %add3A_248 = arith.constant 6 : i32
    %add3A_249 = arith.addi %mul3A_247, %add3A_248 : i32
    %mul3A_250 = arith.constant 64 : i32
    %mul3A_251 = arith.muli %add3A_249, %mul3A_250 : i32
    "tpu.region"() ({
      %run_scoped3A_274 = tpu.sem_alloc : memref<!tpu.dma_semaphore, #tpu.memory_space<semaphore_mem>>
      %dma_start3A_275 = arith.constant 0 : i32
      %dma_start3A_276 = arith.constant 0 : i32
      %dma_start3A_277 = tpu.memref_slice %arg4[%arg0, %dma_start3A_275, %dma_start3A_276] : memref<2x10240x128xf32, #tpu.memory_space<hbm>> -> memref<1x10240x128xf32, #tpu.memory_space<hbm>>
      %dma_start3A_278 = tpu.memref_squeeze %dma_start3A_277 : memref<1x10240x128xf32, #tpu.memory_space<hbm>> -> memref<10240x128xf32, #tpu.memory_space<hbm>>
      %dma_start3A_279 = arith.constant 0 : i32
      %dma_start3A_280 = tpu.memref_slice %dma_start3A_278[%mul3A_251, %dma_start3A_279] : memref<10240x128xf32, #tpu.memory_space<hbm>> -> memref<64x128xf32, #tpu.memory_space<hbm>>
      %dma_start3A_281 = arith.constant 0 : i32
      %dma_start3A_282 = tpu.memref_slice %arg16[%mul3A_251, %dma_start3A_281] : memref<10240x128xf32, #tpu.memory_space<vmem_shared>> -> memref<64x128xf32, #tpu.memory_space<vmem_shared>>
      tpu.enqueue_dma source(%dma_start3A_282 : memref<64x128xf32, #tpu.memory_space<vmem_shared>>) target(%dma_start3A_280 : memref<64x128xf32, #tpu.memory_space<hbm>>) target_semaphore(%run_scoped3A_274 : memref<!tpu.dma_semaphore, #tpu.memory_space<semaphore_mem>>)
      %dma_wait3A_283 = arith.constant 0 : i32
      %dma_wait3A_284 = arith.constant 0 : i32
      %dma_wait3A_285 = tpu.memref_slice %arg4[%arg0, %dma_wait3A_283, %dma_wait3A_284] : memref<2x10240x128xf32, #tpu.memory_space<hbm>> -> memref<1x10240x128xf32, #tpu.memory_space<hbm>>
      %dma_wait3A_286 = tpu.memref_squeeze %dma_wait3A_285 : memref<1x10240x128xf32, #tpu.memory_space<hbm>> -> memref<10240x128xf32, #tpu.memory_space<hbm>>
      %dma_wait3A_287 = arith.constant 0 : i32
      %dma_wait3A_288 = tpu.memref_slice %dma_wait3A_286[%mul3A_251, %dma_wait3A_287] : memref<10240x128xf32, #tpu.memory_space<hbm>> -> memref<64x128xf32, #tpu.memory_space<hbm>>
      %dma_wait3A_289 = arith.constant 0 : i32
      %dma_wait3A_290 = tpu.memref_slice %arg16[%mul3A_251, %dma_wait3A_289] : memref<10240x128xf32, #tpu.memory_space<vmem_shared>> -> memref<64x128xf32, #tpu.memory_space<vmem_shared>>
      tpu.wait_dma2 semaphore(%run_scoped3A_274 : memref<!tpu.dma_semaphore, #tpu.memory_space<semaphore_mem>>) src(%dma_wait3A_290 : memref<64x128xf32, #tpu.memory_space<vmem_shared>>) dst(%dma_wait3A_288 : memref<64x128xf32, #tpu.memory_space<hbm>>)
      tpu.yield
    }) : () -> ()
    %mul3A_252 = arith.constant 10 : i32
    %mul3A_253 = arith.muli %arg1, %mul3A_252 : i32
    %add3A_254 = arith.constant 7 : i32
    %add3A_255 = arith.addi %mul3A_253, %add3A_254 : i32
    %mul3A_256 = arith.constant 64 : i32
    %mul3A_257 = arith.muli %add3A_255, %mul3A_256 : i32
    "tpu.region"() ({
      %run_scoped3A_274 = tpu.sem_alloc : memref<!tpu.dma_semaphore, #tpu.memory_space<semaphore_mem>>
      %dma_start3A_275 = arith.constant 0 : i32
      %dma_start3A_276 = arith.constant 0 : i32
      %dma_start3A_277 = tpu.memref_slice %arg4[%arg0, %dma_start3A_275, %dma_start3A_276] : memref<2x10240x128xf32, #tpu.memory_space<hbm>> -> memref<1x10240x128xf32, #tpu.memory_space<hbm>>
      %dma_start3A_278 = tpu.memref_squeeze %dma_start3A_277 : memref<1x10240x128xf32, #tpu.memory_space<hbm>> -> memref<10240x128xf32, #tpu.memory_space<hbm>>
      %dma_start3A_279 = arith.constant 0 : i32
      %dma_start3A_280 = tpu.memref_slice %dma_start3A_278[%mul3A_257, %dma_start3A_279] : memref<10240x128xf32, #tpu.memory_space<hbm>> -> memref<64x128xf32, #tpu.memory_space<hbm>>
      %dma_start3A_281 = arith.constant 0 : i32
      %dma_start3A_282 = tpu.memref_slice %arg16[%mul3A_257, %dma_start3A_281] : memref<10240x128xf32, #tpu.memory_space<vmem_shared>> -> memref<64x128xf32, #tpu.memory_space<vmem_shared>>
      tpu.enqueue_dma source(%dma_start3A_282 : memref<64x128xf32, #tpu.memory_space<vmem_shared>>) target(%dma_start3A_280 : memref<64x128xf32, #tpu.memory_space<hbm>>) target_semaphore(%run_scoped3A_274 : memref<!tpu.dma_semaphore, #tpu.memory_space<semaphore_mem>>)
      %dma_wait3A_283 = arith.constant 0 : i32
      %dma_wait3A_284 = arith.constant 0 : i32
      %dma_wait3A_285 = tpu.memref_slice %arg4[%arg0, %dma_wait3A_283, %dma_wait3A_284] : memref<2x10240x128xf32, #tpu.memory_space<hbm>> -> memref<1x10240x128xf32, #tpu.memory_space<hbm>>
      %dma_wait3A_286 = tpu.memref_squeeze %dma_wait3A_285 : memref<1x10240x128xf32, #tpu.memory_space<hbm>> -> memref<10240x128xf32, #tpu.memory_space<hbm>>
      %dma_wait3A_287 = arith.constant 0 : i32
      %dma_wait3A_288 = tpu.memref_slice %dma_wait3A_286[%mul3A_257, %dma_wait3A_287] : memref<10240x128xf32, #tpu.memory_space<hbm>> -> memref<64x128xf32, #tpu.memory_space<hbm>>
      %dma_wait3A_289 = arith.constant 0 : i32
      %dma_wait3A_290 = tpu.memref_slice %arg16[%mul3A_257, %dma_wait3A_289] : memref<10240x128xf32, #tpu.memory_space<vmem_shared>> -> memref<64x128xf32, #tpu.memory_space<vmem_shared>>
      tpu.wait_dma2 semaphore(%run_scoped3A_274 : memref<!tpu.dma_semaphore, #tpu.memory_space<semaphore_mem>>) src(%dma_wait3A_290 : memref<64x128xf32, #tpu.memory_space<vmem_shared>>) dst(%dma_wait3A_288 : memref<64x128xf32, #tpu.memory_space<hbm>>)
      tpu.yield
    }) : () -> ()
    %mul3A_258 = arith.constant 10 : i32
    %mul3A_259 = arith.muli %arg1, %mul3A_258 : i32
    %add3A_260 = arith.constant 8 : i32
    %add3A_261 = arith.addi %mul3A_259, %add3A_260 : i32
    %mul3A_262 = arith.constant 64 : i32
    %mul3A_263 = arith.muli %add3A_261, %mul3A_262 : i32
    "tpu.region"() ({
      %run_scoped3A_274 = tpu.sem_alloc : memref<!tpu.dma_semaphore, #tpu.memory_space<semaphore_mem>>
      %dma_start3A_275 = arith.constant 0 : i32
      %dma_start3A_276 = arith.constant 0 : i32
      %dma_start3A_277 = tpu.memref_slice %arg4[%arg0, %dma_start3A_275, %dma_start3A_276] : memref<2x10240x128xf32, #tpu.memory_space<hbm>> -> memref<1x10240x128xf32, #tpu.memory_space<hbm>>
      %dma_start3A_278 = tpu.memref_squeeze %dma_start3A_277 : memref<1x10240x128xf32, #tpu.memory_space<hbm>> -> memref<10240x128xf32, #tpu.memory_space<hbm>>
      %dma_start3A_279 = arith.constant 0 : i32
      %dma_start3A_280 = tpu.memref_slice %dma_start3A_278[%mul3A_263, %dma_start3A_279] : memref<10240x128xf32, #tpu.memory_space<hbm>> -> memref<64x128xf32, #tpu.memory_space<hbm>>
      %dma_start3A_281 = arith.constant 0 : i32
      %dma_start3A_282 = tpu.memref_slice %arg16[%mul3A_263, %dma_start3A_281] : memref<10240x128xf32, #tpu.memory_space<vmem_shared>> -> memref<64x128xf32, #tpu.memory_space<vmem_shared>>
      tpu.enqueue_dma source(%dma_start3A_282 : memref<64x128xf32, #tpu.memory_space<vmem_shared>>) target(%dma_start3A_280 : memref<64x128xf32, #tpu.memory_space<hbm>>) target_semaphore(%run_scoped3A_274 : memref<!tpu.dma_semaphore, #tpu.memory_space<semaphore_mem>>)
      %dma_wait3A_283 = arith.constant 0 : i32
      %dma_wait3A_284 = arith.constant 0 : i32
      %dma_wait3A_285 = tpu.memref_slice %arg4[%arg0, %dma_wait3A_283, %dma_wait3A_284] : memref<2x10240x128xf32, #tpu.memory_space<hbm>> -> memref<1x10240x128xf32, #tpu.memory_space<hbm>>
      %dma_wait3A_286 = tpu.memref_squeeze %dma_wait3A_285 : memref<1x10240x128xf32, #tpu.memory_space<hbm>> -> memref<10240x128xf32, #tpu.memory_space<hbm>>
      %dma_wait3A_287 = arith.constant 0 : i32
      %dma_wait3A_288 = tpu.memref_slice %dma_wait3A_286[%mul3A_263, %dma_wait3A_287] : memref<10240x128xf32, #tpu.memory_space<hbm>> -> memref<64x128xf32, #tpu.memory_space<hbm>>
      %dma_wait3A_289 = arith.constant 0 : i32
      %dma_wait3A_290 = tpu.memref_slice %arg16[%mul3A_263, %dma_wait3A_289] : memref<10240x128xf32, #tpu.memory_space<vmem_shared>> -> memref<64x128xf32, #tpu.memory_space<vmem_shared>>
      tpu.wait_dma2 semaphore(%run_scoped3A_274 : memref<!tpu.dma_semaphore, #tpu.memory_space<semaphore_mem>>) src(%dma_wait3A_290 : memref<64x128xf32, #tpu.memory_space<vmem_shared>>) dst(%dma_wait3A_288 : memref<64x128xf32, #tpu.memory_space<hbm>>)
      tpu.yield
    }) : () -> ()
    %mul3A_264 = arith.constant 10 : i32
    %mul3A_265 = arith.muli %arg1, %mul3A_264 : i32
    %add3A_266 = arith.constant 9 : i32
    %add3A_267 = arith.addi %mul3A_265, %add3A_266 : i32
    %mul3A_268 = arith.constant 64 : i32
    %mul3A_269 = arith.muli %add3A_267, %mul3A_268 : i32
    "tpu.region"() ({
      %run_scoped3A_274 = tpu.sem_alloc : memref<!tpu.dma_semaphore, #tpu.memory_space<semaphore_mem>>
      %dma_start3A_275 = arith.constant 0 : i32
      %dma_start3A_276 = arith.constant 0 : i32
      %dma_start3A_277 = tpu.memref_slice %arg4[%arg0, %dma_start3A_275, %dma_start3A_276] : memref<2x10240x128xf32, #tpu.memory_space<hbm>> -> memref<1x10240x128xf32, #tpu.memory_space<hbm>>
      %dma_start3A_278 = tpu.memref_squeeze %dma_start3A_277 : memref<1x10240x128xf32, #tpu.memory_space<hbm>> -> memref<10240x128xf32, #tpu.memory_space<hbm>>
      %dma_start3A_279 = arith.constant 0 : i32
      %dma_start3A_280 = tpu.memref_slice %dma_start3A_278[%mul3A_269, %dma_start3A_279] : memref<10240x128xf32, #tpu.memory_space<hbm>> -> memref<64x128xf32, #tpu.memory_space<hbm>>
      %dma_start3A_281 = arith.constant 0 : i32
      %dma_start3A_282 = tpu.memref_slice %arg16[%mul3A_269, %dma_start3A_281] : memref<10240x128xf32, #tpu.memory_space<vmem_shared>> -> memref<64x128xf32, #tpu.memory_space<vmem_shared>>
      tpu.enqueue_dma source(%dma_start3A_282 : memref<64x128xf32, #tpu.memory_space<vmem_shared>>) target(%dma_start3A_280 : memref<64x128xf32, #tpu.memory_space<hbm>>) target_semaphore(%run_scoped3A_274 : memref<!tpu.dma_semaphore, #tpu.memory_space<semaphore_mem>>)
      %dma_wait3A_283 = arith.constant 0 : i32
      %dma_wait3A_284 = arith.constant 0 : i32
      %dma_wait3A_285 = tpu.memref_slice %arg4[%arg0, %dma_wait3A_283, %dma_wait3A_284] : memref<2x10240x128xf32, #tpu.memory_space<hbm>> -> memref<1x10240x128xf32, #tpu.memory_space<hbm>>
      %dma_wait3A_286 = tpu.memref_squeeze %dma_wait3A_285 : memref<1x10240x128xf32, #tpu.memory_space<hbm>> -> memref<10240x128xf32, #tpu.memory_space<hbm>>
      %dma_wait3A_287 = arith.constant 0 : i32
      %dma_wait3A_288 = tpu.memref_slice %dma_wait3A_286[%mul3A_269, %dma_wait3A_287] : memref<10240x128xf32, #tpu.memory_space<hbm>> -> memref<64x128xf32, #tpu.memory_space<hbm>>
      %dma_wait3A_289 = arith.constant 0 : i32
      %dma_wait3A_290 = tpu.memref_slice %arg16[%mul3A_269, %dma_wait3A_289] : memref<10240x128xf32, #tpu.memory_space<vmem_shared>> -> memref<64x128xf32, #tpu.memory_space<vmem_shared>>
      tpu.wait_dma2 semaphore(%run_scoped3A_274 : memref<!tpu.dma_semaphore, #tpu.memory_space<semaphore_mem>>) src(%dma_wait3A_290 : memref<64x128xf32, #tpu.memory_space<vmem_shared>>) dst(%dma_wait3A_288 : memref<64x128xf32, #tpu.memory_space<hbm>>)
      tpu.yield
    }) : () -> ()
    %eq3A = arith.constant 0 : i32
    %eq3A_270 = arith.cmpi eq, %arg1, %eq3A : i32
    %convert_element_type3A_271 = arith.extui %eq3A_270 : i1 to i32
    %cond3A_272 = arith.constant 0 : i32
    %cond3A_273 = arith.cmpi ne, %convert_element_type3A_271, %cond3A_272 : i32
    scf.if %cond3A_273 {
      "tpu.region"() ({
        %run_scoped3A_274 = tpu.sem_alloc : memref<!tpu.dma_semaphore, #tpu.memory_space<semaphore_mem>>
        %dma_start3A_275 = arith.constant 0 : i32
        %dma_start3A_276 = tpu.memref_slice %arg5[%arg0, %dma_start3A_275] : memref<2x10240xf32, #tpu.memory_space<hbm>> -> memref<1x10240xf32, #tpu.memory_space<hbm>>
        %dma_start3A_277 = tpu.memref_squeeze %dma_start3A_276 : memref<1x10240xf32, #tpu.memory_space<hbm>> -> memref<10240xf32, #tpu.memory_space<hbm>>
        tpu.enqueue_dma source(%arg17 : memref<10240xf32, #tpu.memory_space<vmem_shared>>) target(%dma_start3A_277 : memref<10240xf32, #tpu.memory_space<hbm>>) target_semaphore(%run_scoped3A_274 : memref<!tpu.dma_semaphore, #tpu.memory_space<semaphore_mem>>)
        %dma_wait3A_278 = arith.constant 0 : i32
        %dma_wait3A_279 = tpu.memref_slice %arg5[%arg0, %dma_wait3A_278] : memref<2x10240xf32, #tpu.memory_space<hbm>> -> memref<1x10240xf32, #tpu.memory_space<hbm>>
        %dma_wait3A_280 = tpu.memref_squeeze %dma_wait3A_279 : memref<1x10240xf32, #tpu.memory_space<hbm>> -> memref<10240xf32, #tpu.memory_space<hbm>>
        tpu.wait_dma2 semaphore(%run_scoped3A_274 : memref<!tpu.dma_semaphore, #tpu.memory_space<semaphore_mem>>) src(%arg17 : memref<10240xf32, #tpu.memory_space<vmem_shared>>) dst(%dma_wait3A_280 : memref<10240xf32, #tpu.memory_space<hbm>>)
        tpu.yield
      }) : () -> ()
    } else {
    }
    return
  }
}

#map = affine_map<(d0, d1) -> (0, 0)>
#map1 = affine_map<(d0, d1) -> (0, 0, 0)>
module attributes {stable_mosaic.version = 14 : i64} {
  func.func @body(%arg0: i32, %arg1: i32, %arg2: memref<10000x128xf32, #tpu.memory_space<hbm>>, %arg3: memref<2x320000xi32, #tpu.memory_space<hbm>>, %arg4: memref<2x10240x128xf32, #tpu.memory_space<hbm>>, %arg5: memref<2x10240xf32, #tpu.memory_space<hbm>>, %arg6: memref<128xi32, #tpu.memory_space<vmem>>, %arg7: memref<128xi32, #tpu.memory_space<vmem>>, %arg8: memref<128xi32, #tpu.memory_space<vmem>>, %arg9: memref<128xi32, #tpu.memory_space<vmem>>, %arg10: memref<128xi32, #tpu.memory_space<vmem>>, %arg11: memref<128xi32, #tpu.memory_space<vmem>>, %arg12: memref<128x128xf32, #tpu.memory_space<vmem>>, %arg13: memref<128x128xf32, #tpu.memory_space<vmem>>, %arg14: memref<128xf32, #tpu.memory_space<vmem>>, %arg15: memref<1280xf32, #tpu.memory_space<vmem>>, %arg16: memref<10240x128xf32, #tpu.memory_space<vmem_shared>>, %arg17: memref<10240xf32, #tpu.memory_space<vmem_shared>>, %arg18: memref<!tpu.dma_semaphore, #tpu.memory_space<semaphore_mem>>, %arg19: memref<!tpu.dma_semaphore, #tpu.memory_space<semaphore_mem>>, %arg20: memref<!tpu.dma_semaphore, #tpu.memory_space<semaphore_mem>>, %arg21: memref<!tpu.dma_semaphore, #tpu.memory_space<semaphore_mem>>, %arg22: memref<!tpu.dma_semaphore, #tpu.memory_space<semaphore_mem>>, %arg23: memref<!tpu.dma_semaphore, #tpu.memory_space<semaphore_mem>>, %arg24: memref<!tpu.dma_semaphore, #tpu.memory_space<semaphore_mem>>, %arg25: memref<!tpu.dma_semaphore, #tpu.memory_space<semaphore_mem>>) attributes {dimension_semantics = [#tpu.dimension_semantics<core_parallel>, #tpu.dimension_semantics<subcore_parallel>], iteration_bounds = array<i64: 2, 16>, scalar_prefetch = 0 : i64, scratch_operands = 20 : i64, tpu.core_type = #tpu.core_type<sc_vector_subcore>, window_params = [{transform_indices = #map}, {transform_indices = #map}, {transform_indices = #map1}, {transform_indices = #map}]} {
    %mul3A = arith.constant 16 : i32
    %mul3A_0 = arith.muli %arg0, %mul3A : i32
    %add3A = arith.addi %mul3A_0, %arg1 : i32
    %scan3A = arith.constant 0 : i32
    %scan3A_1 = arith.constant 0 : i32
    %scan3A_2 = arith.constant 8 : i32
    %scan3A_3 = arith.addi %scan3A_1, %scan3A_2 : i32
    %scan3A_4 = arith.constant 1 : i32
    %scan3A_5 = scf.for %scan3A_274 = %scan3A_1 to %scan3A_3 step %scan3A_4 iter_args(%scan3A_275 = %scan3A) -> (i32)  : i32 {
      %broadcast_in_dim3A = arith.constant 1.000000e+00 : f32
      %broadcast_in_dim3A_276 = vector.broadcast %broadcast_in_dim3A : f32 to vector<16xf32>
      %mul3A_277 = arith.constant 16 : i32
      %mul3A_278 = arith.muli %scan3A_274, %mul3A_277 : i32
      %swap3A = arith.index_cast %mul3A_278 : i32 to index
      %swap3A_279 = tpu.vector_load %arg14[%swap3A] {strides = array<i32>} : memref<128xf32, #tpu.memory_space<vmem>>, vector<16xf32>,
      %swap3A_280 = vector.shape_cast %swap3A_279 : vector<16xf32> to vector<16xf32>
      %swap3A_281 = vector.shape_cast %broadcast_in_dim3A_276 : vector<16xf32> to vector<16xf32>
      tpu.vector_store %arg14[%swap3A], %swap3A_281 {strides = array<i32>} : memref<128xf32, #tpu.memory_space<vmem>>, vector<16xf32>,
      %scan3A_282 = arith.constant 0 : i32
      scf.yield %scan3A_282 : i32
    }
    %scan3A_6 = arith.constant 8 : i32
    %scan3A_7 = arith.constant 0 : i32
    %scan3A_8 = arith.constant 0 : i32
    %scan3A_9 = arith.constant 80 : i32
    %scan3A_10 = arith.addi %scan3A_8, %scan3A_9 : i32
    %scan3A_11 = arith.constant 1 : i32
    %scan3A_12 = scf.for %scan3A_274 = %scan3A_8 to %scan3A_10 step %scan3A_11 iter_args(%scan3A_275 = %scan3A_7) -> (i32)  : i32 {
      %broadcast_in_dim3A = arith.constant 0.000000e+00 : f32
      %broadcast_in_dim3A_276 = vector.broadcast %broadcast_in_dim3A : f32 to vector<16xf32>
      %mul3A_277 = arith.constant 16 : i32
      %mul3A_278 = arith.muli %scan3A_274, %mul3A_277 : i32
      %swap3A = arith.index_cast %mul3A_278 : i32 to index
      %swap3A_279 = tpu.vector_load %arg15[%swap3A] {strides = array<i32>} : memref<1280xf32, #tpu.memory_space<vmem>>, vector<16xf32>,
      %swap3A_280 = vector.shape_cast %swap3A_279 : vector<16xf32> to vector<16xf32>
      %swap3A_281 = vector.shape_cast %broadcast_in_dim3A_276 : vector<16xf32> to vector<16xf32>
      tpu.vector_store %arg15[%swap3A], %swap3A_281 {strides = array<i32>} : memref<1280xf32, #tpu.memory_space<vmem>>, vector<16xf32>,
      %scan3A_282 = arith.constant 0 : i32
      scf.yield %scan3A_282 : i32
    }
    %scan3A_13 = arith.constant 80 : i32
    %scan3A_14 = arith.constant 0 : i32
    %scan3A_15 = arith.constant 0 : i32
    %scan3A_16 = arith.constant 1024 : i32
    %scan3A_17 = arith.addi %scan3A_15, %scan3A_16 : i32
    %scan3A_18 = arith.constant 1 : i32
    %scan3A_19 = scf.for %scan3A_274 = %scan3A_15 to %scan3A_17 step %scan3A_18 iter_args(%scan3A_275 = %scan3A_14) -> (i32)  : i32 {
      %jit3A = arith.constant 8 : i32
      %div3A = arith.divsi %scan3A_274, %jit3A : i32
      %sign3A = arith.constant 0 : i32
      %sign3A_276 = arith.cmpi sgt, %scan3A_274, %sign3A : i32
      %sign3A_277 = arith.extui %sign3A_276 : i1 to i32
      %sign3A_278 = arith.constant 0 : i32
      %sign3A_279 = arith.cmpi slt, %scan3A_274, %sign3A_278 : i32
      %sign3A_280 = arith.extui %sign3A_279 : i1 to i32
      %sign3A_281 = arith.subi %sign3A_277, %sign3A_280 : i32
      %sign3A_282 = arith.constant 0 : i32
      %sign3A_283 = arith.cmpi sgt, %jit3A, %sign3A_282 : i32
      %sign3A_284 = arith.extui %sign3A_283 : i1 to i32
      %sign3A_285 = arith.constant 0 : i32
      %sign3A_286 = arith.cmpi slt, %jit3A, %sign3A_285 : i32
      %sign3A_287 = arith.extui %sign3A_286 : i1 to i32
      %sign3A_288 = arith.subi %sign3A_284, %sign3A_287 : i32
      %ne3A = arith.cmpi ne, %sign3A_281, %sign3A_288 : i32
      %rem3A = arith.remsi %scan3A_274, %jit3A : i32
      %ne3A_289 = arith.constant 0 : i32
      %ne3A_290 = arith.cmpi ne, %rem3A, %ne3A_289 : i32
      %and3A = arith.andi %ne3A, %ne3A_290 : i1
      %sub3A = arith.constant 1 : i32
      %sub3A_291 = arith.subi %div3A, %sub3A : i32
      %select_n3A = arith.select %and3A, %sub3A_291, %div3A : i32
      %jit3A_292 = arith.constant 8 : i32
      %eq3A_293 = arith.constant 0 : i32
      %eq3A_294 = arith.cmpi eq, %jit3A_292, %eq3A_293 : i32
      %jit3A_295 = arith.constant 1 : i32
      %select_n3A_296 = arith.select %eq3A_294, %jit3A_295, %jit3A_292 : i32
      %rem3A_297 = arith.remsi %scan3A_274, %select_n3A_296 : i32
      %ne3A_298 = arith.constant 0 : i32
      %ne3A_299 = arith.cmpi ne, %rem3A_297, %ne3A_298 : i32
      %lt3A_300 = arith.constant 0 : i32
      %lt3A_301 = arith.cmpi slt, %rem3A_297, %lt3A_300 : i32
      %lt3A_302 = arith.constant 0 : i32
      %lt3A_303 = arith.cmpi slt, %select_n3A_296, %lt3A_302 : i32
      %ne3A_304 = arith.xori %lt3A_301, %lt3A_303 : i1
      %and3A_305 = arith.andi %ne3A_304, %ne3A_299 : i1
      %add3A_306 = arith.addi %rem3A_297, %select_n3A_296 : i32
      %select_n3A_307 = arith.select %and3A_305, %add3A_306, %rem3A_297 : i32
      %broadcast_in_dim3A = arith.constant 0.000000e+00 : f32
      %broadcast_in_dim3A_308 = vector.broadcast %broadcast_in_dim3A : f32 to vector<16xf32>
      %mul3A_309 = arith.constant 16 : i32
      %mul3A_310 = arith.muli %select_n3A_307, %mul3A_309 : i32
      %swap3A = arith.index_cast %select_n3A : i32 to index
      %swap3A_311 = arith.index_cast %mul3A_310 : i32 to index
      %swap3A_312 = tpu.vector_load %arg12[%swap3A, %swap3A_311] {strides = array<i32>} : memref<128x128xf32, #tpu.memory_space<vmem>>, vector<1x16xf32>,
      %swap3A_313 = vector.shape_cast %swap3A_312 : vector<1x16xf32> to vector<16xf32>
      %swap3A_314 = vector.shape_cast %broadcast_in_dim3A_308 : vector<16xf32> to vector<1x16xf32>
      tpu.vector_store %arg12[%swap3A, %swap3A_311], %swap3A_314 {strides = array<i32>} : memref<128x128xf32, #tpu.memory_space<vmem>>, vector<1x16xf32>,
      %scan3A_315 = arith.constant 0 : i32
      scf.yield %scan3A_315 : i32
    }
    %scan3A_20 = arith.constant 1024 : i32
    %mul3A_21 = arith.constant 5 : i32
    %mul3A_22 = arith.muli %arg1, %mul3A_21 : i32
    %add3A_23 = arith.constant 0 : i32
    %add3A_24 = arith.addi %mul3A_22, %add3A_23 : i32
    %mul3A_25 = arith.constant 128 : i32
    %mul3A_26 = arith.muli %add3A_24, %mul3A_25 : i32
    "tpu.region"() ({
      %run_scoped3A_274 = tpu.sem_alloc : memref<!tpu.dma_semaphore, #tpu.memory_space<semaphore_mem>>
      %dma_start3A_275 = arith.constant 0 : i32
      %dma_start3A_276 = tpu.memref_slice %arg16[%mul3A_26, %dma_start3A_275] : memref<10240x128xf32, #tpu.memory_space<vmem_shared>> -> memref<128x128xf32, #tpu.memory_space<vmem_shared>>
      %dma_start3A_277 = arith.constant 0 : i32
      %dma_start3A_278 = tpu.memref_slice %arg16[%mul3A_26, %dma_start3A_277] : memref<10240x128xf32, #tpu.memory_space<vmem_shared>> -> memref<128x128xf32, #tpu.memory_space<vmem_shared>>
      tpu.enqueue_dma source(%arg12 : memref<128x128xf32, #tpu.memory_space<vmem>>) target(%dma_start3A_278 : memref<128x128xf32, #tpu.memory_space<vmem_shared>>) target_semaphore(%run_scoped3A_274 : memref<!tpu.dma_semaphore, #tpu.memory_space<semaphore_mem>>)
      %dma_wait3A_279 = arith.constant 0 : i32
      %dma_wait3A_280 = tpu.memref_slice %arg16[%mul3A_26, %dma_wait3A_279] : memref<10240x128xf32, #tpu.memory_space<vmem_shared>> -> memref<128x128xf32, #tpu.memory_space<vmem_shared>>
      %dma_wait3A_281 = arith.constant 0 : i32
      %dma_wait3A_282 = tpu.memref_slice %arg16[%mul3A_26, %dma_wait3A_281] : memref<10240x128xf32, #tpu.memory_space<vmem_shared>> -> memref<128x128xf32, #tpu.memory_space<vmem_shared>>
      tpu.wait_dma2 semaphore(%run_scoped3A_274 : memref<!tpu.dma_semaphore, #tpu.memory_space<semaphore_mem>>) src(%arg12 : memref<128x128xf32, #tpu.memory_space<vmem>>) dst(%dma_wait3A_282 : memref<128x128xf32, #tpu.memory_space<vmem_shared>>)
      tpu.yield
    }) : () -> ()
    %mul3A_27 = arith.constant 5 : i32
    %mul3A_28 = arith.muli %arg1, %mul3A_27 : i32
    %add3A_29 = arith.constant 1 : i32
    %add3A_30 = arith.addi %mul3A_28, %add3A_29 : i32
    %mul3A_31 = arith.constant 128 : i32
    %mul3A_32 = arith.muli %add3A_30, %mul3A_31 : i32
    "tpu.region"() ({
      %run_scoped3A_274 = tpu.sem_alloc : memref<!tpu.dma_semaphore, #tpu.memory_space<semaphore_mem>>
      %dma_start3A_275 = arith.constant 0 : i32
      %dma_start3A_276 = tpu.memref_slice %arg16[%mul3A_32, %dma_start3A_275] : memref<10240x128xf32, #tpu.memory_space<vmem_shared>> -> memref<128x128xf32, #tpu.memory_space<vmem_shared>>
      %dma_start3A_277 = arith.constant 0 : i32
      %dma_start3A_278 = tpu.memref_slice %arg16[%mul3A_32, %dma_start3A_277] : memref<10240x128xf32, #tpu.memory_space<vmem_shared>> -> memref<128x128xf32, #tpu.memory_space<vmem_shared>>
      tpu.enqueue_dma source(%arg12 : memref<128x128xf32, #tpu.memory_space<vmem>>) target(%dma_start3A_278 : memref<128x128xf32, #tpu.memory_space<vmem_shared>>) target_semaphore(%run_scoped3A_274 : memref<!tpu.dma_semaphore, #tpu.memory_space<semaphore_mem>>)
      %dma_wait3A_279 = arith.constant 0 : i32
      %dma_wait3A_280 = tpu.memref_slice %arg16[%mul3A_32, %dma_wait3A_279] : memref<10240x128xf32, #tpu.memory_space<vmem_shared>> -> memref<128x128xf32, #tpu.memory_space<vmem_shared>>
      %dma_wait3A_281 = arith.constant 0 : i32
      %dma_wait3A_282 = tpu.memref_slice %arg16[%mul3A_32, %dma_wait3A_281] : memref<10240x128xf32, #tpu.memory_space<vmem_shared>> -> memref<128x128xf32, #tpu.memory_space<vmem_shared>>
      tpu.wait_dma2 semaphore(%run_scoped3A_274 : memref<!tpu.dma_semaphore, #tpu.memory_space<semaphore_mem>>) src(%arg12 : memref<128x128xf32, #tpu.memory_space<vmem>>) dst(%dma_wait3A_282 : memref<128x128xf32, #tpu.memory_space<vmem_shared>>)
      tpu.yield
    }) : () -> ()
    %mul3A_33 = arith.constant 5 : i32
    %mul3A_34 = arith.muli %arg1, %mul3A_33 : i32
    %add3A_35 = arith.constant 2 : i32
    %add3A_36 = arith.addi %mul3A_34, %add3A_35 : i32
    %mul3A_37 = arith.constant 128 : i32
    %mul3A_38 = arith.muli %add3A_36, %mul3A_37 : i32
    "tpu.region"() ({
      %run_scoped3A_274 = tpu.sem_alloc : memref<!tpu.dma_semaphore, #tpu.memory_space<semaphore_mem>>
      %dma_start3A_275 = arith.constant 0 : i32
      %dma_start3A_276 = tpu.memref_slice %arg16[%mul3A_38, %dma_start3A_275] : memref<10240x128xf32, #tpu.memory_space<vmem_shared>> -> memref<128x128xf32, #tpu.memory_space<vmem_shared>>
      %dma_start3A_277 = arith.constant 0 : i32
      %dma_start3A_278 = tpu.memref_slice %arg16[%mul3A_38, %dma_start3A_277] : memref<10240x128xf32, #tpu.memory_space<vmem_shared>> -> memref<128x128xf32, #tpu.memory_space<vmem_shared>>
      tpu.enqueue_dma source(%arg12 : memref<128x128xf32, #tpu.memory_space<vmem>>) target(%dma_start3A_278 : memref<128x128xf32, #tpu.memory_space<vmem_shared>>) target_semaphore(%run_scoped3A_274 : memref<!tpu.dma_semaphore, #tpu.memory_space<semaphore_mem>>)
      %dma_wait3A_279 = arith.constant 0 : i32
      %dma_wait3A_280 = tpu.memref_slice %arg16[%mul3A_38, %dma_wait3A_279] : memref<10240x128xf32, #tpu.memory_space<vmem_shared>> -> memref<128x128xf32, #tpu.memory_space<vmem_shared>>
      %dma_wait3A_281 = arith.constant 0 : i32
      %dma_wait3A_282 = tpu.memref_slice %arg16[%mul3A_38, %dma_wait3A_281] : memref<10240x128xf32, #tpu.memory_space<vmem_shared>> -> memref<128x128xf32, #tpu.memory_space<vmem_shared>>
      tpu.wait_dma2 semaphore(%run_scoped3A_274 : memref<!tpu.dma_semaphore, #tpu.memory_space<semaphore_mem>>) src(%arg12 : memref<128x128xf32, #tpu.memory_space<vmem>>) dst(%dma_wait3A_282 : memref<128x128xf32, #tpu.memory_space<vmem_shared>>)
      tpu.yield
    }) : () -> ()
    %mul3A_39 = arith.constant 5 : i32
    %mul3A_40 = arith.muli %arg1, %mul3A_39 : i32
    %add3A_41 = arith.constant 3 : i32
    %add3A_42 = arith.addi %mul3A_40, %add3A_41 : i32
    %mul3A_43 = arith.constant 128 : i32
    %mul3A_44 = arith.muli %add3A_42, %mul3A_43 : i32
    "tpu.region"() ({
      %run_scoped3A_274 = tpu.sem_alloc : memref<!tpu.dma_semaphore, #tpu.memory_space<semaphore_mem>>
      %dma_start3A_275 = arith.constant 0 : i32
      %dma_start3A_276 = tpu.memref_slice %arg16[%mul3A_44, %dma_start3A_275] : memref<10240x128xf32, #tpu.memory_space<vmem_shared>> -> memref<128x128xf32, #tpu.memory_space<vmem_shared>>
      %dma_start3A_277 = arith.constant 0 : i32
      %dma_start3A_278 = tpu.memref_slice %arg16[%mul3A_44, %dma_start3A_277] : memref<10240x128xf32, #tpu.memory_space<vmem_shared>> -> memref<128x128xf32, #tpu.memory_space<vmem_shared>>
      tpu.enqueue_dma source(%arg12 : memref<128x128xf32, #tpu.memory_space<vmem>>) target(%dma_start3A_278 : memref<128x128xf32, #tpu.memory_space<vmem_shared>>) target_semaphore(%run_scoped3A_274 : memref<!tpu.dma_semaphore, #tpu.memory_space<semaphore_mem>>)
      %dma_wait3A_279 = arith.constant 0 : i32
      %dma_wait3A_280 = tpu.memref_slice %arg16[%mul3A_44, %dma_wait3A_279] : memref<10240x128xf32, #tpu.memory_space<vmem_shared>> -> memref<128x128xf32, #tpu.memory_space<vmem_shared>>
      %dma_wait3A_281 = arith.constant 0 : i32
      %dma_wait3A_282 = tpu.memref_slice %arg16[%mul3A_44, %dma_wait3A_281] : memref<10240x128xf32, #tpu.memory_space<vmem_shared>> -> memref<128x128xf32, #tpu.memory_space<vmem_shared>>
      tpu.wait_dma2 semaphore(%run_scoped3A_274 : memref<!tpu.dma_semaphore, #tpu.memory_space<semaphore_mem>>) src(%arg12 : memref<128x128xf32, #tpu.memory_space<vmem>>) dst(%dma_wait3A_282 : memref<128x128xf32, #tpu.memory_space<vmem_shared>>)
      tpu.yield
    }) : () -> ()
    %mul3A_45 = arith.constant 5 : i32
    %mul3A_46 = arith.muli %arg1, %mul3A_45 : i32
    %add3A_47 = arith.constant 4 : i32
    %add3A_48 = arith.addi %mul3A_46, %add3A_47 : i32
    %mul3A_49 = arith.constant 128 : i32
    %mul3A_50 = arith.muli %add3A_48, %mul3A_49 : i32
    "tpu.region"() ({
      %run_scoped3A_274 = tpu.sem_alloc : memref<!tpu.dma_semaphore, #tpu.memory_space<semaphore_mem>>
      %dma_start3A_275 = arith.constant 0 : i32
      %dma_start3A_276 = tpu.memref_slice %arg16[%mul3A_50, %dma_start3A_275] : memref<10240x128xf32, #tpu.memory_space<vmem_shared>> -> memref<128x128xf32, #tpu.memory_space<vmem_shared>>
      %dma_start3A_277 = arith.constant 0 : i32
      %dma_start3A_278 = tpu.memref_slice %arg16[%mul3A_50, %dma_start3A_277] : memref<10240x128xf32, #tpu.memory_space<vmem_shared>> -> memref<128x128xf32, #tpu.memory_space<vmem_shared>>
      tpu.enqueue_dma source(%arg12 : memref<128x128xf32, #tpu.memory_space<vmem>>) target(%dma_start3A_278 : memref<128x128xf32, #tpu.memory_space<vmem_shared>>) target_semaphore(%run_scoped3A_274 : memref<!tpu.dma_semaphore, #tpu.memory_space<semaphore_mem>>)
      %dma_wait3A_279 = arith.constant 0 : i32
      %dma_wait3A_280 = tpu.memref_slice %arg16[%mul3A_50, %dma_wait3A_279] : memref<10240x128xf32, #tpu.memory_space<vmem_shared>> -> memref<128x128xf32, #tpu.memory_space<vmem_shared>>
      %dma_wait3A_281 = arith.constant 0 : i32
      %dma_wait3A_282 = tpu.memref_slice %arg16[%mul3A_50, %dma_wait3A_281] : memref<10240x128xf32, #tpu.memory_space<vmem_shared>> -> memref<128x128xf32, #tpu.memory_space<vmem_shared>>
      tpu.wait_dma2 semaphore(%run_scoped3A_274 : memref<!tpu.dma_semaphore, #tpu.memory_space<semaphore_mem>>) src(%arg12 : memref<128x128xf32, #tpu.memory_space<vmem>>) dst(%dma_wait3A_282 : memref<128x128xf32, #tpu.memory_space<vmem_shared>>)
      tpu.yield
    }) : () -> ()
    %add3A_51 = arith.constant 0 : i32
    %add3A_52 = arith.addi %arg1, %add3A_51 : i32
    %lt3A = arith.constant 8 : i32
    %lt3A_53 = arith.cmpi slt, %add3A_52, %lt3A : i32
    %convert_element_type3A = arith.extui %lt3A_53 : i1 to i32
    %cond3A = arith.constant 0 : i32
    %cond3A_54 = arith.cmpi ne, %convert_element_type3A, %cond3A : i32
    scf.if %cond3A_54 {
      %mul3A_274 = arith.constant 1280 : i32
      %mul3A_275 = arith.muli %add3A_52, %mul3A_274 : i32
      "tpu.region"() ({
        %run_scoped3A_276 = tpu.sem_alloc : memref<!tpu.dma_semaphore, #tpu.memory_space<semaphore_mem>>
        %dma_start3A_277 = tpu.memref_slice %arg17[%mul3A_275] : memref<10240xf32, #tpu.memory_space<vmem_shared>> -> memref<1280xf32, #tpu.memory_space<vmem_shared>>
        %dma_start3A_278 = tpu.memref_slice %arg17[%mul3A_275] : memref<10240xf32, #tpu.memory_space<vmem_shared>> -> memref<1280xf32, #tpu.memory_space<vmem_shared>>
        tpu.enqueue_dma source(%arg15 : memref<1280xf32, #tpu.memory_space<vmem>>) target(%dma_start3A_278 : memref<1280xf32, #tpu.memory_space<vmem_shared>>) target_semaphore(%run_scoped3A_276 : memref<!tpu.dma_semaphore, #tpu.memory_space<semaphore_mem>>)
        %dma_wait3A_279 = tpu.memref_slice %arg17[%mul3A_275] : memref<10240xf32, #tpu.memory_space<vmem_shared>> -> memref<1280xf32, #tpu.memory_space<vmem_shared>>
        %dma_wait3A_280 = tpu.memref_slice %arg17[%mul3A_275] : memref<10240xf32, #tpu.memory_space<vmem_shared>> -> memref<1280xf32, #tpu.memory_space<vmem_shared>>
        tpu.wait_dma2 semaphore(%run_scoped3A_276 : memref<!tpu.dma_semaphore, #tpu.memory_space<semaphore_mem>>) src(%arg15 : memref<1280xf32, #tpu.memory_space<vmem>>) dst(%dma_wait3A_280 : memref<1280xf32, #tpu.memory_space<vmem_shared>>)
        tpu.yield
      }) : () -> ()
    } else {
    }
    %barrier3A = arith.constant 0 : index
    tpu.barrier barrier_id(%barrier3A)
    %mul3A_55 = arith.constant 128 : i32
    %mul3A_56 = arith.muli %add3A, %mul3A_55 : i32
    %run_scoped3A = arith.constant 0 : i32
    "tpu.region"() ({
      %run_scoped3A_274 = tpu.sem_alloc : memref<!tpu.dma_semaphore, #tpu.memory_space<semaphore_mem>>
      %dma_start3A_275 = arith.constant 0 : i32
      %dma_start3A_276 = tpu.memref_slice %arg3[%run_scoped3A, %dma_start3A_275] : memref<2x320000xi32, #tpu.memory_space<hbm>> -> memref<1x320000xi32, #tpu.memory_space<hbm>>
      %dma_start3A_277 = tpu.memref_squeeze %dma_start3A_276 : memref<1x320000xi32, #tpu.memory_space<hbm>> -> memref<320000xi32, #tpu.memory_space<hbm>>
      %dma_start3A_278 = tpu.memref_slice %dma_start3A_277[%mul3A_56] : memref<320000xi32, #tpu.memory_space<hbm>> -> memref<128xi32, #tpu.memory_space<hbm>>
      %dma_start3A_279 = arith.constant 0 : i32
      %dma_start3A_280 = tpu.memref_slice %arg3[%run_scoped3A, %dma_start3A_279] : memref<2x320000xi32, #tpu.memory_space<hbm>> -> memref<1x320000xi32, #tpu.memory_space<hbm>>
      %dma_start3A_281 = tpu.memref_squeeze %dma_start3A_280 : memref<1x320000xi32, #tpu.memory_space<hbm>> -> memref<320000xi32, #tpu.memory_space<hbm>>
      %dma_start3A_282 = tpu.memref_slice %dma_start3A_281[%mul3A_56] : memref<320000xi32, #tpu.memory_space<hbm>> -> memref<128xi32, #tpu.memory_space<hbm>>
      tpu.enqueue_dma source(%dma_start3A_282 : memref<128xi32, #tpu.memory_space<hbm>>) target(%arg6 : memref<128xi32, #tpu.memory_space<vmem>>) target_semaphore(%run_scoped3A_274 : memref<!tpu.dma_semaphore, #tpu.memory_space<semaphore_mem>>)
      %dma_wait3A_283 = arith.constant 0 : i32
      %dma_wait3A_284 = tpu.memref_slice %arg3[%run_scoped3A, %dma_wait3A_283] : memref<2x320000xi32, #tpu.memory_space<hbm>> -> memref<1x320000xi32, #tpu.memory_space<hbm>>
      %dma_wait3A_285 = tpu.memref_squeeze %dma_wait3A_284 : memref<1x320000xi32, #tpu.memory_space<hbm>> -> memref<320000xi32, #tpu.memory_space<hbm>>
      %dma_wait3A_286 = tpu.memref_slice %dma_wait3A_285[%mul3A_56] : memref<320000xi32, #tpu.memory_space<hbm>> -> memref<128xi32, #tpu.memory_space<hbm>>
      %dma_wait3A_287 = arith.constant 0 : i32
      %dma_wait3A_288 = tpu.memref_slice %arg3[%run_scoped3A, %dma_wait3A_287] : memref<2x320000xi32, #tpu.memory_space<hbm>> -> memref<1x320000xi32, #tpu.memory_space<hbm>>
      %dma_wait3A_289 = tpu.memref_squeeze %dma_wait3A_288 : memref<1x320000xi32, #tpu.memory_space<hbm>> -> memref<320000xi32, #tpu.memory_space<hbm>>
      %dma_wait3A_290 = tpu.memref_slice %dma_wait3A_289[%mul3A_56] : memref<320000xi32, #tpu.memory_space<hbm>> -> memref<128xi32, #tpu.memory_space<hbm>>
      tpu.wait_dma2 semaphore(%run_scoped3A_274 : memref<!tpu.dma_semaphore, #tpu.memory_space<semaphore_mem>>) src(%dma_wait3A_290 : memref<128xi32, #tpu.memory_space<hbm>>) dst(%arg6 : memref<128xi32, #tpu.memory_space<vmem>>)
      tpu.yield
    }) : () -> ()
    %mul3A_57 = arith.constant 128 : i32
    %mul3A_58 = arith.muli %add3A, %mul3A_57 : i32
    %run_scoped3A_59 = arith.constant 1 : i32
    "tpu.region"() ({
      %run_scoped3A_274 = tpu.sem_alloc : memref<!tpu.dma_semaphore, #tpu.memory_space<semaphore_mem>>
      %dma_start3A_275 = arith.constant 0 : i32
      %dma_start3A_276 = tpu.memref_slice %arg3[%run_scoped3A_59, %dma_start3A_275] : memref<2x320000xi32, #tpu.memory_space<hbm>> -> memref<1x320000xi32, #tpu.memory_space<hbm>>
      %dma_start3A_277 = tpu.memref_squeeze %dma_start3A_276 : memref<1x320000xi32, #tpu.memory_space<hbm>> -> memref<320000xi32, #tpu.memory_space<hbm>>
      %dma_start3A_278 = tpu.memref_slice %dma_start3A_277[%mul3A_58] : memref<320000xi32, #tpu.memory_space<hbm>> -> memref<128xi32, #tpu.memory_space<hbm>>
      %dma_start3A_279 = arith.constant 0 : i32
      %dma_start3A_280 = tpu.memref_slice %arg3[%run_scoped3A_59, %dma_start3A_279] : memref<2x320000xi32, #tpu.memory_space<hbm>> -> memref<1x320000xi32, #tpu.memory_space<hbm>>
      %dma_start3A_281 = tpu.memref_squeeze %dma_start3A_280 : memref<1x320000xi32, #tpu.memory_space<hbm>> -> memref<320000xi32, #tpu.memory_space<hbm>>
      %dma_start3A_282 = tpu.memref_slice %dma_start3A_281[%mul3A_58] : memref<320000xi32, #tpu.memory_space<hbm>> -> memref<128xi32, #tpu.memory_space<hbm>>
      tpu.enqueue_dma source(%dma_start3A_282 : memref<128xi32, #tpu.memory_space<hbm>>) target(%arg8 : memref<128xi32, #tpu.memory_space<vmem>>) target_semaphore(%run_scoped3A_274 : memref<!tpu.dma_semaphore, #tpu.memory_space<semaphore_mem>>)
      %dma_wait3A_283 = arith.constant 0 : i32
      %dma_wait3A_284 = tpu.memref_slice %arg3[%run_scoped3A_59, %dma_wait3A_283] : memref<2x320000xi32, #tpu.memory_space<hbm>> -> memref<1x320000xi32, #tpu.memory_space<hbm>>
      %dma_wait3A_285 = tpu.memref_squeeze %dma_wait3A_284 : memref<1x320000xi32, #tpu.memory_space<hbm>> -> memref<320000xi32, #tpu.memory_space<hbm>>
      %dma_wait3A_286 = tpu.memref_slice %dma_wait3A_285[%mul3A_58] : memref<320000xi32, #tpu.memory_space<hbm>> -> memref<128xi32, #tpu.memory_space<hbm>>
      %dma_wait3A_287 = arith.constant 0 : i32
      %dma_wait3A_288 = tpu.memref_slice %arg3[%run_scoped3A_59, %dma_wait3A_287] : memref<2x320000xi32, #tpu.memory_space<hbm>> -> memref<1x320000xi32, #tpu.memory_space<hbm>>
      %dma_wait3A_289 = tpu.memref_squeeze %dma_wait3A_288 : memref<1x320000xi32, #tpu.memory_space<hbm>> -> memref<320000xi32, #tpu.memory_space<hbm>>
      %dma_wait3A_290 = tpu.memref_slice %dma_wait3A_289[%mul3A_58] : memref<320000xi32, #tpu.memory_space<hbm>> -> memref<128xi32, #tpu.memory_space<hbm>>
      tpu.wait_dma2 semaphore(%run_scoped3A_274 : memref<!tpu.dma_semaphore, #tpu.memory_space<semaphore_mem>>) src(%dma_wait3A_290 : memref<128xi32, #tpu.memory_space<hbm>>) dst(%arg8 : memref<128xi32, #tpu.memory_space<vmem>>)
      tpu.yield
    }) : () -> ()
    %add3A_60 = arith.constant 32 : i32
    %add3A_61 = arith.addi %add3A, %add3A_60 : i32
    %mul3A_62 = arith.constant 128 : i32
    %mul3A_63 = arith.muli %add3A_61, %mul3A_62 : i32
    %run_scoped3A_64 = arith.constant 0 : i32
    "tpu.region"() ({
      %run_scoped3A_274 = tpu.sem_alloc : memref<!tpu.dma_semaphore, #tpu.memory_space<semaphore_mem>>
      %dma_start3A_275 = arith.constant 0 : i32
      %dma_start3A_276 = tpu.memref_slice %arg3[%run_scoped3A_64, %dma_start3A_275] : memref<2x320000xi32, #tpu.memory_space<hbm>> -> memref<1x320000xi32, #tpu.memory_space<hbm>>
      %dma_start3A_277 = tpu.memref_squeeze %dma_start3A_276 : memref<1x320000xi32, #tpu.memory_space<hbm>> -> memref<320000xi32, #tpu.memory_space<hbm>>
      %dma_start3A_278 = tpu.memref_slice %dma_start3A_277[%mul3A_63] : memref<320000xi32, #tpu.memory_space<hbm>> -> memref<128xi32, #tpu.memory_space<hbm>>
      %dma_start3A_279 = arith.constant 0 : i32
      %dma_start3A_280 = tpu.memref_slice %arg3[%run_scoped3A_64, %dma_start3A_279] : memref<2x320000xi32, #tpu.memory_space<hbm>> -> memref<1x320000xi32, #tpu.memory_space<hbm>>
      %dma_start3A_281 = tpu.memref_squeeze %dma_start3A_280 : memref<1x320000xi32, #tpu.memory_space<hbm>> -> memref<320000xi32, #tpu.memory_space<hbm>>
      %dma_start3A_282 = tpu.memref_slice %dma_start3A_281[%mul3A_63] : memref<320000xi32, #tpu.memory_space<hbm>> -> memref<128xi32, #tpu.memory_space<hbm>>
      tpu.enqueue_dma source(%dma_start3A_282 : memref<128xi32, #tpu.memory_space<hbm>>) target(%arg7 : memref<128xi32, #tpu.memory_space<vmem>>) target_semaphore(%run_scoped3A_274 : memref<!tpu.dma_semaphore, #tpu.memory_space<semaphore_mem>>)
      %dma_wait3A_283 = arith.constant 0 : i32
      %dma_wait3A_284 = tpu.memref_slice %arg3[%run_scoped3A_64, %dma_wait3A_283] : memref<2x320000xi32, #tpu.memory_space<hbm>> -> memref<1x320000xi32, #tpu.memory_space<hbm>>
      %dma_wait3A_285 = tpu.memref_squeeze %dma_wait3A_284 : memref<1x320000xi32, #tpu.memory_space<hbm>> -> memref<320000xi32, #tpu.memory_space<hbm>>
      %dma_wait3A_286 = tpu.memref_slice %dma_wait3A_285[%mul3A_63] : memref<320000xi32, #tpu.memory_space<hbm>> -> memref<128xi32, #tpu.memory_space<hbm>>
      %dma_wait3A_287 = arith.constant 0 : i32
      %dma_wait3A_288 = tpu.memref_slice %arg3[%run_scoped3A_64, %dma_wait3A_287] : memref<2x320000xi32, #tpu.memory_space<hbm>> -> memref<1x320000xi32, #tpu.memory_space<hbm>>
      %dma_wait3A_289 = tpu.memref_squeeze %dma_wait3A_288 : memref<1x320000xi32, #tpu.memory_space<hbm>> -> memref<320000xi32, #tpu.memory_space<hbm>>
      %dma_wait3A_290 = tpu.memref_slice %dma_wait3A_289[%mul3A_63] : memref<320000xi32, #tpu.memory_space<hbm>> -> memref<128xi32, #tpu.memory_space<hbm>>
      tpu.wait_dma2 semaphore(%run_scoped3A_274 : memref<!tpu.dma_semaphore, #tpu.memory_space<semaphore_mem>>) src(%dma_wait3A_290 : memref<128xi32, #tpu.memory_space<hbm>>) dst(%arg7 : memref<128xi32, #tpu.memory_space<vmem>>)
      tpu.yield
    }) : () -> ()
    %run_scoped3A_65 = arith.constant 1 : i32
    "tpu.region"() ({
      %run_scoped3A_274 = tpu.sem_alloc : memref<!tpu.dma_semaphore, #tpu.memory_space<semaphore_mem>>
      %dma_start3A_275 = arith.constant 0 : i32
      %dma_start3A_276 = tpu.memref_slice %arg3[%run_scoped3A_65, %dma_start3A_275] : memref<2x320000xi32, #tpu.memory_space<hbm>> -> memref<1x320000xi32, #tpu.memory_space<hbm>>
      %dma_start3A_277 = tpu.memref_squeeze %dma_start3A_276 : memref<1x320000xi32, #tpu.memory_space<hbm>> -> memref<320000xi32, #tpu.memory_space<hbm>>
      %dma_start3A_278 = tpu.memref_slice %dma_start3A_277[%mul3A_63] : memref<320000xi32, #tpu.memory_space<hbm>> -> memref<128xi32, #tpu.memory_space<hbm>>
      %dma_start3A_279 = arith.constant 0 : i32
      %dma_start3A_280 = tpu.memref_slice %arg3[%run_scoped3A_65, %dma_start3A_279] : memref<2x320000xi32, #tpu.memory_space<hbm>> -> memref<1x320000xi32, #tpu.memory_space<hbm>>
      %dma_start3A_281 = tpu.memref_squeeze %dma_start3A_280 : memref<1x320000xi32, #tpu.memory_space<hbm>> -> memref<320000xi32, #tpu.memory_space<hbm>>
      %dma_start3A_282 = tpu.memref_slice %dma_start3A_281[%mul3A_63] : memref<320000xi32, #tpu.memory_space<hbm>> -> memref<128xi32, #tpu.memory_space<hbm>>
      tpu.enqueue_dma source(%dma_start3A_282 : memref<128xi32, #tpu.memory_space<hbm>>) target(%arg9 : memref<128xi32, #tpu.memory_space<vmem>>) target_semaphore(%run_scoped3A_274 : memref<!tpu.dma_semaphore, #tpu.memory_space<semaphore_mem>>)
      %dma_wait3A_283 = arith.constant 0 : i32
      %dma_wait3A_284 = tpu.memref_slice %arg3[%run_scoped3A_65, %dma_wait3A_283] : memref<2x320000xi32, #tpu.memory_space<hbm>> -> memref<1x320000xi32, #tpu.memory_space<hbm>>
      %dma_wait3A_285 = tpu.memref_squeeze %dma_wait3A_284 : memref<1x320000xi32, #tpu.memory_space<hbm>> -> memref<320000xi32, #tpu.memory_space<hbm>>
      %dma_wait3A_286 = tpu.memref_slice %dma_wait3A_285[%mul3A_63] : memref<320000xi32, #tpu.memory_space<hbm>> -> memref<128xi32, #tpu.memory_space<hbm>>
      %dma_wait3A_287 = arith.constant 0 : i32
      %dma_wait3A_288 = tpu.memref_slice %arg3[%run_scoped3A_65, %dma_wait3A_287] : memref<2x320000xi32, #tpu.memory_space<hbm>> -> memref<1x320000xi32, #tpu.memory_space<hbm>>
      %dma_wait3A_289 = tpu.memref_squeeze %dma_wait3A_288 : memref<1x320000xi32, #tpu.memory_space<hbm>> -> memref<320000xi32, #tpu.memory_space<hbm>>
      %dma_wait3A_290 = tpu.memref_slice %dma_wait3A_289[%mul3A_63] : memref<320000xi32, #tpu.memory_space<hbm>> -> memref<128xi32, #tpu.memory_space<hbm>>
      tpu.wait_dma2 semaphore(%run_scoped3A_274 : memref<!tpu.dma_semaphore, #tpu.memory_space<semaphore_mem>>) src(%dma_wait3A_290 : memref<128xi32, #tpu.memory_space<hbm>>) dst(%arg9 : memref<128xi32, #tpu.memory_space<vmem>>)
      tpu.yield
    }) : () -> ()
    %dma_start3A = arith.constant 0 : i32
    %dma_start3A_66 = arith.constant 0 : i32
    %dma_start3A_67 = tpu.memref_slice %arg2[%dma_start3A, %dma_start3A_66] : memref<10000x128xf32, #tpu.memory_space<hbm>> -> memref<10000x128xf32, #tpu.memory_space<hbm>>
    tpu.enqueue_indirect_dma source(%dma_start3A_67 : memref<10000x128xf32, #tpu.memory_space<hbm>>) target(%arg12 : memref<128x128xf32, #tpu.memory_space<vmem>>) offsets(%arg6 : memref<128xi32, #tpu.memory_space<vmem>>) semaphore(%arg18 : memref<!tpu.dma_semaphore, #tpu.memory_space<semaphore_mem>>)
    %dma_wait3A = arith.constant 0 : i32
    %dma_wait3A_68 = arith.constant 0 : i32
    %dma_wait3A_69 = tpu.memref_slice %arg2[%dma_wait3A, %dma_wait3A_68] : memref<10000x128xf32, #tpu.memory_space<hbm>> -> memref<10000x128xf32, #tpu.memory_space<hbm>>
    tpu.wait_indirect_dma semaphore(%arg18 : memref<!tpu.dma_semaphore, #tpu.memory_space<semaphore_mem>>) src(%dma_wait3A_69 : memref<10000x128xf32, #tpu.memory_space<hbm>>) dst(%arg12 : memref<128x128xf32, #tpu.memory_space<vmem>>)
    %dma_start3A_70 = arith.constant 0 : i32
    %dma_start3A_71 = arith.constant 0 : i32
    %dma_start3A_72 = tpu.memref_slice %arg16[%dma_start3A_70, %dma_start3A_71] : memref<10240x128xf32, #tpu.memory_space<vmem_shared>> -> memref<10240x128xf32, #tpu.memory_space<vmem_shared>>
    tpu.enqueue_indirect_dma source(%arg12 : memref<128x128xf32, #tpu.memory_space<vmem>>) target(%dma_start3A_72 : memref<10240x128xf32, #tpu.memory_space<vmem_shared>>) offsets(%arg8 : memref<128xi32, #tpu.memory_space<vmem>>) semaphore(%arg20 : memref<!tpu.dma_semaphore, #tpu.memory_space<semaphore_mem>>) {add = true}
    %dma_start3A_73 = arith.constant 0 : i32
    %dma_start3A_74 = tpu.memref_slice %arg17[%dma_start3A_73] : memref<10240xf32, #tpu.memory_space<vmem_shared>> -> memref<10240xf32, #tpu.memory_space<vmem_shared>>
    tpu.enqueue_indirect_dma source(%arg14 : memref<128xf32, #tpu.memory_space<vmem>>) target(%dma_start3A_74 : memref<10240xf32, #tpu.memory_space<vmem_shared>>) offsets(%arg8 : memref<128xi32, #tpu.memory_space<vmem>>) semaphore(%arg22 : memref<!tpu.dma_semaphore, #tpu.memory_space<semaphore_mem>>) {add = true}
    %add3A_75 = arith.constant 64 : i32
    %add3A_76 = arith.addi %add3A, %add3A_75 : i32
    %min3A = arith.constant 2499 : i32
    %min3A_77 = arith.minsi %add3A_76, %min3A : i32
    %mul3A_78 = arith.constant 128 : i32
    %mul3A_79 = arith.muli %min3A_77, %mul3A_78 : i32
    %dma_start3A_80 = arith.constant 0 : i32
    %dma_start3A_81 = arith.constant 0 : i32
    %dma_start3A_82 = tpu.memref_slice %arg3[%dma_start3A_80, %dma_start3A_81] : memref<2x320000xi32, #tpu.memory_space<hbm>> -> memref<1x320000xi32, #tpu.memory_space<hbm>>
    %dma_start3A_83 = tpu.memref_squeeze %dma_start3A_82 : memref<1x320000xi32, #tpu.memory_space<hbm>> -> memref<320000xi32, #tpu.memory_space<hbm>>
    %dma_start3A_84 = tpu.memref_slice %dma_start3A_83[%mul3A_79] : memref<320000xi32, #tpu.memory_space<hbm>> -> memref<128xi32, #tpu.memory_space<hbm>>
    %dma_start3A_85 = arith.constant 0 : i32
    %dma_start3A_86 = tpu.memref_slice %arg3[%dma_start3A_80, %dma_start3A_85] : memref<2x320000xi32, #tpu.memory_space<hbm>> -> memref<1x320000xi32, #tpu.memory_space<hbm>>
    %dma_start3A_87 = tpu.memref_squeeze %dma_start3A_86 : memref<1x320000xi32, #tpu.memory_space<hbm>> -> memref<320000xi32, #tpu.memory_space<hbm>>
    %dma_start3A_88 = tpu.memref_slice %dma_start3A_87[%mul3A_79] : memref<320000xi32, #tpu.memory_space<hbm>> -> memref<128xi32, #tpu.memory_space<hbm>>
    tpu.enqueue_dma source(%dma_start3A_88 : memref<128xi32, #tpu.memory_space<hbm>>) target(%arg6 : memref<128xi32, #tpu.memory_space<vmem>>) target_semaphore(%arg24 : memref<!tpu.dma_semaphore, #tpu.memory_space<semaphore_mem>>)
    %dma_start3A_89 = arith.constant 1 : i32
    %dma_start3A_90 = arith.constant 0 : i32
    %dma_start3A_91 = tpu.memref_slice %arg3[%dma_start3A_89, %dma_start3A_90] : memref<2x320000xi32, #tpu.memory_space<hbm>> -> memref<1x320000xi32, #tpu.memory_space<hbm>>
    %dma_start3A_92 = tpu.memref_squeeze %dma_start3A_91 : memref<1x320000xi32, #tpu.memory_space<hbm>> -> memref<320000xi32, #tpu.memory_space<hbm>>
    %dma_start3A_93 = tpu.memref_slice %dma_start3A_92[%mul3A_79] : memref<320000xi32, #tpu.memory_space<hbm>> -> memref<128xi32, #tpu.memory_space<hbm>>
    %dma_start3A_94 = arith.constant 0 : i32
    %dma_start3A_95 = tpu.memref_slice %arg3[%dma_start3A_89, %dma_start3A_94] : memref<2x320000xi32, #tpu.memory_space<hbm>> -> memref<1x320000xi32, #tpu.memory_space<hbm>>
    %dma_start3A_96 = tpu.memref_squeeze %dma_start3A_95 : memref<1x320000xi32, #tpu.memory_space<hbm>> -> memref<320000xi32, #tpu.memory_space<hbm>>
    %dma_start3A_97 = tpu.memref_slice %dma_start3A_96[%mul3A_79] : memref<320000xi32, #tpu.memory_space<hbm>> -> memref<128xi32, #tpu.memory_space<hbm>>
    tpu.enqueue_dma source(%dma_start3A_97 : memref<128xi32, #tpu.memory_space<hbm>>) target(%arg10 : memref<128xi32, #tpu.memory_space<vmem>>) target_semaphore(%arg24 : memref<!tpu.dma_semaphore, #tpu.memory_space<semaphore_mem>>)
    %dma_start3A_98 = arith.constant 0 : i32
    %dma_start3A_99 = arith.constant 0 : i32
    %dma_start3A_100 = tpu.memref_slice %arg2[%dma_start3A_98, %dma_start3A_99] : memref<10000x128xf32, #tpu.memory_space<hbm>> -> memref<10000x128xf32, #tpu.memory_space<hbm>>
    tpu.enqueue_indirect_dma source(%dma_start3A_100 : memref<10000x128xf32, #tpu.memory_space<hbm>>) target(%arg13 : memref<128x128xf32, #tpu.memory_space<vmem>>) offsets(%arg7 : memref<128xi32, #tpu.memory_space<vmem>>) semaphore(%arg19 : memref<!tpu.dma_semaphore, #tpu.memory_space<semaphore_mem>>)
    %scan3A_101 = arith.constant 0 : i32
    %scan3A_102 = arith.constant 0 : i32
    %scan3A_103 = arith.constant 19 : i32
    %scan3A_104 = arith.addi %scan3A_102, %scan3A_103 : i32
    %scan3A_105 = arith.constant 1 : i32
    %scan3A_106 = scf.for %scan3A_274 = %scan3A_102 to %scan3A_104 step %scan3A_105 iter_args(%scan3A_275 = %scan3A_101) -> (i32)  : i32 {
      %mul3A_276 = arith.constant 4 : i32
      %mul3A_277 = arith.muli %mul3A_276, %scan3A_274 : i32
      %add3A_278 = arith.constant 1 : i32
      %add3A_279 = arith.addi %mul3A_277, %add3A_278 : i32
      %dma_wait3A_280 = arith.constant 0 : i32
      %dma_wait3A_281 = arith.constant 0 : i32
      %dma_wait3A_282 = tpu.memref_slice %arg2[%dma_wait3A_280, %dma_wait3A_281] : memref<10000x128xf32, #tpu.memory_space<hbm>> -> memref<10000x128xf32, #tpu.memory_space<hbm>>
      tpu.wait_indirect_dma semaphore(%arg19 : memref<!tpu.dma_semaphore, #tpu.memory_space<semaphore_mem>>) src(%dma_wait3A_282 : memref<10000x128xf32, #tpu.memory_space<hbm>>) dst(%arg13 : memref<128x128xf32, #tpu.memory_space<vmem>>)
      %dma_start3A_283 = arith.constant 0 : i32
      %dma_start3A_284 = arith.constant 0 : i32
      %dma_start3A_285 = tpu.memref_slice %arg16[%dma_start3A_283, %dma_start3A_284] : memref<10240x128xf32, #tpu.memory_space<vmem_shared>> -> memref<10240x128xf32, #tpu.memory_space<vmem_shared>>
      tpu.enqueue_indirect_dma source(%arg13 : memref<128x128xf32, #tpu.memory_space<vmem>>) target(%dma_start3A_285 : memref<10240x128xf32, #tpu.memory_space<vmem_shared>>) offsets(%arg9 : memref<128xi32, #tpu.memory_space<vmem>>) semaphore(%arg21 : memref<!tpu.dma_semaphore, #tpu.memory_space<semaphore_mem>>) {add = true}
      %dma_start3A_286 = arith.constant 0 : i32
      %dma_start3A_287 = tpu.memref_slice %arg17[%dma_start3A_286] : memref<10240xf32, #tpu.memory_space<vmem_shared>> -> memref<10240xf32, #tpu.memory_space<vmem_shared>>
      tpu.enqueue_indirect_dma source(%arg14 : memref<128xf32, #tpu.memory_space<vmem>>) target(%dma_start3A_287 : memref<10240xf32, #tpu.memory_space<vmem_shared>>) offsets(%arg9 : memref<128xi32, #tpu.memory_space<vmem>>) semaphore(%arg23 : memref<!tpu.dma_semaphore, #tpu.memory_space<semaphore_mem>>) {add = true}
      %add3A_288 = arith.constant 2 : i32
      %add3A_289 = arith.addi %add3A_279, %add3A_288 : i32
      %mul3A_290 = arith.constant 32 : i32
      %mul3A_291 = arith.muli %mul3A_290, %add3A_289 : i32
      %add3A_292 = arith.addi %add3A, %mul3A_291 : i32
      %min3A_293 = arith.constant 2499 : i32
      %min3A_294 = arith.minsi %add3A_292, %min3A_293 : i32
      %mul3A_295 = arith.constant 128 : i32
      %mul3A_296 = arith.muli %min3A_294, %mul3A_295 : i32
      %dma_start3A_297 = arith.constant 0 : i32
      %dma_start3A_298 = arith.constant 0 : i32
      %dma_start3A_299 = tpu.memref_slice %arg3[%dma_start3A_297, %dma_start3A_298] : memref<2x320000xi32, #tpu.memory_space<hbm>> -> memref<1x320000xi32, #tpu.memory_space<hbm>>
      %dma_start3A_300 = tpu.memref_squeeze %dma_start3A_299 : memref<1x320000xi32, #tpu.memory_space<hbm>> -> memref<320000xi32, #tpu.memory_space<hbm>>
      %dma_start3A_301 = tpu.memref_slice %dma_start3A_300[%mul3A_296] : memref<320000xi32, #tpu.memory_space<hbm>> -> memref<128xi32, #tpu.memory_space<hbm>>
      %dma_start3A_302 = arith.constant 0 : i32
      %dma_start3A_303 = tpu.memref_slice %arg3[%dma_start3A_297, %dma_start3A_302] : memref<2x320000xi32, #tpu.memory_space<hbm>> -> memref<1x320000xi32, #tpu.memory_space<hbm>>
      %dma_start3A_304 = tpu.memref_squeeze %dma_start3A_303 : memref<1x320000xi32, #tpu.memory_space<hbm>> -> memref<320000xi32, #tpu.memory_space<hbm>>
      %dma_start3A_305 = tpu.memref_slice %dma_start3A_304[%mul3A_296] : memref<320000xi32, #tpu.memory_space<hbm>> -> memref<128xi32, #tpu.memory_space<hbm>>
      tpu.enqueue_dma source(%dma_start3A_305 : memref<128xi32, #tpu.memory_space<hbm>>) target(%arg7 : memref<128xi32, #tpu.memory_space<vmem>>) target_semaphore(%arg25 : memref<!tpu.dma_semaphore, #tpu.memory_space<semaphore_mem>>)
      %dma_start3A_306 = arith.constant 1 : i32
      %dma_start3A_307 = arith.constant 0 : i32
      %dma_start3A_308 = tpu.memref_slice %arg3[%dma_start3A_306, %dma_start3A_307] : memref<2x320000xi32, #tpu.memory_space<hbm>> -> memref<1x320000xi32, #tpu.memory_space<hbm>>
      %dma_start3A_309 = tpu.memref_squeeze %dma_start3A_308 : memref<1x320000xi32, #tpu.memory_space<hbm>> -> memref<320000xi32, #tpu.memory_space<hbm>>
      %dma_start3A_310 = tpu.memref_slice %dma_start3A_309[%mul3A_296] : memref<320000xi32, #tpu.memory_space<hbm>> -> memref<128xi32, #tpu.memory_space<hbm>>
      %dma_start3A_311 = arith.constant 0 : i32
      %dma_start3A_312 = tpu.memref_slice %arg3[%dma_start3A_306, %dma_start3A_311] : memref<2x320000xi32, #tpu.memory_space<hbm>> -> memref<1x320000xi32, #tpu.memory_space<hbm>>
      %dma_start3A_313 = tpu.memref_squeeze %dma_start3A_312 : memref<1x320000xi32, #tpu.memory_space<hbm>> -> memref<320000xi32, #tpu.memory_space<hbm>>
      %dma_start3A_314 = tpu.memref_slice %dma_start3A_313[%mul3A_296] : memref<320000xi32, #tpu.memory_space<hbm>> -> memref<128xi32, #tpu.memory_space<hbm>>
      tpu.enqueue_dma source(%dma_start3A_314 : memref<128xi32, #tpu.memory_space<hbm>>) target(%arg11 : memref<128xi32, #tpu.memory_space<vmem>>) target_semaphore(%arg25 : memref<!tpu.dma_semaphore, #tpu.memory_space<semaphore_mem>>)
      %dma_wait3A_315 = arith.constant 0 : i32
      %dma_wait3A_316 = arith.constant 0 : i32
      %dma_wait3A_317 = tpu.memref_slice %arg16[%dma_wait3A_315, %dma_wait3A_316] : memref<10240x128xf32, #tpu.memory_space<vmem_shared>> -> memref<10240x128xf32, #tpu.memory_space<vmem_shared>>
      tpu.wait_indirect_dma semaphore(%arg20 : memref<!tpu.dma_semaphore, #tpu.memory_space<semaphore_mem>>) src(%arg12 : memref<128x128xf32, #tpu.memory_space<vmem>>) dst(%dma_wait3A_317 : memref<10240x128xf32, #tpu.memory_space<vmem_shared>>)
      %dma_wait3A_318 = arith.constant 0 : i32
      %dma_wait3A_319 = tpu.memref_slice %arg17[%dma_wait3A_318] : memref<10240xf32, #tpu.memory_space<vmem_shared>> -> memref<10240xf32, #tpu.memory_space<vmem_shared>>
      tpu.wait_indirect_dma semaphore(%arg22 : memref<!tpu.dma_semaphore, #tpu.memory_space<semaphore_mem>>) src(%arg14 : memref<128xf32, #tpu.memory_space<vmem>>) dst(%dma_wait3A_319 : memref<10240xf32, #tpu.memory_space<vmem_shared>>)
      %add3A_320 = arith.constant 1 : i32
      %add3A_321 = arith.addi %add3A_279, %add3A_320 : i32
      %mul3A_322 = arith.constant 32 : i32
      %mul3A_323 = arith.muli %mul3A_322, %add3A_321 : i32
      %add3A_324 = arith.addi %add3A, %mul3A_323 : i32
      %min3A_325 = arith.constant 2499 : i32
      %min3A_326 = arith.minsi %add3A_324, %min3A_325 : i32
      %mul3A_327 = arith.constant 128 : i32
      %mul3A_328 = arith.muli %min3A_326, %mul3A_327 : i32
      %dma_wait3A_329 = arith.constant 0 : i32
      %dma_wait3A_330 = arith.constant 0 : i32
      %dma_wait3A_331 = tpu.memref_slice %arg3[%dma_wait3A_329, %dma_wait3A_330] : memref<2x320000xi32, #tpu.memory_space<hbm>> -> memref<1x320000xi32, #tpu.memory_space<hbm>>
      %dma_wait3A_332 = tpu.memref_squeeze %dma_wait3A_331 : memref<1x320000xi32, #tpu.memory_space<hbm>> -> memref<320000xi32, #tpu.memory_space<hbm>>
      %dma_wait3A_333 = tpu.memref_slice %dma_wait3A_332[%mul3A_328] : memref<320000xi32, #tpu.memory_space<hbm>> -> memref<128xi32, #tpu.memory_space<hbm>>
      %dma_wait3A_334 = arith.constant 0 : i32
      %dma_wait3A_335 = tpu.memref_slice %arg3[%dma_wait3A_329, %dma_wait3A_334] : memref<2x320000xi32, #tpu.memory_space<hbm>> -> memref<1x320000xi32, #tpu.memory_space<hbm>>
      %dma_wait3A_336 = tpu.memref_squeeze %dma_wait3A_335 : memref<1x320000xi32, #tpu.memory_space<hbm>> -> memref<320000xi32, #tpu.memory_space<hbm>>
      %dma_wait3A_337 = tpu.memref_slice %dma_wait3A_336[%mul3A_328] : memref<320000xi32, #tpu.memory_space<hbm>> -> memref<128xi32, #tpu.memory_space<hbm>>
      tpu.wait_dma2 semaphore(%arg24 : memref<!tpu.dma_semaphore, #tpu.memory_space<semaphore_mem>>) src(%dma_wait3A_337 : memref<128xi32, #tpu.memory_space<hbm>>) dst(%arg6 : memref<128xi32, #tpu.memory_space<vmem>>)
      %dma_wait3A_338 = arith.constant 1 : i32
      %dma_wait3A_339 = arith.constant 0 : i32
      %dma_wait3A_340 = tpu.memref_slice %arg3[%dma_wait3A_338, %dma_wait3A_339] : memref<2x320000xi32, #tpu.memory_space<hbm>> -> memref<1x320000xi32, #tpu.memory_space<hbm>>
      %dma_wait3A_341 = tpu.memref_squeeze %dma_wait3A_340 : memref<1x320000xi32, #tpu.memory_space<hbm>> -> memref<320000xi32, #tpu.memory_space<hbm>>
      %dma_wait3A_342 = tpu.memref_slice %dma_wait3A_341[%mul3A_328] : memref<320000xi32, #tpu.memory_space<hbm>> -> memref<128xi32, #tpu.memory_space<hbm>>
      %dma_wait3A_343 = arith.constant 0 : i32
      %dma_wait3A_344 = tpu.memref_slice %arg3[%dma_wait3A_338, %dma_wait3A_343] : memref<2x320000xi32, #tpu.memory_space<hbm>> -> memref<1x320000xi32, #tpu.memory_space<hbm>>
      %dma_wait3A_345 = tpu.memref_squeeze %dma_wait3A_344 : memref<1x320000xi32, #tpu.memory_space<hbm>> -> memref<320000xi32, #tpu.memory_space<hbm>>
      %dma_wait3A_346 = tpu.memref_slice %dma_wait3A_345[%mul3A_328] : memref<320000xi32, #tpu.memory_space<hbm>> -> memref<128xi32, #tpu.memory_space<hbm>>
      tpu.wait_dma2 semaphore(%arg24 : memref<!tpu.dma_semaphore, #tpu.memory_space<semaphore_mem>>) src(%dma_wait3A_346 : memref<128xi32, #tpu.memory_space<hbm>>) dst(%arg10 : memref<128xi32, #tpu.memory_space<vmem>>)
      %dma_start3A_347 = arith.constant 0 : i32
      %dma_start3A_348 = arith.constant 0 : i32
      %dma_start3A_349 = tpu.memref_slice %arg2[%dma_start3A_347, %dma_start3A_348] : memref<10000x128xf32, #tpu.memory_space<hbm>> -> memref<10000x128xf32, #tpu.memory_space<hbm>>
      tpu.enqueue_indirect_dma source(%dma_start3A_349 : memref<10000x128xf32, #tpu.memory_space<hbm>>) target(%arg12 : memref<128x128xf32, #tpu.memory_space<vmem>>) offsets(%arg6 : memref<128xi32, #tpu.memory_space<vmem>>) semaphore(%arg18 : memref<!tpu.dma_semaphore, #tpu.memory_space<semaphore_mem>>)
      %add3A_350 = arith.constant 2 : i32
      %add3A_351 = arith.addi %mul3A_277, %add3A_350 : i32
      %dma_wait3A_352 = arith.constant 0 : i32
      %dma_wait3A_353 = arith.constant 0 : i32
      %dma_wait3A_354 = tpu.memref_slice %arg2[%dma_wait3A_352, %dma_wait3A_353] : memref<10000x128xf32, #tpu.memory_space<hbm>> -> memref<10000x128xf32, #tpu.memory_space<hbm>>
      tpu.wait_indirect_dma semaphore(%arg18 : memref<!tpu.dma_semaphore, #tpu.memory_space<semaphore_mem>>) src(%dma_wait3A_354 : memref<10000x128xf32, #tpu.memory_space<hbm>>) dst(%arg12 : memref<128x128xf32, #tpu.memory_space<vmem>>)
      %dma_start3A_355 = arith.constant 0 : i32
      %dma_start3A_356 = arith.constant 0 : i32
      %dma_start3A_357 = tpu.memref_slice %arg16[%dma_start3A_355, %dma_start3A_356] : memref<10240x128xf32, #tpu.memory_space<vmem_shared>> -> memref<10240x128xf32, #tpu.memory_space<vmem_shared>>
      tpu.enqueue_indirect_dma source(%arg12 : memref<128x128xf32, #tpu.memory_space<vmem>>) target(%dma_start3A_357 : memref<10240x128xf32, #tpu.memory_space<vmem_shared>>) offsets(%arg10 : memref<128xi32, #tpu.memory_space<vmem>>) semaphore(%arg20 : memref<!tpu.dma_semaphore, #tpu.memory_space<semaphore_mem>>) {add = true}
      %dma_start3A_358 = arith.constant 0 : i32
      %dma_start3A_359 = tpu.memref_slice %arg17[%dma_start3A_358] : memref<10240xf32, #tpu.memory_space<vmem_shared>> -> memref<10240xf32, #tpu.memory_space<vmem_shared>>
      tpu.enqueue_indirect_dma source(%arg14 : memref<128xf32, #tpu.memory_space<vmem>>) target(%dma_start3A_359 : memref<10240xf32, #tpu.memory_space<vmem_shared>>) offsets(%arg10 : memref<128xi32, #tpu.memory_space<vmem>>) semaphore(%arg22 : memref<!tpu.dma_semaphore, #tpu.memory_space<semaphore_mem>>) {add = true}
      %add3A_360 = arith.constant 2 : i32
      %add3A_361 = arith.addi %add3A_351, %add3A_360 : i32
      %mul3A_362 = arith.constant 32 : i32
      %mul3A_363 = arith.muli %mul3A_362, %add3A_361 : i32
      %add3A_364 = arith.addi %add3A, %mul3A_363 : i32
      %min3A_365 = arith.constant 2499 : i32
      %min3A_366 = arith.minsi %add3A_364, %min3A_365 : i32
      %mul3A_367 = arith.constant 128 : i32
      %mul3A_368 = arith.muli %min3A_366, %mul3A_367 : i32
      %dma_start3A_369 = arith.constant 0 : i32
      %dma_start3A_370 = arith.constant 0 : i32
      %dma_start3A_371 = tpu.memref_slice %arg3[%dma_start3A_369, %dma_start3A_370] : memref<2x320000xi32, #tpu.memory_space<hbm>> -> memref<1x320000xi32, #tpu.memory_space<hbm>>
      %dma_start3A_372 = tpu.memref_squeeze %dma_start3A_371 : memref<1x320000xi32, #tpu.memory_space<hbm>> -> memref<320000xi32, #tpu.memory_space<hbm>>
      %dma_start3A_373 = tpu.memref_slice %dma_start3A_372[%mul3A_368] : memref<320000xi32, #tpu.memory_space<hbm>> -> memref<128xi32, #tpu.memory_space<hbm>>
      %dma_start3A_374 = arith.constant 0 : i32
      %dma_start3A_375 = tpu.memref_slice %arg3[%dma_start3A_369, %dma_start3A_374] : memref<2x320000xi32, #tpu.memory_space<hbm>> -> memref<1x320000xi32, #tpu.memory_space<hbm>>
      %dma_start3A_376 = tpu.memref_squeeze %dma_start3A_375 : memref<1x320000xi32, #tpu.memory_space<hbm>> -> memref<320000xi32, #tpu.memory_space<hbm>>
      %dma_start3A_377 = tpu.memref_slice %dma_start3A_376[%mul3A_368] : memref<320000xi32, #tpu.memory_space<hbm>> -> memref<128xi32, #tpu.memory_space<hbm>>
      tpu.enqueue_dma source(%dma_start3A_377 : memref<128xi32, #tpu.memory_space<hbm>>) target(%arg6 : memref<128xi32, #tpu.memory_space<vmem>>) target_semaphore(%arg24 : memref<!tpu.dma_semaphore, #tpu.memory_space<semaphore_mem>>)
      %dma_start3A_378 = arith.constant 1 : i32
      %dma_start3A_379 = arith.constant 0 : i32
      %dma_start3A_380 = tpu.memref_slice %arg3[%dma_start3A_378, %dma_start3A_379] : memref<2x320000xi32, #tpu.memory_space<hbm>> -> memref<1x320000xi32, #tpu.memory_space<hbm>>
      %dma_start3A_381 = tpu.memref_squeeze %dma_start3A_380 : memref<1x320000xi32, #tpu.memory_space<hbm>> -> memref<320000xi32, #tpu.memory_space<hbm>>
      %dma_start3A_382 = tpu.memref_slice %dma_start3A_381[%mul3A_368] : memref<320000xi32, #tpu.memory_space<hbm>> -> memref<128xi32, #tpu.memory_space<hbm>>
      %dma_start3A_383 = arith.constant 0 : i32
      %dma_start3A_384 = tpu.memref_slice %arg3[%dma_start3A_378, %dma_start3A_383] : memref<2x320000xi32, #tpu.memory_space<hbm>> -> memref<1x320000xi32, #tpu.memory_space<hbm>>
      %dma_start3A_385 = tpu.memref_squeeze %dma_start3A_384 : memref<1x320000xi32, #tpu.memory_space<hbm>> -> memref<320000xi32, #tpu.memory_space<hbm>>
      %dma_start3A_386 = tpu.memref_slice %dma_start3A_385[%mul3A_368] : memref<320000xi32, #tpu.memory_space<hbm>> -> memref<128xi32, #tpu.memory_space<hbm>>
      tpu.enqueue_dma source(%dma_start3A_386 : memref<128xi32, #tpu.memory_space<hbm>>) target(%arg8 : memref<128xi32, #tpu.memory_space<vmem>>) target_semaphore(%arg24 : memref<!tpu.dma_semaphore, #tpu.memory_space<semaphore_mem>>)
      %dma_wait3A_387 = arith.constant 0 : i32
      %dma_wait3A_388 = arith.constant 0 : i32
      %dma_wait3A_389 = tpu.memref_slice %arg16[%dma_wait3A_387, %dma_wait3A_388] : memref<10240x128xf32, #tpu.memory_space<vmem_shared>> -> memref<10240x128xf32, #tpu.memory_space<vmem_shared>>
      tpu.wait_indirect_dma semaphore(%arg21 : memref<!tpu.dma_semaphore, #tpu.memory_space<semaphore_mem>>) src(%arg13 : memref<128x128xf32, #tpu.memory_space<vmem>>) dst(%dma_wait3A_389 : memref<10240x128xf32, #tpu.memory_space<vmem_shared>>)
      %dma_wait3A_390 = arith.constant 0 : i32
      %dma_wait3A_391 = tpu.memref_slice %arg17[%dma_wait3A_390] : memref<10240xf32, #tpu.memory_space<vmem_shared>> -> memref<10240xf32, #tpu.memory_space<vmem_shared>>
      tpu.wait_indirect_dma semaphore(%arg23 : memref<!tpu.dma_semaphore, #tpu.memory_space<semaphore_mem>>) src(%arg14 : memref<128xf32, #tpu.memory_space<vmem>>) dst(%dma_wait3A_391 : memref<10240xf32, #tpu.memory_space<vmem_shared>>)
      %add3A_392 = arith.constant 1 : i32
      %add3A_393 = arith.addi %add3A_351, %add3A_392 : i32
      %mul3A_394 = arith.constant 32 : i32
      %mul3A_395 = arith.muli %mul3A_394, %add3A_393 : i32
      %add3A_396 = arith.addi %add3A, %mul3A_395 : i32
      %min3A_397 = arith.constant 2499 : i32
      %min3A_398 = arith.minsi %add3A_396, %min3A_397 : i32
      %mul3A_399 = arith.constant 128 : i32
      %mul3A_400 = arith.muli %min3A_398, %mul3A_399 : i32
      %dma_wait3A_401 = arith.constant 0 : i32
      %dma_wait3A_402 = arith.constant 0 : i32
      %dma_wait3A_403 = tpu.memref_slice %arg3[%dma_wait3A_401, %dma_wait3A_402] : memref<2x320000xi32, #tpu.memory_space<hbm>> -> memref<1x320000xi32, #tpu.memory_space<hbm>>
      %dma_wait3A_404 = tpu.memref_squeeze %dma_wait3A_403 : memref<1x320000xi32, #tpu.memory_space<hbm>> -> memref<320000xi32, #tpu.memory_space<hbm>>
      %dma_wait3A_405 = tpu.memref_slice %dma_wait3A_404[%mul3A_400] : memref<320000xi32, #tpu.memory_space<hbm>> -> memref<128xi32, #tpu.memory_space<hbm>>
      %dma_wait3A_406 = arith.constant 0 : i32
      %dma_wait3A_407 = tpu.memref_slice %arg3[%dma_wait3A_401, %dma_wait3A_406] : memref<2x320000xi32, #tpu.memory_space<hbm>> -> memref<1x320000xi32, #tpu.memory_space<hbm>>
      %dma_wait3A_408 = tpu.memref_squeeze %dma_wait3A_407 : memref<1x320000xi32, #tpu.memory_space<hbm>> -> memref<320000xi32, #tpu.memory_space<hbm>>
      %dma_wait3A_409 = tpu.memref_slice %dma_wait3A_408[%mul3A_400] : memref<320000xi32, #tpu.memory_space<hbm>> -> memref<128xi32, #tpu.memory_space<hbm>>
      tpu.wait_dma2 semaphore(%arg25 : memref<!tpu.dma_semaphore, #tpu.memory_space<semaphore_mem>>) src(%dma_wait3A_409 : memref<128xi32, #tpu.memory_space<hbm>>) dst(%arg7 : memref<128xi32, #tpu.memory_space<vmem>>)
      %dma_wait3A_410 = arith.constant 1 : i32
      %dma_wait3A_411 = arith.constant 0 : i32
      %dma_wait3A_412 = tpu.memref_slice %arg3[%dma_wait3A_410, %dma_wait3A_411] : memref<2x320000xi32, #tpu.memory_space<hbm>> -> memref<1x320000xi32, #tpu.memory_space<hbm>>
      %dma_wait3A_413 = tpu.memref_squeeze %dma_wait3A_412 : memref<1x320000xi32, #tpu.memory_space<hbm>> -> memref<320000xi32, #tpu.memory_space<hbm>>
      %dma_wait3A_414 = tpu.memref_slice %dma_wait3A_413[%mul3A_400] : memref<320000xi32, #tpu.memory_space<hbm>> -> memref<128xi32, #tpu.memory_space<hbm>>
      %dma_wait3A_415 = arith.constant 0 : i32
      %dma_wait3A_416 = tpu.memref_slice %arg3[%dma_wait3A_410, %dma_wait3A_415] : memref<2x320000xi32, #tpu.memory_space<hbm>> -> memref<1x320000xi32, #tpu.memory_space<hbm>>
      %dma_wait3A_417 = tpu.memref_squeeze %dma_wait3A_416 : memref<1x320000xi32, #tpu.memory_space<hbm>> -> memref<320000xi32, #tpu.memory_space<hbm>>
      %dma_wait3A_418 = tpu.memref_slice %dma_wait3A_417[%mul3A_400] : memref<320000xi32, #tpu.memory_space<hbm>> -> memref<128xi32, #tpu.memory_space<hbm>>
      tpu.wait_dma2 semaphore(%arg25 : memref<!tpu.dma_semaphore, #tpu.memory_space<semaphore_mem>>) src(%dma_wait3A_418 : memref<128xi32, #tpu.memory_space<hbm>>) dst(%arg11 : memref<128xi32, #tpu.memory_space<vmem>>)
      %dma_start3A_419 = arith.constant 0 : i32
      %dma_start3A_420 = arith.constant 0 : i32
      %dma_start3A_421 = tpu.memref_slice %arg2[%dma_start3A_419, %dma_start3A_420] : memref<10000x128xf32, #tpu.memory_space<hbm>> -> memref<10000x128xf32, #tpu.memory_space<hbm>>
      tpu.enqueue_indirect_dma source(%dma_start3A_421 : memref<10000x128xf32, #tpu.memory_space<hbm>>) target(%arg13 : memref<128x128xf32, #tpu.memory_space<vmem>>) offsets(%arg7 : memref<128xi32, #tpu.memory_space<vmem>>) semaphore(%arg19 : memref<!tpu.dma_semaphore, #tpu.memory_space<semaphore_mem>>)
      %add3A_422 = arith.constant 3 : i32
      %add3A_423 = arith.addi %mul3A_277, %add3A_422 : i32
      %dma_wait3A_424 = arith.constant 0 : i32
      %dma_wait3A_425 = arith.constant 0 : i32
      %dma_wait3A_426 = tpu.memref_slice %arg2[%dma_wait3A_424, %dma_wait3A_425] : memref<10000x128xf32, #tpu.memory_space<hbm>> -> memref<10000x128xf32, #tpu.memory_space<hbm>>
      tpu.wait_indirect_dma semaphore(%arg19 : memref<!tpu.dma_semaphore, #tpu.memory_space<semaphore_mem>>) src(%dma_wait3A_426 : memref<10000x128xf32, #tpu.memory_space<hbm>>) dst(%arg13 : memref<128x128xf32, #tpu.memory_space<vmem>>)
      %dma_start3A_427 = arith.constant 0 : i32
      %dma_start3A_428 = arith.constant 0 : i32
      %dma_start3A_429 = tpu.memref_slice %arg16[%dma_start3A_427, %dma_start3A_428] : memref<10240x128xf32, #tpu.memory_space<vmem_shared>> -> memref<10240x128xf32, #tpu.memory_space<vmem_shared>>
      tpu.enqueue_indirect_dma source(%arg13 : memref<128x128xf32, #tpu.memory_space<vmem>>) target(%dma_start3A_429 : memref<10240x128xf32, #tpu.memory_space<vmem_shared>>) offsets(%arg11 : memref<128xi32, #tpu.memory_space<vmem>>) semaphore(%arg21 : memref<!tpu.dma_semaphore, #tpu.memory_space<semaphore_mem>>) {add = true}
      %dma_start3A_430 = arith.constant 0 : i32
      %dma_start3A_431 = tpu.memref_slice %arg17[%dma_start3A_430] : memref<10240xf32, #tpu.memory_space<vmem_shared>> -> memref<10240xf32, #tpu.memory_space<vmem_shared>>
      tpu.enqueue_indirect_dma source(%arg14 : memref<128xf32, #tpu.memory_space<vmem>>) target(%dma_start3A_431 : memref<10240xf32, #tpu.memory_space<vmem_shared>>) offsets(%arg11 : memref<128xi32, #tpu.memory_space<vmem>>) semaphore(%arg23 : memref<!tpu.dma_semaphore, #tpu.memory_space<semaphore_mem>>) {add = true}
      %add3A_432 = arith.constant 2 : i32
      %add3A_433 = arith.addi %add3A_423, %add3A_432 : i32
      %mul3A_434 = arith.constant 32 : i32
      %mul3A_435 = arith.muli %mul3A_434, %add3A_433 : i32
      %add3A_436 = arith.addi %add3A, %mul3A_435 : i32
      %min3A_437 = arith.constant 2499 : i32
      %min3A_438 = arith.minsi %add3A_436, %min3A_437 : i32
      %mul3A_439 = arith.constant 128 : i32
      %mul3A_440 = arith.muli %min3A_438, %mul3A_439 : i32
      %dma_start3A_441 = arith.constant 0 : i32
      %dma_start3A_442 = arith.constant 0 : i32
      %dma_start3A_443 = tpu.memref_slice %arg3[%dma_start3A_441, %dma_start3A_442] : memref<2x320000xi32, #tpu.memory_space<hbm>> -> memref<1x320000xi32, #tpu.memory_space<hbm>>
      %dma_start3A_444 = tpu.memref_squeeze %dma_start3A_443 : memref<1x320000xi32, #tpu.memory_space<hbm>> -> memref<320000xi32, #tpu.memory_space<hbm>>
      %dma_start3A_445 = tpu.memref_slice %dma_start3A_444[%mul3A_440] : memref<320000xi32, #tpu.memory_space<hbm>> -> memref<128xi32, #tpu.memory_space<hbm>>
      %dma_start3A_446 = arith.constant 0 : i32
      %dma_start3A_447 = tpu.memref_slice %arg3[%dma_start3A_441, %dma_start3A_446] : memref<2x320000xi32, #tpu.memory_space<hbm>> -> memref<1x320000xi32, #tpu.memory_space<hbm>>
      %dma_start3A_448 = tpu.memref_squeeze %dma_start3A_447 : memref<1x320000xi32, #tpu.memory_space<hbm>> -> memref<320000xi32, #tpu.memory_space<hbm>>
      %dma_start3A_449 = tpu.memref_slice %dma_start3A_448[%mul3A_440] : memref<320000xi32, #tpu.memory_space<hbm>> -> memref<128xi32, #tpu.memory_space<hbm>>
      tpu.enqueue_dma source(%dma_start3A_449 : memref<128xi32, #tpu.memory_space<hbm>>) target(%arg7 : memref<128xi32, #tpu.memory_space<vmem>>) target_semaphore(%arg25 : memref<!tpu.dma_semaphore, #tpu.memory_space<semaphore_mem>>)
      %dma_start3A_450 = arith.constant 1 : i32
      %dma_start3A_451 = arith.constant 0 : i32
      %dma_start3A_452 = tpu.memref_slice %arg3[%dma_start3A_450, %dma_start3A_451] : memref<2x320000xi32, #tpu.memory_space<hbm>> -> memref<1x320000xi32, #tpu.memory_space<hbm>>
      %dma_start3A_453 = tpu.memref_squeeze %dma_start3A_452 : memref<1x320000xi32, #tpu.memory_space<hbm>> -> memref<320000xi32, #tpu.memory_space<hbm>>
      %dma_start3A_454 = tpu.memref_slice %dma_start3A_453[%mul3A_440] : memref<320000xi32, #tpu.memory_space<hbm>> -> memref<128xi32, #tpu.memory_space<hbm>>
      %dma_start3A_455 = arith.constant 0 : i32
      %dma_start3A_456 = tpu.memref_slice %arg3[%dma_start3A_450, %dma_start3A_455] : memref<2x320000xi32, #tpu.memory_space<hbm>> -> memref<1x320000xi32, #tpu.memory_space<hbm>>
      %dma_start3A_457 = tpu.memref_squeeze %dma_start3A_456 : memref<1x320000xi32, #tpu.memory_space<hbm>> -> memref<320000xi32, #tpu.memory_space<hbm>>
      %dma_start3A_458 = tpu.memref_slice %dma_start3A_457[%mul3A_440] : memref<320000xi32, #tpu.memory_space<hbm>> -> memref<128xi32, #tpu.memory_space<hbm>>
      tpu.enqueue_dma source(%dma_start3A_458 : memref<128xi32, #tpu.memory_space<hbm>>) target(%arg9 : memref<128xi32, #tpu.memory_space<vmem>>) target_semaphore(%arg25 : memref<!tpu.dma_semaphore, #tpu.memory_space<semaphore_mem>>)
      %dma_wait3A_459 = arith.constant 0 : i32
      %dma_wait3A_460 = arith.constant 0 : i32
      %dma_wait3A_461 = tpu.memref_slice %arg16[%dma_wait3A_459, %dma_wait3A_460] : memref<10240x128xf32, #tpu.memory_space<vmem_shared>> -> memref<10240x128xf32, #tpu.memory_space<vmem_shared>>
      tpu.wait_indirect_dma semaphore(%arg20 : memref<!tpu.dma_semaphore, #tpu.memory_space<semaphore_mem>>) src(%arg12 : memref<128x128xf32, #tpu.memory_space<vmem>>) dst(%dma_wait3A_461 : memref<10240x128xf32, #tpu.memory_space<vmem_shared>>)
      %dma_wait3A_462 = arith.constant 0 : i32
      %dma_wait3A_463 = tpu.memref_slice %arg17[%dma_wait3A_462] : memref<10240xf32, #tpu.memory_space<vmem_shared>> -> memref<10240xf32, #tpu.memory_space<vmem_shared>>
      tpu.wait_indirect_dma semaphore(%arg22 : memref<!tpu.dma_semaphore, #tpu.memory_space<semaphore_mem>>) src(%arg14 : memref<128xf32, #tpu.memory_space<vmem>>) dst(%dma_wait3A_463 : memref<10240xf32, #tpu.memory_space<vmem_shared>>)
      %add3A_464 = arith.constant 1 : i32
      %add3A_465 = arith.addi %add3A_423, %add3A_464 : i32
      %mul3A_466 = arith.constant 32 : i32
      %mul3A_467 = arith.muli %mul3A_466, %add3A_465 : i32
      %add3A_468 = arith.addi %add3A, %mul3A_467 : i32
      %min3A_469 = arith.constant 2499 : i32
      %min3A_470 = arith.minsi %add3A_468, %min3A_469 : i32
      %mul3A_471 = arith.constant 128 : i32
      %mul3A_472 = arith.muli %min3A_470, %mul3A_471 : i32
      %dma_wait3A_473 = arith.constant 0 : i32
      %dma_wait3A_474 = arith.constant 0 : i32
      %dma_wait3A_475 = tpu.memref_slice %arg3[%dma_wait3A_473, %dma_wait3A_474] : memref<2x320000xi32, #tpu.memory_space<hbm>> -> memref<1x320000xi32, #tpu.memory_space<hbm>>
      %dma_wait3A_476 = tpu.memref_squeeze %dma_wait3A_475 : memref<1x320000xi32, #tpu.memory_space<hbm>> -> memref<320000xi32, #tpu.memory_space<hbm>>
      %dma_wait3A_477 = tpu.memref_slice %dma_wait3A_476[%mul3A_472] : memref<320000xi32, #tpu.memory_space<hbm>> -> memref<128xi32, #tpu.memory_space<hbm>>
      %dma_wait3A_478 = arith.constant 0 : i32
      %dma_wait3A_479 = tpu.memref_slice %arg3[%dma_wait3A_473, %dma_wait3A_478] : memref<2x320000xi32, #tpu.memory_space<hbm>> -> memref<1x320000xi32, #tpu.memory_space<hbm>>
      %dma_wait3A_480 = tpu.memref_squeeze %dma_wait3A_479 : memref<1x320000xi32, #tpu.memory_space<hbm>> -> memref<320000xi32, #tpu.memory_space<hbm>>
      %dma_wait3A_481 = tpu.memref_slice %dma_wait3A_480[%mul3A_472] : memref<320000xi32, #tpu.memory_space<hbm>> -> memref<128xi32, #tpu.memory_space<hbm>>
      tpu.wait_dma2 semaphore(%arg24 : memref<!tpu.dma_semaphore, #tpu.memory_space<semaphore_mem>>) src(%dma_wait3A_481 : memref<128xi32, #tpu.memory_space<hbm>>) dst(%arg6 : memref<128xi32, #tpu.memory_space<vmem>>)
      %dma_wait3A_482 = arith.constant 1 : i32
      %dma_wait3A_483 = arith.constant 0 : i32
      %dma_wait3A_484 = tpu.memref_slice %arg3[%dma_wait3A_482, %dma_wait3A_483] : memref<2x320000xi32, #tpu.memory_space<hbm>> -> memref<1x320000xi32, #tpu.memory_space<hbm>>
      %dma_wait3A_485 = tpu.memref_squeeze %dma_wait3A_484 : memref<1x320000xi32, #tpu.memory_space<hbm>> -> memref<320000xi32, #tpu.memory_space<hbm>>
      %dma_wait3A_486 = tpu.memref_slice %dma_wait3A_485[%mul3A_472] : memref<320000xi32, #tpu.memory_space<hbm>> -> memref<128xi32, #tpu.memory_space<hbm>>
      %dma_wait3A_487 = arith.constant 0 : i32
      %dma_wait3A_488 = tpu.memref_slice %arg3[%dma_wait3A_482, %dma_wait3A_487] : memref<2x320000xi32, #tpu.memory_space<hbm>> -> memref<1x320000xi32, #tpu.memory_space<hbm>>
      %dma_wait3A_489 = tpu.memref_squeeze %dma_wait3A_488 : memref<1x320000xi32, #tpu.memory_space<hbm>> -> memref<320000xi32, #tpu.memory_space<hbm>>
      %dma_wait3A_490 = tpu.memref_slice %dma_wait3A_489[%mul3A_472] : memref<320000xi32, #tpu.memory_space<hbm>> -> memref<128xi32, #tpu.memory_space<hbm>>
      tpu.wait_dma2 semaphore(%arg24 : memref<!tpu.dma_semaphore, #tpu.memory_space<semaphore_mem>>) src(%dma_wait3A_490 : memref<128xi32, #tpu.memory_space<hbm>>) dst(%arg8 : memref<128xi32, #tpu.memory_space<vmem>>)
      %dma_start3A_491 = arith.constant 0 : i32
      %dma_start3A_492 = arith.constant 0 : i32
      %dma_start3A_493 = tpu.memref_slice %arg2[%dma_start3A_491, %dma_start3A_492] : memref<10000x128xf32, #tpu.memory_space<hbm>> -> memref<10000x128xf32, #tpu.memory_space<hbm>>
      tpu.enqueue_indirect_dma source(%dma_start3A_493 : memref<10000x128xf32, #tpu.memory_space<hbm>>) target(%arg12 : memref<128x128xf32, #tpu.memory_space<vmem>>) offsets(%arg6 : memref<128xi32, #tpu.memory_space<vmem>>) semaphore(%arg18 : memref<!tpu.dma_semaphore, #tpu.memory_space<semaphore_mem>>)
      %add3A_494 = arith.constant 4 : i32
      %add3A_495 = arith.addi %mul3A_277, %add3A_494 : i32
      %dma_wait3A_496 = arith.constant 0 : i32
      %dma_wait3A_497 = arith.constant 0 : i32
      %dma_wait3A_498 = tpu.memref_slice %arg2[%dma_wait3A_496, %dma_wait3A_497] : memref<10000x128xf32, #tpu.memory_space<hbm>> -> memref<10000x128xf32, #tpu.memory_space<hbm>>
      tpu.wait_indirect_dma semaphore(%arg18 : memref<!tpu.dma_semaphore, #tpu.memory_space<semaphore_mem>>) src(%dma_wait3A_498 : memref<10000x128xf32, #tpu.memory_space<hbm>>) dst(%arg12 : memref<128x128xf32, #tpu.memory_space<vmem>>)
      %dma_start3A_499 = arith.constant 0 : i32
      %dma_start3A_500 = arith.constant 0 : i32
      %dma_start3A_501 = tpu.memref_slice %arg16[%dma_start3A_499, %dma_start3A_500] : memref<10240x128xf32, #tpu.memory_space<vmem_shared>> -> memref<10240x128xf32, #tpu.memory_space<vmem_shared>>
      tpu.enqueue_indirect_dma source(%arg12 : memref<128x128xf32, #tpu.memory_space<vmem>>) target(%dma_start3A_501 : memref<10240x128xf32, #tpu.memory_space<vmem_shared>>) offsets(%arg8 : memref<128xi32, #tpu.memory_space<vmem>>) semaphore(%arg20 : memref<!tpu.dma_semaphore, #tpu.memory_space<semaphore_mem>>) {add = true}
      %dma_start3A_502 = arith.constant 0 : i32
      %dma_start3A_503 = tpu.memref_slice %arg17[%dma_start3A_502] : memref<10240xf32, #tpu.memory_space<vmem_shared>> -> memref<10240xf32, #tpu.memory_space<vmem_shared>>
      tpu.enqueue_indirect_dma source(%arg14 : memref<128xf32, #tpu.memory_space<vmem>>) target(%dma_start3A_503 : memref<10240xf32, #tpu.memory_space<vmem_shared>>) offsets(%arg8 : memref<128xi32, #tpu.memory_space<vmem>>) semaphore(%arg22 : memref<!tpu.dma_semaphore, #tpu.memory_space<semaphore_mem>>) {add = true}
      %add3A_504 = arith.constant 2 : i32
      %add3A_505 = arith.addi %add3A_495, %add3A_504 : i32
      %mul3A_506 = arith.constant 32 : i32
      %mul3A_507 = arith.muli %mul3A_506, %add3A_505 : i32
      %add3A_508 = arith.addi %add3A, %mul3A_507 : i32
      %min3A_509 = arith.constant 2499 : i32
      %min3A_510 = arith.minsi %add3A_508, %min3A_509 : i32
      %mul3A_511 = arith.constant 128 : i32
      %mul3A_512 = arith.muli %min3A_510, %mul3A_511 : i32
      %dma_start3A_513 = arith.constant 0 : i32
      %dma_start3A_514 = arith.constant 0 : i32
      %dma_start3A_515 = tpu.memref_slice %arg3[%dma_start3A_513, %dma_start3A_514] : memref<2x320000xi32, #tpu.memory_space<hbm>> -> memref<1x320000xi32, #tpu.memory_space<hbm>>
      %dma_start3A_516 = tpu.memref_squeeze %dma_start3A_515 : memref<1x320000xi32, #tpu.memory_space<hbm>> -> memref<320000xi32, #tpu.memory_space<hbm>>
      %dma_start3A_517 = tpu.memref_slice %dma_start3A_516[%mul3A_512] : memref<320000xi32, #tpu.memory_space<hbm>> -> memref<128xi32, #tpu.memory_space<hbm>>
      %dma_start3A_518 = arith.constant 0 : i32
      %dma_start3A_519 = tpu.memref_slice %arg3[%dma_start3A_513, %dma_start3A_518] : memref<2x320000xi32, #tpu.memory_space<hbm>> -> memref<1x320000xi32, #tpu.memory_space<hbm>>
      %dma_start3A_520 = tpu.memref_squeeze %dma_start3A_519 : memref<1x320000xi32, #tpu.memory_space<hbm>> -> memref<320000xi32, #tpu.memory_space<hbm>>
      %dma_start3A_521 = tpu.memref_slice %dma_start3A_520[%mul3A_512] : memref<320000xi32, #tpu.memory_space<hbm>> -> memref<128xi32, #tpu.memory_space<hbm>>
      tpu.enqueue_dma source(%dma_start3A_521 : memref<128xi32, #tpu.memory_space<hbm>>) target(%arg6 : memref<128xi32, #tpu.memory_space<vmem>>) target_semaphore(%arg24 : memref<!tpu.dma_semaphore, #tpu.memory_space<semaphore_mem>>)
      %dma_start3A_522 = arith.constant 1 : i32
      %dma_start3A_523 = arith.constant 0 : i32
      %dma_start3A_524 = tpu.memref_slice %arg3[%dma_start3A_522, %dma_start3A_523] : memref<2x320000xi32, #tpu.memory_space<hbm>> -> memref<1x320000xi32, #tpu.memory_space<hbm>>
      %dma_start3A_525 = tpu.memref_squeeze %dma_start3A_524 : memref<1x320000xi32, #tpu.memory_space<hbm>> -> memref<320000xi32, #tpu.memory_space<hbm>>
      %dma_start3A_526 = tpu.memref_slice %dma_start3A_525[%mul3A_512] : memref<320000xi32, #tpu.memory_space<hbm>> -> memref<128xi32, #tpu.memory_space<hbm>>
      %dma_start3A_527 = arith.constant 0 : i32
      %dma_start3A_528 = tpu.memref_slice %arg3[%dma_start3A_522, %dma_start3A_527] : memref<2x320000xi32, #tpu.memory_space<hbm>> -> memref<1x320000xi32, #tpu.memory_space<hbm>>
      %dma_start3A_529 = tpu.memref_squeeze %dma_start3A_528 : memref<1x320000xi32, #tpu.memory_space<hbm>> -> memref<320000xi32, #tpu.memory_space<hbm>>
      %dma_start3A_530 = tpu.memref_slice %dma_start3A_529[%mul3A_512] : memref<320000xi32, #tpu.memory_space<hbm>> -> memref<128xi32, #tpu.memory_space<hbm>>
      tpu.enqueue_dma source(%dma_start3A_530 : memref<128xi32, #tpu.memory_space<hbm>>) target(%arg10 : memref<128xi32, #tpu.memory_space<vmem>>) target_semaphore(%arg24 : memref<!tpu.dma_semaphore, #tpu.memory_space<semaphore_mem>>)
      %dma_wait3A_531 = arith.constant 0 : i32
      %dma_wait3A_532 = arith.constant 0 : i32
      %dma_wait3A_533 = tpu.memref_slice %arg16[%dma_wait3A_531, %dma_wait3A_532] : memref<10240x128xf32, #tpu.memory_space<vmem_shared>> -> memref<10240x128xf32, #tpu.memory_space<vmem_shared>>
      tpu.wait_indirect_dma semaphore(%arg21 : memref<!tpu.dma_semaphore, #tpu.memory_space<semaphore_mem>>) src(%arg13 : memref<128x128xf32, #tpu.memory_space<vmem>>) dst(%dma_wait3A_533 : memref<10240x128xf32, #tpu.memory_space<vmem_shared>>)
      %dma_wait3A_534 = arith.constant 0 : i32
      %dma_wait3A_535 = tpu.memref_slice %arg17[%dma_wait3A_534] : memref<10240xf32, #tpu.memory_space<vmem_shared>> -> memref<10240xf32, #tpu.memory_space<vmem_shared>>
      tpu.wait_indirect_dma semaphore(%arg23 : memref<!tpu.dma_semaphore, #tpu.memory_space<semaphore_mem>>) src(%arg14 : memref<128xf32, #tpu.memory_space<vmem>>) dst(%dma_wait3A_535 : memref<10240xf32, #tpu.memory_space<vmem_shared>>)
      %add3A_536 = arith.constant 1 : i32
      %add3A_537 = arith.addi %add3A_495, %add3A_536 : i32
      %mul3A_538 = arith.constant 32 : i32
      %mul3A_539 = arith.muli %mul3A_538, %add3A_537 : i32
      %add3A_540 = arith.addi %add3A, %mul3A_539 : i32
      %min3A_541 = arith.constant 2499 : i32
      %min3A_542 = arith.minsi %add3A_540, %min3A_541 : i32
      %mul3A_543 = arith.constant 128 : i32
      %mul3A_544 = arith.muli %min3A_542, %mul3A_543 : i32
      %dma_wait3A_545 = arith.constant 0 : i32
      %dma_wait3A_546 = arith.constant 0 : i32
      %dma_wait3A_547 = tpu.memref_slice %arg3[%dma_wait3A_545, %dma_wait3A_546] : memref<2x320000xi32, #tpu.memory_space<hbm>> -> memref<1x320000xi32, #tpu.memory_space<hbm>>
      %dma_wait3A_548 = tpu.memref_squeeze %dma_wait3A_547 : memref<1x320000xi32, #tpu.memory_space<hbm>> -> memref<320000xi32, #tpu.memory_space<hbm>>
      %dma_wait3A_549 = tpu.memref_slice %dma_wait3A_548[%mul3A_544] : memref<320000xi32, #tpu.memory_space<hbm>> -> memref<128xi32, #tpu.memory_space<hbm>>
      %dma_wait3A_550 = arith.constant 0 : i32
      %dma_wait3A_551 = tpu.memref_slice %arg3[%dma_wait3A_545, %dma_wait3A_550] : memref<2x320000xi32, #tpu.memory_space<hbm>> -> memref<1x320000xi32, #tpu.memory_space<hbm>>
      %dma_wait3A_552 = tpu.memref_squeeze %dma_wait3A_551 : memref<1x320000xi32, #tpu.memory_space<hbm>> -> memref<320000xi32, #tpu.memory_space<hbm>>
      %dma_wait3A_553 = tpu.memref_slice %dma_wait3A_552[%mul3A_544] : memref<320000xi32, #tpu.memory_space<hbm>> -> memref<128xi32, #tpu.memory_space<hbm>>
      tpu.wait_dma2 semaphore(%arg25 : memref<!tpu.dma_semaphore, #tpu.memory_space<semaphore_mem>>) src(%dma_wait3A_553 : memref<128xi32, #tpu.memory_space<hbm>>) dst(%arg7 : memref<128xi32, #tpu.memory_space<vmem>>)
      %dma_wait3A_554 = arith.constant 1 : i32
      %dma_wait3A_555 = arith.constant 0 : i32
      %dma_wait3A_556 = tpu.memref_slice %arg3[%dma_wait3A_554, %dma_wait3A_555] : memref<2x320000xi32, #tpu.memory_space<hbm>> -> memref<1x320000xi32, #tpu.memory_space<hbm>>
      %dma_wait3A_557 = tpu.memref_squeeze %dma_wait3A_556 : memref<1x320000xi32, #tpu.memory_space<hbm>> -> memref<320000xi32, #tpu.memory_space<hbm>>
      %dma_wait3A_558 = tpu.memref_slice %dma_wait3A_557[%mul3A_544] : memref<320000xi32, #tpu.memory_space<hbm>> -> memref<128xi32, #tpu.memory_space<hbm>>
      %dma_wait3A_559 = arith.constant 0 : i32
      %dma_wait3A_560 = tpu.memref_slice %arg3[%dma_wait3A_554, %dma_wait3A_559] : memref<2x320000xi32, #tpu.memory_space<hbm>> -> memref<1x320000xi32, #tpu.memory_space<hbm>>
      %dma_wait3A_561 = tpu.memref_squeeze %dma_wait3A_560 : memref<1x320000xi32, #tpu.memory_space<hbm>> -> memref<320000xi32, #tpu.memory_space<hbm>>
      %dma_wait3A_562 = tpu.memref_slice %dma_wait3A_561[%mul3A_544] : memref<320000xi32, #tpu.memory_space<hbm>> -> memref<128xi32, #tpu.memory_space<hbm>>
      tpu.wait_dma2 semaphore(%arg25 : memref<!tpu.dma_semaphore, #tpu.memory_space<semaphore_mem>>) src(%dma_wait3A_562 : memref<128xi32, #tpu.memory_space<hbm>>) dst(%arg9 : memref<128xi32, #tpu.memory_space<vmem>>)
      %dma_start3A_563 = arith.constant 0 : i32
      %dma_start3A_564 = arith.constant 0 : i32
      %dma_start3A_565 = tpu.memref_slice %arg2[%dma_start3A_563, %dma_start3A_564] : memref<10000x128xf32, #tpu.memory_space<hbm>> -> memref<10000x128xf32, #tpu.memory_space<hbm>>
      tpu.enqueue_indirect_dma source(%dma_start3A_565 : memref<10000x128xf32, #tpu.memory_space<hbm>>) target(%arg13 : memref<128x128xf32, #tpu.memory_space<vmem>>) offsets(%arg7 : memref<128xi32, #tpu.memory_space<vmem>>) semaphore(%arg19 : memref<!tpu.dma_semaphore, #tpu.memory_space<semaphore_mem>>)
      %scan3A_566 = arith.constant 0 : i32
      scf.yield %scan3A_566 : i32
    }
    %scan3A_107 = arith.constant 19 : i32
    %dma_wait3A_108 = arith.constant 0 : i32
    %dma_wait3A_109 = arith.constant 0 : i32
    %dma_wait3A_110 = tpu.memref_slice %arg2[%dma_wait3A_108, %dma_wait3A_109] : memref<10000x128xf32, #tpu.memory_space<hbm>> -> memref<10000x128xf32, #tpu.memory_space<hbm>>
    tpu.wait_indirect_dma semaphore(%arg19 : memref<!tpu.dma_semaphore, #tpu.memory_space<semaphore_mem>>) src(%dma_wait3A_110 : memref<10000x128xf32, #tpu.memory_space<hbm>>) dst(%arg13 : memref<128x128xf32, #tpu.memory_space<vmem>>)
    %dma_start3A_111 = arith.constant 0 : i32
    %dma_start3A_112 = arith.constant 0 : i32
    %dma_start3A_113 = tpu.memref_slice %arg16[%dma_start3A_111, %dma_start3A_112] : memref<10240x128xf32, #tpu.memory_space<vmem_shared>> -> memref<10240x128xf32, #tpu.memory_space<vmem_shared>>
    tpu.enqueue_indirect_dma source(%arg13 : memref<128x128xf32, #tpu.memory_space<vmem>>) target(%dma_start3A_113 : memref<10240x128xf32, #tpu.memory_space<vmem_shared>>) offsets(%arg9 : memref<128xi32, #tpu.memory_space<vmem>>) semaphore(%arg21 : memref<!tpu.dma_semaphore, #tpu.memory_space<semaphore_mem>>) {add = true}
    %dma_start3A_114 = arith.constant 0 : i32
    %dma_start3A_115 = tpu.memref_slice %arg17[%dma_start3A_114] : memref<10240xf32, #tpu.memory_space<vmem_shared>> -> memref<10240xf32, #tpu.memory_space<vmem_shared>>
    tpu.enqueue_indirect_dma source(%arg14 : memref<128xf32, #tpu.memory_space<vmem>>) target(%dma_start3A_115 : memref<10240xf32, #tpu.memory_space<vmem_shared>>) offsets(%arg9 : memref<128xi32, #tpu.memory_space<vmem>>) semaphore(%arg23 : memref<!tpu.dma_semaphore, #tpu.memory_space<semaphore_mem>>) {add = true}
    %add3A_116 = arith.constant 2528 : i32
    %add3A_117 = arith.addi %add3A, %add3A_116 : i32
    %min3A_118 = arith.constant 2499 : i32
    %min3A_119 = arith.minsi %add3A_117, %min3A_118 : i32
    %mul3A_120 = arith.constant 128 : i32
    %mul3A_121 = arith.muli %min3A_119, %mul3A_120 : i32
    %dma_start3A_122 = arith.constant 0 : i32
    %dma_start3A_123 = arith.constant 0 : i32
    %dma_start3A_124 = tpu.memref_slice %arg3[%dma_start3A_122, %dma_start3A_123] : memref<2x320000xi32, #tpu.memory_space<hbm>> -> memref<1x320000xi32, #tpu.memory_space<hbm>>
    %dma_start3A_125 = tpu.memref_squeeze %dma_start3A_124 : memref<1x320000xi32, #tpu.memory_space<hbm>> -> memref<320000xi32, #tpu.memory_space<hbm>>
    %dma_start3A_126 = tpu.memref_slice %dma_start3A_125[%mul3A_121] : memref<320000xi32, #tpu.memory_space<hbm>> -> memref<128xi32, #tpu.memory_space<hbm>>
    %dma_start3A_127 = arith.constant 0 : i32
    %dma_start3A_128 = tpu.memref_slice %arg3[%dma_start3A_122, %dma_start3A_127] : memref<2x320000xi32, #tpu.memory_space<hbm>> -> memref<1x320000xi32, #tpu.memory_space<hbm>>
    %dma_start3A_129 = tpu.memref_squeeze %dma_start3A_128 : memref<1x320000xi32, #tpu.memory_space<hbm>> -> memref<320000xi32, #tpu.memory_space<hbm>>
    %dma_start3A_130 = tpu.memref_slice %dma_start3A_129[%mul3A_121] : memref<320000xi32, #tpu.memory_space<hbm>> -> memref<128xi32, #tpu.memory_space<hbm>>
    tpu.enqueue_dma source(%dma_start3A_130 : memref<128xi32, #tpu.memory_space<hbm>>) target(%arg7 : memref<128xi32, #tpu.memory_space<vmem>>) target_semaphore(%arg25 : memref<!tpu.dma_semaphore, #tpu.memory_space<semaphore_mem>>)
    %dma_start3A_131 = arith.constant 1 : i32
    %dma_start3A_132 = arith.constant 0 : i32
    %dma_start3A_133 = tpu.memref_slice %arg3[%dma_start3A_131, %dma_start3A_132] : memref<2x320000xi32, #tpu.memory_space<hbm>> -> memref<1x320000xi32, #tpu.memory_space<hbm>>
    %dma_start3A_134 = tpu.memref_squeeze %dma_start3A_133 : memref<1x320000xi32, #tpu.memory_space<hbm>> -> memref<320000xi32, #tpu.memory_space<hbm>>
    %dma_start3A_135 = tpu.memref_slice %dma_start3A_134[%mul3A_121] : memref<320000xi32, #tpu.memory_space<hbm>> -> memref<128xi32, #tpu.memory_space<hbm>>
    %dma_start3A_136 = arith.constant 0 : i32
    %dma_start3A_137 = tpu.memref_slice %arg3[%dma_start3A_131, %dma_start3A_136] : memref<2x320000xi32, #tpu.memory_space<hbm>> -> memref<1x320000xi32, #tpu.memory_space<hbm>>
    %dma_start3A_138 = tpu.memref_squeeze %dma_start3A_137 : memref<1x320000xi32, #tpu.memory_space<hbm>> -> memref<320000xi32, #tpu.memory_space<hbm>>
    %dma_start3A_139 = tpu.memref_slice %dma_start3A_138[%mul3A_121] : memref<320000xi32, #tpu.memory_space<hbm>> -> memref<128xi32, #tpu.memory_space<hbm>>
    tpu.enqueue_dma source(%dma_start3A_139 : memref<128xi32, #tpu.memory_space<hbm>>) target(%arg11 : memref<128xi32, #tpu.memory_space<vmem>>) target_semaphore(%arg25 : memref<!tpu.dma_semaphore, #tpu.memory_space<semaphore_mem>>)
    %dma_wait3A_140 = arith.constant 0 : i32
    %dma_wait3A_141 = arith.constant 0 : i32
    %dma_wait3A_142 = tpu.memref_slice %arg16[%dma_wait3A_140, %dma_wait3A_141] : memref<10240x128xf32, #tpu.memory_space<vmem_shared>> -> memref<10240x128xf32, #tpu.memory_space<vmem_shared>>
    tpu.wait_indirect_dma semaphore(%arg20 : memref<!tpu.dma_semaphore, #tpu.memory_space<semaphore_mem>>) src(%arg12 : memref<128x128xf32, #tpu.memory_space<vmem>>) dst(%dma_wait3A_142 : memref<10240x128xf32, #tpu.memory_space<vmem_shared>>)
    %dma_wait3A_143 = arith.constant 0 : i32
    %dma_wait3A_144 = tpu.memref_slice %arg17[%dma_wait3A_143] : memref<10240xf32, #tpu.memory_space<vmem_shared>> -> memref<10240xf32, #tpu.memory_space<vmem_shared>>
    tpu.wait_indirect_dma semaphore(%arg22 : memref<!tpu.dma_semaphore, #tpu.memory_space<semaphore_mem>>) src(%arg14 : memref<128xf32, #tpu.memory_space<vmem>>) dst(%dma_wait3A_144 : memref<10240xf32, #tpu.memory_space<vmem_shared>>)
    %add3A_145 = arith.constant 2496 : i32
    %add3A_146 = arith.addi %add3A, %add3A_145 : i32
    %min3A_147 = arith.constant 2499 : i32
    %min3A_148 = arith.minsi %add3A_146, %min3A_147 : i32
    %mul3A_149 = arith.constant 128 : i32
    %mul3A_150 = arith.muli %min3A_148, %mul3A_149 : i32
    %dma_wait3A_151 = arith.constant 0 : i32
    %dma_wait3A_152 = arith.constant 0 : i32
    %dma_wait3A_153 = tpu.memref_slice %arg3[%dma_wait3A_151, %dma_wait3A_152] : memref<2x320000xi32, #tpu.memory_space<hbm>> -> memref<1x320000xi32, #tpu.memory_space<hbm>>
    %dma_wait3A_154 = tpu.memref_squeeze %dma_wait3A_153 : memref<1x320000xi32, #tpu.memory_space<hbm>> -> memref<320000xi32, #tpu.memory_space<hbm>>
    %dma_wait3A_155 = tpu.memref_slice %dma_wait3A_154[%mul3A_150] : memref<320000xi32, #tpu.memory_space<hbm>> -> memref<128xi32, #tpu.memory_space<hbm>>
    %dma_wait3A_156 = arith.constant 0 : i32
    %dma_wait3A_157 = tpu.memref_slice %arg3[%dma_wait3A_151, %dma_wait3A_156] : memref<2x320000xi32, #tpu.memory_space<hbm>> -> memref<1x320000xi32, #tpu.memory_space<hbm>>
    %dma_wait3A_158 = tpu.memref_squeeze %dma_wait3A_157 : memref<1x320000xi32, #tpu.memory_space<hbm>> -> memref<320000xi32, #tpu.memory_space<hbm>>
    %dma_wait3A_159 = tpu.memref_slice %dma_wait3A_158[%mul3A_150] : memref<320000xi32, #tpu.memory_space<hbm>> -> memref<128xi32, #tpu.memory_space<hbm>>
    tpu.wait_dma2 semaphore(%arg24 : memref<!tpu.dma_semaphore, #tpu.memory_space<semaphore_mem>>) src(%dma_wait3A_159 : memref<128xi32, #tpu.memory_space<hbm>>) dst(%arg6 : memref<128xi32, #tpu.memory_space<vmem>>)
    %dma_wait3A_160 = arith.constant 1 : i32
    %dma_wait3A_161 = arith.constant 0 : i32
    %dma_wait3A_162 = tpu.memref_slice %arg3[%dma_wait3A_160, %dma_wait3A_161] : memref<2x320000xi32, #tpu.memory_space<hbm>> -> memref<1x320000xi32, #tpu.memory_space<hbm>>
    %dma_wait3A_163 = tpu.memref_squeeze %dma_wait3A_162 : memref<1x320000xi32, #tpu.memory_space<hbm>> -> memref<320000xi32, #tpu.memory_space<hbm>>
    %dma_wait3A_164 = tpu.memref_slice %dma_wait3A_163[%mul3A_150] : memref<320000xi32, #tpu.memory_space<hbm>> -> memref<128xi32, #tpu.memory_space<hbm>>
    %dma_wait3A_165 = arith.constant 0 : i32
    %dma_wait3A_166 = tpu.memref_slice %arg3[%dma_wait3A_160, %dma_wait3A_165] : memref<2x320000xi32, #tpu.memory_space<hbm>> -> memref<1x320000xi32, #tpu.memory_space<hbm>>
    %dma_wait3A_167 = tpu.memref_squeeze %dma_wait3A_166 : memref<1x320000xi32, #tpu.memory_space<hbm>> -> memref<320000xi32, #tpu.memory_space<hbm>>
    %dma_wait3A_168 = tpu.memref_slice %dma_wait3A_167[%mul3A_150] : memref<320000xi32, #tpu.memory_space<hbm>> -> memref<128xi32, #tpu.memory_space<hbm>>
    tpu.wait_dma2 semaphore(%arg24 : memref<!tpu.dma_semaphore, #tpu.memory_space<semaphore_mem>>) src(%dma_wait3A_168 : memref<128xi32, #tpu.memory_space<hbm>>) dst(%arg10 : memref<128xi32, #tpu.memory_space<vmem>>)
    %dma_start3A_169 = arith.constant 0 : i32
    %dma_start3A_170 = arith.constant 0 : i32
    %dma_start3A_171 = tpu.memref_slice %arg2[%dma_start3A_169, %dma_start3A_170] : memref<10000x128xf32, #tpu.memory_space<hbm>> -> memref<10000x128xf32, #tpu.memory_space<hbm>>
    tpu.enqueue_indirect_dma source(%dma_start3A_171 : memref<10000x128xf32, #tpu.memory_space<hbm>>) target(%arg12 : memref<128x128xf32, #tpu.memory_space<vmem>>) offsets(%arg6 : memref<128xi32, #tpu.memory_space<vmem>>) semaphore(%arg18 : memref<!tpu.dma_semaphore, #tpu.memory_space<semaphore_mem>>)
    %dma_wait3A_172 = arith.constant 0 : i32
    %dma_wait3A_173 = arith.constant 0 : i32
    %dma_wait3A_174 = tpu.memref_slice %arg2[%dma_wait3A_172, %dma_wait3A_173] : memref<10000x128xf32, #tpu.memory_space<hbm>> -> memref<10000x128xf32, #tpu.memory_space<hbm>>
    tpu.wait_indirect_dma semaphore(%arg18 : memref<!tpu.dma_semaphore, #tpu.memory_space<semaphore_mem>>) src(%dma_wait3A_174 : memref<10000x128xf32, #tpu.memory_space<hbm>>) dst(%arg12 : memref<128x128xf32, #tpu.memory_space<vmem>>)
    %dma_wait3A_175 = arith.constant 0 : i32
    %dma_wait3A_176 = arith.constant 0 : i32
    %dma_wait3A_177 = tpu.memref_slice %arg16[%dma_wait3A_175, %dma_wait3A_176] : memref<10240x128xf32, #tpu.memory_space<vmem_shared>> -> memref<10240x128xf32, #tpu.memory_space<vmem_shared>>
    tpu.wait_indirect_dma semaphore(%arg21 : memref<!tpu.dma_semaphore, #tpu.memory_space<semaphore_mem>>) src(%arg13 : memref<128x128xf32, #tpu.memory_space<vmem>>) dst(%dma_wait3A_177 : memref<10240x128xf32, #tpu.memory_space<vmem_shared>>)
    %dma_wait3A_178 = arith.constant 0 : i32
    %dma_wait3A_179 = tpu.memref_slice %arg17[%dma_wait3A_178] : memref<10240xf32, #tpu.memory_space<vmem_shared>> -> memref<10240xf32, #tpu.memory_space<vmem_shared>>
    tpu.wait_indirect_dma semaphore(%arg23 : memref<!tpu.dma_semaphore, #tpu.memory_space<semaphore_mem>>) src(%arg14 : memref<128xf32, #tpu.memory_space<vmem>>) dst(%dma_wait3A_179 : memref<10240xf32, #tpu.memory_space<vmem_shared>>)
    %add3A_180 = arith.constant 2528 : i32
    %add3A_181 = arith.addi %add3A, %add3A_180 : i32
    %min3A_182 = arith.constant 2499 : i32
    %min3A_183 = arith.minsi %add3A_181, %min3A_182 : i32
    %mul3A_184 = arith.constant 128 : i32
    %mul3A_185 = arith.muli %min3A_183, %mul3A_184 : i32
    %dma_wait3A_186 = arith.constant 0 : i32
    %dma_wait3A_187 = arith.constant 0 : i32
    %dma_wait3A_188 = tpu.memref_slice %arg3[%dma_wait3A_186, %dma_wait3A_187] : memref<2x320000xi32, #tpu.memory_space<hbm>> -> memref<1x320000xi32, #tpu.memory_space<hbm>>
    %dma_wait3A_189 = tpu.memref_squeeze %dma_wait3A_188 : memref<1x320000xi32, #tpu.memory_space<hbm>> -> memref<320000xi32, #tpu.memory_space<hbm>>
    %dma_wait3A_190 = tpu.memref_slice %dma_wait3A_189[%mul3A_185] : memref<320000xi32, #tpu.memory_space<hbm>> -> memref<128xi32, #tpu.memory_space<hbm>>
    %dma_wait3A_191 = arith.constant 0 : i32
    %dma_wait3A_192 = tpu.memref_slice %arg3[%dma_wait3A_186, %dma_wait3A_191] : memref<2x320000xi32, #tpu.memory_space<hbm>> -> memref<1x320000xi32, #tpu.memory_space<hbm>>
    %dma_wait3A_193 = tpu.memref_squeeze %dma_wait3A_192 : memref<1x320000xi32, #tpu.memory_space<hbm>> -> memref<320000xi32, #tpu.memory_space<hbm>>
    %dma_wait3A_194 = tpu.memref_slice %dma_wait3A_193[%mul3A_185] : memref<320000xi32, #tpu.memory_space<hbm>> -> memref<128xi32, #tpu.memory_space<hbm>>
    tpu.wait_dma2 semaphore(%arg25 : memref<!tpu.dma_semaphore, #tpu.memory_space<semaphore_mem>>) src(%dma_wait3A_194 : memref<128xi32, #tpu.memory_space<hbm>>) dst(%arg7 : memref<128xi32, #tpu.memory_space<vmem>>)
    %dma_wait3A_195 = arith.constant 1 : i32
    %dma_wait3A_196 = arith.constant 0 : i32
    %dma_wait3A_197 = tpu.memref_slice %arg3[%dma_wait3A_195, %dma_wait3A_196] : memref<2x320000xi32, #tpu.memory_space<hbm>> -> memref<1x320000xi32, #tpu.memory_space<hbm>>
    %dma_wait3A_198 = tpu.memref_squeeze %dma_wait3A_197 : memref<1x320000xi32, #tpu.memory_space<hbm>> -> memref<320000xi32, #tpu.memory_space<hbm>>
    %dma_wait3A_199 = tpu.memref_slice %dma_wait3A_198[%mul3A_185] : memref<320000xi32, #tpu.memory_space<hbm>> -> memref<128xi32, #tpu.memory_space<hbm>>
    %dma_wait3A_200 = arith.constant 0 : i32
    %dma_wait3A_201 = tpu.memref_slice %arg3[%dma_wait3A_195, %dma_wait3A_200] : memref<2x320000xi32, #tpu.memory_space<hbm>> -> memref<1x320000xi32, #tpu.memory_space<hbm>>
    %dma_wait3A_202 = tpu.memref_squeeze %dma_wait3A_201 : memref<1x320000xi32, #tpu.memory_space<hbm>> -> memref<320000xi32, #tpu.memory_space<hbm>>
    %dma_wait3A_203 = tpu.memref_slice %dma_wait3A_202[%mul3A_185] : memref<320000xi32, #tpu.memory_space<hbm>> -> memref<128xi32, #tpu.memory_space<hbm>>
    tpu.wait_dma2 semaphore(%arg25 : memref<!tpu.dma_semaphore, #tpu.memory_space<semaphore_mem>>) src(%dma_wait3A_203 : memref<128xi32, #tpu.memory_space<hbm>>) dst(%arg11 : memref<128xi32, #tpu.memory_space<vmem>>)
    %lt3A_204 = arith.constant 4 : i32
    %lt3A_205 = arith.cmpi slt, %add3A, %lt3A_204 : i32
    %convert_element_type3A_206 = arith.extui %lt3A_205 : i1 to i32
    %cond3A_207 = arith.constant 0 : i32
    %cond3A_208 = arith.cmpi ne, %convert_element_type3A_206, %cond3A_207 : i32
    scf.if %cond3A_208 {
      "tpu.region"() ({
        %run_scoped3A_274 = tpu.sem_alloc : memref<!tpu.dma_semaphore, #tpu.memory_space<semaphore_mem>>
        %dma_start3A_275 = arith.constant 0 : i32
        %dma_start3A_276 = arith.constant 0 : i32
        %dma_start3A_277 = tpu.memref_slice %arg16[%dma_start3A_275, %dma_start3A_276] : memref<10240x128xf32, #tpu.memory_space<vmem_shared>> -> memref<10240x128xf32, #tpu.memory_space<vmem_shared>>
        tpu.enqueue_indirect_dma source(%arg12 : memref<128x128xf32, #tpu.memory_space<vmem>>) target(%dma_start3A_277 : memref<10240x128xf32, #tpu.memory_space<vmem_shared>>) offsets(%arg10 : memref<128xi32, #tpu.memory_space<vmem>>) semaphore(%run_scoped3A_274 : memref<!tpu.dma_semaphore, #tpu.memory_space<semaphore_mem>>) {add = true}
        %dma_wait3A_278 = arith.constant 0 : i32
        %dma_wait3A_279 = arith.constant 0 : i32
        %dma_wait3A_280 = tpu.memref_slice %arg16[%dma_wait3A_278, %dma_wait3A_279] : memref<10240x128xf32, #tpu.memory_space<vmem_shared>> -> memref<10240x128xf32, #tpu.memory_space<vmem_shared>>
        tpu.wait_indirect_dma semaphore(%run_scoped3A_274 : memref<!tpu.dma_semaphore, #tpu.memory_space<semaphore_mem>>) src(%arg12 : memref<128x128xf32, #tpu.memory_space<vmem>>) dst(%dma_wait3A_280 : memref<10240x128xf32, #tpu.memory_space<vmem_shared>>)
        tpu.yield
      }) : () -> ()
      "tpu.region"() ({
        %run_scoped3A_274 = tpu.sem_alloc : memref<!tpu.dma_semaphore, #tpu.memory_space<semaphore_mem>>
        %dma_start3A_275 = arith.constant 0 : i32
        %dma_start3A_276 = tpu.memref_slice %arg17[%dma_start3A_275] : memref<10240xf32, #tpu.memory_space<vmem_shared>> -> memref<10240xf32, #tpu.memory_space<vmem_shared>>
        tpu.enqueue_indirect_dma source(%arg14 : memref<128xf32, #tpu.memory_space<vmem>>) target(%dma_start3A_276 : memref<10240xf32, #tpu.memory_space<vmem_shared>>) offsets(%arg10 : memref<128xi32, #tpu.memory_space<vmem>>) semaphore(%run_scoped3A_274 : memref<!tpu.dma_semaphore, #tpu.memory_space<semaphore_mem>>) {add = true}
        %dma_wait3A_277 = arith.constant 0 : i32
        %dma_wait3A_278 = tpu.memref_slice %arg17[%dma_wait3A_277] : memref<10240xf32, #tpu.memory_space<vmem_shared>> -> memref<10240xf32, #tpu.memory_space<vmem_shared>>
        tpu.wait_indirect_dma semaphore(%run_scoped3A_274 : memref<!tpu.dma_semaphore, #tpu.memory_space<semaphore_mem>>) src(%arg14 : memref<128xf32, #tpu.memory_space<vmem>>) dst(%dma_wait3A_278 : memref<10240xf32, #tpu.memory_space<vmem_shared>>)
        tpu.yield
      }) : () -> ()
    } else {
    }
    %barrier3A_209 = arith.constant 0 : index
    tpu.barrier barrier_id(%barrier3A_209)
    %mul3A_210 = arith.constant 10 : i32
    %mul3A_211 = arith.muli %arg1, %mul3A_210 : i32
    %add3A_212 = arith.constant 0 : i32
    %add3A_213 = arith.addi %mul3A_211, %add3A_212 : i32
    %mul3A_214 = arith.constant 64 : i32
    %mul3A_215 = arith.muli %add3A_213, %mul3A_214 : i32
    "tpu.region"() ({
      %run_scoped3A_274 = tpu.sem_alloc : memref<!tpu.dma_semaphore, #tpu.memory_space<semaphore_mem>>
      %dma_start3A_275 = arith.constant 0 : i32
      %dma_start3A_276 = arith.constant 0 : i32
      %dma_start3A_277 = tpu.memref_slice %arg4[%arg0, %dma_start3A_275, %dma_start3A_276] : memref<2x10240x128xf32, #tpu.memory_space<hbm>> -> memref<1x10240x128xf32, #tpu.memory_space<hbm>>
      %dma_start3A_278 = tpu.memref_squeeze %dma_start3A_277 : memref<1x10240x128xf32, #tpu.memory_space<hbm>> -> memref<10240x128xf32, #tpu.memory_space<hbm>>
      %dma_start3A_279 = arith.constant 0 : i32
      %dma_start3A_280 = tpu.memref_slice %dma_start3A_278[%mul3A_215, %dma_start3A_279] : memref<10240x128xf32, #tpu.memory_space<hbm>> -> memref<64x128xf32, #tpu.memory_space<hbm>>
      %dma_start3A_281 = arith.constant 0 : i32
      %dma_start3A_282 = tpu.memref_slice %arg16[%mul3A_215, %dma_start3A_281] : memref<10240x128xf32, #tpu.memory_space<vmem_shared>> -> memref<64x128xf32, #tpu.memory_space<vmem_shared>>
      tpu.enqueue_dma source(%dma_start3A_282 : memref<64x128xf32, #tpu.memory_space<vmem_shared>>) target(%dma_start3A_280 : memref<64x128xf32, #tpu.memory_space<hbm>>) target_semaphore(%run_scoped3A_274 : memref<!tpu.dma_semaphore, #tpu.memory_space<semaphore_mem>>)
      %dma_wait3A_283 = arith.constant 0 : i32
      %dma_wait3A_284 = arith.constant 0 : i32
      %dma_wait3A_285 = tpu.memref_slice %arg4[%arg0, %dma_wait3A_283, %dma_wait3A_284] : memref<2x10240x128xf32, #tpu.memory_space<hbm>> -> memref<1x10240x128xf32, #tpu.memory_space<hbm>>
      %dma_wait3A_286 = tpu.memref_squeeze %dma_wait3A_285 : memref<1x10240x128xf32, #tpu.memory_space<hbm>> -> memref<10240x128xf32, #tpu.memory_space<hbm>>
      %dma_wait3A_287 = arith.constant 0 : i32
      %dma_wait3A_288 = tpu.memref_slice %dma_wait3A_286[%mul3A_215, %dma_wait3A_287] : memref<10240x128xf32, #tpu.memory_space<hbm>> -> memref<64x128xf32, #tpu.memory_space<hbm>>
      %dma_wait3A_289 = arith.constant 0 : i32
      %dma_wait3A_290 = tpu.memref_slice %arg16[%mul3A_215, %dma_wait3A_289] : memref<10240x128xf32, #tpu.memory_space<vmem_shared>> -> memref<64x128xf32, #tpu.memory_space<vmem_shared>>
      tpu.wait_dma2 semaphore(%run_scoped3A_274 : memref<!tpu.dma_semaphore, #tpu.memory_space<semaphore_mem>>) src(%dma_wait3A_290 : memref<64x128xf32, #tpu.memory_space<vmem_shared>>) dst(%dma_wait3A_288 : memref<64x128xf32, #tpu.memory_space<hbm>>)
      tpu.yield
    }) : () -> ()
    %mul3A_216 = arith.constant 10 : i32
    %mul3A_217 = arith.muli %arg1, %mul3A_216 : i32
    %add3A_218 = arith.constant 1 : i32
    %add3A_219 = arith.addi %mul3A_217, %add3A_218 : i32
    %mul3A_220 = arith.constant 64 : i32
    %mul3A_221 = arith.muli %add3A_219, %mul3A_220 : i32
    "tpu.region"() ({
      %run_scoped3A_274 = tpu.sem_alloc : memref<!tpu.dma_semaphore, #tpu.memory_space<semaphore_mem>>
      %dma_start3A_275 = arith.constant 0 : i32
      %dma_start3A_276 = arith.constant 0 : i32
      %dma_start3A_277 = tpu.memref_slice %arg4[%arg0, %dma_start3A_275, %dma_start3A_276] : memref<2x10240x128xf32, #tpu.memory_space<hbm>> -> memref<1x10240x128xf32, #tpu.memory_space<hbm>>
      %dma_start3A_278 = tpu.memref_squeeze %dma_start3A_277 : memref<1x10240x128xf32, #tpu.memory_space<hbm>> -> memref<10240x128xf32, #tpu.memory_space<hbm>>
      %dma_start3A_279 = arith.constant 0 : i32
      %dma_start3A_280 = tpu.memref_slice %dma_start3A_278[%mul3A_221, %dma_start3A_279] : memref<10240x128xf32, #tpu.memory_space<hbm>> -> memref<64x128xf32, #tpu.memory_space<hbm>>
      %dma_start3A_281 = arith.constant 0 : i32
      %dma_start3A_282 = tpu.memref_slice %arg16[%mul3A_221, %dma_start3A_281] : memref<10240x128xf32, #tpu.memory_space<vmem_shared>> -> memref<64x128xf32, #tpu.memory_space<vmem_shared>>
      tpu.enqueue_dma source(%dma_start3A_282 : memref<64x128xf32, #tpu.memory_space<vmem_shared>>) target(%dma_start3A_280 : memref<64x128xf32, #tpu.memory_space<hbm>>) target_semaphore(%run_scoped3A_274 : memref<!tpu.dma_semaphore, #tpu.memory_space<semaphore_mem>>)
      %dma_wait3A_283 = arith.constant 0 : i32
      %dma_wait3A_284 = arith.constant 0 : i32
      %dma_wait3A_285 = tpu.memref_slice %arg4[%arg0, %dma_wait3A_283, %dma_wait3A_284] : memref<2x10240x128xf32, #tpu.memory_space<hbm>> -> memref<1x10240x128xf32, #tpu.memory_space<hbm>>
      %dma_wait3A_286 = tpu.memref_squeeze %dma_wait3A_285 : memref<1x10240x128xf32, #tpu.memory_space<hbm>> -> memref<10240x128xf32, #tpu.memory_space<hbm>>
      %dma_wait3A_287 = arith.constant 0 : i32
      %dma_wait3A_288 = tpu.memref_slice %dma_wait3A_286[%mul3A_221, %dma_wait3A_287] : memref<10240x128xf32, #tpu.memory_space<hbm>> -> memref<64x128xf32, #tpu.memory_space<hbm>>
      %dma_wait3A_289 = arith.constant 0 : i32
      %dma_wait3A_290 = tpu.memref_slice %arg16[%mul3A_221, %dma_wait3A_289] : memref<10240x128xf32, #tpu.memory_space<vmem_shared>> -> memref<64x128xf32, #tpu.memory_space<vmem_shared>>
      tpu.wait_dma2 semaphore(%run_scoped3A_274 : memref<!tpu.dma_semaphore, #tpu.memory_space<semaphore_mem>>) src(%dma_wait3A_290 : memref<64x128xf32, #tpu.memory_space<vmem_shared>>) dst(%dma_wait3A_288 : memref<64x128xf32, #tpu.memory_space<hbm>>)
      tpu.yield
    }) : () -> ()
    %mul3A_222 = arith.constant 10 : i32
    %mul3A_223 = arith.muli %arg1, %mul3A_222 : i32
    %add3A_224 = arith.constant 2 : i32
    %add3A_225 = arith.addi %mul3A_223, %add3A_224 : i32
    %mul3A_226 = arith.constant 64 : i32
    %mul3A_227 = arith.muli %add3A_225, %mul3A_226 : i32
    "tpu.region"() ({
      %run_scoped3A_274 = tpu.sem_alloc : memref<!tpu.dma_semaphore, #tpu.memory_space<semaphore_mem>>
      %dma_start3A_275 = arith.constant 0 : i32
      %dma_start3A_276 = arith.constant 0 : i32
      %dma_start3A_277 = tpu.memref_slice %arg4[%arg0, %dma_start3A_275, %dma_start3A_276] : memref<2x10240x128xf32, #tpu.memory_space<hbm>> -> memref<1x10240x128xf32, #tpu.memory_space<hbm>>
      %dma_start3A_278 = tpu.memref_squeeze %dma_start3A_277 : memref<1x10240x128xf32, #tpu.memory_space<hbm>> -> memref<10240x128xf32, #tpu.memory_space<hbm>>
      %dma_start3A_279 = arith.constant 0 : i32
      %dma_start3A_280 = tpu.memref_slice %dma_start3A_278[%mul3A_227, %dma_start3A_279] : memref<10240x128xf32, #tpu.memory_space<hbm>> -> memref<64x128xf32, #tpu.memory_space<hbm>>
      %dma_start3A_281 = arith.constant 0 : i32
      %dma_start3A_282 = tpu.memref_slice %arg16[%mul3A_227, %dma_start3A_281] : memref<10240x128xf32, #tpu.memory_space<vmem_shared>> -> memref<64x128xf32, #tpu.memory_space<vmem_shared>>
      tpu.enqueue_dma source(%dma_start3A_282 : memref<64x128xf32, #tpu.memory_space<vmem_shared>>) target(%dma_start3A_280 : memref<64x128xf32, #tpu.memory_space<hbm>>) target_semaphore(%run_scoped3A_274 : memref<!tpu.dma_semaphore, #tpu.memory_space<semaphore_mem>>)
      %dma_wait3A_283 = arith.constant 0 : i32
      %dma_wait3A_284 = arith.constant 0 : i32
      %dma_wait3A_285 = tpu.memref_slice %arg4[%arg0, %dma_wait3A_283, %dma_wait3A_284] : memref<2x10240x128xf32, #tpu.memory_space<hbm>> -> memref<1x10240x128xf32, #tpu.memory_space<hbm>>
      %dma_wait3A_286 = tpu.memref_squeeze %dma_wait3A_285 : memref<1x10240x128xf32, #tpu.memory_space<hbm>> -> memref<10240x128xf32, #tpu.memory_space<hbm>>
      %dma_wait3A_287 = arith.constant 0 : i32
      %dma_wait3A_288 = tpu.memref_slice %dma_wait3A_286[%mul3A_227, %dma_wait3A_287] : memref<10240x128xf32, #tpu.memory_space<hbm>> -> memref<64x128xf32, #tpu.memory_space<hbm>>
      %dma_wait3A_289 = arith.constant 0 : i32
      %dma_wait3A_290 = tpu.memref_slice %arg16[%mul3A_227, %dma_wait3A_289] : memref<10240x128xf32, #tpu.memory_space<vmem_shared>> -> memref<64x128xf32, #tpu.memory_space<vmem_shared>>
      tpu.wait_dma2 semaphore(%run_scoped3A_274 : memref<!tpu.dma_semaphore, #tpu.memory_space<semaphore_mem>>) src(%dma_wait3A_290 : memref<64x128xf32, #tpu.memory_space<vmem_shared>>) dst(%dma_wait3A_288 : memref<64x128xf32, #tpu.memory_space<hbm>>)
      tpu.yield
    }) : () -> ()
    %mul3A_228 = arith.constant 10 : i32
    %mul3A_229 = arith.muli %arg1, %mul3A_228 : i32
    %add3A_230 = arith.constant 3 : i32
    %add3A_231 = arith.addi %mul3A_229, %add3A_230 : i32
    %mul3A_232 = arith.constant 64 : i32
    %mul3A_233 = arith.muli %add3A_231, %mul3A_232 : i32
    "tpu.region"() ({
      %run_scoped3A_274 = tpu.sem_alloc : memref<!tpu.dma_semaphore, #tpu.memory_space<semaphore_mem>>
      %dma_start3A_275 = arith.constant 0 : i32
      %dma_start3A_276 = arith.constant 0 : i32
      %dma_start3A_277 = tpu.memref_slice %arg4[%arg0, %dma_start3A_275, %dma_start3A_276] : memref<2x10240x128xf32, #tpu.memory_space<hbm>> -> memref<1x10240x128xf32, #tpu.memory_space<hbm>>
      %dma_start3A_278 = tpu.memref_squeeze %dma_start3A_277 : memref<1x10240x128xf32, #tpu.memory_space<hbm>> -> memref<10240x128xf32, #tpu.memory_space<hbm>>
      %dma_start3A_279 = arith.constant 0 : i32
      %dma_start3A_280 = tpu.memref_slice %dma_start3A_278[%mul3A_233, %dma_start3A_279] : memref<10240x128xf32, #tpu.memory_space<hbm>> -> memref<64x128xf32, #tpu.memory_space<hbm>>
      %dma_start3A_281 = arith.constant 0 : i32
      %dma_start3A_282 = tpu.memref_slice %arg16[%mul3A_233, %dma_start3A_281] : memref<10240x128xf32, #tpu.memory_space<vmem_shared>> -> memref<64x128xf32, #tpu.memory_space<vmem_shared>>
      tpu.enqueue_dma source(%dma_start3A_282 : memref<64x128xf32, #tpu.memory_space<vmem_shared>>) target(%dma_start3A_280 : memref<64x128xf32, #tpu.memory_space<hbm>>) target_semaphore(%run_scoped3A_274 : memref<!tpu.dma_semaphore, #tpu.memory_space<semaphore_mem>>)
      %dma_wait3A_283 = arith.constant 0 : i32
      %dma_wait3A_284 = arith.constant 0 : i32
      %dma_wait3A_285 = tpu.memref_slice %arg4[%arg0, %dma_wait3A_283, %dma_wait3A_284] : memref<2x10240x128xf32, #tpu.memory_space<hbm>> -> memref<1x10240x128xf32, #tpu.memory_space<hbm>>
      %dma_wait3A_286 = tpu.memref_squeeze %dma_wait3A_285 : memref<1x10240x128xf32, #tpu.memory_space<hbm>> -> memref<10240x128xf32, #tpu.memory_space<hbm>>
      %dma_wait3A_287 = arith.constant 0 : i32
      %dma_wait3A_288 = tpu.memref_slice %dma_wait3A_286[%mul3A_233, %dma_wait3A_287] : memref<10240x128xf32, #tpu.memory_space<hbm>> -> memref<64x128xf32, #tpu.memory_space<hbm>>
      %dma_wait3A_289 = arith.constant 0 : i32
      %dma_wait3A_290 = tpu.memref_slice %arg16[%mul3A_233, %dma_wait3A_289] : memref<10240x128xf32, #tpu.memory_space<vmem_shared>> -> memref<64x128xf32, #tpu.memory_space<vmem_shared>>
      tpu.wait_dma2 semaphore(%run_scoped3A_274 : memref<!tpu.dma_semaphore, #tpu.memory_space<semaphore_mem>>) src(%dma_wait3A_290 : memref<64x128xf32, #tpu.memory_space<vmem_shared>>) dst(%dma_wait3A_288 : memref<64x128xf32, #tpu.memory_space<hbm>>)
      tpu.yield
    }) : () -> ()
    %mul3A_234 = arith.constant 10 : i32
    %mul3A_235 = arith.muli %arg1, %mul3A_234 : i32
    %add3A_236 = arith.constant 4 : i32
    %add3A_237 = arith.addi %mul3A_235, %add3A_236 : i32
    %mul3A_238 = arith.constant 64 : i32
    %mul3A_239 = arith.muli %add3A_237, %mul3A_238 : i32
    "tpu.region"() ({
      %run_scoped3A_274 = tpu.sem_alloc : memref<!tpu.dma_semaphore, #tpu.memory_space<semaphore_mem>>
      %dma_start3A_275 = arith.constant 0 : i32
      %dma_start3A_276 = arith.constant 0 : i32
      %dma_start3A_277 = tpu.memref_slice %arg4[%arg0, %dma_start3A_275, %dma_start3A_276] : memref<2x10240x128xf32, #tpu.memory_space<hbm>> -> memref<1x10240x128xf32, #tpu.memory_space<hbm>>
      %dma_start3A_278 = tpu.memref_squeeze %dma_start3A_277 : memref<1x10240x128xf32, #tpu.memory_space<hbm>> -> memref<10240x128xf32, #tpu.memory_space<hbm>>
      %dma_start3A_279 = arith.constant 0 : i32
      %dma_start3A_280 = tpu.memref_slice %dma_start3A_278[%mul3A_239, %dma_start3A_279] : memref<10240x128xf32, #tpu.memory_space<hbm>> -> memref<64x128xf32, #tpu.memory_space<hbm>>
      %dma_start3A_281 = arith.constant 0 : i32
      %dma_start3A_282 = tpu.memref_slice %arg16[%mul3A_239, %dma_start3A_281] : memref<10240x128xf32, #tpu.memory_space<vmem_shared>> -> memref<64x128xf32, #tpu.memory_space<vmem_shared>>
      tpu.enqueue_dma source(%dma_start3A_282 : memref<64x128xf32, #tpu.memory_space<vmem_shared>>) target(%dma_start3A_280 : memref<64x128xf32, #tpu.memory_space<hbm>>) target_semaphore(%run_scoped3A_274 : memref<!tpu.dma_semaphore, #tpu.memory_space<semaphore_mem>>)
      %dma_wait3A_283 = arith.constant 0 : i32
      %dma_wait3A_284 = arith.constant 0 : i32
      %dma_wait3A_285 = tpu.memref_slice %arg4[%arg0, %dma_wait3A_283, %dma_wait3A_284] : memref<2x10240x128xf32, #tpu.memory_space<hbm>> -> memref<1x10240x128xf32, #tpu.memory_space<hbm>>
      %dma_wait3A_286 = tpu.memref_squeeze %dma_wait3A_285 : memref<1x10240x128xf32, #tpu.memory_space<hbm>> -> memref<10240x128xf32, #tpu.memory_space<hbm>>
      %dma_wait3A_287 = arith.constant 0 : i32
      %dma_wait3A_288 = tpu.memref_slice %dma_wait3A_286[%mul3A_239, %dma_wait3A_287] : memref<10240x128xf32, #tpu.memory_space<hbm>> -> memref<64x128xf32, #tpu.memory_space<hbm>>
      %dma_wait3A_289 = arith.constant 0 : i32
      %dma_wait3A_290 = tpu.memref_slice %arg16[%mul3A_239, %dma_wait3A_289] : memref<10240x128xf32, #tpu.memory_space<vmem_shared>> -> memref<64x128xf32, #tpu.memory_space<vmem_shared>>
      tpu.wait_dma2 semaphore(%run_scoped3A_274 : memref<!tpu.dma_semaphore, #tpu.memory_space<semaphore_mem>>) src(%dma_wait3A_290 : memref<64x128xf32, #tpu.memory_space<vmem_shared>>) dst(%dma_wait3A_288 : memref<64x128xf32, #tpu.memory_space<hbm>>)
      tpu.yield
    }) : () -> ()
    %mul3A_240 = arith.constant 10 : i32
    %mul3A_241 = arith.muli %arg1, %mul3A_240 : i32
    %add3A_242 = arith.constant 5 : i32
    %add3A_243 = arith.addi %mul3A_241, %add3A_242 : i32
    %mul3A_244 = arith.constant 64 : i32
    %mul3A_245 = arith.muli %add3A_243, %mul3A_244 : i32
    "tpu.region"() ({
      %run_scoped3A_274 = tpu.sem_alloc : memref<!tpu.dma_semaphore, #tpu.memory_space<semaphore_mem>>
      %dma_start3A_275 = arith.constant 0 : i32
      %dma_start3A_276 = arith.constant 0 : i32
      %dma_start3A_277 = tpu.memref_slice %arg4[%arg0, %dma_start3A_275, %dma_start3A_276] : memref<2x10240x128xf32, #tpu.memory_space<hbm>> -> memref<1x10240x128xf32, #tpu.memory_space<hbm>>
      %dma_start3A_278 = tpu.memref_squeeze %dma_start3A_277 : memref<1x10240x128xf32, #tpu.memory_space<hbm>> -> memref<10240x128xf32, #tpu.memory_space<hbm>>
      %dma_start3A_279 = arith.constant 0 : i32
      %dma_start3A_280 = tpu.memref_slice %dma_start3A_278[%mul3A_245, %dma_start3A_279] : memref<10240x128xf32, #tpu.memory_space<hbm>> -> memref<64x128xf32, #tpu.memory_space<hbm>>
      %dma_start3A_281 = arith.constant 0 : i32
      %dma_start3A_282 = tpu.memref_slice %arg16[%mul3A_245, %dma_start3A_281] : memref<10240x128xf32, #tpu.memory_space<vmem_shared>> -> memref<64x128xf32, #tpu.memory_space<vmem_shared>>
      tpu.enqueue_dma source(%dma_start3A_282 : memref<64x128xf32, #tpu.memory_space<vmem_shared>>) target(%dma_start3A_280 : memref<64x128xf32, #tpu.memory_space<hbm>>) target_semaphore(%run_scoped3A_274 : memref<!tpu.dma_semaphore, #tpu.memory_space<semaphore_mem>>)
      %dma_wait3A_283 = arith.constant 0 : i32
      %dma_wait3A_284 = arith.constant 0 : i32
      %dma_wait3A_285 = tpu.memref_slice %arg4[%arg0, %dma_wait3A_283, %dma_wait3A_284] : memref<2x10240x128xf32, #tpu.memory_space<hbm>> -> memref<1x10240x128xf32, #tpu.memory_space<hbm>>
      %dma_wait3A_286 = tpu.memref_squeeze %dma_wait3A_285 : memref<1x10240x128xf32, #tpu.memory_space<hbm>> -> memref<10240x128xf32, #tpu.memory_space<hbm>>
      %dma_wait3A_287 = arith.constant 0 : i32
      %dma_wait3A_288 = tpu.memref_slice %dma_wait3A_286[%mul3A_245, %dma_wait3A_287] : memref<10240x128xf32, #tpu.memory_space<hbm>> -> memref<64x128xf32, #tpu.memory_space<hbm>>
      %dma_wait3A_289 = arith.constant 0 : i32
      %dma_wait3A_290 = tpu.memref_slice %arg16[%mul3A_245, %dma_wait3A_289] : memref<10240x128xf32, #tpu.memory_space<vmem_shared>> -> memref<64x128xf32, #tpu.memory_space<vmem_shared>>
      tpu.wait_dma2 semaphore(%run_scoped3A_274 : memref<!tpu.dma_semaphore, #tpu.memory_space<semaphore_mem>>) src(%dma_wait3A_290 : memref<64x128xf32, #tpu.memory_space<vmem_shared>>) dst(%dma_wait3A_288 : memref<64x128xf32, #tpu.memory_space<hbm>>)
      tpu.yield
    }) : () -> ()
    %mul3A_246 = arith.constant 10 : i32
    %mul3A_247 = arith.muli %arg1, %mul3A_246 : i32
    %add3A_248 = arith.constant 6 : i32
    %add3A_249 = arith.addi %mul3A_247, %add3A_248 : i32
    %mul3A_250 = arith.constant 64 : i32
    %mul3A_251 = arith.muli %add3A_249, %mul3A_250 : i32
    "tpu.region"() ({
      %run_scoped3A_274 = tpu.sem_alloc : memref<!tpu.dma_semaphore, #tpu.memory_space<semaphore_mem>>
      %dma_start3A_275 = arith.constant 0 : i32
      %dma_start3A_276 = arith.constant 0 : i32
      %dma_start3A_277 = tpu.memref_slice %arg4[%arg0, %dma_start3A_275, %dma_start3A_276] : memref<2x10240x128xf32, #tpu.memory_space<hbm>> -> memref<1x10240x128xf32, #tpu.memory_space<hbm>>
      %dma_start3A_278 = tpu.memref_squeeze %dma_start3A_277 : memref<1x10240x128xf32, #tpu.memory_space<hbm>> -> memref<10240x128xf32, #tpu.memory_space<hbm>>
      %dma_start3A_279 = arith.constant 0 : i32
      %dma_start3A_280 = tpu.memref_slice %dma_start3A_278[%mul3A_251, %dma_start3A_279] : memref<10240x128xf32, #tpu.memory_space<hbm>> -> memref<64x128xf32, #tpu.memory_space<hbm>>
      %dma_start3A_281 = arith.constant 0 : i32
      %dma_start3A_282 = tpu.memref_slice %arg16[%mul3A_251, %dma_start3A_281] : memref<10240x128xf32, #tpu.memory_space<vmem_shared>> -> memref<64x128xf32, #tpu.memory_space<vmem_shared>>
      tpu.enqueue_dma source(%dma_start3A_282 : memref<64x128xf32, #tpu.memory_space<vmem_shared>>) target(%dma_start3A_280 : memref<64x128xf32, #tpu.memory_space<hbm>>) target_semaphore(%run_scoped3A_274 : memref<!tpu.dma_semaphore, #tpu.memory_space<semaphore_mem>>)
      %dma_wait3A_283 = arith.constant 0 : i32
      %dma_wait3A_284 = arith.constant 0 : i32
      %dma_wait3A_285 = tpu.memref_slice %arg4[%arg0, %dma_wait3A_283, %dma_wait3A_284] : memref<2x10240x128xf32, #tpu.memory_space<hbm>> -> memref<1x10240x128xf32, #tpu.memory_space<hbm>>
      %dma_wait3A_286 = tpu.memref_squeeze %dma_wait3A_285 : memref<1x10240x128xf32, #tpu.memory_space<hbm>> -> memref<10240x128xf32, #tpu.memory_space<hbm>>
      %dma_wait3A_287 = arith.constant 0 : i32
      %dma_wait3A_288 = tpu.memref_slice %dma_wait3A_286[%mul3A_251, %dma_wait3A_287] : memref<10240x128xf32, #tpu.memory_space<hbm>> -> memref<64x128xf32, #tpu.memory_space<hbm>>
      %dma_wait3A_289 = arith.constant 0 : i32
      %dma_wait3A_290 = tpu.memref_slice %arg16[%mul3A_251, %dma_wait3A_289] : memref<10240x128xf32, #tpu.memory_space<vmem_shared>> -> memref<64x128xf32, #tpu.memory_space<vmem_shared>>
      tpu.wait_dma2 semaphore(%run_scoped3A_274 : memref<!tpu.dma_semaphore, #tpu.memory_space<semaphore_mem>>) src(%dma_wait3A_290 : memref<64x128xf32, #tpu.memory_space<vmem_shared>>) dst(%dma_wait3A_288 : memref<64x128xf32, #tpu.memory_space<hbm>>)
      tpu.yield
    }) : () -> ()
    %mul3A_252 = arith.constant 10 : i32
    %mul3A_253 = arith.muli %arg1, %mul3A_252 : i32
    %add3A_254 = arith.constant 7 : i32
    %add3A_255 = arith.addi %mul3A_253, %add3A_254 : i32
    %mul3A_256 = arith.constant 64 : i32
    %mul3A_257 = arith.muli %add3A_255, %mul3A_256 : i32
    "tpu.region"() ({
      %run_scoped3A_274 = tpu.sem_alloc : memref<!tpu.dma_semaphore, #tpu.memory_space<semaphore_mem>>
      %dma_start3A_275 = arith.constant 0 : i32
      %dma_start3A_276 = arith.constant 0 : i32
      %dma_start3A_277 = tpu.memref_slice %arg4[%arg0, %dma_start3A_275, %dma_start3A_276] : memref<2x10240x128xf32, #tpu.memory_space<hbm>> -> memref<1x10240x128xf32, #tpu.memory_space<hbm>>
      %dma_start3A_278 = tpu.memref_squeeze %dma_start3A_277 : memref<1x10240x128xf32, #tpu.memory_space<hbm>> -> memref<10240x128xf32, #tpu.memory_space<hbm>>
      %dma_start3A_279 = arith.constant 0 : i32
      %dma_start3A_280 = tpu.memref_slice %dma_start3A_278[%mul3A_257, %dma_start3A_279] : memref<10240x128xf32, #tpu.memory_space<hbm>> -> memref<64x128xf32, #tpu.memory_space<hbm>>
      %dma_start3A_281 = arith.constant 0 : i32
      %dma_start3A_282 = tpu.memref_slice %arg16[%mul3A_257, %dma_start3A_281] : memref<10240x128xf32, #tpu.memory_space<vmem_shared>> -> memref<64x128xf32, #tpu.memory_space<vmem_shared>>
      tpu.enqueue_dma source(%dma_start3A_282 : memref<64x128xf32, #tpu.memory_space<vmem_shared>>) target(%dma_start3A_280 : memref<64x128xf32, #tpu.memory_space<hbm>>) target_semaphore(%run_scoped3A_274 : memref<!tpu.dma_semaphore, #tpu.memory_space<semaphore_mem>>)
      %dma_wait3A_283 = arith.constant 0 : i32
      %dma_wait3A_284 = arith.constant 0 : i32
      %dma_wait3A_285 = tpu.memref_slice %arg4[%arg0, %dma_wait3A_283, %dma_wait3A_284] : memref<2x10240x128xf32, #tpu.memory_space<hbm>> -> memref<1x10240x128xf32, #tpu.memory_space<hbm>>
      %dma_wait3A_286 = tpu.memref_squeeze %dma_wait3A_285 : memref<1x10240x128xf32, #tpu.memory_space<hbm>> -> memref<10240x128xf32, #tpu.memory_space<hbm>>
      %dma_wait3A_287 = arith.constant 0 : i32
      %dma_wait3A_288 = tpu.memref_slice %dma_wait3A_286[%mul3A_257, %dma_wait3A_287] : memref<10240x128xf32, #tpu.memory_space<hbm>> -> memref<64x128xf32, #tpu.memory_space<hbm>>
      %dma_wait3A_289 = arith.constant 0 : i32
      %dma_wait3A_290 = tpu.memref_slice %arg16[%mul3A_257, %dma_wait3A_289] : memref<10240x128xf32, #tpu.memory_space<vmem_shared>> -> memref<64x128xf32, #tpu.memory_space<vmem_shared>>
      tpu.wait_dma2 semaphore(%run_scoped3A_274 : memref<!tpu.dma_semaphore, #tpu.memory_space<semaphore_mem>>) src(%dma_wait3A_290 : memref<64x128xf32, #tpu.memory_space<vmem_shared>>) dst(%dma_wait3A_288 : memref<64x128xf32, #tpu.memory_space<hbm>>)
      tpu.yield
    }) : () -> ()
    %mul3A_258 = arith.constant 10 : i32
    %mul3A_259 = arith.muli %arg1, %mul3A_258 : i32
    %add3A_260 = arith.constant 8 : i32
    %add3A_261 = arith.addi %mul3A_259, %add3A_260 : i32
    %mul3A_262 = arith.constant 64 : i32
    %mul3A_263 = arith.muli %add3A_261, %mul3A_262 : i32
    "tpu.region"() ({
      %run_scoped3A_274 = tpu.sem_alloc : memref<!tpu.dma_semaphore, #tpu.memory_space<semaphore_mem>>
      %dma_start3A_275 = arith.constant 0 : i32
      %dma_start3A_276 = arith.constant 0 : i32
      %dma_start3A_277 = tpu.memref_slice %arg4[%arg0, %dma_start3A_275, %dma_start3A_276] : memref<2x10240x128xf32, #tpu.memory_space<hbm>> -> memref<1x10240x128xf32, #tpu.memory_space<hbm>>
      %dma_start3A_278 = tpu.memref_squeeze %dma_start3A_277 : memref<1x10240x128xf32, #tpu.memory_space<hbm>> -> memref<10240x128xf32, #tpu.memory_space<hbm>>
      %dma_start3A_279 = arith.constant 0 : i32
      %dma_start3A_280 = tpu.memref_slice %dma_start3A_278[%mul3A_263, %dma_start3A_279] : memref<10240x128xf32, #tpu.memory_space<hbm>> -> memref<64x128xf32, #tpu.memory_space<hbm>>
      %dma_start3A_281 = arith.constant 0 : i32
      %dma_start3A_282 = tpu.memref_slice %arg16[%mul3A_263, %dma_start3A_281] : memref<10240x128xf32, #tpu.memory_space<vmem_shared>> -> memref<64x128xf32, #tpu.memory_space<vmem_shared>>
      tpu.enqueue_dma source(%dma_start3A_282 : memref<64x128xf32, #tpu.memory_space<vmem_shared>>) target(%dma_start3A_280 : memref<64x128xf32, #tpu.memory_space<hbm>>) target_semaphore(%run_scoped3A_274 : memref<!tpu.dma_semaphore, #tpu.memory_space<semaphore_mem>>)
      %dma_wait3A_283 = arith.constant 0 : i32
      %dma_wait3A_284 = arith.constant 0 : i32
      %dma_wait3A_285 = tpu.memref_slice %arg4[%arg0, %dma_wait3A_283, %dma_wait3A_284] : memref<2x10240x128xf32, #tpu.memory_space<hbm>> -> memref<1x10240x128xf32, #tpu.memory_space<hbm>>
      %dma_wait3A_286 = tpu.memref_squeeze %dma_wait3A_285 : memref<1x10240x128xf32, #tpu.memory_space<hbm>> -> memref<10240x128xf32, #tpu.memory_space<hbm>>
      %dma_wait3A_287 = arith.constant 0 : i32
      %dma_wait3A_288 = tpu.memref_slice %dma_wait3A_286[%mul3A_263, %dma_wait3A_287] : memref<10240x128xf32, #tpu.memory_space<hbm>> -> memref<64x128xf32, #tpu.memory_space<hbm>>
      %dma_wait3A_289 = arith.constant 0 : i32
      %dma_wait3A_290 = tpu.memref_slice %arg16[%mul3A_263, %dma_wait3A_289] : memref<10240x128xf32, #tpu.memory_space<vmem_shared>> -> memref<64x128xf32, #tpu.memory_space<vmem_shared>>
      tpu.wait_dma2 semaphore(%run_scoped3A_274 : memref<!tpu.dma_semaphore, #tpu.memory_space<semaphore_mem>>) src(%dma_wait3A_290 : memref<64x128xf32, #tpu.memory_space<vmem_shared>>) dst(%dma_wait3A_288 : memref<64x128xf32, #tpu.memory_space<hbm>>)
      tpu.yield
    }) : () -> ()
    %mul3A_264 = arith.constant 10 : i32
    %mul3A_265 = arith.muli %arg1, %mul3A_264 : i32
    %add3A_266 = arith.constant 9 : i32
    %add3A_267 = arith.addi %mul3A_265, %add3A_266 : i32
    %mul3A_268 = arith.constant 64 : i32
    %mul3A_269 = arith.muli %add3A_267, %mul3A_268 : i32
    "tpu.region"() ({
      %run_scoped3A_274 = tpu.sem_alloc : memref<!tpu.dma_semaphore, #tpu.memory_space<semaphore_mem>>
      %dma_start3A_275 = arith.constant 0 : i32
      %dma_start3A_276 = arith.constant 0 : i32
      %dma_start3A_277 = tpu.memref_slice %arg4[%arg0, %dma_start3A_275, %dma_start3A_276] : memref<2x10240x128xf32, #tpu.memory_space<hbm>> -> memref<1x10240x128xf32, #tpu.memory_space<hbm>>
      %dma_start3A_278 = tpu.memref_squeeze %dma_start3A_277 : memref<1x10240x128xf32, #tpu.memory_space<hbm>> -> memref<10240x128xf32, #tpu.memory_space<hbm>>
      %dma_start3A_279 = arith.constant 0 : i32
      %dma_start3A_280 = tpu.memref_slice %dma_start3A_278[%mul3A_269, %dma_start3A_279] : memref<10240x128xf32, #tpu.memory_space<hbm>> -> memref<64x128xf32, #tpu.memory_space<hbm>>
      %dma_start3A_281 = arith.constant 0 : i32
      %dma_start3A_282 = tpu.memref_slice %arg16[%mul3A_269, %dma_start3A_281] : memref<10240x128xf32, #tpu.memory_space<vmem_shared>> -> memref<64x128xf32, #tpu.memory_space<vmem_shared>>
      tpu.enqueue_dma source(%dma_start3A_282 : memref<64x128xf32, #tpu.memory_space<vmem_shared>>) target(%dma_start3A_280 : memref<64x128xf32, #tpu.memory_space<hbm>>) target_semaphore(%run_scoped3A_274 : memref<!tpu.dma_semaphore, #tpu.memory_space<semaphore_mem>>)
      %dma_wait3A_283 = arith.constant 0 : i32
      %dma_wait3A_284 = arith.constant 0 : i32
      %dma_wait3A_285 = tpu.memref_slice %arg4[%arg0, %dma_wait3A_283, %dma_wait3A_284] : memref<2x10240x128xf32, #tpu.memory_space<hbm>> -> memref<1x10240x128xf32, #tpu.memory_space<hbm>>
      %dma_wait3A_286 = tpu.memref_squeeze %dma_wait3A_285 : memref<1x10240x128xf32, #tpu.memory_space<hbm>> -> memref<10240x128xf32, #tpu.memory_space<hbm>>
      %dma_wait3A_287 = arith.constant 0 : i32
      %dma_wait3A_288 = tpu.memref_slice %dma_wait3A_286[%mul3A_269, %dma_wait3A_287] : memref<10240x128xf32, #tpu.memory_space<hbm>> -> memref<64x128xf32, #tpu.memory_space<hbm>>
      %dma_wait3A_289 = arith.constant 0 : i32
      %dma_wait3A_290 = tpu.memref_slice %arg16[%mul3A_269, %dma_wait3A_289] : memref<10240x128xf32, #tpu.memory_space<vmem_shared>> -> memref<64x128xf32, #tpu.memory_space<vmem_shared>>
      tpu.wait_dma2 semaphore(%run_scoped3A_274 : memref<!tpu.dma_semaphore, #tpu.memory_space<semaphore_mem>>) src(%dma_wait3A_290 : memref<64x128xf32, #tpu.memory_space<vmem_shared>>) dst(%dma_wait3A_288 : memref<64x128xf32, #tpu.memory_space<hbm>>)
      tpu.yield
    }) : () -> ()
    %eq3A = arith.constant 0 : i32
    %eq3A_270 = arith.cmpi eq, %arg1, %eq3A : i32
    %convert_element_type3A_271 = arith.extui %eq3A_270 : i1 to i32
    %cond3A_272 = arith.constant 0 : i32
    %cond3A_273 = arith.cmpi ne, %convert_element_type3A_271, %cond3A_272 : i32
    scf.if %cond3A_273 {
      "tpu.region"() ({
        %run_scoped3A_274 = tpu.sem_alloc : memref<!tpu.dma_semaphore, #tpu.memory_space<semaphore_mem>>
        %dma_start3A_275 = arith.constant 0 : i32
        %dma_start3A_276 = tpu.memref_slice %arg5[%arg0, %dma_start3A_275] : memref<2x10240xf32, #tpu.memory_space<hbm>> -> memref<1x10240xf32, #tpu.memory_space<hbm>>
        %dma_start3A_277 = tpu.memref_squeeze %dma_start3A_276 : memref<1x10240xf32, #tpu.memory_space<hbm>> -> memref<10240xf32, #tpu.memory_space<hbm>>
        tpu.enqueue_dma source(%arg17 : memref<10240xf32, #tpu.memory_space<vmem_shared>>) target(%dma_start3A_277 : memref<10240xf32, #tpu.memory_space<hbm>>) target_semaphore(%run_scoped3A_274 : memref<!tpu.dma_semaphore, #tpu.memory_space<semaphore_mem>>)
        %dma_wait3A_278 = arith.constant 0 : i32
        %dma_wait3A_279 = tpu.memref_slice %arg5[%arg0, %dma_wait3A_278] : memref<2x10240xf32, #tpu.memory_space<hbm>> -> memref<1x10240xf32, #tpu.memory_space<hbm>>
        %dma_wait3A_280 = tpu.memref_squeeze %dma_wait3A_279 : memref<1x10240xf32, #tpu.memory_space<hbm>> -> memref<10240xf32, #tpu.memory_space<hbm>>
        tpu.wait_dma2 semaphore(%run_scoped3A_274 : memref<!tpu.dma_semaphore, #tpu.memory_space<semaphore_mem>>) src(%arg17 : memref<10240xf32, #tpu.memory_space<vmem_shared>>) dst(%dma_wait3A_280 : memref<10240xf32, #tpu.memory_space<hbm>>)
        tpu.yield
      }) : () -> ()
    } else {
    }
    return
  }
}

module attributes {stable_mosaic.version = 14 : i64} {
  func.func @body(%arg0: i32, %arg1: memref<2x400x128xf32, #tpu.memory_space<vmem>>, %arg2: memref<400x2xf32, #tpu.memory_space<vmem>>, %arg3: memref<400x128xf32, #tpu.memory_space<vmem>>, %arg4: memref<128x128xf32, #tpu.memory_space<vmem>>, %arg5: memref<1x128xf32, #tpu.memory_space<vmem>>, %arg6: memref<128x128xf32, #tpu.memory_space<vmem>>, %arg7: memref<400x128xf32, #tpu.memory_space<vmem>>) attributes {dimension_semantics = [#tpu.dimension_semantics<arbitrary>], iteration_bounds = array<i64: 25>, scalar_prefetch = 0 : i64, scratch_operands = 0 : i64, tpu.core_type = #tpu.core_type<tc>, window_params = [{transform_indices = @transform_0, window_bounds = array<i64: 2, 400, 128>}, {transform_indices = @transform_1, window_bounds = array<i64: 400, 2>}, {transform_indices = @transform_2, window_bounds = array<i64: 400, 128>}, {pipeline_mode = #tpu.pipeline_mode<synchronous>, transform_indices = @transform_3, window_bounds = array<i64: 128, 128>}, {pipeline_mode = #tpu.pipeline_mode<synchronous>, transform_indices = @transform_4, window_bounds = array<i64: 1, 128>}, {pipeline_mode = #tpu.pipeline_mode<synchronous>, transform_indices = @transform_5, window_bounds = array<i64: 128, 128>}, {transform_indices = @transform_6, window_bounds = array<i64: 400, 128>}]} {
    %get3A = arith.constant 0 : index
    %get3A_0 = arith.constant 0 : index
    %get3A_1 = arith.constant 0 : index
    %get3A_2 = vector.load %arg1[%get3A, %get3A_0, %get3A_1] : memref<2x400x128xf32, #tpu.memory_space<vmem>>, vector<1x400x128xf32>
    %get3A_3 = vector.shape_cast %get3A_2 : vector<1x400x128xf32> to vector<400x128xf32>
    %get3A_4 = arith.constant 1 : index
    %get3A_5 = arith.constant 0 : index
    %get3A_6 = arith.constant 0 : index
    %get3A_7 = vector.load %arg1[%get3A_4, %get3A_5, %get3A_6] : memref<2x400x128xf32, #tpu.memory_space<vmem>>, vector<1x400x128xf32>
    %get3A_8 = vector.shape_cast %get3A_7 : vector<1x400x128xf32> to vector<400x128xf32>
    %add3A = arith.addf %get3A_3, %get3A_8 : vector<400x128xf32>
    %get3A_9 = arith.constant 0 : index
    %get3A_10 = arith.constant 0 : index
    %get3A_11 = vector.load %arg2[%get3A_9, %get3A_10] : memref<400x2xf32, #tpu.memory_space<vmem>>, vector<400x1xf32>
    %get3A_12 = vector.shape_cast %get3A_11 : vector<400x1xf32> to vector<400xf32>
    %get3A_13 = arith.constant 0 : index
    %get3A_14 = arith.constant 1 : index
    %get3A_15 = vector.load %arg2[%get3A_13, %get3A_14] : memref<400x2xf32, #tpu.memory_space<vmem>>, vector<400x1xf32>
    %get3A_16 = vector.shape_cast %get3A_15 : vector<400x1xf32> to vector<400xf32>
    %add3A_17 = arith.addf %get3A_12, %get3A_16 : vector<400xf32>
    %max3A = arith.constant 1.000000e+00 : f32
    %max3A_18 = vector.broadcast %max3A : f32 to vector<400xf32>
    %max3A_19 = arith.maximumf %add3A_17, %max3A_18 : vector<400xf32>
    %broadcast_in_dim3A = vector.shape_cast %max3A_19 : vector<400xf32> to vector<400x1xf32>
    %div3A = vector.broadcast %broadcast_in_dim3A : vector<400x1xf32> to vector<400x128xf32>
    %div3A_20 = arith.divf %add3A, %div3A : vector<400x128xf32>
    %get3A_21 = arith.constant 0 : index
    %get3A_22 = arith.constant 0 : index
    %get3A_23 = vector.load %arg4[%get3A_21, %get3A_22] : memref<128x128xf32, #tpu.memory_space<vmem>>, vector<128x128xf32>
    %dot_general3A = arith.constant dense<0.000000e+00> : vector<400x128xf32>
    %dot_general3A_24 = tpu.matmul %div3A_20, %get3A_23, %dot_general3A {dimension_numbers = #tpu.dot_dimension_numbers<[1], [0], [0], [1], [0, 0, 1, 1], [], []>, transpose_lhs_hint = false} : vector<400x128xf32>, vector<128x128xf32>, vector<400x128xf32> -> vector<400x128xf32>
    %get3A_25 = arith.constant 0 : index
    %get3A_26 = arith.constant 0 : index
    %get3A_27 = vector.load %arg5[%get3A_25, %get3A_26] : memref<1x128xf32, #tpu.memory_space<vmem>>, vector<1x128xf32>
    %add3A_28 = vector.broadcast %get3A_27 : vector<1x128xf32> to vector<400x128xf32>
    %add3A_29 = arith.addf %dot_general3A_24, %add3A_28 : vector<400x128xf32>
    %get3A_30 = arith.constant 0 : index
    %get3A_31 = arith.constant 0 : index
    %get3A_32 = vector.load %arg3[%get3A_30, %get3A_31] : memref<400x128xf32, #tpu.memory_space<vmem>>, vector<400x128xf32>
    %get3A_33 = arith.constant 0 : index
    %get3A_34 = arith.constant 0 : index
    %get3A_35 = vector.load %arg6[%get3A_33, %get3A_34] : memref<128x128xf32, #tpu.memory_space<vmem>>, vector<128x128xf32>
    %dot_general3A_36 = arith.constant dense<0.000000e+00> : vector<400x128xf32>
    %dot_general3A_37 = tpu.matmul %get3A_32, %get3A_35, %dot_general3A_36 {dimension_numbers = #tpu.dot_dimension_numbers<[1], [0], [0], [1], [0, 0, 1, 1], [], []>, transpose_lhs_hint = false} : vector<400x128xf32>, vector<128x128xf32>, vector<400x128xf32> -> vector<400x128xf32>
    %add3A_38 = arith.addf %add3A_29, %dot_general3A_37 : vector<400x128xf32>
    %swap3A = arith.constant 0 : index
    %swap3A_39 = arith.constant 0 : index
    %swap3A_40 = vector.load %arg7[%swap3A, %swap3A_39] : memref<400x128xf32, #tpu.memory_space<vmem>>, vector<400x128xf32>
    tpu.vector_store %arg7[%swap3A, %swap3A_39], %add3A_38 {strides = array<i32>} : memref<400x128xf32, #tpu.memory_space<vmem>>, vector<400x128xf32>,
    return
  }
  func.func @transform_0(%arg0: i32) -> (i32, i32, i32) {
    %c0_i32 = arith.constant 0 : i32
    %c0_i32_0 = arith.constant 0 : i32
    %c0_i32_1 = arith.constant 0 : i32
    return %c0_i32, %arg0, %c0_i32_0 : i32, i32, i32
  }
  func.func @transform_1(%arg0: i32) -> (i32, i32) {
    %c0_i32 = arith.constant 0 : i32
    %c0_i32_0 = arith.constant 0 : i32
    return %arg0, %c0_i32 : i32, i32
  }
  func.func @transform_2(%arg0: i32) -> (i32, i32) {
    %c0_i32 = arith.constant 0 : i32
    %c0_i32_0 = arith.constant 0 : i32
    return %arg0, %c0_i32 : i32, i32
  }
  func.func @transform_3(%arg0: i32) -> (i32, i32) {
    %c0_i32 = arith.constant 0 : i32
    %c0_i32_0 = arith.constant 0 : i32
    %c0_i32_1 = arith.constant 0 : i32
    return %c0_i32, %c0_i32_0 : i32, i32
  }
  func.func @transform_4(%arg0: i32) -> (i32, i32) {
    %c0_i32 = arith.constant 0 : i32
    %c0_i32_0 = arith.constant 0 : i32
    %c0_i32_1 = arith.constant 0 : i32
    return %c0_i32, %c0_i32_0 : i32, i32
  }
  func.func @transform_5(%arg0: i32) -> (i32, i32) {
    %c0_i32 = arith.constant 0 : i32
    %c0_i32_0 = arith.constant 0 : i32
    %c0_i32_1 = arith.constant 0 : i32
    return %c0_i32, %c0_i32_0 : i32, i32
  }
  func.func @transform_6(%arg0: i32) -> (i32, i32) {
    %c0_i32 = arith.constant 0 : i32
    %c0_i32_0 = arith.constant 0 : i32
    return %arg0, %c0_i32 : i32, i32
  }
}

module attributes {stable_mosaic.version = 14 : i64} {
  func.func @body(%arg0: i32, %arg1: memref<2x400x128xf32, #tpu.memory_space<vmem>>, %arg2: memref<400x2xf32, #tpu.memory_space<vmem>>, %arg3: memref<400x128xf32, #tpu.memory_space<vmem>>, %arg4: memref<128x128xf32, #tpu.memory_space<vmem>>, %arg5: memref<1x128xf32, #tpu.memory_space<vmem>>, %arg6: memref<128x128xf32, #tpu.memory_space<vmem>>, %arg7: memref<400x128xf32, #tpu.memory_space<vmem>>) attributes {dimension_semantics = [#tpu.dimension_semantics<arbitrary>], iteration_bounds = array<i64: 25>, scalar_prefetch = 0 : i64, scratch_operands = 0 : i64, tpu.core_type = #tpu.core_type<tc>, window_params = [{transform_indices = @transform_0, window_bounds = array<i64: 2, 400, 128>}, {transform_indices = @transform_1, window_bounds = array<i64: 400, 2>}, {transform_indices = @transform_2, window_bounds = array<i64: 400, 128>}, {pipeline_mode = #tpu.pipeline_mode<synchronous>, transform_indices = @transform_3, window_bounds = array<i64: 128, 128>}, {pipeline_mode = #tpu.pipeline_mode<synchronous>, transform_indices = @transform_4, window_bounds = array<i64: 1, 128>}, {pipeline_mode = #tpu.pipeline_mode<synchronous>, transform_indices = @transform_5, window_bounds = array<i64: 128, 128>}, {transform_indices = @transform_6, window_bounds = array<i64: 400, 128>}]} {
    %get3A = arith.constant 0 : index
    %get3A_0 = arith.constant 0 : index
    %get3A_1 = arith.constant 0 : index
    %get3A_2 = vector.load %arg1[%get3A, %get3A_0, %get3A_1] : memref<2x400x128xf32, #tpu.memory_space<vmem>>, vector<1x400x128xf32>
    %get3A_3 = vector.shape_cast %get3A_2 : vector<1x400x128xf32> to vector<400x128xf32>
    %get3A_4 = arith.constant 1 : index
    %get3A_5 = arith.constant 0 : index
    %get3A_6 = arith.constant 0 : index
    %get3A_7 = vector.load %arg1[%get3A_4, %get3A_5, %get3A_6] : memref<2x400x128xf32, #tpu.memory_space<vmem>>, vector<1x400x128xf32>
    %get3A_8 = vector.shape_cast %get3A_7 : vector<1x400x128xf32> to vector<400x128xf32>
    %add3A = arith.addf %get3A_3, %get3A_8 : vector<400x128xf32>
    %get3A_9 = arith.constant 0 : index
    %get3A_10 = arith.constant 0 : index
    %get3A_11 = vector.load %arg2[%get3A_9, %get3A_10] : memref<400x2xf32, #tpu.memory_space<vmem>>, vector<400x1xf32>
    %get3A_12 = vector.shape_cast %get3A_11 : vector<400x1xf32> to vector<400xf32>
    %get3A_13 = arith.constant 0 : index
    %get3A_14 = arith.constant 1 : index
    %get3A_15 = vector.load %arg2[%get3A_13, %get3A_14] : memref<400x2xf32, #tpu.memory_space<vmem>>, vector<400x1xf32>
    %get3A_16 = vector.shape_cast %get3A_15 : vector<400x1xf32> to vector<400xf32>
    %add3A_17 = arith.addf %get3A_12, %get3A_16 : vector<400xf32>
    %max3A = arith.constant 1.000000e+00 : f32
    %max3A_18 = vector.broadcast %max3A : f32 to vector<400xf32>
    %max3A_19 = arith.maximumf %add3A_17, %max3A_18 : vector<400xf32>
    %broadcast_in_dim3A = vector.shape_cast %max3A_19 : vector<400xf32> to vector<400x1xf32>
    %div3A = vector.broadcast %broadcast_in_dim3A : vector<400x1xf32> to vector<400x128xf32>
    %div3A_20 = arith.divf %add3A, %div3A : vector<400x128xf32>
    %get3A_21 = arith.constant 0 : index
    %get3A_22 = arith.constant 0 : index
    %get3A_23 = vector.load %arg4[%get3A_21, %get3A_22] : memref<128x128xf32, #tpu.memory_space<vmem>>, vector<128x128xf32>
    %dot_general3A = arith.constant dense<0.000000e+00> : vector<400x128xf32>
    %dot_general3A_24 = tpu.matmul %div3A_20, %get3A_23, %dot_general3A {dimension_numbers = #tpu.dot_dimension_numbers<[1], [0], [0], [1], [0, 0, 1, 1], [], []>, transpose_lhs_hint = false} : vector<400x128xf32>, vector<128x128xf32>, vector<400x128xf32> -> vector<400x128xf32>
    %get3A_25 = arith.constant 0 : index
    %get3A_26 = arith.constant 0 : index
    %get3A_27 = vector.load %arg5[%get3A_25, %get3A_26] : memref<1x128xf32, #tpu.memory_space<vmem>>, vector<1x128xf32>
    %add3A_28 = vector.broadcast %get3A_27 : vector<1x128xf32> to vector<400x128xf32>
    %add3A_29 = arith.addf %dot_general3A_24, %add3A_28 : vector<400x128xf32>
    %get3A_30 = arith.constant 0 : index
    %get3A_31 = arith.constant 0 : index
    %get3A_32 = vector.load %arg3[%get3A_30, %get3A_31] : memref<400x128xf32, #tpu.memory_space<vmem>>, vector<400x128xf32>
    %get3A_33 = arith.constant 0 : index
    %get3A_34 = arith.constant 0 : index
    %get3A_35 = vector.load %arg6[%get3A_33, %get3A_34] : memref<128x128xf32, #tpu.memory_space<vmem>>, vector<128x128xf32>
    %dot_general3A_36 = arith.constant dense<0.000000e+00> : vector<400x128xf32>
    %dot_general3A_37 = tpu.matmul %get3A_32, %get3A_35, %dot_general3A_36 {dimension_numbers = #tpu.dot_dimension_numbers<[1], [0], [0], [1], [0, 0, 1, 1], [], []>, transpose_lhs_hint = false} : vector<400x128xf32>, vector<128x128xf32>, vector<400x128xf32> -> vector<400x128xf32>
    %add3A_38 = arith.addf %add3A_29, %dot_general3A_37 : vector<400x128xf32>
    %swap3A = arith.constant 0 : index
    %swap3A_39 = arith.constant 0 : index
    %swap3A_40 = vector.load %arg7[%swap3A, %swap3A_39] : memref<400x128xf32, #tpu.memory_space<vmem>>, vector<400x128xf32>
    tpu.vector_store %arg7[%swap3A, %swap3A_39], %add3A_38 {strides = array<i32>} : memref<400x128xf32, #tpu.memory_space<vmem>>, vector<400x128xf32>,
    return
  }
  func.func @transform_0(%arg0: i32) -> (i32, i32, i32) {
    %c0_i32 = arith.constant 0 : i32
    %c0_i32_0 = arith.constant 0 : i32
    %c0_i32_1 = arith.constant 0 : i32
    return %c0_i32, %arg0, %c0_i32_0 : i32, i32, i32
  }
  func.func @transform_1(%arg0: i32) -> (i32, i32) {
    %c0_i32 = arith.constant 0 : i32
    %c0_i32_0 = arith.constant 0 : i32
    return %arg0, %c0_i32 : i32, i32
  }
  func.func @transform_2(%arg0: i32) -> (i32, i32) {
    %c0_i32 = arith.constant 0 : i32
    %c0_i32_0 = arith.constant 0 : i32
    return %arg0, %c0_i32 : i32, i32
  }
  func.func @transform_3(%arg0: i32) -> (i32, i32) {
    %c0_i32 = arith.constant 0 : i32
    %c0_i32_0 = arith.constant 0 : i32
    %c0_i32_1 = arith.constant 0 : i32
    return %c0_i32, %c0_i32_0 : i32, i32
  }
  func.func @transform_4(%arg0: i32) -> (i32, i32) {
    %c0_i32 = arith.constant 0 : i32
    %c0_i32_0 = arith.constant 0 : i32
    %c0_i32_1 = arith.constant 0 : i32
    return %c0_i32, %c0_i32_0 : i32, i32
  }
  func.func @transform_5(%arg0: i32) -> (i32, i32) {
    %c0_i32 = arith.constant 0 : i32
    %c0_i32_0 = arith.constant 0 : i32
    %c0_i32_1 = arith.constant 0 : i32
    return %c0_i32, %c0_i32_0 : i32, i32
  }
  func.func @transform_6(%arg0: i32) -> (i32, i32) {
    %c0_i32 = arith.constant 0 : i32
    %c0_i32_0 = arith.constant 0 : i32
    return %arg0, %c0_i32 : i32, i32
  }
}

</mosaic_0001>

<sc_bundles>
// kernel: kernel.6.cloned.1.call-start
scs
__scs_entry_jumppad:
0x0: {  	(pc) =	sbr.rel $0x88, $3  }
0x1: {  	(tag) =	ssettag $0x0;
	lr =	simm.s32 $0x1  }
0x2: {  	[smem:$0x3F99] =	sst lr;
	_ =	strace $0xD0000000  }
0x3: {  	_ = 	snop  }
0x4: {  	_ = 	snop  }
0x5: {  	_ = 	snop  }
0x6: {  	_ = 	snop  }
0x7: {  	_ = 	snop  }
__scs_overlays_trampoline_lowered:
0x8: {  	[smem:$0x3FA8] =	sst s0  }
0x9: {  	[smem:$0x3FA9] =	sst s1  }
0xa: {  	[smem:$0x3FAA] =	sst s2  }
0xb: {  	[smem:$0x3FAB] =	sst s3  }
0xc: {  	[smem:$0x3FAC] =	sst s4  }
0xd: {  	[smem:$0x3FAD] =	sst s5  }
0xe: {  	[smem:$0x3FAE] =	sst s6  }
0xf: {  	[smem:$0x3FAF] =	sst s7  }
0x10: {  	[smem:$0x3FB0] =	sst s8  }
0x11: {  	[smem:$0x3FB1] =	sst s9;
	s0 =	simm.s32 @!p0 $0x0  }
0x12: {  	s1 =	sld [smem:$0x3F97];
	s0 =	simm.s32 @p0 $0x1  }
0x13: {  	[smem:$0x3FB2] =	sst s0;
	s0 =	simm.s32 @!p1 $0x0  }
0x14: {  	s2 =	sld [smem:$0x3F96];
	s0 =	simm.s32 @p1 $0x1  }
0x15: {  	[smem:$0x3FB3] =	sst s0;
	s0 =	simm.s32 @!p2 $0x0  }
0x16: {  	s3 =	sld [smem:$0x3FDB];
	s0 =	simm.s32 @p2 $0x1  }
0x17: {  	s4 =	simm.s32 $0x1BF5;
	[smem:$0x3FB5] =	sst s0  }
0x18: {  	s0 =	sld [smem:$0x3F98];
	_ =	swait.ge [sflag:s4], $0x0  }
0x19: {  	s7 =	sld [smem:$0x3F99]  }
0x1a: {  	s8 =	sadd.s32 $0xFFFFE003, lr  }
0x1b: {  	s9 =	sadd.s32 $0xFFFFFEF7, lr;
	s5 =	simm.s32 $0xFFFFFFFF;
	p2 =	slt.u32 s8, $0xFFFFF086  }
0x1c: {  	p1 =	slt.u32 s9, $0xF7A;
	s5 =	simm.s32 @!p2 $0x0  }
0x1d: {  	s5 =	simm.s32 @p1 $0x1;
	p0 =	seq.s32 s7, s2  }
0x1e: {  	s7 =	smul.u32 @!p0 $0xF7A, s2;
	p2 =	seq.s32 @!p0 s5, $0x0  }
0x1f: {  	s9 =	smul.u32 $0xF7A, s1;
	s8 =	simm.s32 @!p0 $0x1BF5;
	p2 =	por !p2, p0  }
0x20: {  	[sflag:s8] =	ssyncset.s32 @!p0 $0xFFFFF086;
	s6 =	sadd.s32 @!p0 s3, s7;
	s7 =	simm.s32 @!p0 $0x108  }
0x21: {  	s3 =	sadd.s32 s3, s9;
	s6 =	sadd.s32 @!p0 $0x88, s6;
	s7 =	simm.s32 @p2 $0x1082  }
0x22: {  	[simem:s7], [sflag:s8] =	dma.local @!p0 [hbm:s6], $0xF7A  }
0x23: {  	s9 =	sor.u32 $0xD0000000, s2;
	s6 =	simm.s32 $0x108;
	_ =	swait.ge @!p0 [sflag:s8], $0x0  }
0x24: {  	s3 =	sadd.s32 $0x88, s3;
	s6 =	simm.s32 @!p1 $0x1082;
	[sflag:s4] =	ssyncset.s32 $0xFFFFF086  }
0x25: {  	[simem:s6], [sflag:s4] =	dma.local [hbm:s3], $0xF7A  }
0x26: {  	[smem:$0x3F99] =	sst s1;
	(tag) =	ssettag s2;
	_ =	strace s9  }
0x27: {  	s1 =	sld [smem:$0x3FA9]  }
0x28: {  	s2 =	sld [smem:$0x3FAA]  }
0x29: {  	s4 =	sld [smem:$0x3FAC]  }
0x2a: {  	p0 =	seq.s32 s5, $0x0;
	s5 =	sld [smem:$0x3FAD]  }
0x2b: {  	s6 =	sld [smem:$0x3FAE]  }
0x2c: {  	s7 =	sld [smem:$0x3FAF]  }
0x2d: {  	s3 =	simm.s32 $0x108;
	s8 =	sld [smem:$0x3FB0]  }
0x2e: {  	s3 =	simm.s32 @!p0 $0x1082;
	s9 =	sld [smem:$0x3FB1]  }
0x2f: {  	lr =	sadd.s32 s0, s3;
	s0 =	sld [smem:$0x3FA8]  }
0x30: {  	s3 =	sld [smem:$0x3FAB]  }
0x31: {  	[smem:$0x3FB4] =	sst s10  }
0x32: {  	s10 =	sld [smem:$0x3FB2];
	_ =	sdelay $0x3  }
0x33: {  	p0 =	seq.s32 s10, $0x1;
	s10 =	sld [smem:$0x3FB4];
	_ =	sdelay $0x3  }
0x34: {  	[smem:$0x3FB4] =	sst s10  }
0x35: {  	s10 =	sld [smem:$0x3FB3];
	_ =	sdelay $0x3  }
0x36: {  	p1 =	seq.s32 s10, $0x1;
	s10 =	sld [smem:$0x3FB4];
	_ =	sdelay $0x3  }
0x37: {  	[smem:$0x3FB4] =	sst s10  }
0x38: {  	s10 =	sld [smem:$0x3FB5]  }
0x39: {  	_ = 	snop;
	(pc) =	sbr.ind lr, $3  }
0x3a: {  	_ = 	snop  }
0x3b: {  	_ = 	snop  }
0x3c: {  	p2 =	seq.s32 s10, $0x1;
	s10 =	sld [smem:$0x3FB4]  }
0x3d: {  	_ =	shalt  }
0x3e: {  	_ =	shalt  }
0x3f: {  	_ =	shalt  }
0x40: {  	_ =	shalt  }
0x41: {  	_ =	shalt  }
0x42: {  	_ =	shalt  }
0x43: {  	_ =	shalt  }
0x44: {  	_ =	shalt  }
0x45: {  	_ =	shalt  }
0x46: {  	_ =	shalt  }
0x47: {  	_ =	shalt  }
0x48: {  	_ =	shalt  }
0x49: {  	_ =	shalt  }
0x4a: {  	_ =	shalt  }
0x4b: {  	_ =	shalt  }
0x4c: {  	_ =	shalt  }
0x4d: {  	_ =	shalt  }
0x4e: {  	_ =	shalt  }
0x4f: {  	_ =	shalt  }
0x50: {  	_ =	shalt  }
0x51: {  	_ =	shalt  }
0x52: {  	_ =	shalt  }
0x53: {  	_ =	shalt  }
0x54: {  	_ =	shalt  }
0x55: {  	_ =	shalt  }
0x56: {  	_ =	shalt  }
0x57: {  	_ =	shalt  }
0x58: {  	_ =	shalt  }
0x59: {  	_ =	shalt  }
0x5a: {  	_ =	shalt  }
0x5b: {  	_ =	shalt  }
0x5c: {  	_ =	shalt  }
0x5d: {  	_ =	shalt  }
0x5e: {  	_ =	shalt  }
0x5f: {  	_ =	shalt  }
0x60: {  	_ =	shalt  }
0x61: {  	_ =	shalt  }
0x62: {  	_ =	shalt  }
0x63: {  	_ =	shalt  }
0x64: {  	_ =	shalt  }
0x65: {  	_ =	shalt  }
0x66: {  	_ =	shalt  }
0x67: {  	_ =	shalt  }
0x68: {  	_ =	shalt  }
0x69: {  	_ =	shalt  }
0x6a: {  	_ =	shalt  }
0x6b: {  	_ =	shalt  }
0x6c: {  	_ =	shalt  }
0x6d: {  	_ =	shalt  }
0x6e: {  	_ =	shalt  }
0x6f: {  	_ =	shalt  }
0x70: {  	_ =	shalt  }
0x71: {  	_ =	shalt  }
0x72: {  	_ =	shalt  }
0x73: {  	_ =	shalt  }
0x74: {  	_ =	shalt  }
0x75: {  	_ =	shalt  }
0x76: {  	_ =	shalt  }
0x77: {  	_ =	shalt  }
0x78: {  	_ =	shalt  }
0x79: {  	_ =	shalt  }
0x7a: {  	_ =	shalt  }
0x7b: {  	_ =	shalt  }
0x7c: {  	_ =	shalt  }
0x7d: {  	_ =	shalt  }
0x7e: {  	_ =	shalt  }
0x7f: {  	_ =	shalt  }
0x80: {  	_ =	shalt  }
0x81: {  	_ =	shalt  }
0x82: {  	_ =	shalt  }
0x83: {  	_ =	shalt  }
0x84: {  	_ =	shalt  }
0x85: {  	_ =	shalt  }
0x86: {  	_ =	shalt  }
0x87: {  	_ =	shalt  }
.Lfunc_end0:
.L_simem_size_0:
called_computation_lowered:
.L_overlay_start_0:
0x88: {  	s2 =	sld [smem:$0x3FD9]  }
0x89: {  	s3 =	sld [smem:$0x3FFE];
	_ =	sdelay $0x1  }
0x8a: {  	s1 =	srdreg.scid  }
0x8b: {  	s0 =	sand.u32 $0x1, s1  }
0x8c: {  	s17 =	sshll.u32 s0, $0xA;
	s2 =	sadd.s32 s3, s2  }
0x8d: {  	s2 =	sadd.s32 s2, s17  }
0x8e: {  	[smem:$0x3FC0] =	sst s2  }
0x8f: {  	_ = 	snop  }
0x90: {  	s2 =	sld [smem:$0x3FC9]  }
0x91: {  	s18 =	sld [smem:$0x3FC8]  }
0x92: {  	s4 =	sld [smem:$0x3FD0];
	(tm) =	ssettm $0x1  }
0x93: {  	s5 =	sld [smem:$0x3FFB];
	_ =	sdelay $0x3  }
0x94: {  	_ =	strace s5  }
0x95: {  	s5 =	sld [smem:$0x3FFC];
	_ =	sdelay $0x3  }
0x96: {  	_ =	strace s5  }
0x97: {  	s5 =	sld [smem:$0x3FFD];
	_ =	sdelay $0x3  }
0x98: {  	_ =	strace s5  }
0x99: {  	_ =	strace $0x8FFFFFFF  }
0x9a: {  	s19 =	sld [smem:$0x3FDB];
	_ =	sdelay $0x1  }
0x9b: {  	s6 =	simm.s32 $_scs_section_size  }
0x9c: {  	s7 =	simm.s32 $_size__tile_overlayer_lowered;
	s8 =	simm.s32 $_tile_overlayer_lowered  }
0x9d: {  	s22 =	simm.s32 $0x1BFF;
	s21 =	sshll.u32 s8, $0x1;
	s5 =	sadd.s32 s6, s19  }
0x9e: {  	s9 =	simm.s32 $0x0;
	s20 =	sshll.u32 s7, $0x1;
	s7 =	sadd.s32 s21, s5  }
0x9f: {  	[timem:s9], [sflag:s22] =	dma.local [hbm:s7], s20  }
0xa0: {  	_ =	swait.ge [sflag:s22], s20  }
0xa1: {  	s6 =	ssub.s32 $0x0, s20;
	[sflag:s22] =	ssyncset.done $0x0  }
0xa2: {  	[sflag:s22] =	ssyncadd.s32 s6;
	_ =	sdelay $0x1  }
0xa3: {  	s23 =	simm.s32 $0x1B8B  }
0xa4: {  	_ =	swait.ge [sflag:s23], $0x1  }
0xa5: {  	[sflag:s23] =	ssyncset.done $0x0  }
0xa6: {  	s25 =	simm.s32 $0x1B8E;
	s24 =	sld [smem:$0x3FFE];
	[sflag:s23] =	ssyncadd.s32 $0xFFFFFFFF  }
0xa7: {  	s26 =	simm.s32 $execute0_lowered;
	[smem:$0x3FD2] =	sst s25  }
0xa8: {  	s7 =	sshll.u32 s26, $0x1;
	_ =	strace $0x80000046;
	[dreg:$0x1] =	wrdreg $0xFFFFFFFF  }
0xa9: {  	s28 =	simm.s32 $_size_execute0_lowered;
	s5 =	sadd.s32 s5, s7;
	[dreg:$0x0] =	wrdreg $0x0  }
0xaa: {  	s7 =	sshll.u32 s28, $0x1;
	[dreg:$0x2] =	wrdreg s5  }
0xab: {  	[dreg:$0x3] =	wrdreg s7  }
0xac: {  	[dreg:$0x4] =	wrdreg $0xC0  }
0xad: {  	_ =	task [dreg:s9], $0x5FFFF  }
0xae: {  	[dreg:$0x1] =	wrdreg $0xFFFFFFFF  }
0xaf: {  	[dreg:$0x0] =	wrdreg $0x60  }
0xb0: {  	[dreg:$0x2] =	wrdreg s2  }
0xb1: {  	[dreg:$0x3] =	wrdreg s18  }
0xb2: {  	[dreg:$0x4] =	wrdreg s24  }
0xb3: {  	[dreg:$0x5] =	wrdreg s4  }
0xb4: {  	[dreg:$0x6] =	wrdreg $0x88800  }
0xb5: {  	[dreg:$0x7] =	wrdreg $0x1C8800  }
0xb6: {  	[dreg:$0x8] =	wrdreg $0x9  }
0xb7: {  	_ =	task.clear_ibuf [dreg:s9], $0x9FFFF;
	_ =	strace $0x90000046  }
0xb8: {  	s29 =	simm.s32 $0x9;
	_ =	strace $0x80000048  }
0xb9: {  	_ =	swait.ge [sflag:s29], $0x1  }
0xba: {  	[sflag:s29] =	ssyncadd.s32 $0xFFFFFFFF  }
0xbb: {  	_ =	strace $0x90000048  }
0xbc: {  	_ =	sfence  }
0xbd: {  	s30 =	sld [smem:$0x0];
	_ =	sdelay $0x2  }
0xbe: {  	s31 =	sshll.u32 s1, $0xD;
	s1 =	sshrl.u32 s1, $0x2  }
0xbf: {  	s3 =	sand.u32 $0x4000, s31;
	s1 =	sadd.s32 s1, s30  }
0xc0: {  	s0 =	sor.u32 s3, s0;
	s1 =	sshll.u32 s1, $0x11  }
0xc1: {  	s0 =	sor.u32 s1, s0  }
0xc2: {  	s0 =	sadd.s32 $0x8F2B, s0  }
0xc3: {  	[sflag:s0] =	ssyncadd.remote.s32 $0x1  }
0xc4: {  	_ =	sfence.sel $0xFFFF  }
0xc5: {  	[dreg:$0x0] =	wrdreg $0xFFFFFFFF;
	(pc) =	sbr.abs _section_cstart, $3  }
0xc6: {  	[dreg:$0x1] =	wrdreg $0xFFFFFFFF  }
0xc7: {  	_ =	task.clear_ibuf [dreg:s9], $0x2FFFF;
	_ =	strace $0x9FFFFFFF  }
0xc8: {  	(tm) =	ssettm $0x7FFFFFFF  }
0xc9: {  	_ =	shalt  }
tec
execute0_lowered:
.L_overlay_start_1:
0x0: {  	(tag) =	ssettag $0x1  }
0x1: {  	s0 =	rddreg [dreg:$0x0]  }
0x2: {  	s2 =	rddreg [dreg:$0x1]  }
0x3: {  	s1 =	rddreg [dreg:$0x2]  }
0x4: {  	s6 =	rddreg [dreg:$0x3]  }
0x5: {  	s3 =	rddreg [dreg:$0x4]  }
0x6: {  	s4 =	rddreg [dreg:$0x5];
	s5 =	simm.s32 $0x0;
	s7 =	srdreg.scid  }
0x7: {  	s24 =	stileid.u32;
	s28 =	simm.s32 $0x8300;
	s29 =	simm.s32 $0x200  }
0x8: {  	s30 =	simm.s32 $0x4300;
	s31 =	simm.s32 $0x2;
	s11 =	smul.u32 $0x280, s24  }
0x9: {  	[smem:$0x7FF] =	sst s5;
	s8 =	sand.u32 $0x1, s7;
	s13 =	smul.u32 $0x2800, s24  }
0xa: {  	s23 =	sshll.u32 s24, $0x5;
	p2 =	sgt.u32 s24, $0x7;
	p0 =	sne.s32 s24, $0x0  }
0xb: {  	s7 =	smul.u32 $0x28000, s8;
	s9 =	ssub.s32 $0x2, s8;
	_ =	strace $0x80000047  }
0xc: {  	s10 =	sshrl.u32 s9, $0x1;
	s15 =	sadd.s32 $0x80, s11;
	s17 =	sadd.s32 $0xC0, s11  }
0xd: {  	s18 =	sadd.s32 $0x100, s11;
	s21 =	sadd.s32 $0x140, s11;
	s12 =	sadd.s32 s7, s1  }
0xe: {  	s1 =	ssub.s32 s9, s10;
	s9 =	sshll.u32 s8, $0x4;
	s7 =	sadd.s32 $0x10, s2  }
0xf: {  	s16 =	sshll.u32 s15, $0x4;
	s19 =	sshll.u32 s17, $0x4;
	s20 =	sshll.u32 s18, $0x4  }
0x10: {  	s8 =	sshll.u32 s8, $0x9;
	s17 =	sshll.u32 s17, $0x7;
	s10 =	sadd.s32 $0x2A00, s12  }
0x11: {  	s12 =	sor.u32 $0x40, s11;
	s22 =	sadd.s32 s8, s2;
	s6 =	sadd.s32 s6, s9  }
0x12: {  	s8 =	sor.u32 s23, s8;
	s1 =	smax.u32 s1, $0x1;
	[dreg:$0x13] =	wrdreg s6  }
0x13: {  	s14 =	sshll.u32 s12, $0x4;
	s22 =	sadd.s32 s23, s22;
	[dreg:$0x16] =	wrdreg s1  }
0x14: {  	s23 =	sadd.s32 $0x180, s11;
	s8 =	sadd.s32 s7, s8;
	[dreg:$0x7] =	wrdreg s22  }
0x15: {  	s13 =	sadd.s32 s13, s10;
	s16 =	sadd.s32 s16, s10;
	[dreg:$0x8] =	wrdreg s8  }
0x16: {  	s25 =	sadd.s32 s19, s10;
	s26 =	sadd.s32 s20, s10;
	[dreg:$0x9] =	wrdreg s13  }
0x17: {  	s6 =	sor.u32 s24, s9;
	s22 =	sadd.s32 $0x1C0, s11;
	[dreg:$0xb] =	wrdreg s16  }
0x18: {  	s8 =	sadd.s32 $0x200, s11;
	s11 =	sadd.s32 $0x240, s11;
	[dreg:$0xc] =	wrdreg s25  }
0x19: {  	s14 =	sadd.s32 s14, s10;
	[dreg:$0xd] =	wrdreg s26;
	s25 =	smul.u32 $0x50000, s24  }
0x1a: {  	s16 =	sshll.u32 s23, $0x4;
	s26 =	smul.u32 $0x1400, s24;
	s23 =	sshll.u32 s23, $0x7  }
0x1b: {  	s1 =	sshll.u32 s6, $0x5;
	[dreg:$0xa] =	wrdreg s14;
	s14 =	sshll.u32 s21, $0x4  }
0x1c: {  	s19 =	sshll.u32 s22, $0x4;
	s21 =	sshll.u32 s21, $0x7;
	s24 =	sadd.s32 s2, s1  }
0x1d: {  	[dreg:$0x17] =	wrdreg s1;
	s13 =	sadd.s32 s14, s10;
	s20 =	sadd.s32 s19, s10  }
0x1e: {  	s19 =	sshll.u32 s8, $0x4;
	s25 =	sshrl.u32 s25, $0x2;
	[smem:$0x7F8] =	sst s24  }
0x1f: {  	s26 =	sshrl.u32 s26, $0x2;
	s14 =	sshll.u32 s12, $0x7;
	[dreg:$0xe] =	wrdreg s13  }
0x20: {  	s13 =	sadd.s32 s16, s10;
	[dreg:$0x10] =	wrdreg s20;
	s20 =	sshll.u32 s11, $0x4  }
0x21: {  	s16 =	sadd.s32 s19, s10;
	s19 =	sadd.s32 s25, s3;
	[dreg:$0xf] =	wrdreg s13  }
0x22: {  	s9 =	sadd.s32 s14, s3;
	s14 =	sadd.s32 s21, s3;
	[dreg:$0x11] =	wrdreg s16  }
0x23: {  	s25 =	sshll.u32 s22, $0x7;
	s10 =	sadd.s32 s20, s10;
	[dreg:$0x14] =	wrdreg s19  }
0x24: {  	s11 =	sshll.u32 s11, $0x7;
	s13 =	sadd.s32 s26, s4;
	[dreg:$0x12] =	wrdreg s10  }
0x25: {  	s16 =	sshll.u32 s15, $0x7;
	s26 =	sshrl.u32 s9, $0x3;
	[dreg:$0x15] =	wrdreg s13  }
0x26: {  	s20 =	sshll.u32 s18, $0x7;
	s21 =	sadd.s32 $0x8000, s19;
	[dreg:$0x18] =	wrdreg s26  }
0x27: {  	s15 =	sadd.s32 s23, s3;
	s22 =	sadd.s32 $0xC000, s19;
	[smem:$0x7F5] =	sst s21  }
0x28: {  	s11 =	sadd.s32 s11, s3;
	s23 =	sadd.s32 $0x10000, s19;
	[smem:$0x7F6] =	sst s22  }
0x29: {  	s10 =	sadd.s32 s16, s3;
	s18 =	sshrl.u32 s11, $0x3;
	[smem:$0x7F7] =	sst s23  }
0x2a: {  	s13 =	sadd.s32 s20, s3;
	s20 =	sadd.s32 $0x4000, s19;
	[smem:$0x7F3] =	sst s18  }
0x2b: {  	s16 =	sadd.s32 s25, s3;
	s25 =	sor.u32 $0x400, s1;
	[smem:$0x7F4] =	sst s20  }
0x2c: {  	p1 =	sgt.u32 s6, $0x3;
	s1 =	sor.u32 $0x800, s1;
	[smem:$0x7F9] =	sst s25  }
0x2d: {  	s12 =	sadd.s32 s17, s3;
	s26 =	sadd.s32 $0x13860, s2;
	[smem:$0x7FB] =	sst s1  }
0x2e: {  	s8 =	sshll.u32 s8, $0x7;
	s9 =	sshrl.u32 s10, $0x3;
	[smem:$0x7FD] =	sst s26  }
0x2f: {  	s17 =	sor.u32 $0xC0, s6;
	s10 =	sshrl.u32 s12, $0x3;
	[dreg:$0x19] =	wrdreg s9  }
0x30: {  	s24 =	simm.s32 $0x80;
	s12 =	sshrl.u32 s13, $0x3;
	[dreg:$0x1a] =	wrdreg s10  }
0x31: {  	s8 =	sadd.s32 s8, s3;
	s13 =	sshrl.u32 s14, $0x3;
	[dreg:$0x1b] =	wrdreg s12  }
0x32: {  	s21 =	simm.s32 $0x100;
	s14 =	sshrl.u32 s15, $0x3;
	[dreg:$0x1c] =	wrdreg s13  }
0x33: {  	s11 =	simm.s32 $0x6;
	s15 =	sshrl.u32 s16, $0x3;
	[dreg:$0x1d] =	wrdreg s14  }
0x34: {  	s16 =	sshrl.u32 s8, $0x3;
	s6 =	sadd.s32 s2, s25;
	[dreg:$0x1e] =	wrdreg s15  }
0x35: {  	s1 =	sadd.s32 s2, s1;
	s18 =	simm.s32 $0x300;
	[dreg:$0x1f] =	wrdreg s16  }
0x36: {  	s20 =	simm.s32 $0x9;
	s25 =	simm.s32 $0x180;
	[smem:$0x7FA] =	sst s6  }
0x37: {  	s26 =	simm.s32 $0x1;
	s8 =	simm.s32 $0x5;
	[smem:$0x7FC] =	sst s1  }
0x38: {  	s1 =	simm.s32 $0x280;
	s6 =	simm.s32 $0x3;
	s9 =	simm.s32 $0x7  }
0x39: {  	v0 =	vimm.f32 $1.000000000e+00;
	v1 =	vimm.f32 $0.0e+00;
	s10 =	simm.s32 $0x4;
	s12 =	simm.s32 $0x8;
	s15 =	simm.s32 $0x0  }
.LBB2_1:
0x3a: {  	[tilespmem:$0x8300] =	vst v0  }
0x3b: {  	[tilespmem:$0x8310] =	vst v0  }
0x3c: {  	[tilespmem:$0x8320] =	vst v0  }
0x3d: {  	[tilespmem:$0x8330] =	vst v0  }
0x3e: {  	[tilespmem:$0x8340] =	vst v0  }
0x3f: {  	[tilespmem:$0x8350] =	vst v0  }
0x40: {  	[tilespmem:$0x8360] =	vst v0  }
0x41: {  	[tilespmem:$0x8370] =	vst v0;
	s13 =	simm.s32 $0x0  }
.LBB2_2:
0x42: {  	p3 =	sne.s32 s13, $0x13C0  }
.Ltmp0:
0x43: {  	_ = 	snop;
	(pc) =	sbr.rel @p3 .LBB2_2-.Ltmp0, $3  }
0x44: {  	_ =	sdelay $0x1  }
0x45: {  	s14 =	sshra.s32 s13, $0x2  }
0x46: {  	s13 =	sadd.s32 $0x40, s13;
	[tilespmem:s14+$0x8380] =	vst v1  }
0x47: {  	s13 =	simm.s32 $0x0  }
0x48: {  	s14 =	sand.u32 $0xFE00, s13  }
0x49: {  	s16 =	sand.u32 $0x70, s13;
	s23 =	sshrl.u32 s14, $0x2  }
0x4a: {  	s14 =	simm.s32 $0x40;
	s16 =	sor.u32 s16, s23  }
.LBB2_4:
0x4b: {  	p3 =	sne.s32 s14, $0xFFC0  }
0x4c: {  	[tilespmem:s16+$0x300] =	vst v1;
	s13 =	sadd.s32 $0x10, s13;
	s16 =	smov.u32 s14;
	s14 =	sadd.s32 $0x40, s14  }
.Ltmp1:
0x4d: {  	(pc) =	sbr.rel @p3 .LBB2_4-.Ltmp1, $4  }
0x4e: {  	_ = 	snop  }
0x4f: {  	s16 =	sand.u32 $0xFE00, s16  }
0x50: {  	s23 =	sand.u32 $0x70, s13;
	s16 =	sshrl.u32 s16, $0x2  }
0x51: {  	s16 =	sor.u32 s23, s16  }
0x52: {  	[tilespmem:s16+$0x300] =	vst v1;
	s13 =	rddreg [dreg:$0x14]  }
0x53: {  	[spmem:s13] =	stream.linear.scatter [tilespmem:s18], [sflag:$0x9], $0x4000, $0x38;
	[tilespmem:$0x1CB00] =	vst v63  }
0x54: {  	_ =	swait.ge [sflag:s20], $0x4000  }
0x55: {  	s23 =	sld [smem:$0x7F4]  }
0x56: {  	[sflag:s20] =	ssyncset.done $0x0  }
0x57: {  	[sflag:s20] =	ssyncadd.s32 $0xFFFFC000  }
0x58: {  	[spmem:s23] =	stream.linear.scatter [tilespmem:s18], [sflag:$0x9], $0x4000, $0x38;
	[tilespmem:$0x1CB00] =	vst v63  }
0x59: {  	_ =	swait.ge [sflag:s20], $0x4000  }
0x5a: {  	s14 =	sld [smem:$0x7F5]  }
0x5b: {  	[sflag:s20] =	ssyncset.done $0x0  }
0x5c: {  	[sflag:s20] =	ssyncadd.s32 $0xFFFFC000  }
0x5d: {  	[spmem:s14] =	stream.linear.scatter [tilespmem:s18], [sflag:$0x9], $0x4000, $0x38;
	[tilespmem:$0x1CB00] =	vst v63  }
0x5e: {  	_ =	swait.ge [sflag:s20], $0x4000  }
0x5f: {  	s16 =	sld [smem:$0x7F6]  }
0x60: {  	[sflag:s20] =	ssyncset.done $0x0  }
0x61: {  	[sflag:s20] =	ssyncadd.s32 $0xFFFFC000  }
0x62: {  	[spmem:s16] =	stream.linear.scatter [tilespmem:s18], [sflag:$0x9], $0x4000, $0x38;
	[tilespmem:$0x1CB00] =	vst v63  }
0x63: {  	_ =	swait.ge [sflag:s20], $0x4000  }
0x64: {  	s19 =	sld [smem:$0x7F7]  }
0x65: {  	[sflag:s20] =	ssyncset.done $0x0  }
0x66: {  	[sflag:s20] =	ssyncadd.s32 $0xFFFFC000  }
0x67: {  	[spmem:s19] =	stream.linear.scatter [tilespmem:s18], [sflag:$0x9], $0x4000, $0x38;
	[tilespmem:$0x1CB00] =	vst v63  }
0x68: {  	_ =	swait.ge [sflag:s20], $0x4000  }
0x69: {  	[sflag:s20] =	ssyncset.done $0x0  }
0x6a: {  	s13 =	simm.s32 @!p2 $0x8380;
	s14 =	rddreg [dreg:$0x15];
	[sflag:s20] =	ssyncadd.s32 $0xFFFFC000  }
0x6b: {  	[spmem:s14] =	stream.linear.scatter @!p2 [tilespmem:s13], [sflag:$0x9], $0x500, $0x38;
	[tilespmem:$0x1CB00] =	vst v63  }
0x6c: {  	s13 =	simm.s32 @!p2 $0x9  }
0x6d: {  	_ =	swait.ge @!p2 [sflag:s13], $0x500  }
0x6e: {  	[sflag:s13] =	ssyncset.done @!p2 $0x0  }
0x6f: {  	[sflag:s13] =	ssyncadd.s32 @!p2 $0xFFFFFB00  }
0x70: {  	[bflag:$0x0] =	sbarrier.arrive $0xFFFF  }
0x71: {  	s22 =	sld [smem:$0x7F8];
	_ =	sdelay $0x1  }
0x72: {  	s13 =	simm.s32 $0x0  }
0x73: {  	[tilespmem:s13], [sflag:$0x9] =	stream.linear.gather [hbm4b:s22+s13], $0x80, $0x38;
	[tilespmem:$0x1CB00] =	vst v63  }
0x74: {  	_ =	swait.ge [sflag:s20], $0x80  }
0x75: {  	[sflag:s20] =	ssyncset.done $0x0;
	s23 =	rddreg [dreg:$0x17]  }
0x76: {  	[sflag:s20] =	ssyncadd.s32 $0xFFFFFF80;
	s14 =	sadd.s32 s23, s7  }
0x77: {  	[tilespmem:s21], [sflag:$0x9] =	stream.linear.gather [hbm4b:s14+s13], $0x80, $0x38;
	[tilespmem:$0x1CB00] =	vst v63  }
0x78: {  	_ =	swait.ge [sflag:s20], $0x80  }
0x79: {  	s16 =	sld [smem:$0x7FA]  }
0x7a: {  	[sflag:s20] =	ssyncset.done $0x0  }
0x7b: {  	[sflag:s20] =	ssyncadd.s32 $0xFFFFFF80  }
0x7c: {  	[tilespmem:s24], [sflag:$0x9] =	stream.linear.gather [hbm4b:s16+s13], $0x80, $0x38;
	[tilespmem:$0x1CB00] =	vst v63  }
0x7d: {  	_ =	swait.ge [sflag:s20], $0x80  }
0x7e: {  	s19 =	sld [smem:$0x7F9];
	_ =	sdelay $0x1  }
0x7f: {  	[sflag:s20] =	ssyncset.done $0x0  }
0x80: {  	[sflag:s20] =	ssyncadd.s32 $0xFFFFFF80;
	s14 =	sadd.s32 s19, s7  }
0x81: {  	[tilespmem:s25], [sflag:$0x9] =	stream.linear.gather [hbm4b:s14+s13], $0x80, $0x38;
	[tilespmem:$0x1CB00] =	vst v63  }
0x82: {  	_ =	swait.ge [sflag:s20], $0x80  }
0x83: {  	[sflag:s20] =	ssyncset.done $0x0  }
0x84: {  	[sflag:s20] =	ssyncadd.s32 $0xFFFFFF80  }
0x85: {  	[tilespmem:s18], [sflag:$0x1] =	stream.indirect.gather [hbm4b:s0+s24], $0x80, s13, s24, $0xb8;
	[tilespmem:$0x1CB00] =	vst v63  }
0x86: {  	_ =	swait.ge [sflag:s26], $0x4000  }
0x87: {  	[sflag:s26] =	ssyncset.done $0x0  }
0x88: {  	s22 =	sld [smem:$0x7FC];
	[sflag:s26] =	ssyncadd.s32 $0xFFFFC000  }
0x89: {  	[spmem:s3] =	stream.indirect.scatter.add.f32 [tilespmem:s18], [sflag:$0x3], $0x80, s21, s24, $0xb8;
	[tilespmem:$0x1CB00] =	vst v63  }
0x8a: {  	s23 =	sld [smem:$0x7FB]  }
0x8b: {  	[spmem:s4] =	stream.indirect.scatter.add.f32 [tilespmem:s28], [sflag:$0x5], $0x1, s21, s24, $0xb8;
	[tilespmem:$0x1CB00] =	vst v63  }
0x8c: {  	_ = 	snop  }
0x8d: {  	[tilespmem:s13], [sflag:$0x7] =	stream.linear.gather [hbm4b:s22+s13], $0x80, $0x38;
	[tilespmem:$0x1CB00] =	vst v63  }
0x8e: {  	s14 =	sadd.s32 s23, s7  }
0x8f: {  	[tilespmem:s29], [sflag:$0x7] =	stream.linear.gather [hbm4b:s14+s13], $0x80, $0x38;
	[tilespmem:$0x1CB00] =	vst v63  }
0x90: {  	_ = 	snop  }
0x91: {  	[tilespmem:s30], [sflag:$0x2] =	stream.indirect.gather [hbm4b:s0+s24], $0x80, s24, s24, $0xb8;
	[tilespmem:$0x1CB00] =	vst v63  }
0x92: {  	_ =	swait.ge [sflag:s31], $0x4000  }
0x93: {  	[sflag:s31] =	ssyncset.done $0x0  }
0x94: {  	s14 =	rddreg [dreg:$0x7];
	[sflag:s31] =	ssyncadd.s32 $0xFFFFC000  }
0x95: {  	[spmem:s3] =	stream.indirect.scatter.add.f32 [tilespmem:s30], [sflag:$0x4], $0x80, s25, s24, $0xb8;
	[tilespmem:$0x1CB00] =	vst v63  }
0x96: {  	s16 =	rddreg [dreg:$0x8];
	s13 =	sadd.s32 $0x0, s14  }
0x97: {  	[spmem:s4] =	stream.indirect.scatter.add.f32 [tilespmem:s28], [sflag:$0x6], $0x1, s25, s24, $0xb8;
	[tilespmem:$0x1CB00] =	vst v63  }
0x98: {  	s14 =	sadd.s32 $0x0, s16;
	s19 =	sadd.s32 $0xC00, s13  }
0x99: {  	[tilespmem:s24], [sflag:$0x8] =	stream.linear.gather [hbm4b:s19+s5], $0x80, $0x38;
	[tilespmem:$0x1CB00] =	vst v63  }
0x9a: {  	s22 =	sadd.s32 $0xC00, s14  }
0x9b: {  	[tilespmem:s1], [sflag:$0x8] =	stream.linear.gather [hbm4b:s22+s5], $0x80, $0x38;
	[tilespmem:$0x1CB00] =	vst v63  }
0x9c: {  	_ =	swait.ge [sflag:s6], $0x4000  }
0x9d: {  	[sflag:s6] =	ssyncset.done $0x0  }
0x9e: {  	[sflag:s6] =	ssyncadd.s32 $0xFFFFC000  }
0x9f: {  	_ =	swait.ge [sflag:s8], $0x80  }
0xa0: {  	[sflag:s8] =	ssyncset.done $0x0  }
0xa1: {  	[sflag:s8] =	ssyncadd.s32 $0xFFFFFF80  }
0xa2: {  	_ =	swait.ge [sflag:s9], $0x80  }
0xa3: {  	[sflag:s9] =	ssyncset.done $0x0  }
0xa4: {  	[sflag:s9] =	ssyncadd.s32 $0xFFFFFF80  }
0xa5: {  	_ =	swait.ge [sflag:s9], $0x80  }
0xa6: {  	[sflag:s9] =	ssyncset.done $0x0  }
0xa7: {  	[sflag:s9] =	ssyncadd.s32 $0xFFFFFF80  }
0xa8: {  	[tilespmem:s18], [sflag:$0x1] =	stream.indirect.gather [hbm4b:s0+s24], $0x80, s5, s24, $0xb8;
	[tilespmem:$0x1CB00] =	vst v63  }
0xa9: {  	_ =	swait.ge [sflag:s26], $0x4000  }
0xaa: {  	[sflag:s26] =	ssyncset.done $0x0  }
0xab: {  	[sflag:s26] =	ssyncadd.s32 $0xFFFFC000  }
0xac: {  	[spmem:s3] =	stream.indirect.scatter.add.f32 [tilespmem:s18], [sflag:$0x3], $0x80, s29, s24, $0xb8;
	[tilespmem:$0x1CB00] =	vst v63  }
0xad: {  	_ = 	snop  }
0xae: {  	[spmem:s4] =	stream.indirect.scatter.add.f32 [tilespmem:s28], [sflag:$0x5], $0x1, s29, s24, $0xb8;
	[tilespmem:$0x1CB00] =	vst v63  }
0xaf: {  	s23 =	sadd.s32 $0x1000, s13  }
0xb0: {  	[tilespmem:s5], [sflag:$0x7] =	stream.linear.gather [hbm4b:s23+s5], $0x80, $0x38;
	[tilespmem:$0x1CB00] =	vst v63  }
0xb1: {  	s19 =	sadd.s32 $0x1000, s14  }
0xb2: {  	[tilespmem:s21], [sflag:$0x7] =	stream.linear.gather [hbm4b:s19+s5], $0x80, $0x38;
	[tilespmem:$0x1CB00] =	vst v63  }
0xb3: {  	_ =	swait.ge [sflag:s10], $0x4000  }
0xb4: {  	[sflag:s10] =	ssyncset.done $0x0  }
0xb5: {  	[sflag:s10] =	ssyncadd.s32 $0xFFFFC000  }
0xb6: {  	_ =	swait.ge [sflag:s11], $0x80  }
0xb7: {  	[sflag:s11] =	ssyncset.done $0x0  }
0xb8: {  	[sflag:s11] =	ssyncadd.s32 $0xFFFFFF80  }
0xb9: {  	_ =	swait.ge [sflag:s12], $0x80  }
0xba: {  	[sflag:s12] =	ssyncset.done $0x0  }
0xbb: {  	[sflag:s12] =	ssyncadd.s32 $0xFFFFFF80  }
0xbc: {  	_ =	swait.ge [sflag:s12], $0x80  }
0xbd: {  	[sflag:s12] =	ssyncset.done $0x0  }
0xbe: {  	[sflag:s12] =	ssyncadd.s32 $0xFFFFFF80  }
0xbf: {  	[tilespmem:s30], [sflag:$0x2] =	stream.indirect.gather [hbm4b:s0+s24], $0x80, s24, s24, $0xb8;
	[tilespmem:$0x1CB00] =	vst v63  }
0xc0: {  	_ =	swait.ge [sflag:s31], $0x4000  }
0xc1: {  	[sflag:s31] =	ssyncset.done $0x0  }
0xc2: {  	[sflag:s31] =	ssyncadd.s32 $0xFFFFC000  }
0xc3: {  	[spmem:s3] =	stream.indirect.scatter.add.f32 [tilespmem:s30], [sflag:$0x4], $0x80, s1, s24, $0xb8;
	[tilespmem:$0x1CB00] =	vst v63  }
0xc4: {  	_ = 	snop  }
0xc5: {  	[spmem:s4] =	stream.indirect.scatter.add.f32 [tilespmem:s28], [sflag:$0x6], $0x1, s1, s24, $0xb8;
	[tilespmem:$0x1CB00] =	vst v63  }
0xc6: {  	s13 =	sadd.s32 $0x1400, s13  }
0xc7: {  	[tilespmem:s24], [sflag:$0x8] =	stream.linear.gather [hbm4b:s13+s5], $0x80, $0x38;
	[tilespmem:$0x1CB00] =	vst v63  }
0xc8: {  	s22 =	sadd.s32 $0x1400, s14  }
0xc9: {  	[tilespmem:s25], [sflag:$0x8] =	stream.linear.gather [hbm4b:s22+s5], $0x80, $0x38;
	[tilespmem:$0x1CB00] =	vst v63  }
0xca: {  	_ =	swait.ge [sflag:s6], $0x4000  }
0xcb: {  	[sflag:s6] =	ssyncset.done $0x0  }
0xcc: {  	[sflag:s6] =	ssyncadd.s32 $0xFFFFC000  }
0xcd: {  	_ =	swait.ge [sflag:s8], $0x80  }
0xce: {  	[sflag:s8] =	ssyncset.done $0x0  }
0xcf: {  	[sflag:s8] =	ssyncadd.s32 $0xFFFFFF80  }
0xd0: {  	_ =	swait.ge [sflag:s9], $0x80  }
0xd1: {  	[sflag:s9] =	ssyncset.done $0x0  }
0xd2: {  	[sflag:s9] =	ssyncadd.s32 $0xFFFFFF80  }
0xd3: {  	_ =	swait.ge [sflag:s9], $0x80  }
0xd4: {  	[sflag:s9] =	ssyncset.done $0x0  }
0xd5: {  	[sflag:s9] =	ssyncadd.s32 $0xFFFFFF80  }
0xd6: {  	[tilespmem:s18], [sflag:$0x1] =	stream.indirect.gather [hbm4b:s0+s24], $0x80, s5, s24, $0xb8;
	[tilespmem:$0x1CB00] =	vst v63  }
0xd7: {  	_ =	swait.ge [sflag:s26], $0x4000  }
0xd8: {  	p3 =	slt.s32 s17, $0x9C3;
	s13 =	smov.u32 s17;
	[sflag:s26] =	ssyncset.done $0x0  }
0xd9: {  	s13 =	simm.s32 @!p3 $0x9C3;
	[sflag:s26] =	ssyncadd.s32 $0xFFFFC000  }
0xda: {  	[spmem:s3] =	stream.indirect.scatter.add.f32 [tilespmem:s18], [sflag:$0x3], $0x80, s21, s24, $0xb8;
	[tilespmem:$0x1CB00] =	vst v63  }
0xdb: {  	s13 =	sshll.u32 s13, $0x5  }
0xdc: {  	[spmem:s4] =	stream.indirect.scatter.add.f32 [tilespmem:s28], [sflag:$0x5], $0x1, s21, s24, $0xb8;
	[tilespmem:$0x1CB00] =	vst v63  }
0xdd: {  	s23 =	sadd.s32 s2, s13  }
0xde: {  	[tilespmem:s5], [sflag:$0x7] =	stream.linear.gather [hbm4b:s23+s5], $0x80, $0x38;
	[tilespmem:$0x1CB00] =	vst v63  }
0xdf: {  	s13 =	sadd.s32 s7, s13  }
0xe0: {  	[tilespmem:s29], [sflag:$0x7] =	stream.linear.gather [hbm4b:s13+s5], $0x80, $0x38;
	[tilespmem:$0x1CB00] =	vst v63  }
0xe1: {  	_ =	swait.ge [sflag:s10], $0x4000  }
0xe2: {  	[sflag:s10] =	ssyncset.done $0x0  }
0xe3: {  	[sflag:s10] =	ssyncadd.s32 $0xFFFFC000  }
0xe4: {  	_ =	swait.ge [sflag:s11], $0x80  }
0xe5: {  	[sflag:s11] =	ssyncset.done $0x0  }
0xe6: {  	[sflag:s11] =	ssyncadd.s32 $0xFFFFFF80  }
0xe7: {  	_ =	swait.ge [sflag:s12], $0x80  }
0xe8: {  	[sflag:s12] =	ssyncset.done $0x0  }
0xe9: {  	[sflag:s12] =	ssyncadd.s32 $0xFFFFFF80  }
0xea: {  	s16 =	simm.s32 $0x1000;
	s23 =	smov.u32 s17;
	_ =	swait.ge [sflag:s12], $0x80  }
.LBB2_6:
0xeb: {  	[sflag:s12] =	ssyncset.done $0x0  }
0xec: {  	[sflag:s12] =	ssyncadd.s32 $0xFFFFFF80  }
0xed: {  	[tilespmem:s30], [sflag:$0x2] =	stream.indirect.gather [hbm4b:s0+s24], $0x80, s24, s24, $0xb8;
	[tilespmem:$0x1CB00] =	vst v63  }
0xee: {  	_ =	swait.ge [sflag:s31], $0x4000  }
0xef: {  	[sflag:s31] =	ssyncset.done $0x0  }
0xf0: {  	s14 =	smov.u32 s16;
	s13 =	rddreg [dreg:$0x7];
	[sflag:s31] =	ssyncadd.s32 $0xFFFFC000  }
0xf1: {  	[spmem:s3] =	stream.indirect.scatter.add.f32 [tilespmem:s30], [sflag:$0x4], $0x80, s25, s24, $0xb8;
	[tilespmem:$0x1CB00] =	vst v63  }
0xf2: {  	s22 =	rddreg [dreg:$0x8];
	s13 =	sadd.s32 s14, s13  }
0xf3: {  	[spmem:s4] =	stream.indirect.scatter.add.f32 [tilespmem:s28], [sflag:$0x6], $0x1, s25, s24, $0xb8;
	[tilespmem:$0x1CB00] =	vst v63  }
0xf4: {  	s14 =	sadd.s32 s14, s22;
	s19 =	sadd.s32 $0xC00, s13  }
0xf5: {  	[tilespmem:s24], [sflag:$0x8] =	stream.linear.gather [hbm4b:s19+s5], $0x80, $0x38;
	[tilespmem:$0x1CB00] =	vst v63  }
0xf6: {  	s22 =	sadd.s32 $0xC00, s14  }
0xf7: {  	[tilespmem:s1], [sflag:$0x8] =	stream.linear.gather [hbm4b:s22+s5], $0x80, $0x38;
	[tilespmem:$0x1CB00] =	vst v63  }
0xf8: {  	_ =	swait.ge [sflag:s6], $0x4000  }
0xf9: {  	[sflag:s6] =	ssyncset.done $0x0  }
0xfa: {  	[sflag:s6] =	ssyncadd.s32 $0xFFFFC000  }
0xfb: {  	_ =	swait.ge [sflag:s8], $0x80  }
0xfc: {  	[sflag:s8] =	ssyncset.done $0x0  }
0xfd: {  	[sflag:s8] =	ssyncadd.s32 $0xFFFFFF80  }
0xfe: {  	_ =	swait.ge [sflag:s9], $0x80  }
0xff: {  	[sflag:s9] =	ssyncset.done $0x0  }
0x100: {  	[sflag:s9] =	ssyncadd.s32 $0xFFFFFF80  }
0x101: {  	_ =	swait.ge [sflag:s9], $0x80  }
0x102: {  	[sflag:s9] =	ssyncset.done $0x0  }
0x103: {  	[sflag:s9] =	ssyncadd.s32 $0xFFFFFF80  }
0x104: {  	[tilespmem:s18], [sflag:$0x1] =	stream.indirect.gather [hbm4b:s0+s24], $0x80, s5, s24, $0xb8;
	[tilespmem:$0x1CB00] =	vst v63  }
0x105: {  	_ =	swait.ge [sflag:s26], $0x4000  }
0x106: {  	[sflag:s26] =	ssyncset.done $0x0  }
0x107: {  	[sflag:s26] =	ssyncadd.s32 $0xFFFFC000  }
0x108: {  	[spmem:s3] =	stream.indirect.scatter.add.f32 [tilespmem:s18], [sflag:$0x3], $0x80, s29, s24, $0xb8;
	[tilespmem:$0x1CB00] =	vst v63  }
0x109: {  	_ = 	snop  }
0x10a: {  	[spmem:s4] =	stream.indirect.scatter.add.f32 [tilespmem:s28], [sflag:$0x5], $0x1, s29, s24, $0xb8;
	[tilespmem:$0x1CB00] =	vst v63  }
0x10b: {  	s19 =	sadd.s32 $0x1000, s13  }
0x10c: {  	[tilespmem:s5], [sflag:$0x7] =	stream.linear.gather [hbm4b:s19+s5], $0x80, $0x38;
	[tilespmem:$0x1CB00] =	vst v63  }
0x10d: {  	s22 =	sadd.s32 $0x1000, s14  }
0x10e: {  	[tilespmem:s21], [sflag:$0x7] =	stream.linear.gather [hbm4b:s22+s5], $0x80, $0x38;
	[tilespmem:$0x1CB00] =	vst v63  }
0x10f: {  	_ =	swait.ge [sflag:s10], $0x4000  }
0x110: {  	[sflag:s10] =	ssyncset.done $0x0  }
0x111: {  	[sflag:s10] =	ssyncadd.s32 $0xFFFFC000  }
0x112: {  	_ =	swait.ge [sflag:s11], $0x80  }
0x113: {  	[sflag:s11] =	ssyncset.done $0x0  }
0x114: {  	[sflag:s11] =	ssyncadd.s32 $0xFFFFFF80  }
0x115: {  	_ =	swait.ge [sflag:s12], $0x80  }
0x116: {  	[sflag:s12] =	ssyncset.done $0x0  }
0x117: {  	[sflag:s12] =	ssyncadd.s32 $0xFFFFFF80  }
0x118: {  	_ =	swait.ge [sflag:s12], $0x80  }
0x119: {  	[sflag:s12] =	ssyncset.done $0x0  }
0x11a: {  	[sflag:s12] =	ssyncadd.s32 $0xFFFFFF80  }
0x11b: {  	[tilespmem:s30], [sflag:$0x2] =	stream.indirect.gather [hbm4b:s0+s24], $0x80, s24, s24, $0xb8;
	[tilespmem:$0x1CB00] =	vst v63  }
0x11c: {  	_ =	swait.ge [sflag:s31], $0x4000  }
0x11d: {  	[sflag:s31] =	ssyncset.done $0x0  }
0x11e: {  	[sflag:s31] =	ssyncadd.s32 $0xFFFFC000  }
0x11f: {  	[spmem:s3] =	stream.indirect.scatter.add.f32 [tilespmem:s30], [sflag:$0x4], $0x80, s1, s24, $0xb8;
	[tilespmem:$0x1CB00] =	vst v63  }
0x120: {  	_ = 	snop  }
0x121: {  	[spmem:s4] =	stream.indirect.scatter.add.f32 [tilespmem:s28], [sflag:$0x6], $0x1, s1, s24, $0xb8;
	[tilespmem:$0x1CB00] =	vst v63  }
0x122: {  	s13 =	sadd.s32 $0x1400, s13  }
0x123: {  	[tilespmem:s24], [sflag:$0x8] =	stream.linear.gather [hbm4b:s13+s5], $0x80, $0x38;
	[tilespmem:$0x1CB00] =	vst v63  }
0x124: {  	s14 =	sadd.s32 $0x1400, s14  }
0x125: {  	[tilespmem:s25], [sflag:$0x8] =	stream.linear.gather [hbm4b:s14+s5], $0x80, $0x38;
	[tilespmem:$0x1CB00] =	vst v63  }
0x126: {  	_ =	swait.ge [sflag:s6], $0x4000  }
0x127: {  	[sflag:s6] =	ssyncset.done $0x0  }
0x128: {  	[sflag:s6] =	ssyncadd.s32 $0xFFFFC000  }
0x129: {  	_ =	swait.ge [sflag:s8], $0x80  }
0x12a: {  	[sflag:s8] =	ssyncset.done $0x0  }
0x12b: {  	[sflag:s8] =	ssyncadd.s32 $0xFFFFFF80  }
0x12c: {  	_ =	swait.ge [sflag:s9], $0x80  }
0x12d: {  	[sflag:s9] =	ssyncset.done $0x0  }
0x12e: {  	[sflag:s9] =	ssyncadd.s32 $0xFFFFFF80  }
0x12f: {  	_ =	swait.ge [sflag:s9], $0x80  }
0x130: {  	[sflag:s9] =	ssyncset.done $0x0  }
0x131: {  	[sflag:s9] =	ssyncadd.s32 $0xFFFFFF80  }
0x132: {  	[tilespmem:s18], [sflag:$0x1] =	stream.indirect.gather [hbm4b:s0+s24], $0x80, s5, s24, $0xb8;
	[tilespmem:$0x1CB00] =	vst v63  }
0x133: {  	s23 =	sadd.s32 $0x80, s23;
	_ =	swait.ge [sflag:s26], $0x4000  }
0x134: {  	p4 =	slt.s32 s23, $0x9C3;
	s13 =	smov.u32 s23;
	[sflag:s26] =	ssyncset.done $0x0  }
0x135: {  	s13 =	simm.s32 @!p4 $0x9C3;
	[sflag:s26] =	ssyncadd.s32 $0xFFFFC000  }
0x136: {  	[spmem:s3] =	stream.indirect.scatter.add.f32 [tilespmem:s18], [sflag:$0x3], $0x80, s21, s24, $0xb8;
	[tilespmem:$0x1CB00] =	vst v63  }
0x137: {  	s13 =	sshll.u32 s13, $0x5  }
0x138: {  	[spmem:s4] =	stream.indirect.scatter.add.f32 [tilespmem:s28], [sflag:$0x5], $0x1, s21, s24, $0xb8;
	[tilespmem:$0x1CB00] =	vst v63  }
0x139: {  	s22 =	sadd.s32 s2, s13  }
0x13a: {  	[tilespmem:s5], [sflag:$0x7] =	stream.linear.gather [hbm4b:s22+s5], $0x80, $0x38;
	[tilespmem:$0x1CB00] =	vst v63  }
0x13b: {  	s13 =	sadd.s32 s7, s13  }
0x13c: {  	[tilespmem:s29], [sflag:$0x7] =	stream.linear.gather [hbm4b:s13+s5], $0x80, $0x38;
	[tilespmem:$0x1CB00] =	vst v63  }
0x13d: {  	_ =	swait.ge [sflag:s10], $0x4000  }
0x13e: {  	[sflag:s10] =	ssyncset.done $0x0  }
0x13f: {  	[sflag:s10] =	ssyncadd.s32 $0xFFFFC000  }
0x140: {  	_ =	swait.ge [sflag:s11], $0x80  }
0x141: {  	p3 =	sne.s32 s16, $0x12000;
	[sflag:s11] =	ssyncset.done $0x0  }
.Ltmp2:
0x142: {  	[sflag:s11] =	ssyncadd.s32 $0xFFFFFF80;
	(pc) =	sbr.rel @p3 .LBB2_6-.Ltmp2, $4  }
0x143: {  	_ =	swait.ge [sflag:s12], $0x80  }
0x144: {  	[sflag:s12] =	ssyncset.done $0x0  }
0x145: {  	[sflag:s12] =	ssyncadd.s32 $0xFFFFFF80  }
0x146: {  	s16 =	sadd.s32 $0x1000, s16;
	_ =	swait.ge [sflag:s12], $0x80  }
0x147: {  	[sflag:s12] =	ssyncset.done $0x0  }
0x148: {  	[sflag:s12] =	ssyncadd.s32 $0xFFFFFF80  }
0x149: {  	[tilespmem:s30], [sflag:$0x2] =	stream.indirect.gather [hbm4b:s0+s24], $0x80, s24, s24, $0xb8;
	[tilespmem:$0x1CB00] =	vst v63  }
0x14a: {  	_ =	swait.ge [sflag:s31], $0x4000  }
0x14b: {  	[sflag:s31] =	ssyncset.done $0x0  }
0x14c: {  	[sflag:s31] =	ssyncadd.s32 $0xFFFFC000  }
0x14d: {  	[spmem:s3] =	stream.indirect.scatter.add.f32 [tilespmem:s30], [sflag:$0x4], $0x80, s25, s24, $0xb8;
	[tilespmem:$0x1CB00] =	vst v63  }
0x14e: {  	s13 =	sld [smem:$0x7FD]  }
0x14f: {  	[spmem:s4] =	stream.indirect.scatter.add.f32 [tilespmem:s28], [sflag:$0x6], $0x1, s25, s24, $0xb8;
	[tilespmem:$0x1CB00] =	vst v63  }
0x150: {  	_ = 	snop  }
0x151: {  	[tilespmem:s24], [sflag:$0x8] =	stream.linear.gather [hbm4b:s13+s5], $0x80, $0x38;
	[tilespmem:$0x1CB00] =	vst v63  }
0x152: {  	s16 =	sadd.s32 $0x13860, s7  }
0x153: {  	[tilespmem:s1], [sflag:$0x8] =	stream.linear.gather [hbm4b:s16+s5], $0x80, $0x38;
	[tilespmem:$0x1CB00] =	vst v63  }
0x154: {  	_ =	swait.ge [sflag:s6], $0x4000  }
0x155: {  	[sflag:s6] =	ssyncset.done $0x0  }
0x156: {  	[sflag:s6] =	ssyncadd.s32 $0xFFFFC000  }
0x157: {  	_ =	swait.ge [sflag:s8], $0x80  }
0x158: {  	[sflag:s8] =	ssyncset.done $0x0  }
0x159: {  	[sflag:s8] =	ssyncadd.s32 $0xFFFFFF80  }
0x15a: {  	_ =	swait.ge [sflag:s9], $0x80  }
0x15b: {  	[sflag:s9] =	ssyncset.done $0x0  }
0x15c: {  	[sflag:s9] =	ssyncadd.s32 $0xFFFFFF80  }
0x15d: {  	_ =	swait.ge [sflag:s9], $0x80  }
0x15e: {  	[sflag:s9] =	ssyncset.done $0x0  }
0x15f: {  	[sflag:s9] =	ssyncadd.s32 $0xFFFFFF80  }
0x160: {  	[tilespmem:s18], [sflag:$0x1] =	stream.indirect.gather [hbm4b:s0+s24], $0x80, s5, s24, $0xb8;
	[tilespmem:$0x1CB00] =	vst v63  }
0x161: {  	_ =	swait.ge [sflag:s26], $0x4000  }
0x162: {  	[sflag:s26] =	ssyncset.done $0x0  }
0x163: {  	[sflag:s26] =	ssyncadd.s32 $0xFFFFC000  }
0x164: {  	_ =	swait.ge [sflag:s10], $0x4000  }
0x165: {  	[sflag:s10] =	ssyncset.done $0x0  }
0x166: {  	[sflag:s10] =	ssyncadd.s32 $0xFFFFC000  }
0x167: {  	_ =	swait.ge [sflag:s11], $0x80  }
0x168: {  	[sflag:s11] =	ssyncset.done $0x0  }
0x169: {  	[sflag:s11] =	ssyncadd.s32 $0xFFFFFF80  }
0x16a: {  	_ =	swait.ge [sflag:s12], $0x80  }
0x16b: {  	[sflag:s12] =	ssyncset.done $0x0  }
0x16c: {  	[sflag:s12] =	ssyncadd.s32 $0xFFFFFF80  }
0x16d: {  	_ =	swait.ge [sflag:s12], $0x80  }
0x16e: {  	s14 =	simm.s32 @!p1 $0x200;
	[sflag:s12] =	ssyncset.done $0x0  }
0x16f: {  	s13 =	simm.s32 @!p1 $0x80;
	s16 =	simm.s32 @!p1 $0x300;
	[sflag:s12] =	ssyncadd.s32 $0xFFFFFF80  }
0x170: {  	[spmem:s3] =	stream.indirect.scatter.add.f32 @!p1 [tilespmem:s16], [sflag:$0x9], $0x80, s14, s13, $0xb8;
	[tilespmem:$0x1CB00] =	vst v63  }
0x171: {  	s16 =	simm.s32 @!p1 $0x9  }
0x172: {  	_ =	swait.ge @!p1 [sflag:s16], $0x4000  }
0x173: {  	[sflag:s16] =	ssyncset.done @!p1 $0x0  }
0x174: {  	s19 =	simm.s32 @!p1 $0x8300;
	[sflag:s16] =	ssyncadd.s32 @!p1 $0xFFFFC000  }
0x175: {  	[spmem:s4] =	stream.indirect.scatter.add.f32 @!p1 [tilespmem:s19], [sflag:$0x9], $0x1, s14, s13, $0xb8;
	[tilespmem:$0x1CB00] =	vst v63  }
0x176: {  	_ =	swait.ge @!p1 [sflag:s16], $0x80  }
0x177: {  	[sflag:s16] =	ssyncset.done @!p1 $0x0  }
0x178: {  	[sflag:s16] =	ssyncadd.s32 @!p1 $0xFFFFFF80  }
0x179: {  	s19 =	stileid.u32;
	[bflag:$0x0] =	sbarrier.arrive $0xFFFF  }
0x17a: {  	s13 =	sshll.u32 s19, $0x6;
	s22 =	rddreg [dreg:$0x14]  }
0x17b: {  	s13 =	sor.u32 $0x1C09, s13;
	s23 =	rddreg [dreg:$0x9];
	s14 =	sshrl.u32 s22, $0x3  }
0x17c: {  	[hbm:s23], [sflag:s13] =	dma.local [spmem:s14], $0x400  }
0x17d: {  	_ =	swait.ge [sflag:s20], $0x400  }
0x17e: {  	[sflag:s20] =	ssyncset.done $0x0;
	s16 =	rddreg [dreg:$0xa]  }
0x17f: {  	s19 =	rddreg [dreg:$0x18];
	[sflag:s20] =	ssyncadd.s32 $0xFFFFFC00  }
0x180: {  	[hbm:s16], [sflag:s13] =	dma.local [spmem:s19], $0x400  }
0x181: {  	_ =	swait.ge [sflag:s20], $0x400  }
0x182: {  	[sflag:s20] =	ssyncset.done $0x0;
	s22 =	rddreg [dreg:$0xb]  }
0x183: {  	s23 =	rddreg [dreg:$0x19];
	[sflag:s20] =	ssyncadd.s32 $0xFFFFFC00  }
0x184: {  	[hbm:s22], [sflag:s13] =	dma.local [spmem:s23], $0x400  }
0x185: {  	_ =	swait.ge [sflag:s20], $0x400  }
0x186: {  	[sflag:s20] =	ssyncset.done $0x0;
	s16 =	rddreg [dreg:$0xc]  }
0x187: {  	s19 =	rddreg [dreg:$0x1a];
	[sflag:s20] =	ssyncadd.s32 $0xFFFFFC00  }
0x188: {  	[hbm:s16], [sflag:s13] =	dma.local [spmem:s19], $0x400  }
0x189: {  	_ =	swait.ge [sflag:s20], $0x400  }
0x18a: {  	[sflag:s20] =	ssyncset.done $0x0;
	s22 =	rddreg [dreg:$0xd]  }
0x18b: {  	s23 =	rddreg [dreg:$0x1b];
	[sflag:s20] =	ssyncadd.s32 $0xFFFFFC00  }
0x18c: {  	[hbm:s22], [sflag:s13] =	dma.local [spmem:s23], $0x400  }
0x18d: {  	_ =	swait.ge [sflag:s20], $0x400  }
0x18e: {  	[sflag:s20] =	ssyncset.done $0x0;
	s16 =	rddreg [dreg:$0xe]  }
0x18f: {  	s19 =	rddreg [dreg:$0x1c];
	[sflag:s20] =	ssyncadd.s32 $0xFFFFFC00  }
0x190: {  	[hbm:s16], [sflag:s13] =	dma.local [spmem:s19], $0x400  }
0x191: {  	_ =	swait.ge [sflag:s20], $0x400  }
0x192: {  	[sflag:s20] =	ssyncset.done $0x0;
	s22 =	rddreg [dreg:$0xf]  }
0x193: {  	s23 =	rddreg [dreg:$0x1d];
	[sflag:s20] =	ssyncadd.s32 $0xFFFFFC00  }
0x194: {  	[hbm:s22], [sflag:s13] =	dma.local [spmem:s23], $0x400  }
0x195: {  	_ =	swait.ge [sflag:s20], $0x400  }
0x196: {  	[sflag:s20] =	ssyncset.done $0x0;
	s16 =	rddreg [dreg:$0x10]  }
0x197: {  	s19 =	rddreg [dreg:$0x1e];
	[sflag:s20] =	ssyncadd.s32 $0xFFFFFC00  }
0x198: {  	[hbm:s16], [sflag:s13] =	dma.local [spmem:s19], $0x400  }
0x199: {  	_ =	swait.ge [sflag:s20], $0x400  }
0x19a: {  	[sflag:s20] =	ssyncset.done $0x0;
	s22 =	rddreg [dreg:$0x11]  }
0x19b: {  	s23 =	rddreg [dreg:$0x1f];
	[sflag:s20] =	ssyncadd.s32 $0xFFFFFC00  }
0x19c: {  	[hbm:s22], [sflag:s13] =	dma.local [spmem:s23], $0x400  }
0x19d: {  	_ =	swait.ge [sflag:s20], $0x400  }
0x19e: {  	s22 =	sld [smem:$0x7F3]  }
0x19f: {  	[sflag:s20] =	ssyncset.done $0x0  }
0x1a0: {  	s19 =	rddreg [dreg:$0x12];
	[sflag:s20] =	ssyncadd.s32 $0xFFFFFC00  }
0x1a1: {  	[hbm:s19], [sflag:s13] =	dma.local [spmem:s22], $0x400  }
0x1a2: {  	s14 =	sshrl.u32 @!p0 s4, $0x3;
	_ =	swait.ge [sflag:s20], $0x400  }
0x1a3: {  	s16 =	simm.s32 @!p0 $0x1;
	s19 =	simm.s32 @!p0 $0x20;
	[sflag:s20] =	ssyncset.done $0x0  }
0x1a4: {  	s22 =	simm.s32 @!p0 $0x10;
	s23 =	rddreg [dreg:$0x13];
	[sflag:s20] =	ssyncadd.s32 $0xFFFFFC00  }
0x1a5: {  	[hbm:s23@s19], [sflag:s13] =	dma.strided @!p0 [spmem:s14@s22], $0x500, s16, $0x10   }
0x1a6: {  	s13 =	simm.s32 @!p0 $0x9  }
0x1a7: {  	_ =	swait.ge @!p0 [sflag:s13], $0x500  }
0x1a8: {  	s15 =	sadd.s32 $0x1, s15;
	s23 =	rddreg [dreg:$0x16]  }
0x1a9: {  	p3 =	sne.s32 s15, s23  }
.Ltmp3:
0x1aa: {  	_ = 	snop;
	(pc) =	sbr.rel @p3 .LBB2_1-.Ltmp3, $3  }
0x1ab: {  	_ =	sdelay $0x1  }
0x1ac: {  	[sflag:s13] =	ssyncset.done @!p0 $0x0  }
0x1ad: {  	[sflag:s13] =	ssyncadd.s32 @!p0 $0xFFFFFB00  }
0x1ae: {  	_ =	sfence.sel $0x180000  }
0x1af: {  	[bflag:$0x0] =	sbarrier.arrive $0xFFFF  }
0x1b0: {  	_ =	strace $0x90000047  }
0x1b1: {  	[bflag:$0x2] =	sbarrier.arrive $0xFFFF  }
0x1b2: {  	s0 =	rddreg [dreg:$0x6]  }
0x1b3: {  	s0 =	sadd.s32 @!p0 $0x100000, s0  }
0x1b4: {  	[sflag:s0] =	ssyncadd.tile.s32 @!p0 $0x1;
	_ =	shalt  }
.Lfunc_end2:
_tile_overlayer_lowered:
.L_overlay_start_2:
0x1b5: {  	(tag) =	ssettag $0x2  }
0x1b6: {  	s0 =	rddreg [dreg:$0x0];
	s2 =	stileid.u32  }
0x1b7: {  	s1 =	rddreg [dreg:$0x1];
	p0 =	sne.s32 s2, $0x0  }
0x1b8: {  	s3 =	rddreg [dreg:$0x2];
	[bflag:$0x3] =	sbarrier.arrive $0xFFFF;
	s2 =	simm.s32 @!p0 $0x1C09  }
0x1b9: {  	[timem:s3], [sflag:s2] =	dma.local @!p0 [hbm:s0], s1  }
0x1ba: {  	s0 =	simm.s32 @!p0 $0x9  }
0x1bb: {  	_ =	swait.ge @!p0 [sflag:s0], s1  }
0x1bc: {  	s1 =	ssub.s32 @!p0 $0x0, s1;
	[sflag:s0] =	ssyncset.done @!p0 $0x0  }
0x1bd: {  	[sflag:s0] =	ssyncadd.s32 @!p0 s1  }
0x1be: {  	[bflag:$0x3] =	sbarrier.arrive $0xFFFF  }
0x1bf: {  	_ =	shalt  }

// kernel: kernel.9.cloned.1.call-start
scs
__scs_entry_jumppad:
0x0: {  	(pc) =	sbr.rel $0x88, $3  }
0x1: {  	(tag) =	ssettag $0x0;
	lr =	simm.s32 $0x1  }
0x2: {  	[smem:$0x3F99] =	sst lr;
	_ =	strace $0xD0000000  }
0x3: {  	_ = 	snop  }
0x4: {  	_ = 	snop  }
0x5: {  	_ = 	snop  }
0x6: {  	_ = 	snop  }
0x7: {  	_ = 	snop  }
__scs_overlays_trampoline_lowered:
0x8: {  	[smem:$0x3FA8] =	sst s0  }
0x9: {  	[smem:$0x3FA9] =	sst s1  }
0xa: {  	[smem:$0x3FAA] =	sst s2  }
0xb: {  	[smem:$0x3FAB] =	sst s3  }
0xc: {  	[smem:$0x3FAC] =	sst s4  }
0xd: {  	[smem:$0x3FAD] =	sst s5  }
0xe: {  	[smem:$0x3FAE] =	sst s6  }
0xf: {  	[smem:$0x3FAF] =	sst s7  }
0x10: {  	[smem:$0x3FB0] =	sst s8  }
0x11: {  	[smem:$0x3FB1] =	sst s9;
	s0 =	simm.s32 @!p0 $0x0  }
0x12: {  	s1 =	sld [smem:$0x3F97];
	s0 =	simm.s32 @p0 $0x1  }
0x13: {  	[smem:$0x3FB2] =	sst s0;
	s0 =	simm.s32 @!p1 $0x0  }
0x14: {  	s2 =	sld [smem:$0x3F96];
	s0 =	simm.s32 @p1 $0x1  }
0x15: {  	[smem:$0x3FB3] =	sst s0;
	s0 =	simm.s32 @!p2 $0x0  }
0x16: {  	s3 =	sld [smem:$0x3FDB];
	s0 =	simm.s32 @p2 $0x1  }
0x17: {  	s4 =	simm.s32 $0x1BF5;
	[smem:$0x3FB5] =	sst s0  }
0x18: {  	s0 =	sld [smem:$0x3F98];
	_ =	swait.ge [sflag:s4], $0x0  }
0x19: {  	s7 =	sld [smem:$0x3F99]  }
0x1a: {  	s8 =	sadd.s32 $0xFFFFE003, lr  }
0x1b: {  	s9 =	sadd.s32 $0xFFFFFEF7, lr;
	s5 =	simm.s32 $0xFFFFFFFF;
	p2 =	slt.u32 s8, $0xFFFFF086  }
0x1c: {  	p1 =	slt.u32 s9, $0xF7A;
	s5 =	simm.s32 @!p2 $0x0  }
0x1d: {  	s5 =	simm.s32 @p1 $0x1;
	p0 =	seq.s32 s7, s2  }
0x1e: {  	s7 =	smul.u32 @!p0 $0xF7A, s2;
	p2 =	seq.s32 @!p0 s5, $0x0  }
0x1f: {  	s9 =	smul.u32 $0xF7A, s1;
	s8 =	simm.s32 @!p0 $0x1BF5;
	p2 =	por !p2, p0  }
0x20: {  	[sflag:s8] =	ssyncset.s32 @!p0 $0xFFFFF086;
	s6 =	sadd.s32 @!p0 s3, s7;
	s7 =	simm.s32 @!p0 $0x108  }
0x21: {  	s3 =	sadd.s32 s3, s9;
	s6 =	sadd.s32 @!p0 $0x88, s6;
	s7 =	simm.s32 @p2 $0x1082  }
0x22: {  	[simem:s7], [sflag:s8] =	dma.local @!p0 [hbm:s6], $0xF7A  }
0x23: {  	s9 =	sor.u32 $0xD0000000, s2;
	s6 =	simm.s32 $0x108;
	_ =	swait.ge @!p0 [sflag:s8], $0x0  }
0x24: {  	s3 =	sadd.s32 $0x88, s3;
	s6 =	simm.s32 @!p1 $0x1082;
	[sflag:s4] =	ssyncset.s32 $0xFFFFF086  }
0x25: {  	[simem:s6], [sflag:s4] =	dma.local [hbm:s3], $0xF7A  }
0x26: {  	[smem:$0x3F99] =	sst s1;
	(tag) =	ssettag s2;
	_ =	strace s9  }
0x27: {  	s1 =	sld [smem:$0x3FA9]  }
0x28: {  	s2 =	sld [smem:$0x3FAA]  }
0x29: {  	s4 =	sld [smem:$0x3FAC]  }
0x2a: {  	p0 =	seq.s32 s5, $0x0;
	s5 =	sld [smem:$0x3FAD]  }
0x2b: {  	s6 =	sld [smem:$0x3FAE]  }
0x2c: {  	s7 =	sld [smem:$0x3FAF]  }
0x2d: {  	s3 =	simm.s32 $0x108;
	s8 =	sld [smem:$0x3FB0]  }
0x2e: {  	s3 =	simm.s32 @!p0 $0x1082;
	s9 =	sld [smem:$0x3FB1]  }
0x2f: {  	lr =	sadd.s32 s0, s3;
	s0 =	sld [smem:$0x3FA8]  }
0x30: {  	s3 =	sld [smem:$0x3FAB]  }
0x31: {  	[smem:$0x3FB4] =	sst s10  }
0x32: {  	s10 =	sld [smem:$0x3FB2];
	_ =	sdelay $0x3  }
0x33: {  	p0 =	seq.s32 s10, $0x1;
	s10 =	sld [smem:$0x3FB4];
	_ =	sdelay $0x3  }
0x34: {  	[smem:$0x3FB4] =	sst s10  }
0x35: {  	s10 =	sld [smem:$0x3FB3];
	_ =	sdelay $0x3  }
0x36: {  	p1 =	seq.s32 s10, $0x1;
	s10 =	sld [smem:$0x3FB4];
	_ =	sdelay $0x3  }
0x37: {  	[smem:$0x3FB4] =	sst s10  }
0x38: {  	s10 =	sld [smem:$0x3FB5]  }
0x39: {  	_ = 	snop;
	(pc) =	sbr.ind lr, $3  }
0x3a: {  	_ = 	snop  }
0x3b: {  	_ = 	snop  }
0x3c: {  	p2 =	seq.s32 s10, $0x1;
	s10 =	sld [smem:$0x3FB4]  }
0x3d: {  	_ =	shalt  }
0x3e: {  	_ =	shalt  }
0x3f: {  	_ =	shalt  }
0x40: {  	_ =	shalt  }
0x41: {  	_ =	shalt  }
0x42: {  	_ =	shalt  }
0x43: {  	_ =	shalt  }
0x44: {  	_ =	shalt  }
0x45: {  	_ =	shalt  }
0x46: {  	_ =	shalt  }
0x47: {  	_ =	shalt  }
0x48: {  	_ =	shalt  }
0x49: {  	_ =	shalt  }
0x4a: {  	_ =	shalt  }
0x4b: {  	_ =	shalt  }
0x4c: {  	_ =	shalt  }
0x4d: {  	_ =	shalt  }
0x4e: {  	_ =	shalt  }
0x4f: {  	_ =	shalt  }
0x50: {  	_ =	shalt  }
0x51: {  	_ =	shalt  }
0x52: {  	_ =	shalt  }
0x53: {  	_ =	shalt  }
0x54: {  	_ =	shalt  }
0x55: {  	_ =	shalt  }
0x56: {  	_ =	shalt  }
0x57: {  	_ =	shalt  }
0x58: {  	_ =	shalt  }
0x59: {  	_ =	shalt  }
0x5a: {  	_ =	shalt  }
0x5b: {  	_ =	shalt  }
0x5c: {  	_ =	shalt  }
0x5d: {  	_ =	shalt  }
0x5e: {  	_ =	shalt  }
0x5f: {  	_ =	shalt  }
0x60: {  	_ =	shalt  }
0x61: {  	_ =	shalt  }
0x62: {  	_ =	shalt  }
0x63: {  	_ =	shalt  }
0x64: {  	_ =	shalt  }
0x65: {  	_ =	shalt  }
0x66: {  	_ =	shalt  }
0x67: {  	_ =	shalt  }
0x68: {  	_ =	shalt  }
0x69: {  	_ =	shalt  }
0x6a: {  	_ =	shalt  }
0x6b: {  	_ =	shalt  }
0x6c: {  	_ =	shalt  }
0x6d: {  	_ =	shalt  }
0x6e: {  	_ =	shalt  }
0x6f: {  	_ =	shalt  }
0x70: {  	_ =	shalt  }
0x71: {  	_ =	shalt  }
0x72: {  	_ =	shalt  }
0x73: {  	_ =	shalt  }
0x74: {  	_ =	shalt  }
0x75: {  	_ =	shalt  }
0x76: {  	_ =	shalt  }
0x77: {  	_ =	shalt  }
0x78: {  	_ =	shalt  }
0x79: {  	_ =	shalt  }
0x7a: {  	_ =	shalt  }
0x7b: {  	_ =	shalt  }
0x7c: {  	_ =	shalt  }
0x7d: {  	_ =	shalt  }
0x7e: {  	_ =	shalt  }
0x7f: {  	_ =	shalt  }
0x80: {  	_ =	shalt  }
0x81: {  	_ =	shalt  }
0x82: {  	_ =	shalt  }
0x83: {  	_ =	shalt  }
0x84: {  	_ =	shalt  }
0x85: {  	_ =	shalt  }
0x86: {  	_ =	shalt  }
0x87: {  	_ =	shalt  }
.Lfunc_end0:
.L_simem_size_0:
called_computation.1_lowered:
.L_overlay_start_0:
0x88: {  	s2 =	sld [smem:$0x3FD9]  }
0x89: {  	s3 =	sld [smem:$0x3FFE];
	_ =	sdelay $0x1  }
0x8a: {  	s1 =	srdreg.scid  }
0x8b: {  	s0 =	sand.u32 $0x1, s1  }
0x8c: {  	s17 =	sshll.u32 s0, $0xA;
	s2 =	sadd.s32 s3, s2  }
0x8d: {  	s2 =	sadd.s32 s2, s17  }
0x8e: {  	[smem:$0x3FC0] =	sst s2  }
0x8f: {  	_ = 	snop  }
0x90: {  	s2 =	sld [smem:$0x3FC8]  }
0x91: {  	s18 =	sld [smem:$0x3FD0];
	(tm) =	ssettm $0x1  }
0x92: {  	s4 =	sld [smem:$0x3FFB];
	_ =	sdelay $0x3  }
0x93: {  	_ =	strace s4  }
0x94: {  	s4 =	sld [smem:$0x3FFC];
	_ =	sdelay $0x3  }
0x95: {  	_ =	strace s4  }
0x96: {  	s4 =	sld [smem:$0x3FFD];
	_ =	sdelay $0x3  }
0x97: {  	_ =	strace s4  }
0x98: {  	_ =	strace $0x8FFFFFFF  }
0x99: {  	s19 =	sld [smem:$0x3FDB];
	_ =	sdelay $0x1  }
0x9a: {  	s5 =	simm.s32 $_scs_section_size  }
0x9b: {  	s6 =	simm.s32 $_size__tile_overlayer_lowered;
	s7 =	simm.s32 $_tile_overlayer_lowered  }
0x9c: {  	s22 =	simm.s32 $0x1BFF;
	s21 =	sshll.u32 s7, $0x1;
	s4 =	sadd.s32 s5, s19  }
0x9d: {  	s8 =	simm.s32 $0x0;
	s20 =	sshll.u32 s6, $0x1;
	s6 =	sadd.s32 s21, s4  }
0x9e: {  	[timem:s8], [sflag:s22] =	dma.local [hbm:s6], s20  }
0x9f: {  	_ =	swait.ge [sflag:s22], s20  }
0xa0: {  	s5 =	ssub.s32 $0x0, s20;
	[sflag:s22] =	ssyncset.done $0x0  }
0xa1: {  	[sflag:s22] =	ssyncadd.s32 s5;
	_ =	sdelay $0x1  }
0xa2: {  	s23 =	simm.s32 $0x1B8B  }
0xa3: {  	_ =	swait.ge [sflag:s23], $0x1  }
0xa4: {  	[sflag:s23] =	ssyncset.done $0x0  }
0xa5: {  	s25 =	simm.s32 $0x1B8E;
	s24 =	sld [smem:$0x3FFE];
	[sflag:s23] =	ssyncadd.s32 $0xFFFFFFFF  }
0xa6: {  	s26 =	simm.s32 $execute0_lowered;
	[smem:$0x3FD2] =	sst s25  }
0xa7: {  	s6 =	sshll.u32 s26, $0x1;
	_ =	strace $0x80000049;
	[dreg:$0x1] =	wrdreg $0xFFFFFFFF  }
0xa8: {  	s28 =	simm.s32 $_size_execute0_lowered;
	s4 =	sadd.s32 s4, s6;
	[dreg:$0x0] =	wrdreg $0x0  }
0xa9: {  	s6 =	sshll.u32 s28, $0x1;
	[dreg:$0x2] =	wrdreg s4  }
0xaa: {  	[dreg:$0x3] =	wrdreg s6  }
0xab: {  	[dreg:$0x4] =	wrdreg $0xC0  }
0xac: {  	_ =	task [dreg:s8], $0x5FFFF  }
0xad: {  	[dreg:$0x1] =	wrdreg $0xFFFFFFFF  }
0xae: {  	[dreg:$0x0] =	wrdreg $0x60  }
0xaf: {  	[dreg:$0x2] =	wrdreg s18  }
0xb0: {  	[dreg:$0x3] =	wrdreg s2  }
0xb1: {  	[dreg:$0x4] =	wrdreg s24  }
0xb2: {  	[dreg:$0x5] =	wrdreg $0x88800  }
0xb3: {  	[dreg:$0x6] =	wrdreg $0x1C8800  }
0xb4: {  	[dreg:$0x7] =	wrdreg $0x9  }
0xb5: {  	_ =	task.clear_ibuf [dreg:s8], $0x8FFFF;
	_ =	strace $0x90000049  }
0xb6: {  	s29 =	simm.s32 $0x9;
	_ =	strace $0x8000004B  }
0xb7: {  	_ =	swait.ge [sflag:s29], $0x1  }
0xb8: {  	[sflag:s29] =	ssyncadd.s32 $0xFFFFFFFF  }
0xb9: {  	_ =	strace $0x9000004B  }
0xba: {  	_ =	sfence  }
0xbb: {  	s30 =	sld [smem:$0x0];
	_ =	sdelay $0x2  }
0xbc: {  	s31 =	sshll.u32 s1, $0xD;
	s1 =	sshrl.u32 s1, $0x2  }
0xbd: {  	s3 =	sand.u32 $0x4000, s31;
	s1 =	sadd.s32 s1, s30  }
0xbe: {  	s0 =	sor.u32 s3, s0;
	s1 =	sshll.u32 s1, $0x11  }
0xbf: {  	s0 =	sor.u32 s1, s0  }
0xc0: {  	s0 =	sadd.s32 $0x8F2B, s0  }
0xc1: {  	[sflag:s0] =	ssyncadd.remote.s32 $0x1  }
0xc2: {  	_ =	sfence.sel $0xFFFF  }
0xc3: {  	[dreg:$0x0] =	wrdreg $0xFFFFFFFF;
	(pc) =	sbr.abs _section_cstart, $3  }
0xc4: {  	[dreg:$0x1] =	wrdreg $0xFFFFFFFF  }
0xc5: {  	_ =	task.clear_ibuf [dreg:s8], $0x2FFFF;
	_ =	strace $0x9FFFFFFF  }
0xc6: {  	(tm) =	ssettm $0x7FFFFFFF  }
0xc7: {  	_ =	shalt  }
tec
execute0_lowered:
.L_overlay_start_1:
0x0: {  	(tag) =	ssettag $0x1  }
0x1: {  	s0 =	rddreg [dreg:$0x0]  }
0x2: {  	s2 =	rddreg [dreg:$0x1]  }
0x3: {  	s6 =	rddreg [dreg:$0x2]  }
0x4: {  	s3 =	rddreg [dreg:$0x3]  }
0x5: {  	s4 =	rddreg [dreg:$0x4]  }
0x6: {  	s1 =	srdreg.scid;
	s5 =	simm.s32 $0x0;
	s24 =	stileid.u32  }
0x7: {  	s28 =	simm.s32 $0x8300;
	s29 =	simm.s32 $0x200;
	s30 =	simm.s32 $0x4300  }
0x8: {  	s31 =	simm.s32 $0x2;
	s8 =	sand.u32 $0x1, s1;
	s10 =	smul.u32 $0x280, s24  }
0x9: {  	[smem:$0x7FF] =	sst s5;
	s12 =	smul.u32 $0x2800, s24;
	s21 =	sshll.u32 s24, $0x5  }
0xa: {  	p2 =	sgt.u32 s24, $0x7;
	p0 =	sne.s32 s24, $0x0;
	s1 =	smul.u32 $0x28000, s8  }
0xb: {  	_ =	strace $0x8000004A;
	s7 =	ssub.s32 $0x2, s8;
	s11 =	sshll.u32 s8, $0x4  }
0xc: {  	s8 =	sshll.u32 s8, $0x9;
	s13 =	sshrl.u32 s7, $0x1;
	s15 =	sadd.s32 $0x80, s10  }
0xd: {  	s16 =	sadd.s32 $0xC0, s10;
	s19 =	sadd.s32 $0x100, s10;
	s20 =	sadd.s32 s8, s2  }
0xe: {  	s8 =	sor.u32 s21, s8;
	s23 =	sadd.s32 $0x1C0, s10;
	s9 =	sadd.s32 s1, s6  }
0xf: {  	s1 =	ssub.s32 s7, s13;
	s7 =	sadd.s32 $0x10, s2;
	s13 =	sor.u32 $0x40, s10  }
0x10: {  	s17 =	sshll.u32 s15, $0x4;
	s18 =	sshll.u32 s16, $0x4;
	s22 =	sshll.u32 s19, $0x4  }
0x11: {  	s20 =	sadd.s32 s21, s20;
	s21 =	sadd.s32 $0x140, s10;
	s6 =	sadd.s32 s11, s6  }
0x12: {  	s11 =	sor.u32 s24, s11;
	s15 =	sshll.u32 s15, $0x7;
	s19 =	sshll.u32 s19, $0x7  }
0x13: {  	s9 =	sadd.s32 $0x3400, s9;
	s14 =	sshll.u32 s13, $0x4;
	[dreg:$0x6] =	wrdreg s20  }
0x14: {  	s8 =	sadd.s32 s7, s8;
	s20 =	sadd.s32 $0x180, s10;
	s6 =	sadd.s32 $0x2A00, s6  }
0x15: {  	s1 =	smax.u32 s1, $0x1;
	p1 =	sgt.u32 s11, $0x3;
	[dreg:$0x7] =	wrdreg s8  }
0x16: {  	s8 =	sadd.s32 $0x200, s10;
	s10 =	sadd.s32 $0x240, s10;
	[dreg:$0x14] =	wrdreg s6  }
0x17: {  	s12 =	sadd.s32 s12, s9;
	s14 =	sadd.s32 s14, s9;
	[dreg:$0x15] =	wrdreg s1  }
0x18: {  	s25 =	sadd.s32 s17, s9;
	s26 =	sadd.s32 s18, s9;
	[dreg:$0x8] =	wrdreg s12  }
0x19: {  	s17 =	sshll.u32 s21, $0x4;
	s18 =	sshll.u32 s20, $0x4;
	[dreg:$0x9] =	wrdreg s14  }
0x1a: {  	s21 =	sshll.u32 s21, $0x7;
	s1 =	sshll.u32 s11, $0x5;
	[dreg:$0xa] =	wrdreg s25  }
0x1b: {  	[dreg:$0xb] =	wrdreg s26;
	s14 =	sadd.s32 s22, s9;
	s12 =	sadd.s32 s17, s9  }
0x1c: {  	s22 =	sadd.s32 s18, s9;
	s25 =	sshll.u32 s23, $0x4;
	[dreg:$0x16] =	wrdreg s1  }
0x1d: {  	s26 =	smul.u32 $0x50000, s24;
	s18 =	sshll.u32 s8, $0x4;
	[dreg:$0xc] =	wrdreg s14  }
0x1e: {  	s17 =	sshll.u32 s16, $0x7;
	s23 =	sshll.u32 s23, $0x7;
	[dreg:$0xd] =	wrdreg s12  }
0x1f: {  	s8 =	sshll.u32 s8, $0x7;
	[dreg:$0xe] =	wrdreg s22;
	s12 =	sadd.s32 s25, s9  }
0x20: {  	s14 =	sadd.s32 s18, s9;
	s22 =	smul.u32 $0x1400, s24;
	s25 =	sshll.u32 s10, $0x4  }
0x21: {  	s10 =	sshll.u32 s10, $0x7;
	s24 =	sadd.s32 s2, s1;
	[dreg:$0xf] =	wrdreg s12  }
0x22: {  	[dreg:$0x10] =	wrdreg s14;
	s9 =	sadd.s32 s25, s9;
	s26 =	sshrl.u32 s26, $0x2  }
0x23: {  	s14 =	sshll.u32 s13, $0x7;
	s13 =	sadd.s32 s17, s3;
	[smem:$0x7F8] =	sst s24  }
0x24: {  	s17 =	sor.u32 $0xC0, s11;
	[dreg:$0x11] =	wrdreg s9;
	s11 =	sshrl.u32 s13, $0x3  }
0x25: {  	s18 =	sadd.s32 s26, s3;
	s12 =	sshrl.u32 s22, $0x2;
	[dreg:$0x19] =	wrdreg s11  }
0x26: {  	s22 =	sshll.u32 s20, $0x7;
	s9 =	sadd.s32 s12, s4;
	[dreg:$0x12] =	wrdreg s18  }
0x27: {  	s12 =	sadd.s32 s15, s3;
	s20 =	sadd.s32 $0x4000, s18;
	[dreg:$0x13] =	wrdreg s9  }
0x28: {  	s15 =	sadd.s32 s21, s3;
	s21 =	sadd.s32 $0x8000, s18;
	[smem:$0x7F4] =	sst s20  }
0x29: {  	s16 =	sadd.s32 s22, s3;
	s22 =	sadd.s32 $0xC000, s18;
	[smem:$0x7F5] =	sst s21  }
0x2a: {  	s25 =	sadd.s32 s23, s3;
	s23 =	sadd.s32 $0x10000, s18;
	[smem:$0x7F6] =	sst s22  }
0x2b: {  	s10 =	sadd.s32 s10, s3;
	s13 =	sshrl.u32 s15, $0x3;
	[smem:$0x7F7] =	sst s23  }
0x2c: {  	s9 =	sadd.s32 s14, s3;
	s15 =	sshrl.u32 s25, $0x3;
	[dreg:$0x1b] =	wrdreg s13  }
0x2d: {  	s14 =	sadd.s32 s19, s3;
	s19 =	sshrl.u32 s10, $0x3;
	[dreg:$0x1d] =	wrdreg s15  }
0x2e: {  	s8 =	sadd.s32 s8, s3;
	s25 =	sor.u32 $0x400, s1;
	[dreg:$0x1f] =	wrdreg s19  }
0x2f: {  	s24 =	simm.s32 $0x80;
	s1 =	sor.u32 $0x800, s1;
	[smem:$0x7F9] =	sst s25  }
0x30: {  	s11 =	simm.s32 $0x6;
	s26 =	sshrl.u32 s9, $0x3;
	[smem:$0x7FB] =	sst s1  }
0x31: {  	s20 =	simm.s32 $0x9;
	s9 =	sshrl.u32 s12, $0x3;
	[dreg:$0x17] =	wrdreg s26  }
0x32: {  	s21 =	simm.s32 $0x100;
	s12 =	sshrl.u32 s14, $0x3;
	[dreg:$0x18] =	wrdreg s9  }
0x33: {  	s10 =	simm.s32 $0x4;
	s14 =	sshrl.u32 s16, $0x3;
	[dreg:$0x1a] =	wrdreg s12  }
0x34: {  	s16 =	sshrl.u32 s8, $0x3;
	s6 =	sadd.s32 s2, s25;
	[dreg:$0x1c] =	wrdreg s14  }
0x35: {  	s1 =	sadd.s32 s2, s1;
	s19 =	simm.s32 $0x300;
	[dreg:$0x1e] =	wrdreg s16  }
0x36: {  	s25 =	simm.s32 $0x180;
	s8 =	simm.s32 $0x5;
	[smem:$0x7FA] =	sst s6  }
0x37: {  	s15 =	simm.s32 $0x0;
	[smem:$0x7FC] =	sst s1;
	s26 =	sadd.s32 $0x13860, s2  }
0x38: {  	s1 =	simm.s32 $0x280;
	s6 =	simm.s32 $0x3;
	s9 =	simm.s32 $0x7  }
0x39: {  	v0 =	vimm.f32 $1.000000000e+00;
	v1 =	vimm.f32 $0.0e+00;
	s12 =	simm.s32 $0x8;
	[smem:$0x7FD] =	sst s26;
	s26 =	simm.s32 $0x1  }
.LBB2_1:
0x3a: {  	[tilespmem:$0x8300] =	vst v0  }
0x3b: {  	[tilespmem:$0x8310] =	vst v0  }
0x3c: {  	[tilespmem:$0x8320] =	vst v0  }
0x3d: {  	[tilespmem:$0x8330] =	vst v0  }
0x3e: {  	[tilespmem:$0x8340] =	vst v0  }
0x3f: {  	[tilespmem:$0x8350] =	vst v0  }
0x40: {  	[tilespmem:$0x8360] =	vst v0  }
0x41: {  	[tilespmem:$0x8370] =	vst v0;
	s13 =	simm.s32 $0x0  }
.LBB2_2:
0x42: {  	p3 =	sne.s32 s13, $0x13C0  }
.Ltmp0:
0x43: {  	_ = 	snop;
	(pc) =	sbr.rel @p3 .LBB2_2-.Ltmp0, $3  }
0x44: {  	_ =	sdelay $0x1  }
0x45: {  	s14 =	sshra.s32 s13, $0x2  }
0x46: {  	s13 =	sadd.s32 $0x40, s13;
	[tilespmem:s14+$0x8380] =	vst v1  }
0x47: {  	s13 =	simm.s32 $0x0  }
0x48: {  	s14 =	sand.u32 $0xFE00, s13  }
0x49: {  	s16 =	sand.u32 $0x70, s13;
	s23 =	sshrl.u32 s14, $0x2  }
0x4a: {  	s14 =	simm.s32 $0x40;
	s16 =	sor.u32 s16, s23  }
.LBB2_4:
0x4b: {  	p3 =	sne.s32 s14, $0xFFC0  }
0x4c: {  	[tilespmem:s16+$0x300] =	vst v1;
	s13 =	sadd.s32 $0x10, s13;
	s16 =	smov.u32 s14;
	s14 =	sadd.s32 $0x40, s14  }
.Ltmp1:
0x4d: {  	(pc) =	sbr.rel @p3 .LBB2_4-.Ltmp1, $4  }
0x4e: {  	_ = 	snop  }
0x4f: {  	s16 =	sand.u32 $0xFE00, s16  }
0x50: {  	s23 =	sand.u32 $0x70, s13;
	s16 =	sshrl.u32 s16, $0x2  }
0x51: {  	s16 =	sor.u32 s23, s16  }
0x52: {  	[tilespmem:s16+$0x300] =	vst v1;
	s13 =	rddreg [dreg:$0x12]  }
0x53: {  	[spmem:s13] =	stream.linear.scatter [tilespmem:s19], [sflag:$0x9], $0x4000, $0x38;
	[tilespmem:$0x1CB00] =	vst v63  }
0x54: {  	_ =	swait.ge [sflag:s20], $0x4000  }
0x55: {  	s23 =	sld [smem:$0x7F4]  }
0x56: {  	[sflag:s20] =	ssyncset.done $0x0  }
0x57: {  	[sflag:s20] =	ssyncadd.s32 $0xFFFFC000  }
0x58: {  	[spmem:s23] =	stream.linear.scatter [tilespmem:s19], [sflag:$0x9], $0x4000, $0x38;
	[tilespmem:$0x1CB00] =	vst v63  }
0x59: {  	_ =	swait.ge [sflag:s20], $0x4000  }
0x5a: {  	s14 =	sld [smem:$0x7F5]  }
0x5b: {  	[sflag:s20] =	ssyncset.done $0x0  }
0x5c: {  	[sflag:s20] =	ssyncadd.s32 $0xFFFFC000  }
0x5d: {  	[spmem:s14] =	stream.linear.scatter [tilespmem:s19], [sflag:$0x9], $0x4000, $0x38;
	[tilespmem:$0x1CB00] =	vst v63  }
0x5e: {  	_ =	swait.ge [sflag:s20], $0x4000  }
0x5f: {  	s16 =	sld [smem:$0x7F6]  }
0x60: {  	[sflag:s20] =	ssyncset.done $0x0  }
0x61: {  	[sflag:s20] =	ssyncadd.s32 $0xFFFFC000  }
0x62: {  	[spmem:s16] =	stream.linear.scatter [tilespmem:s19], [sflag:$0x9], $0x4000, $0x38;
	[tilespmem:$0x1CB00] =	vst v63  }
0x63: {  	_ =	swait.ge [sflag:s20], $0x4000  }
0x64: {  	s18 =	sld [smem:$0x7F7]  }
0x65: {  	[sflag:s20] =	ssyncset.done $0x0  }
0x66: {  	[sflag:s20] =	ssyncadd.s32 $0xFFFFC000  }
0x67: {  	[spmem:s18] =	stream.linear.scatter [tilespmem:s19], [sflag:$0x9], $0x4000, $0x38;
	[tilespmem:$0x1CB00] =	vst v63  }
0x68: {  	_ =	swait.ge [sflag:s20], $0x4000  }
0x69: {  	[sflag:s20] =	ssyncset.done $0x0  }
0x6a: {  	s13 =	simm.s32 @!p2 $0x8380;
	s14 =	rddreg [dreg:$0x13];
	[sflag:s20] =	ssyncadd.s32 $0xFFFFC000  }
0x6b: {  	[spmem:s14] =	stream.linear.scatter @!p2 [tilespmem:s13], [sflag:$0x9], $0x500, $0x38;
	[tilespmem:$0x1CB00] =	vst v63  }
0x6c: {  	s13 =	simm.s32 @!p2 $0x9  }
0x6d: {  	_ =	swait.ge @!p2 [sflag:s13], $0x500  }
0x6e: {  	[sflag:s13] =	ssyncset.done @!p2 $0x0  }
0x6f: {  	[sflag:s13] =	ssyncadd.s32 @!p2 $0xFFFFFB00  }
0x70: {  	[bflag:$0x0] =	sbarrier.arrive $0xFFFF  }
0x71: {  	s22 =	sld [smem:$0x7F8];
	_ =	sdelay $0x1  }
0x72: {  	s13 =	simm.s32 $0x0  }
0x73: {  	[tilespmem:s13], [sflag:$0x9] =	stream.linear.gather [hbm4b:s22+s13], $0x80, $0x38;
	[tilespmem:$0x1CB00] =	vst v63  }
0x74: {  	_ =	swait.ge [sflag:s20], $0x80  }
0x75: {  	[sflag:s20] =	ssyncset.done $0x0;
	s23 =	rddreg [dreg:$0x16]  }
0x76: {  	[sflag:s20] =	ssyncadd.s32 $0xFFFFFF80;
	s14 =	sadd.s32 s23, s7  }
0x77: {  	[tilespmem:s21], [sflag:$0x9] =	stream.linear.gather [hbm4b:s14+s13], $0x80, $0x38;
	[tilespmem:$0x1CB00] =	vst v63  }
0x78: {  	_ =	swait.ge [sflag:s20], $0x80  }
0x79: {  	s16 =	sld [smem:$0x7FA]  }
0x7a: {  	[sflag:s20] =	ssyncset.done $0x0  }
0x7b: {  	[sflag:s20] =	ssyncadd.s32 $0xFFFFFF80  }
0x7c: {  	[tilespmem:s24], [sflag:$0x9] =	stream.linear.gather [hbm4b:s16+s13], $0x80, $0x38;
	[tilespmem:$0x1CB00] =	vst v63  }
0x7d: {  	_ =	swait.ge [sflag:s20], $0x80  }
0x7e: {  	s18 =	sld [smem:$0x7F9];
	_ =	sdelay $0x1  }
0x7f: {  	[sflag:s20] =	ssyncset.done $0x0  }
0x80: {  	[sflag:s20] =	ssyncadd.s32 $0xFFFFFF80;
	s14 =	sadd.s32 s18, s7  }
0x81: {  	[tilespmem:s25], [sflag:$0x9] =	stream.linear.gather [hbm4b:s14+s13], $0x80, $0x38;
	[tilespmem:$0x1CB00] =	vst v63  }
0x82: {  	_ =	swait.ge [sflag:s20], $0x80  }
0x83: {  	[sflag:s20] =	ssyncset.done $0x0  }
0x84: {  	[sflag:s20] =	ssyncadd.s32 $0xFFFFFF80  }
0x85: {  	[tilespmem:s19], [sflag:$0x1] =	stream.indirect.gather [hbm4b:s0+s24], $0x80, s13, s24, $0xb8;
	[tilespmem:$0x1CB00] =	vst v63  }
0x86: {  	_ =	swait.ge [sflag:s26], $0x4000  }
0x87: {  	[sflag:s26] =	ssyncset.done $0x0  }
0x88: {  	s22 =	sld [smem:$0x7FC];
	[sflag:s26] =	ssyncadd.s32 $0xFFFFC000  }
0x89: {  	[spmem:s3] =	stream.indirect.scatter.add.f32 [tilespmem:s19], [sflag:$0x3], $0x80, s21, s24, $0xb8;
	[tilespmem:$0x1CB00] =	vst v63  }
0x8a: {  	s23 =	sld [smem:$0x7FB]  }
0x8b: {  	[spmem:s4] =	stream.indirect.scatter.add.f32 [tilespmem:s28], [sflag:$0x5], $0x1, s21, s24, $0xb8;
	[tilespmem:$0x1CB00] =	vst v63  }
0x8c: {  	_ = 	snop  }
0x8d: {  	[tilespmem:s13], [sflag:$0x7] =	stream.linear.gather [hbm4b:s22+s13], $0x80, $0x38;
	[tilespmem:$0x1CB00] =	vst v63  }
0x8e: {  	s14 =	sadd.s32 s23, s7  }
0x8f: {  	[tilespmem:s29], [sflag:$0x7] =	stream.linear.gather [hbm4b:s14+s13], $0x80, $0x38;
	[tilespmem:$0x1CB00] =	vst v63  }
0x90: {  	_ = 	snop  }
0x91: {  	[tilespmem:s30], [sflag:$0x2] =	stream.indirect.gather [hbm4b:s0+s24], $0x80, s24, s24, $0xb8;
	[tilespmem:$0x1CB00] =	vst v63  }
0x92: {  	_ =	swait.ge [sflag:s31], $0x4000  }
0x93: {  	[sflag:s31] =	ssyncset.done $0x0  }
0x94: {  	s14 =	rddreg [dreg:$0x6];
	[sflag:s31] =	ssyncadd.s32 $0xFFFFC000  }
0x95: {  	[spmem:s3] =	stream.indirect.scatter.add.f32 [tilespmem:s30], [sflag:$0x4], $0x80, s25, s24, $0xb8;
	[tilespmem:$0x1CB00] =	vst v63  }
0x96: {  	s16 =	rddreg [dreg:$0x7];
	s13 =	sadd.s32 $0x0, s14  }
0x97: {  	[spmem:s4] =	stream.indirect.scatter.add.f32 [tilespmem:s28], [sflag:$0x6], $0x1, s25, s24, $0xb8;
	[tilespmem:$0x1CB00] =	vst v63  }
0x98: {  	s14 =	sadd.s32 $0x0, s16;
	s18 =	sadd.s32 $0xC00, s13  }
0x99: {  	[tilespmem:s24], [sflag:$0x8] =	stream.linear.gather [hbm4b:s18+s5], $0x80, $0x38;
	[tilespmem:$0x1CB00] =	vst v63  }
0x9a: {  	s22 =	sadd.s32 $0xC00, s14  }
0x9b: {  	[tilespmem:s1], [sflag:$0x8] =	stream.linear.gather [hbm4b:s22+s5], $0x80, $0x38;
	[tilespmem:$0x1CB00] =	vst v63  }
0x9c: {  	_ =	swait.ge [sflag:s6], $0x4000  }
0x9d: {  	[sflag:s6] =	ssyncset.done $0x0  }
0x9e: {  	[sflag:s6] =	ssyncadd.s32 $0xFFFFC000  }
0x9f: {  	_ =	swait.ge [sflag:s8], $0x80  }
0xa0: {  	[sflag:s8] =	ssyncset.done $0x0  }
0xa1: {  	[sflag:s8] =	ssyncadd.s32 $0xFFFFFF80  }
0xa2: {  	_ =	swait.ge [sflag:s9], $0x80  }
0xa3: {  	[sflag:s9] =	ssyncset.done $0x0  }
0xa4: {  	[sflag:s9] =	ssyncadd.s32 $0xFFFFFF80  }
0xa5: {  	_ =	swait.ge [sflag:s9], $0x80  }
0xa6: {  	[sflag:s9] =	ssyncset.done $0x0  }
0xa7: {  	[sflag:s9] =	ssyncadd.s32 $0xFFFFFF80  }
0xa8: {  	[tilespmem:s19], [sflag:$0x1] =	stream.indirect.gather [hbm4b:s0+s24], $0x80, s5, s24, $0xb8;
	[tilespmem:$0x1CB00] =	vst v63  }
0xa9: {  	_ =	swait.ge [sflag:s26], $0x4000  }
0xaa: {  	[sflag:s26] =	ssyncset.done $0x0  }
0xab: {  	[sflag:s26] =	ssyncadd.s32 $0xFFFFC000  }
0xac: {  	[spmem:s3] =	stream.indirect.scatter.add.f32 [tilespmem:s19], [sflag:$0x3], $0x80, s29, s24, $0xb8;
	[tilespmem:$0x1CB00] =	vst v63  }
0xad: {  	_ = 	snop  }
0xae: {  	[spmem:s4] =	stream.indirect.scatter.add.f32 [tilespmem:s28], [sflag:$0x5], $0x1, s29, s24, $0xb8;
	[tilespmem:$0x1CB00] =	vst v63  }
0xaf: {  	s23 =	sadd.s32 $0x1000, s13  }
0xb0: {  	[tilespmem:s5], [sflag:$0x7] =	stream.linear.gather [hbm4b:s23+s5], $0x80, $0x38;
	[tilespmem:$0x1CB00] =	vst v63  }
0xb1: {  	s18 =	sadd.s32 $0x1000, s14  }
0xb2: {  	[tilespmem:s21], [sflag:$0x7] =	stream.linear.gather [hbm4b:s18+s5], $0x80, $0x38;
	[tilespmem:$0x1CB00] =	vst v63  }
0xb3: {  	_ =	swait.ge [sflag:s10], $0x4000  }
0xb4: {  	[sflag:s10] =	ssyncset.done $0x0  }
0xb5: {  	[sflag:s10] =	ssyncadd.s32 $0xFFFFC000  }
0xb6: {  	_ =	swait.ge [sflag:s11], $0x80  }
0xb7: {  	[sflag:s11] =	ssyncset.done $0x0  }
0xb8: {  	[sflag:s11] =	ssyncadd.s32 $0xFFFFFF80  }
0xb9: {  	_ =	swait.ge [sflag:s12], $0x80  }
0xba: {  	[sflag:s12] =	ssyncset.done $0x0  }
0xbb: {  	[sflag:s12] =	ssyncadd.s32 $0xFFFFFF80  }
0xbc: {  	_ =	swait.ge [sflag:s12], $0x80  }
0xbd: {  	[sflag:s12] =	ssyncset.done $0x0  }
0xbe: {  	[sflag:s12] =	ssyncadd.s32 $0xFFFFFF80  }
0xbf: {  	[tilespmem:s30], [sflag:$0x2] =	stream.indirect.gather [hbm4b:s0+s24], $0x80, s24, s24, $0xb8;
	[tilespmem:$0x1CB00] =	vst v63  }
0xc0: {  	_ =	swait.ge [sflag:s31], $0x4000  }
0xc1: {  	[sflag:s31] =	ssyncset.done $0x0  }
0xc2: {  	[sflag:s31] =	ssyncadd.s32 $0xFFFFC000  }
0xc3: {  	[spmem:s3] =	stream.indirect.scatter.add.f32 [tilespmem:s30], [sflag:$0x4], $0x80, s1, s24, $0xb8;
	[tilespmem:$0x1CB00] =	vst v63  }
0xc4: {  	_ = 	snop  }
0xc5: {  	[spmem:s4] =	stream.indirect.scatter.add.f32 [tilespmem:s28], [sflag:$0x6], $0x1, s1, s24, $0xb8;
	[tilespmem:$0x1CB00] =	vst v63  }
0xc6: {  	s13 =	sadd.s32 $0x1400, s13  }
0xc7: {  	[tilespmem:s24], [sflag:$0x8] =	stream.linear.gather [hbm4b:s13+s5], $0x80, $0x38;
	[tilespmem:$0x1CB00] =	vst v63  }
0xc8: {  	s22 =	sadd.s32 $0x1400, s14  }
0xc9: {  	[tilespmem:s25], [sflag:$0x8] =	stream.linear.gather [hbm4b:s22+s5], $0x80, $0x38;
	[tilespmem:$0x1CB00] =	vst v63  }
0xca: {  	_ =	swait.ge [sflag:s6], $0x4000  }
0xcb: {  	[sflag:s6] =	ssyncset.done $0x0  }
0xcc: {  	[sflag:s6] =	ssyncadd.s32 $0xFFFFC000  }
0xcd: {  	_ =	swait.ge [sflag:s8], $0x80  }
0xce: {  	[sflag:s8] =	ssyncset.done $0x0  }
0xcf: {  	[sflag:s8] =	ssyncadd.s32 $0xFFFFFF80  }
0xd0: {  	_ =	swait.ge [sflag:s9], $0x80  }
0xd1: {  	[sflag:s9] =	ssyncset.done $0x0  }
0xd2: {  	[sflag:s9] =	ssyncadd.s32 $0xFFFFFF80  }
0xd3: {  	_ =	swait.ge [sflag:s9], $0x80  }
0xd4: {  	[sflag:s9] =	ssyncset.done $0x0  }
0xd5: {  	[sflag:s9] =	ssyncadd.s32 $0xFFFFFF80  }
0xd6: {  	[tilespmem:s19], [sflag:$0x1] =	stream.indirect.gather [hbm4b:s0+s24], $0x80, s5, s24, $0xb8;
	[tilespmem:$0x1CB00] =	vst v63  }
0xd7: {  	_ =	swait.ge [sflag:s26], $0x4000  }
0xd8: {  	p3 =	slt.s32 s17, $0x9C3;
	s13 =	smov.u32 s17;
	[sflag:s26] =	ssyncset.done $0x0  }
0xd9: {  	s13 =	simm.s32 @!p3 $0x9C3;
	[sflag:s26] =	ssyncadd.s32 $0xFFFFC000  }
0xda: {  	[spmem:s3] =	stream.indirect.scatter.add.f32 [tilespmem:s19], [sflag:$0x3], $0x80, s21, s24, $0xb8;
	[tilespmem:$0x1CB00] =	vst v63  }
0xdb: {  	s13 =	sshll.u32 s13, $0x5  }
0xdc: {  	[spmem:s4] =	stream.indirect.scatter.add.f32 [tilespmem:s28], [sflag:$0x5], $0x1, s21, s24, $0xb8;
	[tilespmem:$0x1CB00] =	vst v63  }
0xdd: {  	s23 =	sadd.s32 s2, s13  }
0xde: {  	[tilespmem:s5], [sflag:$0x7] =	stream.linear.gather [hbm4b:s23+s5], $0x80, $0x38;
	[tilespmem:$0x1CB00] =	vst v63  }
0xdf: {  	s13 =	sadd.s32 s7, s13  }
0xe0: {  	[tilespmem:s29], [sflag:$0x7] =	stream.linear.gather [hbm4b:s13+s5], $0x80, $0x38;
	[tilespmem:$0x1CB00] =	vst v63  }
0xe1: {  	_ =	swait.ge [sflag:s10], $0x4000  }
0xe2: {  	[sflag:s10] =	ssyncset.done $0x0  }
0xe3: {  	[sflag:s10] =	ssyncadd.s32 $0xFFFFC000  }
0xe4: {  	_ =	swait.ge [sflag:s11], $0x80  }
0xe5: {  	[sflag:s11] =	ssyncset.done $0x0  }
0xe6: {  	[sflag:s11] =	ssyncadd.s32 $0xFFFFFF80  }
0xe7: {  	_ =	swait.ge [sflag:s12], $0x80  }
0xe8: {  	[sflag:s12] =	ssyncset.done $0x0  }
0xe9: {  	[sflag:s12] =	ssyncadd.s32 $0xFFFFFF80  }
0xea: {  	s16 =	simm.s32 $0x1000;
	s23 =	smov.u32 s17;
	_ =	swait.ge [sflag:s12], $0x80  }
.LBB2_6:
0xeb: {  	[sflag:s12] =	ssyncset.done $0x0  }
0xec: {  	[sflag:s12] =	ssyncadd.s32 $0xFFFFFF80  }
0xed: {  	[tilespmem:s30], [sflag:$0x2] =	stream.indirect.gather [hbm4b:s0+s24], $0x80, s24, s24, $0xb8;
	[tilespmem:$0x1CB00] =	vst v63  }
0xee: {  	_ =	swait.ge [sflag:s31], $0x4000  }
0xef: {  	[sflag:s31] =	ssyncset.done $0x0  }
0xf0: {  	s14 =	smov.u32 s16;
	s13 =	rddreg [dreg:$0x6];
	[sflag:s31] =	ssyncadd.s32 $0xFFFFC000  }
0xf1: {  	[spmem:s3] =	stream.indirect.scatter.add.f32 [tilespmem:s30], [sflag:$0x4], $0x80, s25, s24, $0xb8;
	[tilespmem:$0x1CB00] =	vst v63  }
0xf2: {  	s22 =	rddreg [dreg:$0x7];
	s13 =	sadd.s32 s14, s13  }
0xf3: {  	[spmem:s4] =	stream.indirect.scatter.add.f32 [tilespmem:s28], [sflag:$0x6], $0x1, s25, s24, $0xb8;
	[tilespmem:$0x1CB00] =	vst v63  }
0xf4: {  	s14 =	sadd.s32 s14, s22;
	s18 =	sadd.s32 $0xC00, s13  }
0xf5: {  	[tilespmem:s24], [sflag:$0x8] =	stream.linear.gather [hbm4b:s18+s5], $0x80, $0x38;
	[tilespmem:$0x1CB00] =	vst v63  }
0xf6: {  	s22 =	sadd.s32 $0xC00, s14  }
0xf7: {  	[tilespmem:s1], [sflag:$0x8] =	stream.linear.gather [hbm4b:s22+s5], $0x80, $0x38;
	[tilespmem:$0x1CB00] =	vst v63  }
0xf8: {  	_ =	swait.ge [sflag:s6], $0x4000  }
0xf9: {  	[sflag:s6] =	ssyncset.done $0x0  }
0xfa: {  	[sflag:s6] =	ssyncadd.s32 $0xFFFFC000  }
0xfb: {  	_ =	swait.ge [sflag:s8], $0x80  }
0xfc: {  	[sflag:s8] =	ssyncset.done $0x0  }
0xfd: {  	[sflag:s8] =	ssyncadd.s32 $0xFFFFFF80  }
0xfe: {  	_ =	swait.ge [sflag:s9], $0x80  }
0xff: {  	[sflag:s9] =	ssyncset.done $0x0  }
0x100: {  	[sflag:s9] =	ssyncadd.s32 $0xFFFFFF80  }
0x101: {  	_ =	swait.ge [sflag:s9], $0x80  }
0x102: {  	[sflag:s9] =	ssyncset.done $0x0  }
0x103: {  	[sflag:s9] =	ssyncadd.s32 $0xFFFFFF80  }
0x104: {  	[tilespmem:s19], [sflag:$0x1] =	stream.indirect.gather [hbm4b:s0+s24], $0x80, s5, s24, $0xb8;
	[tilespmem:$0x1CB00] =	vst v63  }
0x105: {  	_ =	swait.ge [sflag:s26], $0x4000  }
0x106: {  	[sflag:s26] =	ssyncset.done $0x0  }
0x107: {  	[sflag:s26] =	ssyncadd.s32 $0xFFFFC000  }
0x108: {  	[spmem:s3] =	stream.indirect.scatter.add.f32 [tilespmem:s19], [sflag:$0x3], $0x80, s29, s24, $0xb8;
	[tilespmem:$0x1CB00] =	vst v63  }
0x109: {  	_ = 	snop  }
0x10a: {  	[spmem:s4] =	stream.indirect.scatter.add.f32 [tilespmem:s28], [sflag:$0x5], $0x1, s29, s24, $0xb8;
	[tilespmem:$0x1CB00] =	vst v63  }
0x10b: {  	s18 =	sadd.s32 $0x1000, s13  }
0x10c: {  	[tilespmem:s5], [sflag:$0x7] =	stream.linear.gather [hbm4b:s18+s5], $0x80, $0x38;
	[tilespmem:$0x1CB00] =	vst v63  }
0x10d: {  	s22 =	sadd.s32 $0x1000, s14  }
0x10e: {  	[tilespmem:s21], [sflag:$0x7] =	stream.linear.gather [hbm4b:s22+s5], $0x80, $0x38;
	[tilespmem:$0x1CB00] =	vst v63  }
0x10f: {  	_ =	swait.ge [sflag:s10], $0x4000  }
0x110: {  	[sflag:s10] =	ssyncset.done $0x0  }
0x111: {  	[sflag:s10] =	ssyncadd.s32 $0xFFFFC000  }
0x112: {  	_ =	swait.ge [sflag:s11], $0x80  }
0x113: {  	[sflag:s11] =	ssyncset.done $0x0  }
0x114: {  	[sflag:s11] =	ssyncadd.s32 $0xFFFFFF80  }
0x115: {  	_ =	swait.ge [sflag:s12], $0x80  }
0x116: {  	[sflag:s12] =	ssyncset.done $0x0  }
0x117: {  	[sflag:s12] =	ssyncadd.s32 $0xFFFFFF80  }
0x118: {  	_ =	swait.ge [sflag:s12], $0x80  }
0x119: {  	[sflag:s12] =	ssyncset.done $0x0  }
0x11a: {  	[sflag:s12] =	ssyncadd.s32 $0xFFFFFF80  }
0x11b: {  	[tilespmem:s30], [sflag:$0x2] =	stream.indirect.gather [hbm4b:s0+s24], $0x80, s24, s24, $0xb8;
	[tilespmem:$0x1CB00] =	vst v63  }
0x11c: {  	_ =	swait.ge [sflag:s31], $0x4000  }
0x11d: {  	[sflag:s31] =	ssyncset.done $0x0  }
0x11e: {  	[sflag:s31] =	ssyncadd.s32 $0xFFFFC000  }
0x11f: {  	[spmem:s3] =	stream.indirect.scatter.add.f32 [tilespmem:s30], [sflag:$0x4], $0x80, s1, s24, $0xb8;
	[tilespmem:$0x1CB00] =	vst v63  }
0x120: {  	_ = 	snop  }
0x121: {  	[spmem:s4] =	stream.indirect.scatter.add.f32 [tilespmem:s28], [sflag:$0x6], $0x1, s1, s24, $0xb8;
	[tilespmem:$0x1CB00] =	vst v63  }
0x122: {  	s13 =	sadd.s32 $0x1400, s13  }
0x123: {  	[tilespmem:s24], [sflag:$0x8] =	stream.linear.gather [hbm4b:s13+s5], $0x80, $0x38;
	[tilespmem:$0x1CB00] =	vst v63  }
0x124: {  	s14 =	sadd.s32 $0x1400, s14  }
0x125: {  	[tilespmem:s25], [sflag:$0x8] =	stream.linear.gather [hbm4b:s14+s5], $0x80, $0x38;
	[tilespmem:$0x1CB00] =	vst v63  }
0x126: {  	_ =	swait.ge [sflag:s6], $0x4000  }
0x127: {  	[sflag:s6] =	ssyncset.done $0x0  }
0x128: {  	[sflag:s6] =	ssyncadd.s32 $0xFFFFC000  }
0x129: {  	_ =	swait.ge [sflag:s8], $0x80  }
0x12a: {  	[sflag:s8] =	ssyncset.done $0x0  }
0x12b: {  	[sflag:s8] =	ssyncadd.s32 $0xFFFFFF80  }
0x12c: {  	_ =	swait.ge [sflag:s9], $0x80  }
0x12d: {  	[sflag:s9] =	ssyncset.done $0x0  }
0x12e: {  	[sflag:s9] =	ssyncadd.s32 $0xFFFFFF80  }
0x12f: {  	_ =	swait.ge [sflag:s9], $0x80  }
0x130: {  	[sflag:s9] =	ssyncset.done $0x0  }
0x131: {  	[sflag:s9] =	ssyncadd.s32 $0xFFFFFF80  }
0x132: {  	[tilespmem:s19], [sflag:$0x1] =	stream.indirect.gather [hbm4b:s0+s24], $0x80, s5, s24, $0xb8;
	[tilespmem:$0x1CB00] =	vst v63  }
0x133: {  	s23 =	sadd.s32 $0x80, s23;
	_ =	swait.ge [sflag:s26], $0x4000  }
0x134: {  	p4 =	slt.s32 s23, $0x9C3;
	s13 =	smov.u32 s23;
	[sflag:s26] =	ssyncset.done $0x0  }
0x135: {  	s13 =	simm.s32 @!p4 $0x9C3;
	[sflag:s26] =	ssyncadd.s32 $0xFFFFC000  }
0x136: {  	[spmem:s3] =	stream.indirect.scatter.add.f32 [tilespmem:s19], [sflag:$0x3], $0x80, s21, s24, $0xb8;
	[tilespmem:$0x1CB00] =	vst v63  }
0x137: {  	s13 =	sshll.u32 s13, $0x5  }
0x138: {  	[spmem:s4] =	stream.indirect.scatter.add.f32 [tilespmem:s28], [sflag:$0x5], $0x1, s21, s24, $0xb8;
	[tilespmem:$0x1CB00] =	vst v63  }
0x139: {  	s22 =	sadd.s32 s2, s13  }
0x13a: {  	[tilespmem:s5], [sflag:$0x7] =	stream.linear.gather [hbm4b:s22+s5], $0x80, $0x38;
	[tilespmem:$0x1CB00] =	vst v63  }
0x13b: {  	s13 =	sadd.s32 s7, s13  }
0x13c: {  	[tilespmem:s29], [sflag:$0x7] =	stream.linear.gather [hbm4b:s13+s5], $0x80, $0x38;
	[tilespmem:$0x1CB00] =	vst v63  }
0x13d: {  	_ =	swait.ge [sflag:s10], $0x4000  }
0x13e: {  	[sflag:s10] =	ssyncset.done $0x0  }
0x13f: {  	[sflag:s10] =	ssyncadd.s32 $0xFFFFC000  }
0x140: {  	_ =	swait.ge [sflag:s11], $0x80  }
0x141: {  	p3 =	sne.s32 s16, $0x12000;
	[sflag:s11] =	ssyncset.done $0x0  }
.Ltmp2:
0x142: {  	[sflag:s11] =	ssyncadd.s32 $0xFFFFFF80;
	(pc) =	sbr.rel @p3 .LBB2_6-.Ltmp2, $4  }
0x143: {  	_ =	swait.ge [sflag:s12], $0x80  }
0x144: {  	[sflag:s12] =	ssyncset.done $0x0  }
0x145: {  	[sflag:s12] =	ssyncadd.s32 $0xFFFFFF80  }
0x146: {  	s16 =	sadd.s32 $0x1000, s16;
	_ =	swait.ge [sflag:s12], $0x80  }
0x147: {  	[sflag:s12] =	ssyncset.done $0x0  }
0x148: {  	[sflag:s12] =	ssyncadd.s32 $0xFFFFFF80  }
0x149: {  	[tilespmem:s30], [sflag:$0x2] =	stream.indirect.gather [hbm4b:s0+s24], $0x80, s24, s24, $0xb8;
	[tilespmem:$0x1CB00] =	vst v63  }
0x14a: {  	_ =	swait.ge [sflag:s31], $0x4000  }
0x14b: {  	[sflag:s31] =	ssyncset.done $0x0  }
0x14c: {  	[sflag:s31] =	ssyncadd.s32 $0xFFFFC000  }
0x14d: {  	[spmem:s3] =	stream.indirect.scatter.add.f32 [tilespmem:s30], [sflag:$0x4], $0x80, s25, s24, $0xb8;
	[tilespmem:$0x1CB00] =	vst v63  }
0x14e: {  	s13 =	sld [smem:$0x7FD]  }
0x14f: {  	[spmem:s4] =	stream.indirect.scatter.add.f32 [tilespmem:s28], [sflag:$0x6], $0x1, s25, s24, $0xb8;
	[tilespmem:$0x1CB00] =	vst v63  }
0x150: {  	_ = 	snop  }
0x151: {  	[tilespmem:s24], [sflag:$0x8] =	stream.linear.gather [hbm4b:s13+s5], $0x80, $0x38;
	[tilespmem:$0x1CB00] =	vst v63  }
0x152: {  	s16 =	sadd.s32 $0x13860, s7  }
0x153: {  	[tilespmem:s1], [sflag:$0x8] =	stream.linear.gather [hbm4b:s16+s5], $0x80, $0x38;
	[tilespmem:$0x1CB00] =	vst v63  }
0x154: {  	_ =	swait.ge [sflag:s6], $0x4000  }
0x155: {  	[sflag:s6] =	ssyncset.done $0x0  }
0x156: {  	[sflag:s6] =	ssyncadd.s32 $0xFFFFC000  }
0x157: {  	_ =	swait.ge [sflag:s8], $0x80  }
0x158: {  	[sflag:s8] =	ssyncset.done $0x0  }
0x159: {  	[sflag:s8] =	ssyncadd.s32 $0xFFFFFF80  }
0x15a: {  	_ =	swait.ge [sflag:s9], $0x80  }
0x15b: {  	[sflag:s9] =	ssyncset.done $0x0  }
0x15c: {  	[sflag:s9] =	ssyncadd.s32 $0xFFFFFF80  }
0x15d: {  	_ =	swait.ge [sflag:s9], $0x80  }
0x15e: {  	[sflag:s9] =	ssyncset.done $0x0  }
0x15f: {  	[sflag:s9] =	ssyncadd.s32 $0xFFFFFF80  }
0x160: {  	[tilespmem:s19], [sflag:$0x1] =	stream.indirect.gather [hbm4b:s0+s24], $0x80, s5, s24, $0xb8;
	[tilespmem:$0x1CB00] =	vst v63  }
0x161: {  	_ =	swait.ge [sflag:s26], $0x4000  }
0x162: {  	[sflag:s26] =	ssyncset.done $0x0  }
0x163: {  	[sflag:s26] =	ssyncadd.s32 $0xFFFFC000  }
0x164: {  	_ =	swait.ge [sflag:s10], $0x4000  }
0x165: {  	[sflag:s10] =	ssyncset.done $0x0  }
0x166: {  	[sflag:s10] =	ssyncadd.s32 $0xFFFFC000  }
0x167: {  	_ =	swait.ge [sflag:s11], $0x80  }
0x168: {  	[sflag:s11] =	ssyncset.done $0x0  }
0x169: {  	[sflag:s11] =	ssyncadd.s32 $0xFFFFFF80  }
0x16a: {  	_ =	swait.ge [sflag:s12], $0x80  }
0x16b: {  	[sflag:s12] =	ssyncset.done $0x0  }
0x16c: {  	[sflag:s12] =	ssyncadd.s32 $0xFFFFFF80  }
0x16d: {  	_ =	swait.ge [sflag:s12], $0x80  }
0x16e: {  	s14 =	simm.s32 @!p1 $0x200;
	[sflag:s12] =	ssyncset.done $0x0  }
0x16f: {  	s13 =	simm.s32 @!p1 $0x80;
	s16 =	simm.s32 @!p1 $0x300;
	[sflag:s12] =	ssyncadd.s32 $0xFFFFFF80  }
0x170: {  	[spmem:s3] =	stream.indirect.scatter.add.f32 @!p1 [tilespmem:s16], [sflag:$0x9], $0x80, s14, s13, $0xb8;
	[tilespmem:$0x1CB00] =	vst v63  }
0x171: {  	s16 =	simm.s32 @!p1 $0x9  }
0x172: {  	_ =	swait.ge @!p1 [sflag:s16], $0x4000  }
0x173: {  	[sflag:s16] =	ssyncset.done @!p1 $0x0  }
0x174: {  	s18 =	simm.s32 @!p1 $0x8300;
	[sflag:s16] =	ssyncadd.s32 @!p1 $0xFFFFC000  }
0x175: {  	[spmem:s4] =	stream.indirect.scatter.add.f32 @!p1 [tilespmem:s18], [sflag:$0x9], $0x1, s14, s13, $0xb8;
	[tilespmem:$0x1CB00] =	vst v63  }
0x176: {  	_ =	swait.ge @!p1 [sflag:s16], $0x80  }
0x177: {  	[sflag:s16] =	ssyncset.done @!p1 $0x0  }
0x178: {  	[sflag:s16] =	ssyncadd.s32 @!p1 $0xFFFFFF80  }
0x179: {  	s18 =	stileid.u32;
	[bflag:$0x0] =	sbarrier.arrive $0xFFFF  }
0x17a: {  	s13 =	sshll.u32 s18, $0x6;
	s22 =	rddreg [dreg:$0x12]  }
0x17b: {  	s13 =	sor.u32 $0x1C09, s13;
	s23 =	rddreg [dreg:$0x8];
	s14 =	sshrl.u32 s22, $0x3  }
0x17c: {  	[hbm:s23], [sflag:s13] =	dma.local [spmem:s14], $0x400  }
0x17d: {  	_ =	swait.ge [sflag:s20], $0x400  }
0x17e: {  	[sflag:s20] =	ssyncset.done $0x0;
	s16 =	rddreg [dreg:$0x9]  }
0x17f: {  	s18 =	rddreg [dreg:$0x17];
	[sflag:s20] =	ssyncadd.s32 $0xFFFFFC00  }
0x180: {  	[hbm:s16], [sflag:s13] =	dma.local [spmem:s18], $0x400  }
0x181: {  	_ =	swait.ge [sflag:s20], $0x400  }
0x182: {  	[sflag:s20] =	ssyncset.done $0x0;
	s22 =	rddreg [dreg:$0xa]  }
0x183: {  	s23 =	rddreg [dreg:$0x18];
	[sflag:s20] =	ssyncadd.s32 $0xFFFFFC00  }
0x184: {  	[hbm:s22], [sflag:s13] =	dma.local [spmem:s23], $0x400  }
0x185: {  	_ =	swait.ge [sflag:s20], $0x400  }
0x186: {  	[sflag:s20] =	ssyncset.done $0x0;
	s16 =	rddreg [dreg:$0xb]  }
0x187: {  	s18 =	rddreg [dreg:$0x19];
	[sflag:s20] =	ssyncadd.s32 $0xFFFFFC00  }
0x188: {  	[hbm:s16], [sflag:s13] =	dma.local [spmem:s18], $0x400  }
0x189: {  	_ =	swait.ge [sflag:s20], $0x400  }
0x18a: {  	[sflag:s20] =	ssyncset.done $0x0;
	s22 =	rddreg [dreg:$0xc]  }
0x18b: {  	s23 =	rddreg [dreg:$0x1a];
	[sflag:s20] =	ssyncadd.s32 $0xFFFFFC00  }
0x18c: {  	[hbm:s22], [sflag:s13] =	dma.local [spmem:s23], $0x400  }
0x18d: {  	_ =	swait.ge [sflag:s20], $0x400  }
0x18e: {  	[sflag:s20] =	ssyncset.done $0x0;
	s16 =	rddreg [dreg:$0xd]  }
0x18f: {  	s18 =	rddreg [dreg:$0x1b];
	[sflag:s20] =	ssyncadd.s32 $0xFFFFFC00  }
0x190: {  	[hbm:s16], [sflag:s13] =	dma.local [spmem:s18], $0x400  }
0x191: {  	_ =	swait.ge [sflag:s20], $0x400  }
0x192: {  	[sflag:s20] =	ssyncset.done $0x0;
	s22 =	rddreg [dreg:$0xe]  }
0x193: {  	s23 =	rddreg [dreg:$0x1c];
	[sflag:s20] =	ssyncadd.s32 $0xFFFFFC00  }
0x194: {  	[hbm:s22], [sflag:s13] =	dma.local [spmem:s23], $0x400  }
0x195: {  	_ =	swait.ge [sflag:s20], $0x400  }
0x196: {  	[sflag:s20] =	ssyncset.done $0x0;
	s16 =	rddreg [dreg:$0xf]  }
0x197: {  	s18 =	rddreg [dreg:$0x1d];
	[sflag:s20] =	ssyncadd.s32 $0xFFFFFC00  }
0x198: {  	[hbm:s16], [sflag:s13] =	dma.local [spmem:s18], $0x400  }
0x199: {  	_ =	swait.ge [sflag:s20], $0x400  }
0x19a: {  	[sflag:s20] =	ssyncset.done $0x0;
	s22 =	rddreg [dreg:$0x10]  }
0x19b: {  	s23 =	rddreg [dreg:$0x1e];
	[sflag:s20] =	ssyncadd.s32 $0xFFFFFC00  }
0x19c: {  	[hbm:s22], [sflag:s13] =	dma.local [spmem:s23], $0x400  }
0x19d: {  	_ =	swait.ge [sflag:s20], $0x400  }
0x19e: {  	[sflag:s20] =	ssyncset.done $0x0;
	s18 =	rddreg [dreg:$0x11]  }
0x19f: {  	s22 =	rddreg [dreg:$0x1f];
	[sflag:s20] =	ssyncadd.s32 $0xFFFFFC00  }
0x1a0: {  	[hbm:s18], [sflag:s13] =	dma.local [spmem:s22], $0x400  }
0x1a1: {  	s14 =	sshrl.u32 @!p0 s4, $0x3;
	_ =	swait.ge [sflag:s20], $0x400  }
0x1a2: {  	s16 =	simm.s32 @!p0 $0x1;
	s18 =	simm.s32 @!p0 $0x20;
	[sflag:s20] =	ssyncset.done $0x0  }
0x1a3: {  	s22 =	simm.s32 @!p0 $0x10;
	s23 =	rddreg [dreg:$0x14];
	[sflag:s20] =	ssyncadd.s32 $0xFFFFFC00  }
0x1a4: {  	[hbm:s23@s18], [sflag:s13] =	dma.strided @!p0 [spmem:s14@s22], $0x500, s16, $0x10   }
0x1a5: {  	s13 =	simm.s32 @!p0 $0x9  }
0x1a6: {  	_ =	swait.ge @!p0 [sflag:s13], $0x500  }
0x1a7: {  	s15 =	sadd.s32 $0x1, s15;
	s23 =	rddreg [dreg:$0x15]  }
0x1a8: {  	p3 =	sne.s32 s15, s23  }
.Ltmp3:
0x1a9: {  	_ = 	snop;
	(pc) =	sbr.rel @p3 .LBB2_1-.Ltmp3, $3  }
0x1aa: {  	_ =	sdelay $0x1  }
0x1ab: {  	[sflag:s13] =	ssyncset.done @!p0 $0x0  }
0x1ac: {  	[sflag:s13] =	ssyncadd.s32 @!p0 $0xFFFFFB00  }
0x1ad: {  	_ =	sfence.sel $0x180000  }
0x1ae: {  	[bflag:$0x0] =	sbarrier.arrive $0xFFFF  }
0x1af: {  	_ =	strace $0x9000004A  }
0x1b0: {  	[bflag:$0x2] =	sbarrier.arrive $0xFFFF  }
0x1b1: {  	s0 =	rddreg [dreg:$0x5]  }
0x1b2: {  	s0 =	sadd.s32 @!p0 $0x100000, s0  }
0x1b3: {  	[sflag:s0] =	ssyncadd.tile.s32 @!p0 $0x1;
	_ =	shalt  }
.Lfunc_end2:
_tile_overlayer_lowered:
.L_overlay_start_2:
0x1b4: {  	(tag) =	ssettag $0x2  }
0x1b5: {  	s0 =	rddreg [dreg:$0x0];
	s2 =	stileid.u32  }
0x1b6: {  	s1 =	rddreg [dreg:$0x1];
	p0 =	sne.s32 s2, $0x0  }
0x1b7: {  	s3 =	rddreg [dreg:$0x2];
	[bflag:$0x3] =	sbarrier.arrive $0xFFFF;
	s2 =	simm.s32 @!p0 $0x1C09  }
0x1b8: {  	[timem:s3], [sflag:s2] =	dma.local @!p0 [hbm:s0], s1  }
0x1b9: {  	s0 =	simm.s32 @!p0 $0x9  }
0x1ba: {  	_ =	swait.ge @!p0 [sflag:s0], s1  }
0x1bb: {  	s1 =	ssub.s32 @!p0 $0x0, s1;
	[sflag:s0] =	ssyncset.done @!p0 $0x0  }
0x1bc: {  	[sflag:s0] =	ssyncadd.s32 @!p0 s1  }
0x1bd: {  	[bflag:$0x3] =	sbarrier.arrive $0xFFFF  }
0x1be: {  	_ =	shalt  }

</sc_bundles>
